<compile_context>
chip_gen: v7x
topology: tpu7x:2x2x1
jax: 0.10.2.dev20260603
libtpu: 0.0.44.dev20260713+nightly
codegen_flags: <defaults>
</compile_context>

<pallas_src>
import functools

import jax
import jax.numpy as jnp
import numpy as np
from jax import lax
from jax.experimental import pallas as pl
from jax.experimental.pallas import tpu as pltpu
from jax.experimental.pallas import tpu_sc as plsc

_N = 10000
_E = 320000
_H = 128
_R = 32
_H3 = 3 * _H
_NHALF = 1
_EH = _E // _NHALF

_SCALED_SILU = 1.0 / 0.6
_INV_SQRT_3 = 1.0 / np.sqrt(3.0)
_INV_SQRT_H = 1.0 / np.sqrt(float(_H))

_NC = 2
_NS = 16
_NW = _NC * _NS
_PERW = _EH // _NW
_C = 40
_CHUNKS = _PERW // _C
_CS = 80
_SCHUNKS = _PERW // _CS
_RPT = 624
_RTAIL = _N - _NS * _RPT


def _dense_body(x_ref, vec_ref, w1_ref, b1_ref, w2_ref, b2_ref, g_ref, bb_ref,
                out_ref):
    x = x_ref[...]
    mu = jnp.mean(x, axis=-1, keepdims=True)
    var = jnp.mean((x - mu) ** 2, axis=-1, keepdims=True)
    xln = (x - mu) * lax.rsqrt(var + 1e-5) * g_ref[...] + bb_ref[...]
    h = lax.dot_general(xln, w1_ref[...], (((1,), (1,)), ((), ())),
                        preferred_element_type=jnp.float32) + b1_ref[...]
    h = h * jax.nn.sigmoid(h) * _SCALED_SILU
    xh = lax.dot_general(h, w2_ref[...], (((1,), (1,)), ((), ())),
                         preferred_element_type=jnp.float32) + b2_ref[...]
    scale = jnp.concatenate([
        jnp.ones((1, _H), jnp.float32),
        jnp.full((1, _H), _INV_SQRT_3 * _INV_SQRT_H, jnp.float32),
        jnp.full((1, _H), _INV_SQRT_H, jnp.float32),
    ], axis=1)
    lo = lax.bitcast_convert_type(
        (xh * scale).astype(jnp.bfloat16), jnp.uint16).astype(jnp.uint32)
    hi = lax.bitcast_convert_type(
        vec_ref[...].astype(jnp.bfloat16), jnp.uint16).astype(jnp.uint32)
    out_ref[...] = lax.bitcast_convert_type(lo | (hi << 16), jnp.int32)


def _dense(x, vecf, w1, b1, w2, b2, g, bb):
    bn = 2000
    return pl.pallas_call(
        _dense_body,
        grid=(_N // bn,),
        in_specs=[
            pl.BlockSpec((bn, _H), lambda ii: (ii, 0)),
            pl.BlockSpec((bn, _H3), lambda ii: (ii, 0)),
            pl.BlockSpec((_H, _H), lambda ii: (0, 0)),
            pl.BlockSpec((1, _H), lambda ii: (0, 0)),
            pl.BlockSpec((_H3, _H), lambda ii: (0, 0)),
            pl.BlockSpec((1, _H3), lambda ii: (0, 0)),
            pl.BlockSpec((1, _H), lambda ii: (0, 0)),
            pl.BlockSpec((1, _H), lambda ii: (0, 0)),
        ],
        out_specs=pl.BlockSpec((bn, _H3), lambda ii: (ii, 0)),
        out_shape=jax.ShapeDtypeStruct((_N, _H3), jnp.int32),
    )(x, vecf, w1, b1, w2, b2, g, bb)


@functools.cache
def _sc_gather_fn():
    mesh = plsc.VectorSubcoreMesh(core_axis_name="c", subcore_axis_name="s",
                                  num_cores=_NC, num_subcores=_NS)
    T = _CHUNKS

    @functools.partial(
        pl.kernel,
        out_type=jax.ShapeDtypeStruct((_EH, _H3), jnp.int32),
        mesh=mesh,
        scratch_types=[
            pltpu.VMEM((_CHUNKS, _C), jnp.int32),
            pltpu.VMEM((4, _C, _H3), jnp.int32),
            pltpu.SemaphoreType.DMA,
            pltpu.SemaphoreType.DMA,
            pltpu.SemaphoreType.DMA,
            pltpu.SemaphoreType.DMA,
            pltpu.SemaphoreType.DMA,
            pltpu.SemaphoreType.DMA,
            pltpu.SemaphoreType.DMA,
            pltpu.SemaphoreType.DMA,
        ],
    )
    def _sc_gather(tab, jidx3, rows_out, jall, bufs,
                   g0, g1, g2, g3, w0, w1, w2, w3):
        c = lax.axis_index("c")
        s = lax.axis_index("s")
        w = s * _NC + c
        pltpu.sync_copy(jidx3.at[w], jall)
        gsem = (g0, g1, g2, g3)
        wsem = (w0, w1, w2, w3)

        def base(k):
            return w * _PERW + k * _C

        def start(k, b):
            pltpu.async_copy(tab.at[jall.at[k]], bufs.at[b], gsem[b])

        def wait_gather(k, b):
            pltpu.make_async_copy(tab.at[jall.at[k]], bufs.at[b],
                                  gsem[b]).wait()

        def fire_write(k, b):
            pltpu.async_copy(bufs.at[b], rows_out.at[pl.ds(base(k), _C)],
                             wsem[b])

        def wait_write(k, b):
            pltpu.make_async_copy(bufs.at[b], rows_out.at[pl.ds(base(k), _C)],
                                  wsem[b]).wait()

        D, L = 4, 2
        for t in range(L):
            start(t, t % D)
        for t in range(L):
            wait_gather(t, t % D)
            fire_write(t, t % D)
            start(t + L, (t + L) % D)

        nq = (T - 2 * L) // D

        def body(q, carry):
            for bb in range(D):
                t = L + D * q + bb
                sl = (L + bb) % D
                wait_gather(t, sl)
                fire_write(t, sl)
                wait_write(t - L, (sl + 2) % D)
                start(t + L, (sl + 2) % D)
            return carry

        lax.fori_loop(0, nq, body, 0)
        for t in range(L + D * nq, T - L):
            wait_gather(t, t % D)
            fire_write(t, t % D)
            wait_write(t - L, (t + 2) % D)
            start(t + L, (t + 2) % D)
        for t in range(T - L, T):
            wait_gather(t, t % D)
            fire_write(t, t % D)
            wait_write(t - L, (t - L) % D)
        for t in range(T - L, T):
            wait_write(t, t % D)

    return _sc_gather


def _msg_body(rows_ref, rbf_ref, wr_ref, br_ref, ev_ref,
              u1_ref, uv0_ref, uv1_ref, uv2_ref):
    rbfh = lax.dot_general(
        rbf_ref[...], wr_ref[...], (((1,), (1,)), ((), ())),
        preferred_element_type=jnp.float32) + br_ref[...]
    ru = lax.bitcast_convert_type(rows_ref[...], jnp.uint32)
    lo16 = lax.convert_element_type(ru & 0xFFFF, jnp.uint16)
    hi16 = lax.convert_element_type(ru >> 16, jnp.uint16)
    xhj = lax.bitcast_convert_type(lo16, jnp.bfloat16).astype(jnp.float32)
    vecj = lax.bitcast_convert_type(hi16, jnp.bfloat16).astype(jnp.float32)
    m = xhj * rbfh
    m2 = m[:, _H:2 * _H]
    m3 = m[:, 2 * _H:]
    u1_ref[...] = m[:, :_H]
    ev = ev_ref[...]
    for d, ref in enumerate((uv0_ref, uv1_ref, uv2_ref)):
        ref[...] = vecj[:, d * _H:(d + 1) * _H] * m2 + m3 * ev[:, d:d + 1]


def _msg(rows, rbf, wr, br, ev):
    be = 1600
    out_sds = jax.ShapeDtypeStruct((_EH, _H), jnp.float32)
    return pl.pallas_call(
        _msg_body,
        grid=(_EH // be,),
        in_specs=[
            pl.BlockSpec((be, _H3), lambda ii: (ii, 0)),
            pl.BlockSpec((be, _R), lambda ii: (ii, 0)),
            pl.BlockSpec((_H3, _R), lambda ii: (0, 0)),
            pl.BlockSpec((1, _H3), lambda ii: (0, 0)),
            pl.BlockSpec((be, 3), lambda ii: (ii, 0)),
        ],
        out_specs=[pl.BlockSpec((be, _H), lambda ii: (ii, 0))] * 4,
        out_shape=[out_sds] * 4,
    )(rows, rbf, wr, br, ev)


@functools.cache
def _sc_scatter_fn():
    mesh = plsc.VectorSubcoreMesh(core_axis_name="c", subcore_axis_name="s",
                                  num_cores=_NC, num_subcores=_NS)
    T = _SCHUNKS

    @functools.partial(
        pl.kernel,
        out_type=jax.ShapeDtypeStruct((4, _NC, _N, _H), jnp.float32),
        mesh=mesh,
        scratch_types=[
            pltpu.VMEM((_SCHUNKS, _CS), jnp.int32),
            pltpu.VMEM((3, _CS, _H), jnp.float32),
            pltpu.VMEM_SHARED((_N, _H), jnp.float32),
            pltpu.SemaphoreType.DMA,
            pltpu.SemaphoreType.DMA,
            pltpu.SemaphoreType.DMA,
        ],
    )
    def _sc_scatter(u1, uv0, uv1, uv2, iidx3, zeros, out,
                    iall, bufs, acc, r0, r1, r2):
        c = lax.axis_index("c")
        s = lax.axis_index("s")
        w = s * _NC + c
        rbase = s * _RPT
        rsem = (r0, r1, r2)

        tail = _NS * _RPT
        pltpu.sync_copy(iidx3.at[w], iall)

        def base(k):
            return w * _PERW + k * _CS

        for p, u in enumerate((u1, uv0, uv1, uv2)):
            pltpu.sync_copy(zeros.at[pl.ds(rbase, _RPT)],
                            acc.at[pl.ds(rbase, _RPT)])

            @pl.when(s == _NS - 1)
            def _zero_tail():
                pltpu.sync_copy(zeros.at[pl.ds(tail, _RTAIL)],
                                acc.at[pl.ds(tail, _RTAIL)])

            plsc.subcore_barrier()

            def read(k, b, u=u):
                pltpu.async_copy(u.at[pl.ds(base(k), _CS)], bufs.at[b],
                                 rsem[b])

            def wait_read(k, b, u=u):
                pltpu.make_async_copy(u.at[pl.ds(base(k), _CS)], bufs.at[b],
                                      rsem[b]).wait()

            def scat(k, b):
                pltpu.sync_copy(bufs.at[b], acc.at[iall.at[k]], add=True)

            for t in range(3):
                read(t, t)

            nq = (T - 3) // 3

            def body(q, carry):
                for bb in range(3):
                    t = 3 * q + bb
                    wait_read(t, bb)
                    scat(t, bb)
                    read(t + 3, bb)
                return carry

            lax.fori_loop(0, nq, body, 0)
            for t in range(3 * nq, T):
                sl = t % 3
                wait_read(t, sl)
                scat(t, sl)
                if t + 3 < T:
                    read(t + 3, sl)
            plsc.subcore_barrier()
            pltpu.sync_copy(acc.at[pl.ds(rbase, _RPT)],
                            out.at[p, c].at[pl.ds(rbase, _RPT)])

            @pl.when(s == _NS - 1)
            def _dump_tail():
                pltpu.sync_copy(acc.at[pl.ds(tail, _RTAIL)],
                                out.at[p, c].at[pl.ds(tail, _RTAIL)])

            plsc.subcore_barrier()

    return _sc_scatter


def kernel(x, vec, edge_index, edge_rbf, edge_vector, W1, b1, W2, b2, Wr, br,
           ln_g, ln_b):
    tab = _dense(x, vec.reshape(_N, _H3), W1, b1.reshape(1, -1), W2,
                 b2.reshape(1, -1), ln_g.reshape(1, -1), ln_b.reshape(1, -1))
    zeros = jnp.zeros((_N, _H), jnp.float32)
    brr = br.reshape(1, -1)
    gather = _sc_gather_fn()
    scatter = _sc_scatter_fn()
    parts = []
    for h in range(_NHALF):
        sl = slice(h * _EH, (h + 1) * _EH)
        jh = edge_index[0, sl].reshape(_NW, _CHUNKS, _C)
        ih = edge_index[1, sl].reshape(_NW, _SCHUNKS, _CS)
        rows = gather(tab, jh)
        u1, uv0, uv1, uv2 = _msg(rows, edge_rbf[sl], Wr, brr,
                                 edge_vector[sl])
        parts.append(scatter(u1, uv0, uv1, uv2, ih, zeros))
    tot = sum(p[:, 0] + p[:, 1] for p in parts)
    dx = tot[0]
    dvec = jnp.stack([tot[1], tot[2], tot[3]], axis=1)
    return dx, dvec

# --- scband reference (transcript-rebuilt; emitter-appended) ---
"""Pipeline reference for scband-dime-net-plus-plus-wrap-54941221650655 (READ-ONLY COPY).

The authoritative reference and input builder live on the scoring server;
editing this copy changes nothing except your own understanding.
"""

import jax, jax.numpy as jnp
import numpy as np

N = 10000
E = 320000
H = 128
R = 32

SCALED_SILU = 1.0 / 0.6
INV_SQRT_3 = 1.0 / np.sqrt(3.0)
INV_SQRT_H = 1.0 / np.sqrt(float(H))


def _xavier(key, shape):
    fan_out, fan_in = shape
    limit = np.sqrt(6.0 / (fan_in + fan_out))
    return jax.random.uniform(key, shape, jnp.float32, -limit, limit)


def setup_inputs(seed: int = 0) -> dict:
    key = jax.random.key(seed)
    ks = jax.random.split(key, 10)
    inp = {}
    inp["x"] = jax.random.normal(ks[0], (N, H), jnp.float32)
    inp["vec"] = jax.random.normal(ks[1], (N, 3, H), jnp.float32)
    inp["edge_index"] = jax.random.randint(ks[2], (2, E), 0, N, jnp.int32)
    inp["edge_rbf"] = jax.random.uniform(ks[3], (E, R), jnp.float32)
    inp["edge_vector"] = jax.random.normal(ks[4], (E, 3), jnp.float32)
    # learned params (torch Linear convention: weight [out, in])
    inp["W1"] = _xavier(ks[5], (H, H))
    inp["b1"] = jnp.zeros((H,), jnp.float32)
    inp["W2"] = _xavier(ks[6], (3 * H, H))
    inp["b2"] = jnp.zeros((3 * H,), jnp.float32)
    inp["Wr"] = _xavier(ks[7], (3 * H, R))
    inp["br"] = jnp.zeros((3 * H,), jnp.float32)
    inp["ln_g"] = jnp.ones((H,), jnp.float32)
    inp["ln_b"] = jnp.zeros((H,), jnp.float32)
    return inp


def _layer_norm(x, g, b):
    mu = jnp.mean(x, axis=-1, keepdims=True)
    var = jnp.mean((x - mu) ** 2, axis=-1, keepdims=True)
    return (x - mu) / jnp.sqrt(var + 1e-5) * g + b


def reference(x, vec, edge_index, edge_rbf, edge_vector, W1, b1, W2, b2, Wr, br, ln_g, ln_b):
    # PaiNNMessage.forward
    x_ln = _layer_norm(x, ln_g, ln_b)
    h = x_ln @ W1.T + b1
    h = jax.nn.silu(h) * SCALED_SILU  # ScaledSiLU
    xh = h @ W2.T + b2                # [N, 3H]
    rbfh = edge_rbf @ Wr.T + br       # [E, 3H]
    j = edge_index[0]                 # source (message sender)
    i = edge_index[1]                 # target (aggregation index)
    xh_j = jnp.take(xh, j, axis=0)    # gather [E, 3H]
    vec_j = jnp.take(vec, j, axis=0)  # gather [E, 3, H]
    m = xh_j * rbfh
    x_m, xh2, xh3 = jnp.split(m, 3, axis=-1)
    xh2 = xh2 * INV_SQRT_3
    vec_m = vec_j * xh2[:, None, :] + xh3[:, None, :] * edge_vector[:, :, None]
    vec_m = vec_m * INV_SQRT_H
    dx = jax.ops.segment_sum(x_m, i, num_segments=N)      # scatter-add [N, H]
    dvec = jax.ops.segment_sum(vec_m, i, num_segments=N)  # scatter-add [N, 3, H]
    return dx, dvec

if __name__ == "__main__":
    import jax
    _d = setup_inputs()
    print(jax.jit(kernel)(*tuple(_d.values())))

</pallas_src>

<mosaic_0001>
#map = affine_map<(d0, d1) -> (0, 0)>
#map1 = affine_map<(d0, d1) -> (0, 0, 0)>
#map2 = affine_map<(d0, d1) -> (0, 0, 0, 0)>
module attributes {stable_mosaic.version = 14 : i64} {
  func.func @_sc_scatter(%arg0: i32, %arg1: i32, %arg2: memref<320000x128xf32, #tpu.memory_space<hbm>>, %arg3: memref<320000x128xf32, #tpu.memory_space<hbm>>, %arg4: memref<320000x128xf32, #tpu.memory_space<hbm>>, %arg5: memref<320000x128xf32, #tpu.memory_space<hbm>>, %arg6: memref<32x125x80xi32, #tpu.memory_space<hbm>>, %arg7: memref<10000x128xf32, #tpu.memory_space<hbm>>, %arg8: memref<4x2x10000x128xf32, #tpu.memory_space<hbm>>, %arg9: memref<125x80xi32, #tpu.memory_space<vmem>>, %arg10: memref<3x80x128xf32, #tpu.memory_space<vmem>>, %arg11: memref<10000x128xf32, #tpu.memory_space<vmem_shared>>, %arg12: memref<!tpu.dma_semaphore, #tpu.memory_space<semaphore_mem>>, %arg13: memref<!tpu.dma_semaphore, #tpu.memory_space<semaphore_mem>>, %arg14: memref<!tpu.dma_semaphore, #tpu.memory_space<semaphore_mem>>) attributes {dimension_semantics = [#tpu.dimension_semantics<core_parallel>, #tpu.dimension_semantics<subcore_parallel>], iteration_bounds = array<i64: 2, 16>, scalar_prefetch = 0 : i64, scratch_operands = 6 : i64, tpu.core_type = #tpu.core_type<sc_vector_subcore>, window_params = [{transform_indices = #map}, {transform_indices = #map}, {transform_indices = #map}, {transform_indices = #map}, {transform_indices = #map1}, {transform_indices = #map}, {transform_indices = #map2}]} {
    %mul3A = arith.constant 2 : i32
    %mul3A_0 = arith.muli %arg1, %mul3A : i32
    %add3A = arith.addi %mul3A_0, %arg0 : i32
    %mul3A_1 = arith.constant 624 : i32
    %mul3A_2 = arith.muli %arg1, %mul3A_1 : i32
    "tpu.region"() ({
      %run_scoped3A_795 = tpu.sem_alloc : memref<!tpu.dma_semaphore, #tpu.memory_space<semaphore_mem>>
      %dma_start3A_796 = arith.constant 0 : i32
      %dma_start3A_797 = arith.constant 0 : i32
      %dma_start3A_798 = tpu.memref_slice %arg6[%add3A, %dma_start3A_796, %dma_start3A_797] : memref<32x125x80xi32, #tpu.memory_space<hbm>> -> memref<1x125x80xi32, #tpu.memory_space<hbm>>
      %dma_start3A_799 = tpu.memref_squeeze %dma_start3A_798 : memref<1x125x80xi32, #tpu.memory_space<hbm>> -> memref<125x80xi32, #tpu.memory_space<hbm>>
      %dma_start3A_800 = arith.constant 0 : i32
      %dma_start3A_801 = arith.constant 0 : i32
      %dma_start3A_802 = tpu.memref_slice %arg6[%add3A, %dma_start3A_800, %dma_start3A_801] : memref<32x125x80xi32, #tpu.memory_space<hbm>> -> memref<1x125x80xi32, #tpu.memory_space<hbm>>
      %dma_start3A_803 = tpu.memref_squeeze %dma_start3A_802 : memref<1x125x80xi32, #tpu.memory_space<hbm>> -> memref<125x80xi32, #tpu.memory_space<hbm>>
      tpu.enqueue_dma source(%dma_start3A_803 : memref<125x80xi32, #tpu.memory_space<hbm>>) target(%arg9 : memref<125x80xi32, #tpu.memory_space<vmem>>) target_semaphore(%run_scoped3A_795 : memref<!tpu.dma_semaphore, #tpu.memory_space<semaphore_mem>>)
      %dma_wait3A_804 = arith.constant 0 : i32
      %dma_wait3A_805 = arith.constant 0 : i32
      %dma_wait3A_806 = tpu.memref_slice %arg6[%add3A, %dma_wait3A_804, %dma_wait3A_805] : memref<32x125x80xi32, #tpu.memory_space<hbm>> -> memref<1x125x80xi32, #tpu.memory_space<hbm>>
      %dma_wait3A_807 = tpu.memref_squeeze %dma_wait3A_806 : memref<1x125x80xi32, #tpu.memory_space<hbm>> -> memref<125x80xi32, #tpu.memory_space<hbm>>
      %dma_wait3A_808 = arith.constant 0 : i32
      %dma_wait3A_809 = arith.constant 0 : i32
      %dma_wait3A_810 = tpu.memref_slice %arg6[%add3A, %dma_wait3A_808, %dma_wait3A_809] : memref<32x125x80xi32, #tpu.memory_space<hbm>> -> memref<1x125x80xi32, #tpu.memory_space<hbm>>
      %dma_wait3A_811 = tpu.memref_squeeze %dma_wait3A_810 : memref<1x125x80xi32, #tpu.memory_space<hbm>> -> memref<125x80xi32, #tpu.memory_space<hbm>>
      tpu.wait_dma2 semaphore(%run_scoped3A_795 : memref<!tpu.dma_semaphore, #tpu.memory_space<semaphore_mem>>) src(%dma_wait3A_811 : memref<125x80xi32, #tpu.memory_space<hbm>>) dst(%arg9 : memref<125x80xi32, #tpu.memory_space<vmem>>)
      tpu.yield
    }) : () -> ()
    "tpu.region"() ({
      %run_scoped3A_795 = tpu.sem_alloc : memref<!tpu.dma_semaphore, #tpu.memory_space<semaphore_mem>>
      %dma_start3A_796 = arith.constant 0 : i32
      %dma_start3A_797 = tpu.memref_slice %arg11[%mul3A_2, %dma_start3A_796] : memref<10000x128xf32, #tpu.memory_space<vmem_shared>> -> memref<624x128xf32, #tpu.memory_space<vmem_shared>>
      %dma_start3A_798 = arith.constant 0 : i32
      %dma_start3A_799 = tpu.memref_slice %arg7[%mul3A_2, %dma_start3A_798] : memref<10000x128xf32, #tpu.memory_space<hbm>> -> memref<624x128xf32, #tpu.memory_space<hbm>>
      tpu.enqueue_dma source(%dma_start3A_799 : memref<624x128xf32, #tpu.memory_space<hbm>>) target(%dma_start3A_797 : memref<624x128xf32, #tpu.memory_space<vmem_shared>>) target_semaphore(%run_scoped3A_795 : memref<!tpu.dma_semaphore, #tpu.memory_space<semaphore_mem>>)
      %dma_wait3A_800 = arith.constant 0 : i32
      %dma_wait3A_801 = tpu.memref_slice %arg11[%mul3A_2, %dma_wait3A_800] : memref<10000x128xf32, #tpu.memory_space<vmem_shared>> -> memref<624x128xf32, #tpu.memory_space<vmem_shared>>
      %dma_wait3A_802 = arith.constant 0 : i32
      %dma_wait3A_803 = tpu.memref_slice %arg7[%mul3A_2, %dma_wait3A_802] : memref<10000x128xf32, #tpu.memory_space<hbm>> -> memref<624x128xf32, #tpu.memory_space<hbm>>
      tpu.wait_dma2 semaphore(%run_scoped3A_795 : memref<!tpu.dma_semaphore, #tpu.memory_space<semaphore_mem>>) src(%dma_wait3A_803 : memref<624x128xf32, #tpu.memory_space<hbm>>) dst(%dma_wait3A_801 : memref<624x128xf32, #tpu.memory_space<vmem_shared>>)
      tpu.yield
    }) : () -> ()
    %eq3A = arith.constant 15 : i32
    %eq3A_3 = arith.cmpi eq, %arg1, %eq3A : i32
    %convert_element_type3A = arith.extui %eq3A_3 : i1 to i32
    %cond3A = arith.constant 0 : i32
    %cond3A_4 = arith.cmpi ne, %convert_element_type3A, %cond3A : i32
    scf.if %cond3A_4 {
      "tpu.region"() ({
        %run_scoped3A_795 = tpu.sem_alloc : memref<!tpu.dma_semaphore, #tpu.memory_space<semaphore_mem>>
        %dma_start3A_796 = arith.constant 9984 : i32
        %dma_start3A_797 = arith.constant 0 : i32
        %dma_start3A_798 = tpu.memref_slice %arg11[%dma_start3A_796, %dma_start3A_797] : memref<10000x128xf32, #tpu.memory_space<vmem_shared>> -> memref<16x128xf32, #tpu.memory_space<vmem_shared>>
        %dma_start3A_799 = arith.constant 9984 : i32
        %dma_start3A_800 = arith.constant 0 : i32
        %dma_start3A_801 = tpu.memref_slice %arg7[%dma_start3A_799, %dma_start3A_800] : memref<10000x128xf32, #tpu.memory_space<hbm>> -> memref<16x128xf32, #tpu.memory_space<hbm>>
        tpu.enqueue_dma source(%dma_start3A_801 : memref<16x128xf32, #tpu.memory_space<hbm>>) target(%dma_start3A_798 : memref<16x128xf32, #tpu.memory_space<vmem_shared>>) target_semaphore(%run_scoped3A_795 : memref<!tpu.dma_semaphore, #tpu.memory_space<semaphore_mem>>)
        %dma_wait3A_802 = arith.constant 9984 : i32
        %dma_wait3A_803 = arith.constant 0 : i32
        %dma_wait3A_804 = tpu.memref_slice %arg11[%dma_wait3A_802, %dma_wait3A_803] : memref<10000x128xf32, #tpu.memory_space<vmem_shared>> -> memref<16x128xf32, #tpu.memory_space<vmem_shared>>
        %dma_wait3A_805 = arith.constant 9984 : i32
        %dma_wait3A_806 = arith.constant 0 : i32
        %dma_wait3A_807 = tpu.memref_slice %arg7[%dma_wait3A_805, %dma_wait3A_806] : memref<10000x128xf32, #tpu.memory_space<hbm>> -> memref<16x128xf32, #tpu.memory_space<hbm>>
        tpu.wait_dma2 semaphore(%run_scoped3A_795 : memref<!tpu.dma_semaphore, #tpu.memory_space<semaphore_mem>>) src(%dma_wait3A_807 : memref<16x128xf32, #tpu.memory_space<hbm>>) dst(%dma_wait3A_804 : memref<16x128xf32, #tpu.memory_space<vmem_shared>>)
        tpu.yield
      }) : () -> ()
    } else {
    }
    %barrier3A = arith.constant 0 : index
    tpu.barrier barrier_id(%barrier3A)
    %mul3A_5 = arith.constant 10000 : i32
    %mul3A_6 = arith.muli %add3A, %mul3A_5 : i32
    %add3A_7 = arith.constant 0 : i32
    %add3A_8 = arith.addi %mul3A_6, %add3A_7 : i32
    %dma_start3A = arith.constant 0 : i32
    %dma_start3A_9 = arith.constant 0 : i32
    %dma_start3A_10 = arith.constant 0 : i32
    %dma_start3A_11 = tpu.memref_slice %arg10[%dma_start3A, %dma_start3A_9, %dma_start3A_10] : memref<3x80x128xf32, #tpu.memory_space<vmem>> -> memref<1x80x128xf32, #tpu.memory_space<vmem>>
    %dma_start3A_12 = tpu.memref_squeeze %dma_start3A_11 : memref<1x80x128xf32, #tpu.memory_space<vmem>> -> memref<80x128xf32, #tpu.memory_space<vmem>>
    %dma_start3A_13 = arith.constant 0 : i32
    %dma_start3A_14 = tpu.memref_slice %arg2[%add3A_8, %dma_start3A_13] : memref<320000x128xf32, #tpu.memory_space<hbm>> -> memref<80x128xf32, #tpu.memory_space<hbm>>
    %dma_start3A_15 = arith.constant 0 : i32
    %dma_start3A_16 = arith.constant 0 : i32
    %dma_start3A_17 = tpu.memref_slice %arg10[%dma_start3A, %dma_start3A_15, %dma_start3A_16] : memref<3x80x128xf32, #tpu.memory_space<vmem>> -> memref<1x80x128xf32, #tpu.memory_space<vmem>>
    %dma_start3A_18 = tpu.memref_squeeze %dma_start3A_17 : memref<1x80x128xf32, #tpu.memory_space<vmem>> -> memref<80x128xf32, #tpu.memory_space<vmem>>
    %dma_start3A_19 = arith.constant 0 : i32
    %dma_start3A_20 = tpu.memref_slice %arg2[%add3A_8, %dma_start3A_19] : memref<320000x128xf32, #tpu.memory_space<hbm>> -> memref<80x128xf32, #tpu.memory_space<hbm>>
    tpu.enqueue_dma source(%dma_start3A_20 : memref<80x128xf32, #tpu.memory_space<hbm>>) target(%dma_start3A_18 : memref<80x128xf32, #tpu.memory_space<vmem>>) target_semaphore(%arg12 : memref<!tpu.dma_semaphore, #tpu.memory_space<semaphore_mem>>)
    %mul3A_21 = arith.constant 10000 : i32
    %mul3A_22 = arith.muli %add3A, %mul3A_21 : i32
    %add3A_23 = arith.constant 80 : i32
    %add3A_24 = arith.addi %mul3A_22, %add3A_23 : i32
    %dma_start3A_25 = arith.constant 1 : i32
    %dma_start3A_26 = arith.constant 0 : i32
    %dma_start3A_27 = arith.constant 0 : i32
    %dma_start3A_28 = tpu.memref_slice %arg10[%dma_start3A_25, %dma_start3A_26, %dma_start3A_27] : memref<3x80x128xf32, #tpu.memory_space<vmem>> -> memref<1x80x128xf32, #tpu.memory_space<vmem>>
    %dma_start3A_29 = tpu.memref_squeeze %dma_start3A_28 : memref<1x80x128xf32, #tpu.memory_space<vmem>> -> memref<80x128xf32, #tpu.memory_space<vmem>>
    %dma_start3A_30 = arith.constant 0 : i32
    %dma_start3A_31 = tpu.memref_slice %arg2[%add3A_24, %dma_start3A_30] : memref<320000x128xf32, #tpu.memory_space<hbm>> -> memref<80x128xf32, #tpu.memory_space<hbm>>
    %dma_start3A_32 = arith.constant 0 : i32
    %dma_start3A_33 = arith.constant 0 : i32
    %dma_start3A_34 = tpu.memref_slice %arg10[%dma_start3A_25, %dma_start3A_32, %dma_start3A_33] : memref<3x80x128xf32, #tpu.memory_space<vmem>> -> memref<1x80x128xf32, #tpu.memory_space<vmem>>
    %dma_start3A_35 = tpu.memref_squeeze %dma_start3A_34 : memref<1x80x128xf32, #tpu.memory_space<vmem>> -> memref<80x128xf32, #tpu.memory_space<vmem>>
    %dma_start3A_36 = arith.constant 0 : i32
    %dma_start3A_37 = tpu.memref_slice %arg2[%add3A_24, %dma_start3A_36] : memref<320000x128xf32, #tpu.memory_space<hbm>> -> memref<80x128xf32, #tpu.memory_space<hbm>>
    tpu.enqueue_dma source(%dma_start3A_37 : memref<80x128xf32, #tpu.memory_space<hbm>>) target(%dma_start3A_35 : memref<80x128xf32, #tpu.memory_space<vmem>>) target_semaphore(%arg13 : memref<!tpu.dma_semaphore, #tpu.memory_space<semaphore_mem>>)
    %mul3A_38 = arith.constant 10000 : i32
    %mul3A_39 = arith.muli %add3A, %mul3A_38 : i32
    %add3A_40 = arith.constant 160 : i32
    %add3A_41 = arith.addi %mul3A_39, %add3A_40 : i32
    %dma_start3A_42 = arith.constant 2 : i32
    %dma_start3A_43 = arith.constant 0 : i32
    %dma_start3A_44 = arith.constant 0 : i32
    %dma_start3A_45 = tpu.memref_slice %arg10[%dma_start3A_42, %dma_start3A_43, %dma_start3A_44] : memref<3x80x128xf32, #tpu.memory_space<vmem>> -> memref<1x80x128xf32, #tpu.memory_space<vmem>>
    %dma_start3A_46 = tpu.memref_squeeze %dma_start3A_45 : memref<1x80x128xf32, #tpu.memory_space<vmem>> -> memref<80x128xf32, #tpu.memory_space<vmem>>
    %dma_start3A_47 = arith.constant 0 : i32
    %dma_start3A_48 = tpu.memref_slice %arg2[%add3A_41, %dma_start3A_47] : memref<320000x128xf32, #tpu.memory_space<hbm>> -> memref<80x128xf32, #tpu.memory_space<hbm>>
    %dma_start3A_49 = arith.constant 0 : i32
    %dma_start3A_50 = arith.constant 0 : i32
    %dma_start3A_51 = tpu.memref_slice %arg10[%dma_start3A_42, %dma_start3A_49, %dma_start3A_50] : memref<3x80x128xf32, #tpu.memory_space<vmem>> -> memref<1x80x128xf32, #tpu.memory_space<vmem>>
    %dma_start3A_52 = tpu.memref_squeeze %dma_start3A_51 : memref<1x80x128xf32, #tpu.memory_space<vmem>> -> memref<80x128xf32, #tpu.memory_space<vmem>>
    %dma_start3A_53 = arith.constant 0 : i32
    %dma_start3A_54 = tpu.memref_slice %arg2[%add3A_41, %dma_start3A_53] : memref<320000x128xf32, #tpu.memory_space<hbm>> -> memref<80x128xf32, #tpu.memory_space<hbm>>
    tpu.enqueue_dma source(%dma_start3A_54 : memref<80x128xf32, #tpu.memory_space<hbm>>) target(%dma_start3A_52 : memref<80x128xf32, #tpu.memory_space<vmem>>) target_semaphore(%arg14 : memref<!tpu.dma_semaphore, #tpu.memory_space<semaphore_mem>>)
    %scan3A = arith.constant 0 : i32
    %scan3A_55 = arith.constant 0 : i32
    %scan3A_56 = arith.constant 40 : i32
    %scan3A_57 = arith.addi %scan3A_55, %scan3A_56 : i32
    %scan3A_58 = arith.constant 1 : i32
    scf.for %scan3A_795 = %scan3A_55 to %scan3A_57 step %scan3A_58  : i32 {
      %mul3A_796 = arith.constant 3 : i32
      %mul3A_797 = arith.muli %mul3A_796, %scan3A_795 : i32
      %add3A_798 = arith.constant 0 : i32
      %add3A_799 = arith.addi %mul3A_797, %add3A_798 : i32
      %mul3A_800 = arith.constant 10000 : i32
      %mul3A_801 = arith.muli %add3A, %mul3A_800 : i32
      %mul3A_802 = arith.constant 80 : i32
      %mul3A_803 = arith.muli %add3A_799, %mul3A_802 : i32
      %add3A_804 = arith.addi %mul3A_801, %mul3A_803 : i32
      %dma_wait3A_805 = arith.constant 0 : i32
      %dma_wait3A_806 = arith.constant 0 : i32
      %dma_wait3A_807 = arith.constant 0 : i32
      %dma_wait3A_808 = tpu.memref_slice %arg10[%dma_wait3A_805, %dma_wait3A_806, %dma_wait3A_807] : memref<3x80x128xf32, #tpu.memory_space<vmem>> -> memref<1x80x128xf32, #tpu.memory_space<vmem>>
      %dma_wait3A_809 = tpu.memref_squeeze %dma_wait3A_808 : memref<1x80x128xf32, #tpu.memory_space<vmem>> -> memref<80x128xf32, #tpu.memory_space<vmem>>
      %dma_wait3A_810 = arith.constant 0 : i32
      %dma_wait3A_811 = tpu.memref_slice %arg2[%add3A_804, %dma_wait3A_810] : memref<320000x128xf32, #tpu.memory_space<hbm>> -> memref<80x128xf32, #tpu.memory_space<hbm>>
      %dma_wait3A_812 = arith.constant 0 : i32
      %dma_wait3A_813 = arith.constant 0 : i32
      %dma_wait3A_814 = tpu.memref_slice %arg10[%dma_wait3A_805, %dma_wait3A_812, %dma_wait3A_813] : memref<3x80x128xf32, #tpu.memory_space<vmem>> -> memref<1x80x128xf32, #tpu.memory_space<vmem>>
      %dma_wait3A_815 = tpu.memref_squeeze %dma_wait3A_814 : memref<1x80x128xf32, #tpu.memory_space<vmem>> -> memref<80x128xf32, #tpu.memory_space<vmem>>
      %dma_wait3A_816 = arith.constant 0 : i32
      %dma_wait3A_817 = tpu.memref_slice %arg2[%add3A_804, %dma_wait3A_816] : memref<320000x128xf32, #tpu.memory_space<hbm>> -> memref<80x128xf32, #tpu.memory_space<hbm>>
      tpu.wait_dma2 semaphore(%arg12 : memref<!tpu.dma_semaphore, #tpu.memory_space<semaphore_mem>>) src(%dma_wait3A_817 : memref<80x128xf32, #tpu.memory_space<hbm>>) dst(%dma_wait3A_815 : memref<80x128xf32, #tpu.memory_space<vmem>>)
      %run_scoped3A_818 = arith.constant 0 : i32
      "tpu.region"() ({
        %run_scoped3A_925 = tpu.sem_alloc : memref<!tpu.dma_semaphore, #tpu.memory_space<semaphore_mem>>
        %dma_start3A_926 = arith.constant 0 : i32
        %dma_start3A_927 = arith.constant 0 : i32
        %dma_start3A_928 = tpu.memref_slice %arg10[%run_scoped3A_818, %dma_start3A_926, %dma_start3A_927] : memref<3x80x128xf32, #tpu.memory_space<vmem>> -> memref<1x80x128xf32, #tpu.memory_space<vmem>>
        %dma_start3A_929 = tpu.memref_squeeze %dma_start3A_928 : memref<1x80x128xf32, #tpu.memory_space<vmem>> -> memref<80x128xf32, #tpu.memory_space<vmem>>
        %dma_start3A_930 = arith.constant 0 : i32
        %dma_start3A_931 = tpu.memref_slice %arg9[%add3A_799, %dma_start3A_930] : memref<125x80xi32, #tpu.memory_space<vmem>> -> memref<1x80xi32, #tpu.memory_space<vmem>>
        %dma_start3A_932 = tpu.memref_squeeze %dma_start3A_931 : memref<1x80xi32, #tpu.memory_space<vmem>> -> memref<80xi32, #tpu.memory_space<vmem>>
        %dma_start3A_933 = arith.constant 0 : i32
        %dma_start3A_934 = arith.constant 0 : i32
        %dma_start3A_935 = tpu.memref_slice %arg11[%dma_start3A_933, %dma_start3A_934] : memref<10000x128xf32, #tpu.memory_space<vmem_shared>> -> memref<10000x128xf32, #tpu.memory_space<vmem_shared>>
        tpu.enqueue_indirect_dma source(%dma_start3A_929 : memref<80x128xf32, #tpu.memory_space<vmem>>) target(%dma_start3A_935 : memref<10000x128xf32, #tpu.memory_space<vmem_shared>>) offsets(%dma_start3A_932 : memref<80xi32, #tpu.memory_space<vmem>>) semaphore(%run_scoped3A_925 : memref<!tpu.dma_semaphore, #tpu.memory_space<semaphore_mem>>) {add = true}
        %dma_wait3A_936 = arith.constant 0 : i32
        %dma_wait3A_937 = arith.constant 0 : i32
        %dma_wait3A_938 = tpu.memref_slice %arg10[%run_scoped3A_818, %dma_wait3A_936, %dma_wait3A_937] : memref<3x80x128xf32, #tpu.memory_space<vmem>> -> memref<1x80x128xf32, #tpu.memory_space<vmem>>
        %dma_wait3A_939 = tpu.memref_squeeze %dma_wait3A_938 : memref<1x80x128xf32, #tpu.memory_space<vmem>> -> memref<80x128xf32, #tpu.memory_space<vmem>>
        %dma_wait3A_940 = arith.constant 0 : i32
        %dma_wait3A_941 = tpu.memref_slice %arg9[%add3A_799, %dma_wait3A_940] : memref<125x80xi32, #tpu.memory_space<vmem>> -> memref<1x80xi32, #tpu.memory_space<vmem>>
        %dma_wait3A_942 = tpu.memref_squeeze %dma_wait3A_941 : memref<1x80xi32, #tpu.memory_space<vmem>> -> memref<80xi32, #tpu.memory_space<vmem>>
        %dma_wait3A_943 = arith.constant 0 : i32
        %dma_wait3A_944 = arith.constant 0 : i32
        %dma_wait3A_945 = tpu.memref_slice %arg11[%dma_wait3A_943, %dma_wait3A_944] : memref<10000x128xf32, #tpu.memory_space<vmem_shared>> -> memref<10000x128xf32, #tpu.memory_space<vmem_shared>>
        tpu.wait_indirect_dma semaphore(%run_scoped3A_925 : memref<!tpu.dma_semaphore, #tpu.memory_space<semaphore_mem>>) src(%dma_wait3A_939 : memref<80x128xf32, #tpu.memory_space<vmem>>) dst(%dma_wait3A_945 : memref<10000x128xf32, #tpu.memory_space<vmem_shared>>)
        tpu.yield
      }) : () -> ()
      %add3A_819 = arith.constant 3 : i32
      %add3A_820 = arith.addi %add3A_799, %add3A_819 : i32
      %mul3A_821 = arith.constant 10000 : i32
      %mul3A_822 = arith.muli %add3A, %mul3A_821 : i32
      %mul3A_823 = arith.constant 80 : i32
      %mul3A_824 = arith.muli %add3A_820, %mul3A_823 : i32
      %add3A_825 = arith.addi %mul3A_822, %mul3A_824 : i32
      %dma_start3A_826 = arith.constant 0 : i32
      %dma_start3A_827 = arith.constant 0 : i32
      %dma_start3A_828 = arith.constant 0 : i32
      %dma_start3A_829 = tpu.memref_slice %arg10[%dma_start3A_826, %dma_start3A_827, %dma_start3A_828] : memref<3x80x128xf32, #tpu.memory_space<vmem>> -> memref<1x80x128xf32, #tpu.memory_space<vmem>>
      %dma_start3A_830 = tpu.memref_squeeze %dma_start3A_829 : memref<1x80x128xf32, #tpu.memory_space<vmem>> -> memref<80x128xf32, #tpu.memory_space<vmem>>
      %dma_start3A_831 = arith.constant 0 : i32
      %dma_start3A_832 = tpu.memref_slice %arg2[%add3A_825, %dma_start3A_831] : memref<320000x128xf32, #tpu.memory_space<hbm>> -> memref<80x128xf32, #tpu.memory_space<hbm>>
      %dma_start3A_833 = arith.constant 0 : i32
      %dma_start3A_834 = arith.constant 0 : i32
      %dma_start3A_835 = tpu.memref_slice %arg10[%dma_start3A_826, %dma_start3A_833, %dma_start3A_834] : memref<3x80x128xf32, #tpu.memory_space<vmem>> -> memref<1x80x128xf32, #tpu.memory_space<vmem>>
      %dma_start3A_836 = tpu.memref_squeeze %dma_start3A_835 : memref<1x80x128xf32, #tpu.memory_space<vmem>> -> memref<80x128xf32, #tpu.memory_space<vmem>>
      %dma_start3A_837 = arith.constant 0 : i32
      %dma_start3A_838 = tpu.memref_slice %arg2[%add3A_825, %dma_start3A_837] : memref<320000x128xf32, #tpu.memory_space<hbm>> -> memref<80x128xf32, #tpu.memory_space<hbm>>
      tpu.enqueue_dma source(%dma_start3A_838 : memref<80x128xf32, #tpu.memory_space<hbm>>) target(%dma_start3A_836 : memref<80x128xf32, #tpu.memory_space<vmem>>) target_semaphore(%arg12 : memref<!tpu.dma_semaphore, #tpu.memory_space<semaphore_mem>>)
      %mul3A_839 = arith.constant 3 : i32
      %mul3A_840 = arith.muli %mul3A_839, %scan3A_795 : i32
      %add3A_841 = arith.constant 1 : i32
      %add3A_842 = arith.addi %mul3A_840, %add3A_841 : i32
      %mul3A_843 = arith.constant 10000 : i32
      %mul3A_844 = arith.muli %add3A, %mul3A_843 : i32
      %mul3A_845 = arith.constant 80 : i32
      %mul3A_846 = arith.muli %add3A_842, %mul3A_845 : i32
      %add3A_847 = arith.addi %mul3A_844, %mul3A_846 : i32
      %dma_wait3A_848 = arith.constant 1 : i32
      %dma_wait3A_849 = arith.constant 0 : i32
      %dma_wait3A_850 = arith.constant 0 : i32
      %dma_wait3A_851 = tpu.memref_slice %arg10[%dma_wait3A_848, %dma_wait3A_849, %dma_wait3A_850] : memref<3x80x128xf32, #tpu.memory_space<vmem>> -> memref<1x80x128xf32, #tpu.memory_space<vmem>>
      %dma_wait3A_852 = tpu.memref_squeeze %dma_wait3A_851 : memref<1x80x128xf32, #tpu.memory_space<vmem>> -> memref<80x128xf32, #tpu.memory_space<vmem>>
      %dma_wait3A_853 = arith.constant 0 : i32
      %dma_wait3A_854 = tpu.memref_slice %arg2[%add3A_847, %dma_wait3A_853] : memref<320000x128xf32, #tpu.memory_space<hbm>> -> memref<80x128xf32, #tpu.memory_space<hbm>>
      %dma_wait3A_855 = arith.constant 0 : i32
      %dma_wait3A_856 = arith.constant 0 : i32
      %dma_wait3A_857 = tpu.memref_slice %arg10[%dma_wait3A_848, %dma_wait3A_855, %dma_wait3A_856] : memref<3x80x128xf32, #tpu.memory_space<vmem>> -> memref<1x80x128xf32, #tpu.memory_space<vmem>>
      %dma_wait3A_858 = tpu.memref_squeeze %dma_wait3A_857 : memref<1x80x128xf32, #tpu.memory_space<vmem>> -> memref<80x128xf32, #tpu.memory_space<vmem>>
      %dma_wait3A_859 = arith.constant 0 : i32
      %dma_wait3A_860 = tpu.memref_slice %arg2[%add3A_847, %dma_wait3A_859] : memref<320000x128xf32, #tpu.memory_space<hbm>> -> memref<80x128xf32, #tpu.memory_space<hbm>>
      tpu.wait_dma2 semaphore(%arg13 : memref<!tpu.dma_semaphore, #tpu.memory_space<semaphore_mem>>) src(%dma_wait3A_860 : memref<80x128xf32, #tpu.memory_space<hbm>>) dst(%dma_wait3A_858 : memref<80x128xf32, #tpu.memory_space<vmem>>)
      %run_scoped3A_861 = arith.constant 1 : i32
      "tpu.region"() ({
        %run_scoped3A_925 = tpu.sem_alloc : memref<!tpu.dma_semaphore, #tpu.memory_space<semaphore_mem>>
        %dma_start3A_926 = arith.constant 0 : i32
        %dma_start3A_927 = arith.constant 0 : i32
        %dma_start3A_928 = tpu.memref_slice %arg10[%run_scoped3A_861, %dma_start3A_926, %dma_start3A_927] : memref<3x80x128xf32, #tpu.memory_space<vmem>> -> memref<1x80x128xf32, #tpu.memory_space<vmem>>
        %dma_start3A_929 = tpu.memref_squeeze %dma_start3A_928 : memref<1x80x128xf32, #tpu.memory_space<vmem>> -> memref<80x128xf32, #tpu.memory_space<vmem>>
        %dma_start3A_930 = arith.constant 0 : i32
        %dma_start3A_931 = tpu.memref_slice %arg9[%add3A_842, %dma_start3A_930] : memref<125x80xi32, #tpu.memory_space<vmem>> -> memref<1x80xi32, #tpu.memory_space<vmem>>
        %dma_start3A_932 = tpu.memref_squeeze %dma_start3A_931 : memref<1x80xi32, #tpu.memory_space<vmem>> -> memref<80xi32, #tpu.memory_space<vmem>>
        %dma_start3A_933 = arith.constant 0 : i32
        %dma_start3A_934 = arith.constant 0 : i32
        %dma_start3A_935 = tpu.memref_slice %arg11[%dma_start3A_933, %dma_start3A_934] : memref<10000x128xf32, #tpu.memory_space<vmem_shared>> -> memref<10000x128xf32, #tpu.memory_space<vmem_shared>>
        tpu.enqueue_indirect_dma source(%dma_start3A_929 : memref<80x128xf32, #tpu.memory_space<vmem>>) target(%dma_start3A_935 : memref<10000x128xf32, #tpu.memory_space<vmem_shared>>) offsets(%dma_start3A_932 : memref<80xi32, #tpu.memory_space<vmem>>) semaphore(%run_scoped3A_925 : memref<!tpu.dma_semaphore, #tpu.memory_space<semaphore_mem>>) {add = true}
        %dma_wait3A_936 = arith.constant 0 : i32
        %dma_wait3A_937 = arith.constant 0 : i32
        %dma_wait3A_938 = tpu.memref_slice %arg10[%run_scoped3A_861, %dma_wait3A_936, %dma_wait3A_937] : memref<3x80x128xf32, #tpu.memory_space<vmem>> -> memref<1x80x128xf32, #tpu.memory_space<vmem>>
        %dma_wait3A_939 = tpu.memref_squeeze %dma_wait3A_938 : memref<1x80x128xf32, #tpu.memory_space<vmem>> -> memref<80x128xf32, #tpu.memory_space<vmem>>
        %dma_wait3A_940 = arith.constant 0 : i32
        %dma_wait3A_941 = tpu.memref_slice %arg9[%add3A_842, %dma_wait3A_940] : memref<125x80xi32, #tpu.memory_space<vmem>> -> memref<1x80xi32, #tpu.memory_space<vmem>>
        %dma_wait3A_942 = tpu.memref_squeeze %dma_wait3A_941 : memref<1x80xi32, #tpu.memory_space<vmem>> -> memref<80xi32, #tpu.memory_space<vmem>>
        %dma_wait3A_943 = arith.constant 0 : i32
        %dma_wait3A_944 = arith.constant 0 : i32
        %dma_wait3A_945 = tpu.memref_slice %arg11[%dma_wait3A_943, %dma_wait3A_944] : memref<10000x128xf32, #tpu.memory_space<vmem_shared>> -> memref<10000x128xf32, #tpu.memory_space<vmem_shared>>
        tpu.wait_indirect_dma semaphore(%run_scoped3A_925 : memref<!tpu.dma_semaphore, #tpu.memory_space<semaphore_mem>>) src(%dma_wait3A_939 : memref<80x128xf32, #tpu.memory_space<vmem>>) dst(%dma_wait3A_945 : memref<10000x128xf32, #tpu.memory_space<vmem_shared>>)
        tpu.yield
      }) : () -> ()
      %add3A_862 = arith.constant 3 : i32
      %add3A_863 = arith.addi %add3A_842, %add3A_862 : i32
      %mul3A_864 = arith.constant 10000 : i32
      %mul3A_865 = arith.muli %add3A, %mul3A_864 : i32
      %mul3A_866 = arith.constant 80 : i32
      %mul3A_867 = arith.muli %add3A_863, %mul3A_866 : i32
      %add3A_868 = arith.addi %mul3A_865, %mul3A_867 : i32
      %dma_start3A_869 = arith.constant 1 : i32
      %dma_start3A_870 = arith.constant 0 : i32
      %dma_start3A_871 = arith.constant 0 : i32
      %dma_start3A_872 = tpu.memref_slice %arg10[%dma_start3A_869, %dma_start3A_870, %dma_start3A_871] : memref<3x80x128xf32, #tpu.memory_space<vmem>> -> memref<1x80x128xf32, #tpu.memory_space<vmem>>
      %dma_start3A_873 = tpu.memref_squeeze %dma_start3A_872 : memref<1x80x128xf32, #tpu.memory_space<vmem>> -> memref<80x128xf32, #tpu.memory_space<vmem>>
      %dma_start3A_874 = arith.constant 0 : i32
      %dma_start3A_875 = tpu.memref_slice %arg2[%add3A_868, %dma_start3A_874] : memref<320000x128xf32, #tpu.memory_space<hbm>> -> memref<80x128xf32, #tpu.memory_space<hbm>>
      %dma_start3A_876 = arith.constant 0 : i32
      %dma_start3A_877 = arith.constant 0 : i32
      %dma_start3A_878 = tpu.memref_slice %arg10[%dma_start3A_869, %dma_start3A_876, %dma_start3A_877] : memref<3x80x128xf32, #tpu.memory_space<vmem>> -> memref<1x80x128xf32, #tpu.memory_space<vmem>>
      %dma_start3A_879 = tpu.memref_squeeze %dma_start3A_878 : memref<1x80x128xf32, #tpu.memory_space<vmem>> -> memref<80x128xf32, #tpu.memory_space<vmem>>
      %dma_start3A_880 = arith.constant 0 : i32
      %dma_start3A_881 = tpu.memref_slice %arg2[%add3A_868, %dma_start3A_880] : memref<320000x128xf32, #tpu.memory_space<hbm>> -> memref<80x128xf32, #tpu.memory_space<hbm>>
      tpu.enqueue_dma source(%dma_start3A_881 : memref<80x128xf32, #tpu.memory_space<hbm>>) target(%dma_start3A_879 : memref<80x128xf32, #tpu.memory_space<vmem>>) target_semaphore(%arg13 : memref<!tpu.dma_semaphore, #tpu.memory_space<semaphore_mem>>)
      %mul3A_882 = arith.constant 3 : i32
      %mul3A_883 = arith.muli %mul3A_882, %scan3A_795 : i32
      %add3A_884 = arith.constant 2 : i32
      %add3A_885 = arith.addi %mul3A_883, %add3A_884 : i32
      %mul3A_886 = arith.constant 10000 : i32
      %mul3A_887 = arith.muli %add3A, %mul3A_886 : i32
      %mul3A_888 = arith.constant 80 : i32
      %mul3A_889 = arith.muli %add3A_885, %mul3A_888 : i32
      %add3A_890 = arith.addi %mul3A_887, %mul3A_889 : i32
      %dma_wait3A_891 = arith.constant 2 : i32
      %dma_wait3A_892 = arith.constant 0 : i32
      %dma_wait3A_893 = arith.constant 0 : i32
      %dma_wait3A_894 = tpu.memref_slice %arg10[%dma_wait3A_891, %dma_wait3A_892, %dma_wait3A_893] : memref<3x80x128xf32, #tpu.memory_space<vmem>> -> memref<1x80x128xf32, #tpu.memory_space<vmem>>
      %dma_wait3A_895 = tpu.memref_squeeze %dma_wait3A_894 : memref<1x80x128xf32, #tpu.memory_space<vmem>> -> memref<80x128xf32, #tpu.memory_space<vmem>>
      %dma_wait3A_896 = arith.constant 0 : i32
      %dma_wait3A_897 = tpu.memref_slice %arg2[%add3A_890, %dma_wait3A_896] : memref<320000x128xf32, #tpu.memory_space<hbm>> -> memref<80x128xf32, #tpu.memory_space<hbm>>
      %dma_wait3A_898 = arith.constant 0 : i32
      %dma_wait3A_899 = arith.constant 0 : i32
      %dma_wait3A_900 = tpu.memref_slice %arg10[%dma_wait3A_891, %dma_wait3A_898, %dma_wait3A_899] : memref<3x80x128xf32, #tpu.memory_space<vmem>> -> memref<1x80x128xf32, #tpu.memory_space<vmem>>
      %dma_wait3A_901 = tpu.memref_squeeze %dma_wait3A_900 : memref<1x80x128xf32, #tpu.memory_space<vmem>> -> memref<80x128xf32, #tpu.memory_space<vmem>>
      %dma_wait3A_902 = arith.constant 0 : i32
      %dma_wait3A_903 = tpu.memref_slice %arg2[%add3A_890, %dma_wait3A_902] : memref<320000x128xf32, #tpu.memory_space<hbm>> -> memref<80x128xf32, #tpu.memory_space<hbm>>
      tpu.wait_dma2 semaphore(%arg14 : memref<!tpu.dma_semaphore, #tpu.memory_space<semaphore_mem>>) src(%dma_wait3A_903 : memref<80x128xf32, #tpu.memory_space<hbm>>) dst(%dma_wait3A_901 : memref<80x128xf32, #tpu.memory_space<vmem>>)
      %run_scoped3A_904 = arith.constant 2 : i32
      "tpu.region"() ({
        %run_scoped3A_925 = tpu.sem_alloc : memref<!tpu.dma_semaphore, #tpu.memory_space<semaphore_mem>>
        %dma_start3A_926 = arith.constant 0 : i32
        %dma_start3A_927 = arith.constant 0 : i32
        %dma_start3A_928 = tpu.memref_slice %arg10[%run_scoped3A_904, %dma_start3A_926, %dma_start3A_927] : memref<3x80x128xf32, #tpu.memory_space<vmem>> -> memref<1x80x128xf32, #tpu.memory_space<vmem>>
        %dma_start3A_929 = tpu.memref_squeeze %dma_start3A_928 : memref<1x80x128xf32, #tpu.memory_space<vmem>> -> memref<80x128xf32, #tpu.memory_space<vmem>>
        %dma_start3A_930 = arith.constant 0 : i32
        %dma_start3A_931 = tpu.memref_slice %arg9[%add3A_885, %dma_start3A_930] : memref<125x80xi32, #tpu.memory_space<vmem>> -> memref<1x80xi32, #tpu.memory_space<vmem>>
        %dma_start3A_932 = tpu.memref_squeeze %dma_start3A_931 : memref<1x80xi32, #tpu.memory_space<vmem>> -> memref<80xi32, #tpu.memory_space<vmem>>
        %dma_start3A_933 = arith.constant 0 : i32
        %dma_start3A_934 = arith.constant 0 : i32
        %dma_start3A_935 = tpu.memref_slice %arg11[%dma_start3A_933, %dma_start3A_934] : memref<10000x128xf32, #tpu.memory_space<vmem_shared>> -> memref<10000x128xf32, #tpu.memory_space<vmem_shared>>
        tpu.enqueue_indirect_dma source(%dma_start3A_929 : memref<80x128xf32, #tpu.memory_space<vmem>>) target(%dma_start3A_935 : memref<10000x128xf32, #tpu.memory_space<vmem_shared>>) offsets(%dma_start3A_932 : memref<80xi32, #tpu.memory_space<vmem>>) semaphore(%run_scoped3A_925 : memref<!tpu.dma_semaphore, #tpu.memory_space<semaphore_mem>>) {add = true}
        %dma_wait3A_936 = arith.constant 0 : i32
        %dma_wait3A_937 = arith.constant 0 : i32
        %dma_wait3A_938 = tpu.memref_slice %arg10[%run_scoped3A_904, %dma_wait3A_936, %dma_wait3A_937] : memref<3x80x128xf32, #tpu.memory_space<vmem>> -> memref<1x80x128xf32, #tpu.memory_space<vmem>>
        %dma_wait3A_939 = tpu.memref_squeeze %dma_wait3A_938 : memref<1x80x128xf32, #tpu.memory_space<vmem>> -> memref<80x128xf32, #tpu.memory_space<vmem>>
        %dma_wait3A_940 = arith.constant 0 : i32
        %dma_wait3A_941 = tpu.memref_slice %arg9[%add3A_885, %dma_wait3A_940] : memref<125x80xi32, #tpu.memory_space<vmem>> -> memref<1x80xi32, #tpu.memory_space<vmem>>
        %dma_wait3A_942 = tpu.memref_squeeze %dma_wait3A_941 : memref<1x80xi32, #tpu.memory_space<vmem>> -> memref<80xi32, #tpu.memory_space<vmem>>
        %dma_wait3A_943 = arith.constant 0 : i32
        %dma_wait3A_944 = arith.constant 0 : i32
        %dma_wait3A_945 = tpu.memref_slice %arg11[%dma_wait3A_943, %dma_wait3A_944] : memref<10000x128xf32, #tpu.memory_space<vmem_shared>> -> memref<10000x128xf32, #tpu.memory_space<vmem_shared>>
        tpu.wait_indirect_dma semaphore(%run_scoped3A_925 : memref<!tpu.dma_semaphore, #tpu.memory_space<semaphore_mem>>) src(%dma_wait3A_939 : memref<80x128xf32, #tpu.memory_space<vmem>>) dst(%dma_wait3A_945 : memref<10000x128xf32, #tpu.memory_space<vmem_shared>>)
        tpu.yield
      }) : () -> ()
      %add3A_905 = arith.constant 3 : i32
      %add3A_906 = arith.addi %add3A_885, %add3A_905 : i32
      %mul3A_907 = arith.constant 10000 : i32
      %mul3A_908 = arith.muli %add3A, %mul3A_907 : i32
      %mul3A_909 = arith.constant 80 : i32
      %mul3A_910 = arith.muli %add3A_906, %mul3A_909 : i32
      %add3A_911 = arith.addi %mul3A_908, %mul3A_910 : i32
      %dma_start3A_912 = arith.constant 2 : i32
      %dma_start3A_913 = arith.constant 0 : i32
      %dma_start3A_914 = arith.constant 0 : i32
      %dma_start3A_915 = tpu.memref_slice %arg10[%dma_start3A_912, %dma_start3A_913, %dma_start3A_914] : memref<3x80x128xf32, #tpu.memory_space<vmem>> -> memref<1x80x128xf32, #tpu.memory_space<vmem>>
      %dma_start3A_916 = tpu.memref_squeeze %dma_start3A_915 : memref<1x80x128xf32, #tpu.memory_space<vmem>> -> memref<80x128xf32, #tpu.memory_space<vmem>>
      %dma_start3A_917 = arith.constant 0 : i32
      %dma_start3A_918 = tpu.memref_slice %arg2[%add3A_911, %dma_start3A_917] : memref<320000x128xf32, #tpu.memory_space<hbm>> -> memref<80x128xf32, #tpu.memory_space<hbm>>
      %dma_start3A_919 = arith.constant 0 : i32
      %dma_start3A_920 = arith.constant 0 : i32
      %dma_start3A_921 = tpu.memref_slice %arg10[%dma_start3A_912, %dma_start3A_919, %dma_start3A_920] : memref<3x80x128xf32, #tpu.memory_space<vmem>> -> memref<1x80x128xf32, #tpu.memory_space<vmem>>
      %dma_start3A_922 = tpu.memref_squeeze %dma_start3A_921 : memref<1x80x128xf32, #tpu.memory_space<vmem>> -> memref<80x128xf32, #tpu.memory_space<vmem>>
      %dma_start3A_923 = arith.constant 0 : i32
      %dma_start3A_924 = tpu.memref_slice %arg2[%add3A_911, %dma_start3A_923] : memref<320000x128xf32, #tpu.memory_space<hbm>> -> memref<80x128xf32, #tpu.memory_space<hbm>>
      tpu.enqueue_dma source(%dma_start3A_924 : memref<80x128xf32, #tpu.memory_space<hbm>>) target(%dma_start3A_922 : memref<80x128xf32, #tpu.memory_space<vmem>>) target_semaphore(%arg14 : memref<!tpu.dma_semaphore, #tpu.memory_space<semaphore_mem>>)
    }
    %scan3A_59 = arith.constant 40 : i32
    %mul3A_60 = arith.constant 10000 : i32
    %mul3A_61 = arith.muli %add3A, %mul3A_60 : i32
    %add3A_62 = arith.constant 9600 : i32
    %add3A_63 = arith.addi %mul3A_61, %add3A_62 : i32
    %dma_wait3A = arith.constant 0 : i32
    %dma_wait3A_64 = arith.constant 0 : i32
    %dma_wait3A_65 = arith.constant 0 : i32
    %dma_wait3A_66 = tpu.memref_slice %arg10[%dma_wait3A, %dma_wait3A_64, %dma_wait3A_65] : memref<3x80x128xf32, #tpu.memory_space<vmem>> -> memref<1x80x128xf32, #tpu.memory_space<vmem>>
    %dma_wait3A_67 = tpu.memref_squeeze %dma_wait3A_66 : memref<1x80x128xf32, #tpu.memory_space<vmem>> -> memref<80x128xf32, #tpu.memory_space<vmem>>
    %dma_wait3A_68 = arith.constant 0 : i32
    %dma_wait3A_69 = tpu.memref_slice %arg2[%add3A_63, %dma_wait3A_68] : memref<320000x128xf32, #tpu.memory_space<hbm>> -> memref<80x128xf32, #tpu.memory_space<hbm>>
    %dma_wait3A_70 = arith.constant 0 : i32
    %dma_wait3A_71 = arith.constant 0 : i32
    %dma_wait3A_72 = tpu.memref_slice %arg10[%dma_wait3A, %dma_wait3A_70, %dma_wait3A_71] : memref<3x80x128xf32, #tpu.memory_space<vmem>> -> memref<1x80x128xf32, #tpu.memory_space<vmem>>
    %dma_wait3A_73 = tpu.memref_squeeze %dma_wait3A_72 : memref<1x80x128xf32, #tpu.memory_space<vmem>> -> memref<80x128xf32, #tpu.memory_space<vmem>>
    %dma_wait3A_74 = arith.constant 0 : i32
    %dma_wait3A_75 = tpu.memref_slice %arg2[%add3A_63, %dma_wait3A_74] : memref<320000x128xf32, #tpu.memory_space<hbm>> -> memref<80x128xf32, #tpu.memory_space<hbm>>
    tpu.wait_dma2 semaphore(%arg12 : memref<!tpu.dma_semaphore, #tpu.memory_space<semaphore_mem>>) src(%dma_wait3A_75 : memref<80x128xf32, #tpu.memory_space<hbm>>) dst(%dma_wait3A_73 : memref<80x128xf32, #tpu.memory_space<vmem>>)
    %run_scoped3A = arith.constant 0 : i32
    %run_scoped3A_76 = arith.constant 120 : i32
    "tpu.region"() ({
      %run_scoped3A_795 = tpu.sem_alloc : memref<!tpu.dma_semaphore, #tpu.memory_space<semaphore_mem>>
      %dma_start3A_796 = arith.constant 0 : i32
      %dma_start3A_797 = arith.constant 0 : i32
      %dma_start3A_798 = tpu.memref_slice %arg10[%run_scoped3A, %dma_start3A_796, %dma_start3A_797] : memref<3x80x128xf32, #tpu.memory_space<vmem>> -> memref<1x80x128xf32, #tpu.memory_space<vmem>>
      %dma_start3A_799 = tpu.memref_squeeze %dma_start3A_798 : memref<1x80x128xf32, #tpu.memory_space<vmem>> -> memref<80x128xf32, #tpu.memory_space<vmem>>
      %dma_start3A_800 = arith.constant 0 : i32
      %dma_start3A_801 = tpu.memref_slice %arg9[%run_scoped3A_76, %dma_start3A_800] : memref<125x80xi32, #tpu.memory_space<vmem>> -> memref<1x80xi32, #tpu.memory_space<vmem>>
      %dma_start3A_802 = tpu.memref_squeeze %dma_start3A_801 : memref<1x80xi32, #tpu.memory_space<vmem>> -> memref<80xi32, #tpu.memory_space<vmem>>
      %dma_start3A_803 = arith.constant 0 : i32
      %dma_start3A_804 = arith.constant 0 : i32
      %dma_start3A_805 = tpu.memref_slice %arg11[%dma_start3A_803, %dma_start3A_804] : memref<10000x128xf32, #tpu.memory_space<vmem_shared>> -> memref<10000x128xf32, #tpu.memory_space<vmem_shared>>
      tpu.enqueue_indirect_dma source(%dma_start3A_799 : memref<80x128xf32, #tpu.memory_space<vmem>>) target(%dma_start3A_805 : memref<10000x128xf32, #tpu.memory_space<vmem_shared>>) offsets(%dma_start3A_802 : memref<80xi32, #tpu.memory_space<vmem>>) semaphore(%run_scoped3A_795 : memref<!tpu.dma_semaphore, #tpu.memory_space<semaphore_mem>>) {add = true}
      %dma_wait3A_806 = arith.constant 0 : i32
      %dma_wait3A_807 = arith.constant 0 : i32
      %dma_wait3A_808 = tpu.memref_slice %arg10[%run_scoped3A, %dma_wait3A_806, %dma_wait3A_807] : memref<3x80x128xf32, #tpu.memory_space<vmem>> -> memref<1x80x128xf32, #tpu.memory_space<vmem>>
      %dma_wait3A_809 = tpu.memref_squeeze %dma_wait3A_808 : memref<1x80x128xf32, #tpu.memory_space<vmem>> -> memref<80x128xf32, #tpu.memory_space<vmem>>
      %dma_wait3A_810 = arith.constant 0 : i32
      %dma_wait3A_811 = tpu.memref_slice %arg9[%run_scoped3A_76, %dma_wait3A_810] : memref<125x80xi32, #tpu.memory_space<vmem>> -> memref<1x80xi32, #tpu.memory_space<vmem>>
      %dma_wait3A_812 = tpu.memref_squeeze %dma_wait3A_811 : memref<1x80xi32, #tpu.memory_space<vmem>> -> memref<80xi32, #tpu.memory_space<vmem>>
      %dma_wait3A_813 = arith.constant 0 : i32
      %dma_wait3A_814 = arith.constant 0 : i32
      %dma_wait3A_815 = tpu.memref_slice %arg11[%dma_wait3A_813, %dma_wait3A_814] : memref<10000x128xf32, #tpu.memory_space<vmem_shared>> -> memref<10000x128xf32, #tpu.memory_space<vmem_shared>>
      tpu.wait_indirect_dma semaphore(%run_scoped3A_795 : memref<!tpu.dma_semaphore, #tpu.memory_space<semaphore_mem>>) src(%dma_wait3A_809 : memref<80x128xf32, #tpu.memory_space<vmem>>) dst(%dma_wait3A_815 : memref<10000x128xf32, #tpu.memory_space<vmem_shared>>)
      tpu.yield
    }) : () -> ()
    %mul3A_77 = arith.constant 10000 : i32
    %mul3A_78 = arith.muli %add3A, %mul3A_77 : i32
    %add3A_79 = arith.constant 9840 : i32
    %add3A_80 = arith.addi %mul3A_78, %add3A_79 : i32
    %dma_start3A_81 = arith.constant 0 : i32
    %dma_start3A_82 = arith.constant 0 : i32
    %dma_start3A_83 = arith.constant 0 : i32
    %dma_start3A_84 = tpu.memref_slice %arg10[%dma_start3A_81, %dma_start3A_82, %dma_start3A_83] : memref<3x80x128xf32, #tpu.memory_space<vmem>> -> memref<1x80x128xf32, #tpu.memory_space<vmem>>
    %dma_start3A_85 = tpu.memref_squeeze %dma_start3A_84 : memref<1x80x128xf32, #tpu.memory_space<vmem>> -> memref<80x128xf32, #tpu.memory_space<vmem>>
    %dma_start3A_86 = arith.constant 0 : i32
    %dma_start3A_87 = tpu.memref_slice %arg2[%add3A_80, %dma_start3A_86] : memref<320000x128xf32, #tpu.memory_space<hbm>> -> memref<80x128xf32, #tpu.memory_space<hbm>>
    %dma_start3A_88 = arith.constant 0 : i32
    %dma_start3A_89 = arith.constant 0 : i32
    %dma_start3A_90 = tpu.memref_slice %arg10[%dma_start3A_81, %dma_start3A_88, %dma_start3A_89] : memref<3x80x128xf32, #tpu.memory_space<vmem>> -> memref<1x80x128xf32, #tpu.memory_space<vmem>>
    %dma_start3A_91 = tpu.memref_squeeze %dma_start3A_90 : memref<1x80x128xf32, #tpu.memory_space<vmem>> -> memref<80x128xf32, #tpu.memory_space<vmem>>
    %dma_start3A_92 = arith.constant 0 : i32
    %dma_start3A_93 = tpu.memref_slice %arg2[%add3A_80, %dma_start3A_92] : memref<320000x128xf32, #tpu.memory_space<hbm>> -> memref<80x128xf32, #tpu.memory_space<hbm>>
    tpu.enqueue_dma source(%dma_start3A_93 : memref<80x128xf32, #tpu.memory_space<hbm>>) target(%dma_start3A_91 : memref<80x128xf32, #tpu.memory_space<vmem>>) target_semaphore(%arg12 : memref<!tpu.dma_semaphore, #tpu.memory_space<semaphore_mem>>)
    %mul3A_94 = arith.constant 10000 : i32
    %mul3A_95 = arith.muli %add3A, %mul3A_94 : i32
    %add3A_96 = arith.constant 9680 : i32
    %add3A_97 = arith.addi %mul3A_95, %add3A_96 : i32
    %dma_wait3A_98 = arith.constant 1 : i32
    %dma_wait3A_99 = arith.constant 0 : i32
    %dma_wait3A_100 = arith.constant 0 : i32
    %dma_wait3A_101 = tpu.memref_slice %arg10[%dma_wait3A_98, %dma_wait3A_99, %dma_wait3A_100] : memref<3x80x128xf32, #tpu.memory_space<vmem>> -> memref<1x80x128xf32, #tpu.memory_space<vmem>>
    %dma_wait3A_102 = tpu.memref_squeeze %dma_wait3A_101 : memref<1x80x128xf32, #tpu.memory_space<vmem>> -> memref<80x128xf32, #tpu.memory_space<vmem>>
    %dma_wait3A_103 = arith.constant 0 : i32
    %dma_wait3A_104 = tpu.memref_slice %arg2[%add3A_97, %dma_wait3A_103] : memref<320000x128xf32, #tpu.memory_space<hbm>> -> memref<80x128xf32, #tpu.memory_space<hbm>>
    %dma_wait3A_105 = arith.constant 0 : i32
    %dma_wait3A_106 = arith.constant 0 : i32
    %dma_wait3A_107 = tpu.memref_slice %arg10[%dma_wait3A_98, %dma_wait3A_105, %dma_wait3A_106] : memref<3x80x128xf32, #tpu.memory_space<vmem>> -> memref<1x80x128xf32, #tpu.memory_space<vmem>>
    %dma_wait3A_108 = tpu.memref_squeeze %dma_wait3A_107 : memref<1x80x128xf32, #tpu.memory_space<vmem>> -> memref<80x128xf32, #tpu.memory_space<vmem>>
    %dma_wait3A_109 = arith.constant 0 : i32
    %dma_wait3A_110 = tpu.memref_slice %arg2[%add3A_97, %dma_wait3A_109] : memref<320000x128xf32, #tpu.memory_space<hbm>> -> memref<80x128xf32, #tpu.memory_space<hbm>>
    tpu.wait_dma2 semaphore(%arg13 : memref<!tpu.dma_semaphore, #tpu.memory_space<semaphore_mem>>) src(%dma_wait3A_110 : memref<80x128xf32, #tpu.memory_space<hbm>>) dst(%dma_wait3A_108 : memref<80x128xf32, #tpu.memory_space<vmem>>)
    %run_scoped3A_111 = arith.constant 1 : i32
    %run_scoped3A_112 = arith.constant 121 : i32
    "tpu.region"() ({
      %run_scoped3A_795 = tpu.sem_alloc : memref<!tpu.dma_semaphore, #tpu.memory_space<semaphore_mem>>
      %dma_start3A_796 = arith.constant 0 : i32
      %dma_start3A_797 = arith.constant 0 : i32
      %dma_start3A_798 = tpu.memref_slice %arg10[%run_scoped3A_111, %dma_start3A_796, %dma_start3A_797] : memref<3x80x128xf32, #tpu.memory_space<vmem>> -> memref<1x80x128xf32, #tpu.memory_space<vmem>>
      %dma_start3A_799 = tpu.memref_squeeze %dma_start3A_798 : memref<1x80x128xf32, #tpu.memory_space<vmem>> -> memref<80x128xf32, #tpu.memory_space<vmem>>
      %dma_start3A_800 = arith.constant 0 : i32
      %dma_start3A_801 = tpu.memref_slice %arg9[%run_scoped3A_112, %dma_start3A_800] : memref<125x80xi32, #tpu.memory_space<vmem>> -> memref<1x80xi32, #tpu.memory_space<vmem>>
      %dma_start3A_802 = tpu.memref_squeeze %dma_start3A_801 : memref<1x80xi32, #tpu.memory_space<vmem>> -> memref<80xi32, #tpu.memory_space<vmem>>
      %dma_start3A_803 = arith.constant 0 : i32
      %dma_start3A_804 = arith.constant 0 : i32
      %dma_start3A_805 = tpu.memref_slice %arg11[%dma_start3A_803, %dma_start3A_804] : memref<10000x128xf32, #tpu.memory_space<vmem_shared>> -> memref<10000x128xf32, #tpu.memory_space<vmem_shared>>
      tpu.enqueue_indirect_dma source(%dma_start3A_799 : memref<80x128xf32, #tpu.memory_space<vmem>>) target(%dma_start3A_805 : memref<10000x128xf32, #tpu.memory_space<vmem_shared>>) offsets(%dma_start3A_802 : memref<80xi32, #tpu.memory_space<vmem>>) semaphore(%run_scoped3A_795 : memref<!tpu.dma_semaphore, #tpu.memory_space<semaphore_mem>>) {add = true}
      %dma_wait3A_806 = arith.constant 0 : i32
      %dma_wait3A_807 = arith.constant 0 : i32
      %dma_wait3A_808 = tpu.memref_slice %arg10[%run_scoped3A_111, %dma_wait3A_806, %dma_wait3A_807] : memref<3x80x128xf32, #tpu.memory_space<vmem>> -> memref<1x80x128xf32, #tpu.memory_space<vmem>>
      %dma_wait3A_809 = tpu.memref_squeeze %dma_wait3A_808 : memref<1x80x128xf32, #tpu.memory_space<vmem>> -> memref<80x128xf32, #tpu.memory_space<vmem>>
      %dma_wait3A_810 = arith.constant 0 : i32
      %dma_wait3A_811 = tpu.memref_slice %arg9[%run_scoped3A_112, %dma_wait3A_810] : memref<125x80xi32, #tpu.memory_space<vmem>> -> memref<1x80xi32, #tpu.memory_space<vmem>>
      %dma_wait3A_812 = tpu.memref_squeeze %dma_wait3A_811 : memref<1x80xi32, #tpu.memory_space<vmem>> -> memref<80xi32, #tpu.memory_space<vmem>>
      %dma_wait3A_813 = arith.constant 0 : i32
      %dma_wait3A_814 = arith.constant 0 : i32
      %dma_wait3A_815 = tpu.memref_slice %arg11[%dma_wait3A_813, %dma_wait3A_814] : memref<10000x128xf32, #tpu.memory_space<vmem_shared>> -> memref<10000x128xf32, #tpu.memory_space<vmem_shared>>
      tpu.wait_indirect_dma semaphore(%run_scoped3A_795 : memref<!tpu.dma_semaphore, #tpu.memory_space<semaphore_mem>>) src(%dma_wait3A_809 : memref<80x128xf32, #tpu.memory_space<vmem>>) dst(%dma_wait3A_815 : memref<10000x128xf32, #tpu.memory_space<vmem_shared>>)
      tpu.yield
    }) : () -> ()
    %mul3A_113 = arith.constant 10000 : i32
    %mul3A_114 = arith.muli %add3A, %mul3A_113 : i32
    %add3A_115 = arith.constant 9920 : i32
    %add3A_116 = arith.addi %mul3A_114, %add3A_115 : i32
    %dma_start3A_117 = arith.constant 1 : i32
    %dma_start3A_118 = arith.constant 0 : i32
    %dma_start3A_119 = arith.constant 0 : i32
    %dma_start3A_120 = tpu.memref_slice %arg10[%dma_start3A_117, %dma_start3A_118, %dma_start3A_119] : memref<3x80x128xf32, #tpu.memory_space<vmem>> -> memref<1x80x128xf32, #tpu.memory_space<vmem>>
    %dma_start3A_121 = tpu.memref_squeeze %dma_start3A_120 : memref<1x80x128xf32, #tpu.memory_space<vmem>> -> memref<80x128xf32, #tpu.memory_space<vmem>>
    %dma_start3A_122 = arith.constant 0 : i32
    %dma_start3A_123 = tpu.memref_slice %arg2[%add3A_116, %dma_start3A_122] : memref<320000x128xf32, #tpu.memory_space<hbm>> -> memref<80x128xf32, #tpu.memory_space<hbm>>
    %dma_start3A_124 = arith.constant 0 : i32
    %dma_start3A_125 = arith.constant 0 : i32
    %dma_start3A_126 = tpu.memref_slice %arg10[%dma_start3A_117, %dma_start3A_124, %dma_start3A_125] : memref<3x80x128xf32, #tpu.memory_space<vmem>> -> memref<1x80x128xf32, #tpu.memory_space<vmem>>
    %dma_start3A_127 = tpu.memref_squeeze %dma_start3A_126 : memref<1x80x128xf32, #tpu.memory_space<vmem>> -> memref<80x128xf32, #tpu.memory_space<vmem>>
    %dma_start3A_128 = arith.constant 0 : i32
    %dma_start3A_129 = tpu.memref_slice %arg2[%add3A_116, %dma_start3A_128] : memref<320000x128xf32, #tpu.memory_space<hbm>> -> memref<80x128xf32, #tpu.memory_space<hbm>>
    tpu.enqueue_dma source(%dma_start3A_129 : memref<80x128xf32, #tpu.memory_space<hbm>>) target(%dma_start3A_127 : memref<80x128xf32, #tpu.memory_space<vmem>>) target_semaphore(%arg13 : memref<!tpu.dma_semaphore, #tpu.memory_space<semaphore_mem>>)
    %mul3A_130 = arith.constant 10000 : i32
    %mul3A_131 = arith.muli %add3A, %mul3A_130 : i32
    %add3A_132 = arith.constant 9760 : i32
    %add3A_133 = arith.addi %mul3A_131, %add3A_132 : i32
    %dma_wait3A_134 = arith.constant 2 : i32
    %dma_wait3A_135 = arith.constant 0 : i32
    %dma_wait3A_136 = arith.constant 0 : i32
    %dma_wait3A_137 = tpu.memref_slice %arg10[%dma_wait3A_134, %dma_wait3A_135, %dma_wait3A_136] : memref<3x80x128xf32, #tpu.memory_space<vmem>> -> memref<1x80x128xf32, #tpu.memory_space<vmem>>
    %dma_wait3A_138 = tpu.memref_squeeze %dma_wait3A_137 : memref<1x80x128xf32, #tpu.memory_space<vmem>> -> memref<80x128xf32, #tpu.memory_space<vmem>>
    %dma_wait3A_139 = arith.constant 0 : i32
    %dma_wait3A_140 = tpu.memref_slice %arg2[%add3A_133, %dma_wait3A_139] : memref<320000x128xf32, #tpu.memory_space<hbm>> -> memref<80x128xf32, #tpu.memory_space<hbm>>
    %dma_wait3A_141 = arith.constant 0 : i32
    %dma_wait3A_142 = arith.constant 0 : i32
    %dma_wait3A_143 = tpu.memref_slice %arg10[%dma_wait3A_134, %dma_wait3A_141, %dma_wait3A_142] : memref<3x80x128xf32, #tpu.memory_space<vmem>> -> memref<1x80x128xf32, #tpu.memory_space<vmem>>
    %dma_wait3A_144 = tpu.memref_squeeze %dma_wait3A_143 : memref<1x80x128xf32, #tpu.memory_space<vmem>> -> memref<80x128xf32, #tpu.memory_space<vmem>>
    %dma_wait3A_145 = arith.constant 0 : i32
    %dma_wait3A_146 = tpu.memref_slice %arg2[%add3A_133, %dma_wait3A_145] : memref<320000x128xf32, #tpu.memory_space<hbm>> -> memref<80x128xf32, #tpu.memory_space<hbm>>
    tpu.wait_dma2 semaphore(%arg14 : memref<!tpu.dma_semaphore, #tpu.memory_space<semaphore_mem>>) src(%dma_wait3A_146 : memref<80x128xf32, #tpu.memory_space<hbm>>) dst(%dma_wait3A_144 : memref<80x128xf32, #tpu.memory_space<vmem>>)
    %run_scoped3A_147 = arith.constant 2 : i32
    %run_scoped3A_148 = arith.constant 122 : i32
    "tpu.region"() ({
      %run_scoped3A_795 = tpu.sem_alloc : memref<!tpu.dma_semaphore, #tpu.memory_space<semaphore_mem>>
      %dma_start3A_796 = arith.constant 0 : i32
      %dma_start3A_797 = arith.constant 0 : i32
      %dma_start3A_798 = tpu.memref_slice %arg10[%run_scoped3A_147, %dma_start3A_796, %dma_start3A_797] : memref<3x80x128xf32, #tpu.memory_space<vmem>> -> memref<1x80x128xf32, #tpu.memory_space<vmem>>
      %dma_start3A_799 = tpu.memref_squeeze %dma_start3A_798 : memref<1x80x128xf32, #tpu.memory_space<vmem>> -> memref<80x128xf32, #tpu.memory_space<vmem>>
      %dma_start3A_800 = arith.constant 0 : i32
      %dma_start3A_801 = tpu.memref_slice %arg9[%run_scoped3A_148, %dma_start3A_800] : memref<125x80xi32, #tpu.memory_space<vmem>> -> memref<1x80xi32, #tpu.memory_space<vmem>>
      %dma_start3A_802 = tpu.memref_squeeze %dma_start3A_801 : memref<1x80xi32, #tpu.memory_space<vmem>> -> memref<80xi32, #tpu.memory_space<vmem>>
      %dma_start3A_803 = arith.constant 0 : i32
      %dma_start3A_804 = arith.constant 0 : i32
      %dma_start3A_805 = tpu.memref_slice %arg11[%dma_start3A_803, %dma_start3A_804] : memref<10000x128xf32, #tpu.memory_space<vmem_shared>> -> memref<10000x128xf32, #tpu.memory_space<vmem_shared>>
      tpu.enqueue_indirect_dma source(%dma_start3A_799 : memref<80x128xf32, #tpu.memory_space<vmem>>) target(%dma_start3A_805 : memref<10000x128xf32, #tpu.memory_space<vmem_shared>>) offsets(%dma_start3A_802 : memref<80xi32, #tpu.memory_space<vmem>>) semaphore(%run_scoped3A_795 : memref<!tpu.dma_semaphore, #tpu.memory_space<semaphore_mem>>) {add = true}
      %dma_wait3A_806 = arith.constant 0 : i32
      %dma_wait3A_807 = arith.constant 0 : i32
      %dma_wait3A_808 = tpu.memref_slice %arg10[%run_scoped3A_147, %dma_wait3A_806, %dma_wait3A_807] : memref<3x80x128xf32, #tpu.memory_space<vmem>> -> memref<1x80x128xf32, #tpu.memory_space<vmem>>
      %dma_wait3A_809 = tpu.memref_squeeze %dma_wait3A_808 : memref<1x80x128xf32, #tpu.memory_space<vmem>> -> memref<80x128xf32, #tpu.memory_space<vmem>>
      %dma_wait3A_810 = arith.constant 0 : i32
      %dma_wait3A_811 = tpu.memref_slice %arg9[%run_scoped3A_148, %dma_wait3A_810] : memref<125x80xi32, #tpu.memory_space<vmem>> -> memref<1x80xi32, #tpu.memory_space<vmem>>
      %dma_wait3A_812 = tpu.memref_squeeze %dma_wait3A_811 : memref<1x80xi32, #tpu.memory_space<vmem>> -> memref<80xi32, #tpu.memory_space<vmem>>
      %dma_wait3A_813 = arith.constant 0 : i32
      %dma_wait3A_814 = arith.constant 0 : i32
      %dma_wait3A_815 = tpu.memref_slice %arg11[%dma_wait3A_813, %dma_wait3A_814] : memref<10000x128xf32, #tpu.memory_space<vmem_shared>> -> memref<10000x128xf32, #tpu.memory_space<vmem_shared>>
      tpu.wait_indirect_dma semaphore(%run_scoped3A_795 : memref<!tpu.dma_semaphore, #tpu.memory_space<semaphore_mem>>) src(%dma_wait3A_809 : memref<80x128xf32, #tpu.memory_space<vmem>>) dst(%dma_wait3A_815 : memref<10000x128xf32, #tpu.memory_space<vmem_shared>>)
      tpu.yield
    }) : () -> ()
    %mul3A_149 = arith.constant 10000 : i32
    %mul3A_150 = arith.muli %add3A, %mul3A_149 : i32
    %add3A_151 = arith.constant 9840 : i32
    %add3A_152 = arith.addi %mul3A_150, %add3A_151 : i32
    %dma_wait3A_153 = arith.constant 0 : i32
    %dma_wait3A_154 = arith.constant 0 : i32
    %dma_wait3A_155 = arith.constant 0 : i32
    %dma_wait3A_156 = tpu.memref_slice %arg10[%dma_wait3A_153, %dma_wait3A_154, %dma_wait3A_155] : memref<3x80x128xf32, #tpu.memory_space<vmem>> -> memref<1x80x128xf32, #tpu.memory_space<vmem>>
    %dma_wait3A_157 = tpu.memref_squeeze %dma_wait3A_156 : memref<1x80x128xf32, #tpu.memory_space<vmem>> -> memref<80x128xf32, #tpu.memory_space<vmem>>
    %dma_wait3A_158 = arith.constant 0 : i32
    %dma_wait3A_159 = tpu.memref_slice %arg2[%add3A_152, %dma_wait3A_158] : memref<320000x128xf32, #tpu.memory_space<hbm>> -> memref<80x128xf32, #tpu.memory_space<hbm>>
    %dma_wait3A_160 = arith.constant 0 : i32
    %dma_wait3A_161 = arith.constant 0 : i32
    %dma_wait3A_162 = tpu.memref_slice %arg10[%dma_wait3A_153, %dma_wait3A_160, %dma_wait3A_161] : memref<3x80x128xf32, #tpu.memory_space<vmem>> -> memref<1x80x128xf32, #tpu.memory_space<vmem>>
    %dma_wait3A_163 = tpu.memref_squeeze %dma_wait3A_162 : memref<1x80x128xf32, #tpu.memory_space<vmem>> -> memref<80x128xf32, #tpu.memory_space<vmem>>
    %dma_wait3A_164 = arith.constant 0 : i32
    %dma_wait3A_165 = tpu.memref_slice %arg2[%add3A_152, %dma_wait3A_164] : memref<320000x128xf32, #tpu.memory_space<hbm>> -> memref<80x128xf32, #tpu.memory_space<hbm>>
    tpu.wait_dma2 semaphore(%arg12 : memref<!tpu.dma_semaphore, #tpu.memory_space<semaphore_mem>>) src(%dma_wait3A_165 : memref<80x128xf32, #tpu.memory_space<hbm>>) dst(%dma_wait3A_163 : memref<80x128xf32, #tpu.memory_space<vmem>>)
    %run_scoped3A_166 = arith.constant 0 : i32
    %run_scoped3A_167 = arith.constant 123 : i32
    "tpu.region"() ({
      %run_scoped3A_795 = tpu.sem_alloc : memref<!tpu.dma_semaphore, #tpu.memory_space<semaphore_mem>>
      %dma_start3A_796 = arith.constant 0 : i32
      %dma_start3A_797 = arith.constant 0 : i32
      %dma_start3A_798 = tpu.memref_slice %arg10[%run_scoped3A_166, %dma_start3A_796, %dma_start3A_797] : memref<3x80x128xf32, #tpu.memory_space<vmem>> -> memref<1x80x128xf32, #tpu.memory_space<vmem>>
      %dma_start3A_799 = tpu.memref_squeeze %dma_start3A_798 : memref<1x80x128xf32, #tpu.memory_space<vmem>> -> memref<80x128xf32, #tpu.memory_space<vmem>>
      %dma_start3A_800 = arith.constant 0 : i32
      %dma_start3A_801 = tpu.memref_slice %arg9[%run_scoped3A_167, %dma_start3A_800] : memref<125x80xi32, #tpu.memory_space<vmem>> -> memref<1x80xi32, #tpu.memory_space<vmem>>
      %dma_start3A_802 = tpu.memref_squeeze %dma_start3A_801 : memref<1x80xi32, #tpu.memory_space<vmem>> -> memref<80xi32, #tpu.memory_space<vmem>>
      %dma_start3A_803 = arith.constant 0 : i32
      %dma_start3A_804 = arith.constant 0 : i32
      %dma_start3A_805 = tpu.memref_slice %arg11[%dma_start3A_803, %dma_start3A_804] : memref<10000x128xf32, #tpu.memory_space<vmem_shared>> -> memref<10000x128xf32, #tpu.memory_space<vmem_shared>>
      tpu.enqueue_indirect_dma source(%dma_start3A_799 : memref<80x128xf32, #tpu.memory_space<vmem>>) target(%dma_start3A_805 : memref<10000x128xf32, #tpu.memory_space<vmem_shared>>) offsets(%dma_start3A_802 : memref<80xi32, #tpu.memory_space<vmem>>) semaphore(%run_scoped3A_795 : memref<!tpu.dma_semaphore, #tpu.memory_space<semaphore_mem>>) {add = true}
      %dma_wait3A_806 = arith.constant 0 : i32
      %dma_wait3A_807 = arith.constant 0 : i32
      %dma_wait3A_808 = tpu.memref_slice %arg10[%run_scoped3A_166, %dma_wait3A_806, %dma_wait3A_807] : memref<3x80x128xf32, #tpu.memory_space<vmem>> -> memref<1x80x128xf32, #tpu.memory_space<vmem>>
      %dma_wait3A_809 = tpu.memref_squeeze %dma_wait3A_808 : memref<1x80x128xf32, #tpu.memory_space<vmem>> -> memref<80x128xf32, #tpu.memory_space<vmem>>
      %dma_wait3A_810 = arith.constant 0 : i32
      %dma_wait3A_811 = tpu.memref_slice %arg9[%run_scoped3A_167, %dma_wait3A_810] : memref<125x80xi32, #tpu.memory_space<vmem>> -> memref<1x80xi32, #tpu.memory_space<vmem>>
      %dma_wait3A_812 = tpu.memref_squeeze %dma_wait3A_811 : memref<1x80xi32, #tpu.memory_space<vmem>> -> memref<80xi32, #tpu.memory_space<vmem>>
      %dma_wait3A_813 = arith.constant 0 : i32
      %dma_wait3A_814 = arith.constant 0 : i32
      %dma_wait3A_815 = tpu.memref_slice %arg11[%dma_wait3A_813, %dma_wait3A_814] : memref<10000x128xf32, #tpu.memory_space<vmem_shared>> -> memref<10000x128xf32, #tpu.memory_space<vmem_shared>>
      tpu.wait_indirect_dma semaphore(%run_scoped3A_795 : memref<!tpu.dma_semaphore, #tpu.memory_space<semaphore_mem>>) src(%dma_wait3A_809 : memref<80x128xf32, #tpu.memory_space<vmem>>) dst(%dma_wait3A_815 : memref<10000x128xf32, #tpu.memory_space<vmem_shared>>)
      tpu.yield
    }) : () -> ()
    %mul3A_168 = arith.constant 10000 : i32
    %mul3A_169 = arith.muli %add3A, %mul3A_168 : i32
    %add3A_170 = arith.constant 9920 : i32
    %add3A_171 = arith.addi %mul3A_169, %add3A_170 : i32
    %dma_wait3A_172 = arith.constant 1 : i32
    %dma_wait3A_173 = arith.constant 0 : i32
    %dma_wait3A_174 = arith.constant 0 : i32
    %dma_wait3A_175 = tpu.memref_slice %arg10[%dma_wait3A_172, %dma_wait3A_173, %dma_wait3A_174] : memref<3x80x128xf32, #tpu.memory_space<vmem>> -> memref<1x80x128xf32, #tpu.memory_space<vmem>>
    %dma_wait3A_176 = tpu.memref_squeeze %dma_wait3A_175 : memref<1x80x128xf32, #tpu.memory_space<vmem>> -> memref<80x128xf32, #tpu.memory_space<vmem>>
    %dma_wait3A_177 = arith.constant 0 : i32
    %dma_wait3A_178 = tpu.memref_slice %arg2[%add3A_171, %dma_wait3A_177] : memref<320000x128xf32, #tpu.memory_space<hbm>> -> memref<80x128xf32, #tpu.memory_space<hbm>>
    %dma_wait3A_179 = arith.constant 0 : i32
    %dma_wait3A_180 = arith.constant 0 : i32
    %dma_wait3A_181 = tpu.memref_slice %arg10[%dma_wait3A_172, %dma_wait3A_179, %dma_wait3A_180] : memref<3x80x128xf32, #tpu.memory_space<vmem>> -> memref<1x80x128xf32, #tpu.memory_space<vmem>>
    %dma_wait3A_182 = tpu.memref_squeeze %dma_wait3A_181 : memref<1x80x128xf32, #tpu.memory_space<vmem>> -> memref<80x128xf32, #tpu.memory_space<vmem>>
    %dma_wait3A_183 = arith.constant 0 : i32
    %dma_wait3A_184 = tpu.memref_slice %arg2[%add3A_171, %dma_wait3A_183] : memref<320000x128xf32, #tpu.memory_space<hbm>> -> memref<80x128xf32, #tpu.memory_space<hbm>>
    tpu.wait_dma2 semaphore(%arg13 : memref<!tpu.dma_semaphore, #tpu.memory_space<semaphore_mem>>) src(%dma_wait3A_184 : memref<80x128xf32, #tpu.memory_space<hbm>>) dst(%dma_wait3A_182 : memref<80x128xf32, #tpu.memory_space<vmem>>)
    %run_scoped3A_185 = arith.constant 1 : i32
    %run_scoped3A_186 = arith.constant 124 : i32
    "tpu.region"() ({
      %run_scoped3A_795 = tpu.sem_alloc : memref<!tpu.dma_semaphore, #tpu.memory_space<semaphore_mem>>
      %dma_start3A_796 = arith.constant 0 : i32
      %dma_start3A_797 = arith.constant 0 : i32
      %dma_start3A_798 = tpu.memref_slice %arg10[%run_scoped3A_185, %dma_start3A_796, %dma_start3A_797] : memref<3x80x128xf32, #tpu.memory_space<vmem>> -> memref<1x80x128xf32, #tpu.memory_space<vmem>>
      %dma_start3A_799 = tpu.memref_squeeze %dma_start3A_798 : memref<1x80x128xf32, #tpu.memory_space<vmem>> -> memref<80x128xf32, #tpu.memory_space<vmem>>
      %dma_start3A_800 = arith.constant 0 : i32
      %dma_start3A_801 = tpu.memref_slice %arg9[%run_scoped3A_186, %dma_start3A_800] : memref<125x80xi32, #tpu.memory_space<vmem>> -> memref<1x80xi32, #tpu.memory_space<vmem>>
      %dma_start3A_802 = tpu.memref_squeeze %dma_start3A_801 : memref<1x80xi32, #tpu.memory_space<vmem>> -> memref<80xi32, #tpu.memory_space<vmem>>
      %dma_start3A_803 = arith.constant 0 : i32
      %dma_start3A_804 = arith.constant 0 : i32
      %dma_start3A_805 = tpu.memref_slice %arg11[%dma_start3A_803, %dma_start3A_804] : memref<10000x128xf32, #tpu.memory_space<vmem_shared>> -> memref<10000x128xf32, #tpu.memory_space<vmem_shared>>
      tpu.enqueue_indirect_dma source(%dma_start3A_799 : memref<80x128xf32, #tpu.memory_space<vmem>>) target(%dma_start3A_805 : memref<10000x128xf32, #tpu.memory_space<vmem_shared>>) offsets(%dma_start3A_802 : memref<80xi32, #tpu.memory_space<vmem>>) semaphore(%run_scoped3A_795 : memref<!tpu.dma_semaphore, #tpu.memory_space<semaphore_mem>>) {add = true}
      %dma_wait3A_806 = arith.constant 0 : i32
      %dma_wait3A_807 = arith.constant 0 : i32
      %dma_wait3A_808 = tpu.memref_slice %arg10[%run_scoped3A_185, %dma_wait3A_806, %dma_wait3A_807] : memref<3x80x128xf32, #tpu.memory_space<vmem>> -> memref<1x80x128xf32, #tpu.memory_space<vmem>>
      %dma_wait3A_809 = tpu.memref_squeeze %dma_wait3A_808 : memref<1x80x128xf32, #tpu.memory_space<vmem>> -> memref<80x128xf32, #tpu.memory_space<vmem>>
      %dma_wait3A_810 = arith.constant 0 : i32
      %dma_wait3A_811 = tpu.memref_slice %arg9[%run_scoped3A_186, %dma_wait3A_810] : memref<125x80xi32, #tpu.memory_space<vmem>> -> memref<1x80xi32, #tpu.memory_space<vmem>>
      %dma_wait3A_812 = tpu.memref_squeeze %dma_wait3A_811 : memref<1x80xi32, #tpu.memory_space<vmem>> -> memref<80xi32, #tpu.memory_space<vmem>>
      %dma_wait3A_813 = arith.constant 0 : i32
      %dma_wait3A_814 = arith.constant 0 : i32
      %dma_wait3A_815 = tpu.memref_slice %arg11[%dma_wait3A_813, %dma_wait3A_814] : memref<10000x128xf32, #tpu.memory_space<vmem_shared>> -> memref<10000x128xf32, #tpu.memory_space<vmem_shared>>
      tpu.wait_indirect_dma semaphore(%run_scoped3A_795 : memref<!tpu.dma_semaphore, #tpu.memory_space<semaphore_mem>>) src(%dma_wait3A_809 : memref<80x128xf32, #tpu.memory_space<vmem>>) dst(%dma_wait3A_815 : memref<10000x128xf32, #tpu.memory_space<vmem_shared>>)
      tpu.yield
    }) : () -> ()
    %barrier3A_187 = arith.constant 0 : index
    tpu.barrier barrier_id(%barrier3A_187)
    %run_scoped3A_188 = arith.constant 0 : i32
    "tpu.region"() ({
      %run_scoped3A_795 = tpu.sem_alloc : memref<!tpu.dma_semaphore, #tpu.memory_space<semaphore_mem>>
      %dma_start3A_796 = arith.constant 0 : i32
      %dma_start3A_797 = arith.constant 0 : i32
      %dma_start3A_798 = tpu.memref_slice %arg8[%run_scoped3A_188, %arg0, %dma_start3A_796, %dma_start3A_797] : memref<4x2x10000x128xf32, #tpu.memory_space<hbm>> -> memref<1x1x10000x128xf32, #tpu.memory_space<hbm>>
      %dma_start3A_799 = tpu.memref_squeeze %dma_start3A_798 : memref<1x1x10000x128xf32, #tpu.memory_space<hbm>> -> memref<10000x128xf32, #tpu.memory_space<hbm>>
      %dma_start3A_800 = arith.constant 0 : i32
      %dma_start3A_801 = tpu.memref_slice %dma_start3A_799[%mul3A_2, %dma_start3A_800] : memref<10000x128xf32, #tpu.memory_space<hbm>> -> memref<624x128xf32, #tpu.memory_space<hbm>>
      %dma_start3A_802 = arith.constant 0 : i32
      %dma_start3A_803 = tpu.memref_slice %arg11[%mul3A_2, %dma_start3A_802] : memref<10000x128xf32, #tpu.memory_space<vmem_shared>> -> memref<624x128xf32, #tpu.memory_space<vmem_shared>>
      tpu.enqueue_dma source(%dma_start3A_803 : memref<624x128xf32, #tpu.memory_space<vmem_shared>>) target(%dma_start3A_801 : memref<624x128xf32, #tpu.memory_space<hbm>>) target_semaphore(%run_scoped3A_795 : memref<!tpu.dma_semaphore, #tpu.memory_space<semaphore_mem>>)
      %dma_wait3A_804 = arith.constant 0 : i32
      %dma_wait3A_805 = arith.constant 0 : i32
      %dma_wait3A_806 = tpu.memref_slice %arg8[%run_scoped3A_188, %arg0, %dma_wait3A_804, %dma_wait3A_805] : memref<4x2x10000x128xf32, #tpu.memory_space<hbm>> -> memref<1x1x10000x128xf32, #tpu.memory_space<hbm>>
      %dma_wait3A_807 = tpu.memref_squeeze %dma_wait3A_806 : memref<1x1x10000x128xf32, #tpu.memory_space<hbm>> -> memref<10000x128xf32, #tpu.memory_space<hbm>>
      %dma_wait3A_808 = arith.constant 0 : i32
      %dma_wait3A_809 = tpu.memref_slice %dma_wait3A_807[%mul3A_2, %dma_wait3A_808] : memref<10000x128xf32, #tpu.memory_space<hbm>> -> memref<624x128xf32, #tpu.memory_space<hbm>>
      %dma_wait3A_810 = arith.constant 0 : i32
      %dma_wait3A_811 = tpu.memref_slice %arg11[%mul3A_2, %dma_wait3A_810] : memref<10000x128xf32, #tpu.memory_space<vmem_shared>> -> memref<624x128xf32, #tpu.memory_space<vmem_shared>>
      tpu.wait_dma2 semaphore(%run_scoped3A_795 : memref<!tpu.dma_semaphore, #tpu.memory_space<semaphore_mem>>) src(%dma_wait3A_811 : memref<624x128xf32, #tpu.memory_space<vmem_shared>>) dst(%dma_wait3A_809 : memref<624x128xf32, #tpu.memory_space<hbm>>)
      tpu.yield
    }) : () -> ()
    %eq3A_189 = arith.constant 15 : i32
    %eq3A_190 = arith.cmpi eq, %arg1, %eq3A_189 : i32
    %convert_element_type3A_191 = arith.extui %eq3A_190 : i1 to i32
    %cond3A_192 = arith.constant 0 : i32
    %cond3A_193 = arith.cmpi ne, %convert_element_type3A_191, %cond3A_192 : i32
    scf.if %cond3A_193 {
      %run_scoped3A_795 = arith.constant 0 : i32
      "tpu.region"() ({
        %run_scoped3A_796 = tpu.sem_alloc : memref<!tpu.dma_semaphore, #tpu.memory_space<semaphore_mem>>
        %dma_start3A_797 = arith.constant 0 : i32
        %dma_start3A_798 = arith.constant 0 : i32
        %dma_start3A_799 = tpu.memref_slice %arg8[%run_scoped3A_795, %arg0, %dma_start3A_797, %dma_start3A_798] : memref<4x2x10000x128xf32, #tpu.memory_space<hbm>> -> memref<1x1x10000x128xf32, #tpu.memory_space<hbm>>
        %dma_start3A_800 = tpu.memref_squeeze %dma_start3A_799 : memref<1x1x10000x128xf32, #tpu.memory_space<hbm>> -> memref<10000x128xf32, #tpu.memory_space<hbm>>
        %dma_start3A_801 = arith.constant 9984 : i32
        %dma_start3A_802 = arith.constant 0 : i32
        %dma_start3A_803 = tpu.memref_slice %dma_start3A_800[%dma_start3A_801, %dma_start3A_802] : memref<10000x128xf32, #tpu.memory_space<hbm>> -> memref<16x128xf32, #tpu.memory_space<hbm>>
        %dma_start3A_804 = arith.constant 9984 : i32
        %dma_start3A_805 = arith.constant 0 : i32
        %dma_start3A_806 = tpu.memref_slice %arg11[%dma_start3A_804, %dma_start3A_805] : memref<10000x128xf32, #tpu.memory_space<vmem_shared>> -> memref<16x128xf32, #tpu.memory_space<vmem_shared>>
        tpu.enqueue_dma source(%dma_start3A_806 : memref<16x128xf32, #tpu.memory_space<vmem_shared>>) target(%dma_start3A_803 : memref<16x128xf32, #tpu.memory_space<hbm>>) target_semaphore(%run_scoped3A_796 : memref<!tpu.dma_semaphore, #tpu.memory_space<semaphore_mem>>)
        %dma_wait3A_807 = arith.constant 0 : i32
        %dma_wait3A_808 = arith.constant 0 : i32
        %dma_wait3A_809 = tpu.memref_slice %arg8[%run_scoped3A_795, %arg0, %dma_wait3A_807, %dma_wait3A_808] : memref<4x2x10000x128xf32, #tpu.memory_space<hbm>> -> memref<1x1x10000x128xf32, #tpu.memory_space<hbm>>
        %dma_wait3A_810 = tpu.memref_squeeze %dma_wait3A_809 : memref<1x1x10000x128xf32, #tpu.memory_space<hbm>> -> memref<10000x128xf32, #tpu.memory_space<hbm>>
        %dma_wait3A_811 = arith.constant 9984 : i32
        %dma_wait3A_812 = arith.constant 0 : i32
        %dma_wait3A_813 = tpu.memref_slice %dma_wait3A_810[%dma_wait3A_811, %dma_wait3A_812] : memref<10000x128xf32, #tpu.memory_space<hbm>> -> memref<16x128xf32, #tpu.memory_space<hbm>>
        %dma_wait3A_814 = arith.constant 9984 : i32
        %dma_wait3A_815 = arith.constant 0 : i32
        %dma_wait3A_816 = tpu.memref_slice %arg11[%dma_wait3A_814, %dma_wait3A_815] : memref<10000x128xf32, #tpu.memory_space<vmem_shared>> -> memref<16x128xf32, #tpu.memory_space<vmem_shared>>
        tpu.wait_dma2 semaphore(%run_scoped3A_796 : memref<!tpu.dma_semaphore, #tpu.memory_space<semaphore_mem>>) src(%dma_wait3A_816 : memref<16x128xf32, #tpu.memory_space<vmem_shared>>) dst(%dma_wait3A_813 : memref<16x128xf32, #tpu.memory_space<hbm>>)
        tpu.yield
      }) : () -> ()
    } else {
    }
    %barrier3A_194 = arith.constant 0 : index
    tpu.barrier barrier_id(%barrier3A_194)
    "tpu.region"() ({
      %run_scoped3A_795 = tpu.sem_alloc : memref<!tpu.dma_semaphore, #tpu.memory_space<semaphore_mem>>
      %dma_start3A_796 = arith.constant 0 : i32
      %dma_start3A_797 = tpu.memref_slice %arg11[%mul3A_2, %dma_start3A_796] : memref<10000x128xf32, #tpu.memory_space<vmem_shared>> -> memref<624x128xf32, #tpu.memory_space<vmem_shared>>
      %dma_start3A_798 = arith.constant 0 : i32
      %dma_start3A_799 = tpu.memref_slice %arg7[%mul3A_2, %dma_start3A_798] : memref<10000x128xf32, #tpu.memory_space<hbm>> -> memref<624x128xf32, #tpu.memory_space<hbm>>
      tpu.enqueue_dma source(%dma_start3A_799 : memref<624x128xf32, #tpu.memory_space<hbm>>) target(%dma_start3A_797 : memref<624x128xf32, #tpu.memory_space<vmem_shared>>) target_semaphore(%run_scoped3A_795 : memref<!tpu.dma_semaphore, #tpu.memory_space<semaphore_mem>>)
      %dma_wait3A_800 = arith.constant 0 : i32
      %dma_wait3A_801 = tpu.memref_slice %arg11[%mul3A_2, %dma_wait3A_800] : memref<10000x128xf32, #tpu.memory_space<vmem_shared>> -> memref<624x128xf32, #tpu.memory_space<vmem_shared>>
      %dma_wait3A_802 = arith.constant 0 : i32
      %dma_wait3A_803 = tpu.memref_slice %arg7[%mul3A_2, %dma_wait3A_802] : memref<10000x128xf32, #tpu.memory_space<hbm>> -> memref<624x128xf32, #tpu.memory_space<hbm>>
      tpu.wait_dma2 semaphore(%run_scoped3A_795 : memref<!tpu.dma_semaphore, #tpu.memory_space<semaphore_mem>>) src(%dma_wait3A_803 : memref<624x128xf32, #tpu.memory_space<hbm>>) dst(%dma_wait3A_801 : memref<624x128xf32, #tpu.memory_space<vmem_shared>>)
      tpu.yield
    }) : () -> ()
    %eq3A_195 = arith.constant 15 : i32
    %eq3A_196 = arith.cmpi eq, %arg1, %eq3A_195 : i32
    %convert_element_type3A_197 = arith.extui %eq3A_196 : i1 to i32
    %cond3A_198 = arith.constant 0 : i32
    %cond3A_199 = arith.cmpi ne, %convert_element_type3A_197, %cond3A_198 : i32
    scf.if %cond3A_199 {
      "tpu.region"() ({
        %run_scoped3A_795 = tpu.sem_alloc : memref<!tpu.dma_semaphore, #tpu.memory_space<semaphore_mem>>
        %dma_start3A_796 = arith.constant 9984 : i32
        %dma_start3A_797 = arith.constant 0 : i32
        %dma_start3A_798 = tpu.memref_slice %arg11[%dma_start3A_796, %dma_start3A_797] : memref<10000x128xf32, #tpu.memory_space<vmem_shared>> -> memref<16x128xf32, #tpu.memory_space<vmem_shared>>
        %dma_start3A_799 = arith.constant 9984 : i32
        %dma_start3A_800 = arith.constant 0 : i32
        %dma_start3A_801 = tpu.memref_slice %arg7[%dma_start3A_799, %dma_start3A_800] : memref<10000x128xf32, #tpu.memory_space<hbm>> -> memref<16x128xf32, #tpu.memory_space<hbm>>
        tpu.enqueue_dma source(%dma_start3A_801 : memref<16x128xf32, #tpu.memory_space<hbm>>) target(%dma_start3A_798 : memref<16x128xf32, #tpu.memory_space<vmem_shared>>) target_semaphore(%run_scoped3A_795 : memref<!tpu.dma_semaphore, #tpu.memory_space<semaphore_mem>>)
        %dma_wait3A_802 = arith.constant 9984 : i32
        %dma_wait3A_803 = arith.constant 0 : i32
        %dma_wait3A_804 = tpu.memref_slice %arg11[%dma_wait3A_802, %dma_wait3A_803] : memref<10000x128xf32, #tpu.memory_space<vmem_shared>> -> memref<16x128xf32, #tpu.memory_space<vmem_shared>>
        %dma_wait3A_805 = arith.constant 9984 : i32
        %dma_wait3A_806 = arith.constant 0 : i32
        %dma_wait3A_807 = tpu.memref_slice %arg7[%dma_wait3A_805, %dma_wait3A_806] : memref<10000x128xf32, #tpu.memory_space<hbm>> -> memref<16x128xf32, #tpu.memory_space<hbm>>
        tpu.wait_dma2 semaphore(%run_scoped3A_795 : memref<!tpu.dma_semaphore, #tpu.memory_space<semaphore_mem>>) src(%dma_wait3A_807 : memref<16x128xf32, #tpu.memory_space<hbm>>) dst(%dma_wait3A_804 : memref<16x128xf32, #tpu.memory_space<vmem_shared>>)
        tpu.yield
      }) : () -> ()
    } else {
    }
    %barrier3A_200 = arith.constant 0 : index
    tpu.barrier barrier_id(%barrier3A_200)
    %mul3A_201 = arith.constant 10000 : i32
    %mul3A_202 = arith.muli %add3A, %mul3A_201 : i32
    %add3A_203 = arith.constant 0 : i32
    %add3A_204 = arith.addi %mul3A_202, %add3A_203 : i32
    %dma_start3A_205 = arith.constant 0 : i32
    %dma_start3A_206 = arith.constant 0 : i32
    %dma_start3A_207 = arith.constant 0 : i32
    %dma_start3A_208 = tpu.memref_slice %arg10[%dma_start3A_205, %dma_start3A_206, %dma_start3A_207] : memref<3x80x128xf32, #tpu.memory_space<vmem>> -> memref<1x80x128xf32, #tpu.memory_space<vmem>>
    %dma_start3A_209 = tpu.memref_squeeze %dma_start3A_208 : memref<1x80x128xf32, #tpu.memory_space<vmem>> -> memref<80x128xf32, #tpu.memory_space<vmem>>
    %dma_start3A_210 = arith.constant 0 : i32
    %dma_start3A_211 = tpu.memref_slice %arg3[%add3A_204, %dma_start3A_210] : memref<320000x128xf32, #tpu.memory_space<hbm>> -> memref<80x128xf32, #tpu.memory_space<hbm>>
    %dma_start3A_212 = arith.constant 0 : i32
    %dma_start3A_213 = arith.constant 0 : i32
    %dma_start3A_214 = tpu.memref_slice %arg10[%dma_start3A_205, %dma_start3A_212, %dma_start3A_213] : memref<3x80x128xf32, #tpu.memory_space<vmem>> -> memref<1x80x128xf32, #tpu.memory_space<vmem>>
    %dma_start3A_215 = tpu.memref_squeeze %dma_start3A_214 : memref<1x80x128xf32, #tpu.memory_space<vmem>> -> memref<80x128xf32, #tpu.memory_space<vmem>>
    %dma_start3A_216 = arith.constant 0 : i32
    %dma_start3A_217 = tpu.memref_slice %arg3[%add3A_204, %dma_start3A_216] : memref<320000x128xf32, #tpu.memory_space<hbm>> -> memref<80x128xf32, #tpu.memory_space<hbm>>
    tpu.enqueue_dma source(%dma_start3A_217 : memref<80x128xf32, #tpu.memory_space<hbm>>) target(%dma_start3A_215 : memref<80x128xf32, #tpu.memory_space<vmem>>) target_semaphore(%arg12 : memref<!tpu.dma_semaphore, #tpu.memory_space<semaphore_mem>>)
    %mul3A_218 = arith.constant 10000 : i32
    %mul3A_219 = arith.muli %add3A, %mul3A_218 : i32
    %add3A_220 = arith.constant 80 : i32
    %add3A_221 = arith.addi %mul3A_219, %add3A_220 : i32
    %dma_start3A_222 = arith.constant 1 : i32
    %dma_start3A_223 = arith.constant 0 : i32
    %dma_start3A_224 = arith.constant 0 : i32
    %dma_start3A_225 = tpu.memref_slice %arg10[%dma_start3A_222, %dma_start3A_223, %dma_start3A_224] : memref<3x80x128xf32, #tpu.memory_space<vmem>> -> memref<1x80x128xf32, #tpu.memory_space<vmem>>
    %dma_start3A_226 = tpu.memref_squeeze %dma_start3A_225 : memref<1x80x128xf32, #tpu.memory_space<vmem>> -> memref<80x128xf32, #tpu.memory_space<vmem>>
    %dma_start3A_227 = arith.constant 0 : i32
    %dma_start3A_228 = tpu.memref_slice %arg3[%add3A_221, %dma_start3A_227] : memref<320000x128xf32, #tpu.memory_space<hbm>> -> memref<80x128xf32, #tpu.memory_space<hbm>>
    %dma_start3A_229 = arith.constant 0 : i32
    %dma_start3A_230 = arith.constant 0 : i32
    %dma_start3A_231 = tpu.memref_slice %arg10[%dma_start3A_222, %dma_start3A_229, %dma_start3A_230] : memref<3x80x128xf32, #tpu.memory_space<vmem>> -> memref<1x80x128xf32, #tpu.memory_space<vmem>>
    %dma_start3A_232 = tpu.memref_squeeze %dma_start3A_231 : memref<1x80x128xf32, #tpu.memory_space<vmem>> -> memref<80x128xf32, #tpu.memory_space<vmem>>
    %dma_start3A_233 = arith.constant 0 : i32
    %dma_start3A_234 = tpu.memref_slice %arg3[%add3A_221, %dma_start3A_233] : memref<320000x128xf32, #tpu.memory_space<hbm>> -> memref<80x128xf32, #tpu.memory_space<hbm>>
    tpu.enqueue_dma source(%dma_start3A_234 : memref<80x128xf32, #tpu.memory_space<hbm>>) target(%dma_start3A_232 : memref<80x128xf32, #tpu.memory_space<vmem>>) target_semaphore(%arg13 : memref<!tpu.dma_semaphore, #tpu.memory_space<semaphore_mem>>)
    %mul3A_235 = arith.constant 10000 : i32
    %mul3A_236 = arith.muli %add3A, %mul3A_235 : i32
    %add3A_237 = arith.constant 160 : i32
    %add3A_238 = arith.addi %mul3A_236, %add3A_237 : i32
    %dma_start3A_239 = arith.constant 2 : i32
    %dma_start3A_240 = arith.constant 0 : i32
    %dma_start3A_241 = arith.constant 0 : i32
    %dma_start3A_242 = tpu.memref_slice %arg10[%dma_start3A_239, %dma_start3A_240, %dma_start3A_241] : memref<3x80x128xf32, #tpu.memory_space<vmem>> -> memref<1x80x128xf32, #tpu.memory_space<vmem>>
    %dma_start3A_243 = tpu.memref_squeeze %dma_start3A_242 : memref<1x80x128xf32, #tpu.memory_space<vmem>> -> memref<80x128xf32, #tpu.memory_space<vmem>>
    %dma_start3A_244 = arith.constant 0 : i32
    %dma_start3A_245 = tpu.memref_slice %arg3[%add3A_238, %dma_start3A_244] : memref<320000x128xf32, #tpu.memory_space<hbm>> -> memref<80x128xf32, #tpu.memory_space<hbm>>
    %dma_start3A_246 = arith.constant 0 : i32
    %dma_start3A_247 = arith.constant 0 : i32
    %dma_start3A_248 = tpu.memref_slice %arg10[%dma_start3A_239, %dma_start3A_246, %dma_start3A_247] : memref<3x80x128xf32, #tpu.memory_space<vmem>> -> memref<1x80x128xf32, #tpu.memory_space<vmem>>
    %dma_start3A_249 = tpu.memref_squeeze %dma_start3A_248 : memref<1x80x128xf32, #tpu.memory_space<vmem>> -> memref<80x128xf32, #tpu.memory_space<vmem>>
    %dma_start3A_250 = arith.constant 0 : i32
    %dma_start3A_251 = tpu.memref_slice %arg3[%add3A_238, %dma_start3A_250] : memref<320000x128xf32, #tpu.memory_space<hbm>> -> memref<80x128xf32, #tpu.memory_space<hbm>>
    tpu.enqueue_dma source(%dma_start3A_251 : memref<80x128xf32, #tpu.memory_space<hbm>>) target(%dma_start3A_249 : memref<80x128xf32, #tpu.memory_space<vmem>>) target_semaphore(%arg14 : memref<!tpu.dma_semaphore, #tpu.memory_space<semaphore_mem>>)
    %scan3A_252 = arith.constant 0 : i32
    %scan3A_253 = arith.constant 0 : i32
    %scan3A_254 = arith.constant 40 : i32
    %scan3A_255 = arith.addi %scan3A_253, %scan3A_254 : i32
    %scan3A_256 = arith.constant 1 : i32
    scf.for %scan3A_795 = %scan3A_253 to %scan3A_255 step %scan3A_256  : i32 {
      %mul3A_796 = arith.constant 3 : i32
      %mul3A_797 = arith.muli %mul3A_796, %scan3A_795 : i32
      %add3A_798 = arith.constant 0 : i32
      %add3A_799 = arith.addi %mul3A_797, %add3A_798 : i32
      %mul3A_800 = arith.constant 10000 : i32
      %mul3A_801 = arith.muli %add3A, %mul3A_800 : i32
      %mul3A_802 = arith.constant 80 : i32
      %mul3A_803 = arith.muli %add3A_799, %mul3A_802 : i32
      %add3A_804 = arith.addi %mul3A_801, %mul3A_803 : i32
      %dma_wait3A_805 = arith.constant 0 : i32
      %dma_wait3A_806 = arith.constant 0 : i32
      %dma_wait3A_807 = arith.constant 0 : i32
      %dma_wait3A_808 = tpu.memref_slice %arg10[%dma_wait3A_805, %dma_wait3A_806, %dma_wait3A_807] : memref<3x80x128xf32, #tpu.memory_space<vmem>> -> memref<1x80x128xf32, #tpu.memory_space<vmem>>
      %dma_wait3A_809 = tpu.memref_squeeze %dma_wait3A_808 : memref<1x80x128xf32, #tpu.memory_space<vmem>> -> memref<80x128xf32, #tpu.memory_space<vmem>>
      %dma_wait3A_810 = arith.constant 0 : i32
      %dma_wait3A_811 = tpu.memref_slice %arg3[%add3A_804, %dma_wait3A_810] : memref<320000x128xf32, #tpu.memory_space<hbm>> -> memref<80x128xf32, #tpu.memory_space<hbm>>
      %dma_wait3A_812 = arith.constant 0 : i32
      %dma_wait3A_813 = arith.constant 0 : i32
      %dma_wait3A_814 = tpu.memref_slice %arg10[%dma_wait3A_805, %dma_wait3A_812, %dma_wait3A_813] : memref<3x80x128xf32, #tpu.memory_space<vmem>> -> memref<1x80x128xf32, #tpu.memory_space<vmem>>
      %dma_wait3A_815 = tpu.memref_squeeze %dma_wait3A_814 : memref<1x80x128xf32, #tpu.memory_space<vmem>> -> memref<80x128xf32, #tpu.memory_space<vmem>>
      %dma_wait3A_816 = arith.constant 0 : i32
      %dma_wait3A_817 = tpu.memref_slice %arg3[%add3A_804, %dma_wait3A_816] : memref<320000x128xf32, #tpu.memory_space<hbm>> -> memref<80x128xf32, #tpu.memory_space<hbm>>
      tpu.wait_dma2 semaphore(%arg12 : memref<!tpu.dma_semaphore, #tpu.memory_space<semaphore_mem>>) src(%dma_wait3A_817 : memref<80x128xf32, #tpu.memory_space<hbm>>) dst(%dma_wait3A_815 : memref<80x128xf32, #tpu.memory_space<vmem>>)
      %run_scoped3A_818 = arith.constant 0 : i32
      "tpu.region"() ({
        %run_scoped3A_925 = tpu.sem_alloc : memref<!tpu.dma_semaphore, #tpu.memory_space<semaphore_mem>>
        %dma_start3A_926 = arith.constant 0 : i32
        %dma_start3A_927 = arith.constant 0 : i32
        %dma_start3A_928 = tpu.memref_slice %arg10[%run_scoped3A_818, %dma_start3A_926, %dma_start3A_927] : memref<3x80x128xf32, #tpu.memory_space<vmem>> -> memref<1x80x128xf32, #tpu.memory_space<vmem>>
        %dma_start3A_929 = tpu.memref_squeeze %dma_start3A_928 : memref<1x80x128xf32, #tpu.memory_space<vmem>> -> memref<80x128xf32, #tpu.memory_space<vmem>>
        %dma_start3A_930 = arith.constant 0 : i32
        %dma_start3A_931 = tpu.memref_slice %arg9[%add3A_799, %dma_start3A_930] : memref<125x80xi32, #tpu.memory_space<vmem>> -> memref<1x80xi32, #tpu.memory_space<vmem>>
        %dma_start3A_932 = tpu.memref_squeeze %dma_start3A_931 : memref<1x80xi32, #tpu.memory_space<vmem>> -> memref<80xi32, #tpu.memory_space<vmem>>
        %dma_start3A_933 = arith.constant 0 : i32
        %dma_start3A_934 = arith.constant 0 : i32
        %dma_start3A_935 = tpu.memref_slice %arg11[%dma_start3A_933, %dma_start3A_934] : memref<10000x128xf32, #tpu.memory_space<vmem_shared>> -> memref<10000x128xf32, #tpu.memory_space<vmem_shared>>
        tpu.enqueue_indirect_dma source(%dma_start3A_929 : memref<80x128xf32, #tpu.memory_space<vmem>>) target(%dma_start3A_935 : memref<10000x128xf32, #tpu.memory_space<vmem_shared>>) offsets(%dma_start3A_932 : memref<80xi32, #tpu.memory_space<vmem>>) semaphore(%run_scoped3A_925 : memref<!tpu.dma_semaphore, #tpu.memory_space<semaphore_mem>>) {add = true}
        %dma_wait3A_936 = arith.constant 0 : i32
        %dma_wait3A_937 = arith.constant 0 : i32
        %dma_wait3A_938 = tpu.memref_slice %arg10[%run_scoped3A_818, %dma_wait3A_936, %dma_wait3A_937] : memref<3x80x128xf32, #tpu.memory_space<vmem>> -> memref<1x80x128xf32, #tpu.memory_space<vmem>>
        %dma_wait3A_939 = tpu.memref_squeeze %dma_wait3A_938 : memref<1x80x128xf32, #tpu.memory_space<vmem>> -> memref<80x128xf32, #tpu.memory_space<vmem>>
        %dma_wait3A_940 = arith.constant 0 : i32
        %dma_wait3A_941 = tpu.memref_slice %arg9[%add3A_799, %dma_wait3A_940] : memref<125x80xi32, #tpu.memory_space<vmem>> -> memref<1x80xi32, #tpu.memory_space<vmem>>
        %dma_wait3A_942 = tpu.memref_squeeze %dma_wait3A_941 : memref<1x80xi32, #tpu.memory_space<vmem>> -> memref<80xi32, #tpu.memory_space<vmem>>
        %dma_wait3A_943 = arith.constant 0 : i32
        %dma_wait3A_944 = arith.constant 0 : i32
        %dma_wait3A_945 = tpu.memref_slice %arg11[%dma_wait3A_943, %dma_wait3A_944] : memref<10000x128xf32, #tpu.memory_space<vmem_shared>> -> memref<10000x128xf32, #tpu.memory_space<vmem_shared>>
        tpu.wait_indirect_dma semaphore(%run_scoped3A_925 : memref<!tpu.dma_semaphore, #tpu.memory_space<semaphore_mem>>) src(%dma_wait3A_939 : memref<80x128xf32, #tpu.memory_space<vmem>>) dst(%dma_wait3A_945 : memref<10000x128xf32, #tpu.memory_space<vmem_shared>>)
        tpu.yield
      }) : () -> ()
      %add3A_819 = arith.constant 3 : i32
      %add3A_820 = arith.addi %add3A_799, %add3A_819 : i32
      %mul3A_821 = arith.constant 10000 : i32
      %mul3A_822 = arith.muli %add3A, %mul3A_821 : i32
      %mul3A_823 = arith.constant 80 : i32
      %mul3A_824 = arith.muli %add3A_820, %mul3A_823 : i32
      %add3A_825 = arith.addi %mul3A_822, %mul3A_824 : i32
      %dma_start3A_826 = arith.constant 0 : i32
      %dma_start3A_827 = arith.constant 0 : i32
      %dma_start3A_828 = arith.constant 0 : i32
      %dma_start3A_829 = tpu.memref_slice %arg10[%dma_start3A_826, %dma_start3A_827, %dma_start3A_828] : memref<3x80x128xf32, #tpu.memory_space<vmem>> -> memref<1x80x128xf32, #tpu.memory_space<vmem>>
      %dma_start3A_830 = tpu.memref_squeeze %dma_start3A_829 : memref<1x80x128xf32, #tpu.memory_space<vmem>> -> memref<80x128xf32, #tpu.memory_space<vmem>>
      %dma_start3A_831 = arith.constant 0 : i32
      %dma_start3A_832 = tpu.memref_slice %arg3[%add3A_825, %dma_start3A_831] : memref<320000x128xf32, #tpu.memory_space<hbm>> -> memref<80x128xf32, #tpu.memory_space<hbm>>
      %dma_start3A_833 = arith.constant 0 : i32
      %dma_start3A_834 = arith.constant 0 : i32
      %dma_start3A_835 = tpu.memref_slice %arg10[%dma_start3A_826, %dma_start3A_833, %dma_start3A_834] : memref<3x80x128xf32, #tpu.memory_space<vmem>> -> memref<1x80x128xf32, #tpu.memory_space<vmem>>
      %dma_start3A_836 = tpu.memref_squeeze %dma_start3A_835 : memref<1x80x128xf32, #tpu.memory_space<vmem>> -> memref<80x128xf32, #tpu.memory_space<vmem>>
      %dma_start3A_837 = arith.constant 0 : i32
      %dma_start3A_838 = tpu.memref_slice %arg3[%add3A_825, %dma_start3A_837] : memref<320000x128xf32, #tpu.memory_space<hbm>> -> memref<80x128xf32, #tpu.memory_space<hbm>>
      tpu.enqueue_dma source(%dma_start3A_838 : memref<80x128xf32, #tpu.memory_space<hbm>>) target(%dma_start3A_836 : memref<80x128xf32, #tpu.memory_space<vmem>>) target_semaphore(%arg12 : memref<!tpu.dma_semaphore, #tpu.memory_space<semaphore_mem>>)
      %mul3A_839 = arith.constant 3 : i32
      %mul3A_840 = arith.muli %mul3A_839, %scan3A_795 : i32
      %add3A_841 = arith.constant 1 : i32
      %add3A_842 = arith.addi %mul3A_840, %add3A_841 : i32
      %mul3A_843 = arith.constant 10000 : i32
      %mul3A_844 = arith.muli %add3A, %mul3A_843 : i32
      %mul3A_845 = arith.constant 80 : i32
      %mul3A_846 = arith.muli %add3A_842, %mul3A_845 : i32
      %add3A_847 = arith.addi %mul3A_844, %mul3A_846 : i32
      %dma_wait3A_848 = arith.constant 1 : i32
      %dma_wait3A_849 = arith.constant 0 : i32
      %dma_wait3A_850 = arith.constant 0 : i32
      %dma_wait3A_851 = tpu.memref_slice %arg10[%dma_wait3A_848, %dma_wait3A_849, %dma_wait3A_850] : memref<3x80x128xf32, #tpu.memory_space<vmem>> -> memref<1x80x128xf32, #tpu.memory_space<vmem>>
      %dma_wait3A_852 = tpu.memref_squeeze %dma_wait3A_851 : memref<1x80x128xf32, #tpu.memory_space<vmem>> -> memref<80x128xf32, #tpu.memory_space<vmem>>
      %dma_wait3A_853 = arith.constant 0 : i32
      %dma_wait3A_854 = tpu.memref_slice %arg3[%add3A_847, %dma_wait3A_853] : memref<320000x128xf32, #tpu.memory_space<hbm>> -> memref<80x128xf32, #tpu.memory_space<hbm>>
      %dma_wait3A_855 = arith.constant 0 : i32
      %dma_wait3A_856 = arith.constant 0 : i32
      %dma_wait3A_857 = tpu.memref_slice %arg10[%dma_wait3A_848, %dma_wait3A_855, %dma_wait3A_856] : memref<3x80x128xf32, #tpu.memory_space<vmem>> -> memref<1x80x128xf32, #tpu.memory_space<vmem>>
      %dma_wait3A_858 = tpu.memref_squeeze %dma_wait3A_857 : memref<1x80x128xf32, #tpu.memory_space<vmem>> -> memref<80x128xf32, #tpu.memory_space<vmem>>
      %dma_wait3A_859 = arith.constant 0 : i32
      %dma_wait3A_860 = tpu.memref_slice %arg3[%add3A_847, %dma_wait3A_859] : memref<320000x128xf32, #tpu.memory_space<hbm>> -> memref<80x128xf32, #tpu.memory_space<hbm>>
      tpu.wait_dma2 semaphore(%arg13 : memref<!tpu.dma_semaphore, #tpu.memory_space<semaphore_mem>>) src(%dma_wait3A_860 : memref<80x128xf32, #tpu.memory_space<hbm>>) dst(%dma_wait3A_858 : memref<80x128xf32, #tpu.memory_space<vmem>>)
      %run_scoped3A_861 = arith.constant 1 : i32
      "tpu.region"() ({
        %run_scoped3A_925 = tpu.sem_alloc : memref<!tpu.dma_semaphore, #tpu.memory_space<semaphore_mem>>
        %dma_start3A_926 = arith.constant 0 : i32
        %dma_start3A_927 = arith.constant 0 : i32
        %dma_start3A_928 = tpu.memref_slice %arg10[%run_scoped3A_861, %dma_start3A_926, %dma_start3A_927] : memref<3x80x128xf32, #tpu.memory_space<vmem>> -> memref<1x80x128xf32, #tpu.memory_space<vmem>>
        %dma_start3A_929 = tpu.memref_squeeze %dma_start3A_928 : memref<1x80x128xf32, #tpu.memory_space<vmem>> -> memref<80x128xf32, #tpu.memory_space<vmem>>
        %dma_start3A_930 = arith.constant 0 : i32
        %dma_start3A_931 = tpu.memref_slice %arg9[%add3A_842, %dma_start3A_930] : memref<125x80xi32, #tpu.memory_space<vmem>> -> memref<1x80xi32, #tpu.memory_space<vmem>>
        %dma_start3A_932 = tpu.memref_squeeze %dma_start3A_931 : memref<1x80xi32, #tpu.memory_space<vmem>> -> memref<80xi32, #tpu.memory_space<vmem>>
        %dma_start3A_933 = arith.constant 0 : i32
        %dma_start3A_934 = arith.constant 0 : i32
        %dma_start3A_935 = tpu.memref_slice %arg11[%dma_start3A_933, %dma_start3A_934] : memref<10000x128xf32, #tpu.memory_space<vmem_shared>> -> memref<10000x128xf32, #tpu.memory_space<vmem_shared>>
        tpu.enqueue_indirect_dma source(%dma_start3A_929 : memref<80x128xf32, #tpu.memory_space<vmem>>) target(%dma_start3A_935 : memref<10000x128xf32, #tpu.memory_space<vmem_shared>>) offsets(%dma_start3A_932 : memref<80xi32, #tpu.memory_space<vmem>>) semaphore(%run_scoped3A_925 : memref<!tpu.dma_semaphore, #tpu.memory_space<semaphore_mem>>) {add = true}
        %dma_wait3A_936 = arith.constant 0 : i32
        %dma_wait3A_937 = arith.constant 0 : i32
        %dma_wait3A_938 = tpu.memref_slice %arg10[%run_scoped3A_861, %dma_wait3A_936, %dma_wait3A_937] : memref<3x80x128xf32, #tpu.memory_space<vmem>> -> memref<1x80x128xf32, #tpu.memory_space<vmem>>
        %dma_wait3A_939 = tpu.memref_squeeze %dma_wait3A_938 : memref<1x80x128xf32, #tpu.memory_space<vmem>> -> memref<80x128xf32, #tpu.memory_space<vmem>>
        %dma_wait3A_940 = arith.constant 0 : i32
        %dma_wait3A_941 = tpu.memref_slice %arg9[%add3A_842, %dma_wait3A_940] : memref<125x80xi32, #tpu.memory_space<vmem>> -> memref<1x80xi32, #tpu.memory_space<vmem>>
        %dma_wait3A_942 = tpu.memref_squeeze %dma_wait3A_941 : memref<1x80xi32, #tpu.memory_space<vmem>> -> memref<80xi32, #tpu.memory_space<vmem>>
        %dma_wait3A_943 = arith.constant 0 : i32
        %dma_wait3A_944 = arith.constant 0 : i32
        %dma_wait3A_945 = tpu.memref_slice %arg11[%dma_wait3A_943, %dma_wait3A_944] : memref<10000x128xf32, #tpu.memory_space<vmem_shared>> -> memref<10000x128xf32, #tpu.memory_space<vmem_shared>>
        tpu.wait_indirect_dma semaphore(%run_scoped3A_925 : memref<!tpu.dma_semaphore, #tpu.memory_space<semaphore_mem>>) src(%dma_wait3A_939 : memref<80x128xf32, #tpu.memory_space<vmem>>) dst(%dma_wait3A_945 : memref<10000x128xf32, #tpu.memory_space<vmem_shared>>)
        tpu.yield
      }) : () -> ()
      %add3A_862 = arith.constant 3 : i32
      %add3A_863 = arith.addi %add3A_842, %add3A_862 : i32
      %mul3A_864 = arith.constant 10000 : i32
      %mul3A_865 = arith.muli %add3A, %mul3A_864 : i32
      %mul3A_866 = arith.constant 80 : i32
      %mul3A_867 = arith.muli %add3A_863, %mul3A_866 : i32
      %add3A_868 = arith.addi %mul3A_865, %mul3A_867 : i32
      %dma_start3A_869 = arith.constant 1 : i32
      %dma_start3A_870 = arith.constant 0 : i32
      %dma_start3A_871 = arith.constant 0 : i32
      %dma_start3A_872 = tpu.memref_slice %arg10[%dma_start3A_869, %dma_start3A_870, %dma_start3A_871] : memref<3x80x128xf32, #tpu.memory_space<vmem>> -> memref<1x80x128xf32, #tpu.memory_space<vmem>>
      %dma_start3A_873 = tpu.memref_squeeze %dma_start3A_872 : memref<1x80x128xf32, #tpu.memory_space<vmem>> -> memref<80x128xf32, #tpu.memory_space<vmem>>
      %dma_start3A_874 = arith.constant 0 : i32
      %dma_start3A_875 = tpu.memref_slice %arg3[%add3A_868, %dma_start3A_874] : memref<320000x128xf32, #tpu.memory_space<hbm>> -> memref<80x128xf32, #tpu.memory_space<hbm>>
      %dma_start3A_876 = arith.constant 0 : i32
      %dma_start3A_877 = arith.constant 0 : i32
      %dma_start3A_878 = tpu.memref_slice %arg10[%dma_start3A_869, %dma_start3A_876, %dma_start3A_877] : memref<3x80x128xf32, #tpu.memory_space<vmem>> -> memref<1x80x128xf32, #tpu.memory_space<vmem>>
      %dma_start3A_879 = tpu.memref_squeeze %dma_start3A_878 : memref<1x80x128xf32, #tpu.memory_space<vmem>> -> memref<80x128xf32, #tpu.memory_space<vmem>>
      %dma_start3A_880 = arith.constant 0 : i32
      %dma_start3A_881 = tpu.memref_slice %arg3[%add3A_868, %dma_start3A_880] : memref<320000x128xf32, #tpu.memory_space<hbm>> -> memref<80x128xf32, #tpu.memory_space<hbm>>
      tpu.enqueue_dma source(%dma_start3A_881 : memref<80x128xf32, #tpu.memory_space<hbm>>) target(%dma_start3A_879 : memref<80x128xf32, #tpu.memory_space<vmem>>) target_semaphore(%arg13 : memref<!tpu.dma_semaphore, #tpu.memory_space<semaphore_mem>>)
      %mul3A_882 = arith.constant 3 : i32
      %mul3A_883 = arith.muli %mul3A_882, %scan3A_795 : i32
      %add3A_884 = arith.constant 2 : i32
      %add3A_885 = arith.addi %mul3A_883, %add3A_884 : i32
      %mul3A_886 = arith.constant 10000 : i32
      %mul3A_887 = arith.muli %add3A, %mul3A_886 : i32
      %mul3A_888 = arith.constant 80 : i32
      %mul3A_889 = arith.muli %add3A_885, %mul3A_888 : i32
      %add3A_890 = arith.addi %mul3A_887, %mul3A_889 : i32
      %dma_wait3A_891 = arith.constant 2 : i32
      %dma_wait3A_892 = arith.constant 0 : i32
      %dma_wait3A_893 = arith.constant 0 : i32
      %dma_wait3A_894 = tpu.memref_slice %arg10[%dma_wait3A_891, %dma_wait3A_892, %dma_wait3A_893] : memref<3x80x128xf32, #tpu.memory_space<vmem>> -> memref<1x80x128xf32, #tpu.memory_space<vmem>>
      %dma_wait3A_895 = tpu.memref_squeeze %dma_wait3A_894 : memref<1x80x128xf32, #tpu.memory_space<vmem>> -> memref<80x128xf32, #tpu.memory_space<vmem>>
      %dma_wait3A_896 = arith.constant 0 : i32
      %dma_wait3A_897 = tpu.memref_slice %arg3[%add3A_890, %dma_wait3A_896] : memref<320000x128xf32, #tpu.memory_space<hbm>> -> memref<80x128xf32, #tpu.memory_space<hbm>>
      %dma_wait3A_898 = arith.constant 0 : i32
      %dma_wait3A_899 = arith.constant 0 : i32
      %dma_wait3A_900 = tpu.memref_slice %arg10[%dma_wait3A_891, %dma_wait3A_898, %dma_wait3A_899] : memref<3x80x128xf32, #tpu.memory_space<vmem>> -> memref<1x80x128xf32, #tpu.memory_space<vmem>>
      %dma_wait3A_901 = tpu.memref_squeeze %dma_wait3A_900 : memref<1x80x128xf32, #tpu.memory_space<vmem>> -> memref<80x128xf32, #tpu.memory_space<vmem>>
      %dma_wait3A_902 = arith.constant 0 : i32
      %dma_wait3A_903 = tpu.memref_slice %arg3[%add3A_890, %dma_wait3A_902] : memref<320000x128xf32, #tpu.memory_space<hbm>> -> memref<80x128xf32, #tpu.memory_space<hbm>>
      tpu.wait_dma2 semaphore(%arg14 : memref<!tpu.dma_semaphore, #tpu.memory_space<semaphore_mem>>) src(%dma_wait3A_903 : memref<80x128xf32, #tpu.memory_space<hbm>>) dst(%dma_wait3A_901 : memref<80x128xf32, #tpu.memory_space<vmem>>)
      %run_scoped3A_904 = arith.constant 2 : i32
      "tpu.region"() ({
        %run_scoped3A_925 = tpu.sem_alloc : memref<!tpu.dma_semaphore, #tpu.memory_space<semaphore_mem>>
        %dma_start3A_926 = arith.constant 0 : i32
        %dma_start3A_927 = arith.constant 0 : i32
        %dma_start3A_928 = tpu.memref_slice %arg10[%run_scoped3A_904, %dma_start3A_926, %dma_start3A_927] : memref<3x80x128xf32, #tpu.memory_space<vmem>> -> memref<1x80x128xf32, #tpu.memory_space<vmem>>
        %dma_start3A_929 = tpu.memref_squeeze %dma_start3A_928 : memref<1x80x128xf32, #tpu.memory_space<vmem>> -> memref<80x128xf32, #tpu.memory_space<vmem>>
        %dma_start3A_930 = arith.constant 0 : i32
        %dma_start3A_931 = tpu.memref_slice %arg9[%add3A_885, %dma_start3A_930] : memref<125x80xi32, #tpu.memory_space<vmem>> -> memref<1x80xi32, #tpu.memory_space<vmem>>
        %dma_start3A_932 = tpu.memref_squeeze %dma_start3A_931 : memref<1x80xi32, #tpu.memory_space<vmem>> -> memref<80xi32, #tpu.memory_space<vmem>>
        %dma_start3A_933 = arith.constant 0 : i32
        %dma_start3A_934 = arith.constant 0 : i32
        %dma_start3A_935 = tpu.memref_slice %arg11[%dma_start3A_933, %dma_start3A_934] : memref<10000x128xf32, #tpu.memory_space<vmem_shared>> -> memref<10000x128xf32, #tpu.memory_space<vmem_shared>>
        tpu.enqueue_indirect_dma source(%dma_start3A_929 : memref<80x128xf32, #tpu.memory_space<vmem>>) target(%dma_start3A_935 : memref<10000x128xf32, #tpu.memory_space<vmem_shared>>) offsets(%dma_start3A_932 : memref<80xi32, #tpu.memory_space<vmem>>) semaphore(%run_scoped3A_925 : memref<!tpu.dma_semaphore, #tpu.memory_space<semaphore_mem>>) {add = true}
        %dma_wait3A_936 = arith.constant 0 : i32
        %dma_wait3A_937 = arith.constant 0 : i32
        %dma_wait3A_938 = tpu.memref_slice %arg10[%run_scoped3A_904, %dma_wait3A_936, %dma_wait3A_937] : memref<3x80x128xf32, #tpu.memory_space<vmem>> -> memref<1x80x128xf32, #tpu.memory_space<vmem>>
        %dma_wait3A_939 = tpu.memref_squeeze %dma_wait3A_938 : memref<1x80x128xf32, #tpu.memory_space<vmem>> -> memref<80x128xf32, #tpu.memory_space<vmem>>
        %dma_wait3A_940 = arith.constant 0 : i32
        %dma_wait3A_941 = tpu.memref_slice %arg9[%add3A_885, %dma_wait3A_940] : memref<125x80xi32, #tpu.memory_space<vmem>> -> memref<1x80xi32, #tpu.memory_space<vmem>>
        %dma_wait3A_942 = tpu.memref_squeeze %dma_wait3A_941 : memref<1x80xi32, #tpu.memory_space<vmem>> -> memref<80xi32, #tpu.memory_space<vmem>>
        %dma_wait3A_943 = arith.constant 0 : i32
        %dma_wait3A_944 = arith.constant 0 : i32
        %dma_wait3A_945 = tpu.memref_slice %arg11[%dma_wait3A_943, %dma_wait3A_944] : memref<10000x128xf32, #tpu.memory_space<vmem_shared>> -> memref<10000x128xf32, #tpu.memory_space<vmem_shared>>
        tpu.wait_indirect_dma semaphore(%run_scoped3A_925 : memref<!tpu.dma_semaphore, #tpu.memory_space<semaphore_mem>>) src(%dma_wait3A_939 : memref<80x128xf32, #tpu.memory_space<vmem>>) dst(%dma_wait3A_945 : memref<10000x128xf32, #tpu.memory_space<vmem_shared>>)
        tpu.yield
      }) : () -> ()
      %add3A_905 = arith.constant 3 : i32
      %add3A_906 = arith.addi %add3A_885, %add3A_905 : i32
      %mul3A_907 = arith.constant 10000 : i32
      %mul3A_908 = arith.muli %add3A, %mul3A_907 : i32
      %mul3A_909 = arith.constant 80 : i32
      %mul3A_910 = arith.muli %add3A_906, %mul3A_909 : i32
      %add3A_911 = arith.addi %mul3A_908, %mul3A_910 : i32
      %dma_start3A_912 = arith.constant 2 : i32
      %dma_start3A_913 = arith.constant 0 : i32
      %dma_start3A_914 = arith.constant 0 : i32
      %dma_start3A_915 = tpu.memref_slice %arg10[%dma_start3A_912, %dma_start3A_913, %dma_start3A_914] : memref<3x80x128xf32, #tpu.memory_space<vmem>> -> memref<1x80x128xf32, #tpu.memory_space<vmem>>
      %dma_start3A_916 = tpu.memref_squeeze %dma_start3A_915 : memref<1x80x128xf32, #tpu.memory_space<vmem>> -> memref<80x128xf32, #tpu.memory_space<vmem>>
      %dma_start3A_917 = arith.constant 0 : i32
      %dma_start3A_918 = tpu.memref_slice %arg3[%add3A_911, %dma_start3A_917] : memref<320000x128xf32, #tpu.memory_space<hbm>> -> memref<80x128xf32, #tpu.memory_space<hbm>>
      %dma_start3A_919 = arith.constant 0 : i32
      %dma_start3A_920 = arith.constant 0 : i32
      %dma_start3A_921 = tpu.memref_slice %arg10[%dma_start3A_912, %dma_start3A_919, %dma_start3A_920] : memref<3x80x128xf32, #tpu.memory_space<vmem>> -> memref<1x80x128xf32, #tpu.memory_space<vmem>>
      %dma_start3A_922 = tpu.memref_squeeze %dma_start3A_921 : memref<1x80x128xf32, #tpu.memory_space<vmem>> -> memref<80x128xf32, #tpu.memory_space<vmem>>
      %dma_start3A_923 = arith.constant 0 : i32
      %dma_start3A_924 = tpu.memref_slice %arg3[%add3A_911, %dma_start3A_923] : memref<320000x128xf32, #tpu.memory_space<hbm>> -> memref<80x128xf32, #tpu.memory_space<hbm>>
      tpu.enqueue_dma source(%dma_start3A_924 : memref<80x128xf32, #tpu.memory_space<hbm>>) target(%dma_start3A_922 : memref<80x128xf32, #tpu.memory_space<vmem>>) target_semaphore(%arg14 : memref<!tpu.dma_semaphore, #tpu.memory_space<semaphore_mem>>)
    }
    %scan3A_257 = arith.constant 40 : i32
    %mul3A_258 = arith.constant 10000 : i32
    %mul3A_259 = arith.muli %add3A, %mul3A_258 : i32
    %add3A_260 = arith.constant 9600 : i32
    %add3A_261 = arith.addi %mul3A_259, %add3A_260 : i32
    %dma_wait3A_262 = arith.constant 0 : i32
    %dma_wait3A_263 = arith.constant 0 : i32
    %dma_wait3A_264 = arith.constant 0 : i32
    %dma_wait3A_265 = tpu.memref_slice %arg10[%dma_wait3A_262, %dma_wait3A_263, %dma_wait3A_264] : memref<3x80x128xf32, #tpu.memory_space<vmem>> -> memref<1x80x128xf32, #tpu.memory_space<vmem>>
    %dma_wait3A_266 = tpu.memref_squeeze %dma_wait3A_265 : memref<1x80x128xf32, #tpu.memory_space<vmem>> -> memref<80x128xf32, #tpu.memory_space<vmem>>
    %dma_wait3A_267 = arith.constant 0 : i32
    %dma_wait3A_268 = tpu.memref_slice %arg3[%add3A_261, %dma_wait3A_267] : memref<320000x128xf32, #tpu.memory_space<hbm>> -> memref<80x128xf32, #tpu.memory_space<hbm>>
    %dma_wait3A_269 = arith.constant 0 : i32
    %dma_wait3A_270 = arith.constant 0 : i32
    %dma_wait3A_271 = tpu.memref_slice %arg10[%dma_wait3A_262, %dma_wait3A_269, %dma_wait3A_270] : memref<3x80x128xf32, #tpu.memory_space<vmem>> -> memref<1x80x128xf32, #tpu.memory_space<vmem>>
    %dma_wait3A_272 = tpu.memref_squeeze %dma_wait3A_271 : memref<1x80x128xf32, #tpu.memory_space<vmem>> -> memref<80x128xf32, #tpu.memory_space<vmem>>
    %dma_wait3A_273 = arith.constant 0 : i32
    %dma_wait3A_274 = tpu.memref_slice %arg3[%add3A_261, %dma_wait3A_273] : memref<320000x128xf32, #tpu.memory_space<hbm>> -> memref<80x128xf32, #tpu.memory_space<hbm>>
    tpu.wait_dma2 semaphore(%arg12 : memref<!tpu.dma_semaphore, #tpu.memory_space<semaphore_mem>>) src(%dma_wait3A_274 : memref<80x128xf32, #tpu.memory_space<hbm>>) dst(%dma_wait3A_272 : memref<80x128xf32, #tpu.memory_space<vmem>>)
    %run_scoped3A_275 = arith.constant 0 : i32
    %run_scoped3A_276 = arith.constant 120 : i32
    "tpu.region"() ({
      %run_scoped3A_795 = tpu.sem_alloc : memref<!tpu.dma_semaphore, #tpu.memory_space<semaphore_mem>>
      %dma_start3A_796 = arith.constant 0 : i32
      %dma_start3A_797 = arith.constant 0 : i32
      %dma_start3A_798 = tpu.memref_slice %arg10[%run_scoped3A_275, %dma_start3A_796, %dma_start3A_797] : memref<3x80x128xf32, #tpu.memory_space<vmem>> -> memref<1x80x128xf32, #tpu.memory_space<vmem>>
      %dma_start3A_799 = tpu.memref_squeeze %dma_start3A_798 : memref<1x80x128xf32, #tpu.memory_space<vmem>> -> memref<80x128xf32, #tpu.memory_space<vmem>>
      %dma_start3A_800 = arith.constant 0 : i32
      %dma_start3A_801 = tpu.memref_slice %arg9[%run_scoped3A_276, %dma_start3A_800] : memref<125x80xi32, #tpu.memory_space<vmem>> -> memref<1x80xi32, #tpu.memory_space<vmem>>
      %dma_start3A_802 = tpu.memref_squeeze %dma_start3A_801 : memref<1x80xi32, #tpu.memory_space<vmem>> -> memref<80xi32, #tpu.memory_space<vmem>>
      %dma_start3A_803 = arith.constant 0 : i32
      %dma_start3A_804 = arith.constant 0 : i32
      %dma_start3A_805 = tpu.memref_slice %arg11[%dma_start3A_803, %dma_start3A_804] : memref<10000x128xf32, #tpu.memory_space<vmem_shared>> -> memref<10000x128xf32, #tpu.memory_space<vmem_shared>>
      tpu.enqueue_indirect_dma source(%dma_start3A_799 : memref<80x128xf32, #tpu.memory_space<vmem>>) target(%dma_start3A_805 : memref<10000x128xf32, #tpu.memory_space<vmem_shared>>) offsets(%dma_start3A_802 : memref<80xi32, #tpu.memory_space<vmem>>) semaphore(%run_scoped3A_795 : memref<!tpu.dma_semaphore, #tpu.memory_space<semaphore_mem>>) {add = true}
      %dma_wait3A_806 = arith.constant 0 : i32
      %dma_wait3A_807 = arith.constant 0 : i32
      %dma_wait3A_808 = tpu.memref_slice %arg10[%run_scoped3A_275, %dma_wait3A_806, %dma_wait3A_807] : memref<3x80x128xf32, #tpu.memory_space<vmem>> -> memref<1x80x128xf32, #tpu.memory_space<vmem>>
      %dma_wait3A_809 = tpu.memref_squeeze %dma_wait3A_808 : memref<1x80x128xf32, #tpu.memory_space<vmem>> -> memref<80x128xf32, #tpu.memory_space<vmem>>
      %dma_wait3A_810 = arith.constant 0 : i32
      %dma_wait3A_811 = tpu.memref_slice %arg9[%run_scoped3A_276, %dma_wait3A_810] : memref<125x80xi32, #tpu.memory_space<vmem>> -> memref<1x80xi32, #tpu.memory_space<vmem>>
      %dma_wait3A_812 = tpu.memref_squeeze %dma_wait3A_811 : memref<1x80xi32, #tpu.memory_space<vmem>> -> memref<80xi32, #tpu.memory_space<vmem>>
      %dma_wait3A_813 = arith.constant 0 : i32
      %dma_wait3A_814 = arith.constant 0 : i32
      %dma_wait3A_815 = tpu.memref_slice %arg11[%dma_wait3A_813, %dma_wait3A_814] : memref<10000x128xf32, #tpu.memory_space<vmem_shared>> -> memref<10000x128xf32, #tpu.memory_space<vmem_shared>>
      tpu.wait_indirect_dma semaphore(%run_scoped3A_795 : memref<!tpu.dma_semaphore, #tpu.memory_space<semaphore_mem>>) src(%dma_wait3A_809 : memref<80x128xf32, #tpu.memory_space<vmem>>) dst(%dma_wait3A_815 : memref<10000x128xf32, #tpu.memory_space<vmem_shared>>)
      tpu.yield
    }) : () -> ()
    %mul3A_277 = arith.constant 10000 : i32
    %mul3A_278 = arith.muli %add3A, %mul3A_277 : i32
    %add3A_279 = arith.constant 9840 : i32
    %add3A_280 = arith.addi %mul3A_278, %add3A_279 : i32
    %dma_start3A_281 = arith.constant 0 : i32
    %dma_start3A_282 = arith.constant 0 : i32
    %dma_start3A_283 = arith.constant 0 : i32
    %dma_start3A_284 = tpu.memref_slice %arg10[%dma_start3A_281, %dma_start3A_282, %dma_start3A_283] : memref<3x80x128xf32, #tpu.memory_space<vmem>> -> memref<1x80x128xf32, #tpu.memory_space<vmem>>
    %dma_start3A_285 = tpu.memref_squeeze %dma_start3A_284 : memref<1x80x128xf32, #tpu.memory_space<vmem>> -> memref<80x128xf32, #tpu.memory_space<vmem>>
    %dma_start3A_286 = arith.constant 0 : i32
    %dma_start3A_287 = tpu.memref_slice %arg3[%add3A_280, %dma_start3A_286] : memref<320000x128xf32, #tpu.memory_space<hbm>> -> memref<80x128xf32, #tpu.memory_space<hbm>>
    %dma_start3A_288 = arith.constant 0 : i32
    %dma_start3A_289 = arith.constant 0 : i32
    %dma_start3A_290 = tpu.memref_slice %arg10[%dma_start3A_281, %dma_start3A_288, %dma_start3A_289] : memref<3x80x128xf32, #tpu.memory_space<vmem>> -> memref<1x80x128xf32, #tpu.memory_space<vmem>>
    %dma_start3A_291 = tpu.memref_squeeze %dma_start3A_290 : memref<1x80x128xf32, #tpu.memory_space<vmem>> -> memref<80x128xf32, #tpu.memory_space<vmem>>
    %dma_start3A_292 = arith.constant 0 : i32
    %dma_start3A_293 = tpu.memref_slice %arg3[%add3A_280, %dma_start3A_292] : memref<320000x128xf32, #tpu.memory_space<hbm>> -> memref<80x128xf32, #tpu.memory_space<hbm>>
    tpu.enqueue_dma source(%dma_start3A_293 : memref<80x128xf32, #tpu.memory_space<hbm>>) target(%dma_start3A_291 : memref<80x128xf32, #tpu.memory_space<vmem>>) target_semaphore(%arg12 : memref<!tpu.dma_semaphore, #tpu.memory_space<semaphore_mem>>)
    %mul3A_294 = arith.constant 10000 : i32
    %mul3A_295 = arith.muli %add3A, %mul3A_294 : i32
    %add3A_296 = arith.constant 9680 : i32
    %add3A_297 = arith.addi %mul3A_295, %add3A_296 : i32
    %dma_wait3A_298 = arith.constant 1 : i32
    %dma_wait3A_299 = arith.constant 0 : i32
    %dma_wait3A_300 = arith.constant 0 : i32
    %dma_wait3A_301 = tpu.memref_slice %arg10[%dma_wait3A_298, %dma_wait3A_299, %dma_wait3A_300] : memref<3x80x128xf32, #tpu.memory_space<vmem>> -> memref<1x80x128xf32, #tpu.memory_space<vmem>>
    %dma_wait3A_302 = tpu.memref_squeeze %dma_wait3A_301 : memref<1x80x128xf32, #tpu.memory_space<vmem>> -> memref<80x128xf32, #tpu.memory_space<vmem>>
    %dma_wait3A_303 = arith.constant 0 : i32
    %dma_wait3A_304 = tpu.memref_slice %arg3[%add3A_297, %dma_wait3A_303] : memref<320000x128xf32, #tpu.memory_space<hbm>> -> memref<80x128xf32, #tpu.memory_space<hbm>>
    %dma_wait3A_305 = arith.constant 0 : i32
    %dma_wait3A_306 = arith.constant 0 : i32
    %dma_wait3A_307 = tpu.memref_slice %arg10[%dma_wait3A_298, %dma_wait3A_305, %dma_wait3A_306] : memref<3x80x128xf32, #tpu.memory_space<vmem>> -> memref<1x80x128xf32, #tpu.memory_space<vmem>>
    %dma_wait3A_308 = tpu.memref_squeeze %dma_wait3A_307 : memref<1x80x128xf32, #tpu.memory_space<vmem>> -> memref<80x128xf32, #tpu.memory_space<vmem>>
    %dma_wait3A_309 = arith.constant 0 : i32
    %dma_wait3A_310 = tpu.memref_slice %arg3[%add3A_297, %dma_wait3A_309] : memref<320000x128xf32, #tpu.memory_space<hbm>> -> memref<80x128xf32, #tpu.memory_space<hbm>>
    tpu.wait_dma2 semaphore(%arg13 : memref<!tpu.dma_semaphore, #tpu.memory_space<semaphore_mem>>) src(%dma_wait3A_310 : memref<80x128xf32, #tpu.memory_space<hbm>>) dst(%dma_wait3A_308 : memref<80x128xf32, #tpu.memory_space<vmem>>)
    %run_scoped3A_311 = arith.constant 1 : i32
    %run_scoped3A_312 = arith.constant 121 : i32
    "tpu.region"() ({
      %run_scoped3A_795 = tpu.sem_alloc : memref<!tpu.dma_semaphore, #tpu.memory_space<semaphore_mem>>
      %dma_start3A_796 = arith.constant 0 : i32
      %dma_start3A_797 = arith.constant 0 : i32
      %dma_start3A_798 = tpu.memref_slice %arg10[%run_scoped3A_311, %dma_start3A_796, %dma_start3A_797] : memref<3x80x128xf32, #tpu.memory_space<vmem>> -> memref<1x80x128xf32, #tpu.memory_space<vmem>>
      %dma_start3A_799 = tpu.memref_squeeze %dma_start3A_798 : memref<1x80x128xf32, #tpu.memory_space<vmem>> -> memref<80x128xf32, #tpu.memory_space<vmem>>
      %dma_start3A_800 = arith.constant 0 : i32
      %dma_start3A_801 = tpu.memref_slice %arg9[%run_scoped3A_312, %dma_start3A_800] : memref<125x80xi32, #tpu.memory_space<vmem>> -> memref<1x80xi32, #tpu.memory_space<vmem>>
      %dma_start3A_802 = tpu.memref_squeeze %dma_start3A_801 : memref<1x80xi32, #tpu.memory_space<vmem>> -> memref<80xi32, #tpu.memory_space<vmem>>
      %dma_start3A_803 = arith.constant 0 : i32
      %dma_start3A_804 = arith.constant 0 : i32
      %dma_start3A_805 = tpu.memref_slice %arg11[%dma_start3A_803, %dma_start3A_804] : memref<10000x128xf32, #tpu.memory_space<vmem_shared>> -> memref<10000x128xf32, #tpu.memory_space<vmem_shared>>
      tpu.enqueue_indirect_dma source(%dma_start3A_799 : memref<80x128xf32, #tpu.memory_space<vmem>>) target(%dma_start3A_805 : memref<10000x128xf32, #tpu.memory_space<vmem_shared>>) offsets(%dma_start3A_802 : memref<80xi32, #tpu.memory_space<vmem>>) semaphore(%run_scoped3A_795 : memref<!tpu.dma_semaphore, #tpu.memory_space<semaphore_mem>>) {add = true}
      %dma_wait3A_806 = arith.constant 0 : i32
      %dma_wait3A_807 = arith.constant 0 : i32
      %dma_wait3A_808 = tpu.memref_slice %arg10[%run_scoped3A_311, %dma_wait3A_806, %dma_wait3A_807] : memref<3x80x128xf32, #tpu.memory_space<vmem>> -> memref<1x80x128xf32, #tpu.memory_space<vmem>>
      %dma_wait3A_809 = tpu.memref_squeeze %dma_wait3A_808 : memref<1x80x128xf32, #tpu.memory_space<vmem>> -> memref<80x128xf32, #tpu.memory_space<vmem>>
      %dma_wait3A_810 = arith.constant 0 : i32
      %dma_wait3A_811 = tpu.memref_slice %arg9[%run_scoped3A_312, %dma_wait3A_810] : memref<125x80xi32, #tpu.memory_space<vmem>> -> memref<1x80xi32, #tpu.memory_space<vmem>>
      %dma_wait3A_812 = tpu.memref_squeeze %dma_wait3A_811 : memref<1x80xi32, #tpu.memory_space<vmem>> -> memref<80xi32, #tpu.memory_space<vmem>>
      %dma_wait3A_813 = arith.constant 0 : i32
      %dma_wait3A_814 = arith.constant 0 : i32
      %dma_wait3A_815 = tpu.memref_slice %arg11[%dma_wait3A_813, %dma_wait3A_814] : memref<10000x128xf32, #tpu.memory_space<vmem_shared>> -> memref<10000x128xf32, #tpu.memory_space<vmem_shared>>
      tpu.wait_indirect_dma semaphore(%run_scoped3A_795 : memref<!tpu.dma_semaphore, #tpu.memory_space<semaphore_mem>>) src(%dma_wait3A_809 : memref<80x128xf32, #tpu.memory_space<vmem>>) dst(%dma_wait3A_815 : memref<10000x128xf32, #tpu.memory_space<vmem_shared>>)
      tpu.yield
    }) : () -> ()
    %mul3A_313 = arith.constant 10000 : i32
    %mul3A_314 = arith.muli %add3A, %mul3A_313 : i32
    %add3A_315 = arith.constant 9920 : i32
    %add3A_316 = arith.addi %mul3A_314, %add3A_315 : i32
    %dma_start3A_317 = arith.constant 1 : i32
    %dma_start3A_318 = arith.constant 0 : i32
    %dma_start3A_319 = arith.constant 0 : i32
    %dma_start3A_320 = tpu.memref_slice %arg10[%dma_start3A_317, %dma_start3A_318, %dma_start3A_319] : memref<3x80x128xf32, #tpu.memory_space<vmem>> -> memref<1x80x128xf32, #tpu.memory_space<vmem>>
    %dma_start3A_321 = tpu.memref_squeeze %dma_start3A_320 : memref<1x80x128xf32, #tpu.memory_space<vmem>> -> memref<80x128xf32, #tpu.memory_space<vmem>>
    %dma_start3A_322 = arith.constant 0 : i32
    %dma_start3A_323 = tpu.memref_slice %arg3[%add3A_316, %dma_start3A_322] : memref<320000x128xf32, #tpu.memory_space<hbm>> -> memref<80x128xf32, #tpu.memory_space<hbm>>
    %dma_start3A_324 = arith.constant 0 : i32
    %dma_start3A_325 = arith.constant 0 : i32
    %dma_start3A_326 = tpu.memref_slice %arg10[%dma_start3A_317, %dma_start3A_324, %dma_start3A_325] : memref<3x80x128xf32, #tpu.memory_space<vmem>> -> memref<1x80x128xf32, #tpu.memory_space<vmem>>
    %dma_start3A_327 = tpu.memref_squeeze %dma_start3A_326 : memref<1x80x128xf32, #tpu.memory_space<vmem>> -> memref<80x128xf32, #tpu.memory_space<vmem>>
    %dma_start3A_328 = arith.constant 0 : i32
    %dma_start3A_329 = tpu.memref_slice %arg3[%add3A_316, %dma_start3A_328] : memref<320000x128xf32, #tpu.memory_space<hbm>> -> memref<80x128xf32, #tpu.memory_space<hbm>>
    tpu.enqueue_dma source(%dma_start3A_329 : memref<80x128xf32, #tpu.memory_space<hbm>>) target(%dma_start3A_327 : memref<80x128xf32, #tpu.memory_space<vmem>>) target_semaphore(%arg13 : memref<!tpu.dma_semaphore, #tpu.memory_space<semaphore_mem>>)
    %mul3A_330 = arith.constant 10000 : i32
    %mul3A_331 = arith.muli %add3A, %mul3A_330 : i32
    %add3A_332 = arith.constant 9760 : i32
    %add3A_333 = arith.addi %mul3A_331, %add3A_332 : i32
    %dma_wait3A_334 = arith.constant 2 : i32
    %dma_wait3A_335 = arith.constant 0 : i32
    %dma_wait3A_336 = arith.constant 0 : i32
    %dma_wait3A_337 = tpu.memref_slice %arg10[%dma_wait3A_334, %dma_wait3A_335, %dma_wait3A_336] : memref<3x80x128xf32, #tpu.memory_space<vmem>> -> memref<1x80x128xf32, #tpu.memory_space<vmem>>
    %dma_wait3A_338 = tpu.memref_squeeze %dma_wait3A_337 : memref<1x80x128xf32, #tpu.memory_space<vmem>> -> memref<80x128xf32, #tpu.memory_space<vmem>>
    %dma_wait3A_339 = arith.constant 0 : i32
    %dma_wait3A_340 = tpu.memref_slice %arg3[%add3A_333, %dma_wait3A_339] : memref<320000x128xf32, #tpu.memory_space<hbm>> -> memref<80x128xf32, #tpu.memory_space<hbm>>
    %dma_wait3A_341 = arith.constant 0 : i32
    %dma_wait3A_342 = arith.constant 0 : i32
    %dma_wait3A_343 = tpu.memref_slice %arg10[%dma_wait3A_334, %dma_wait3A_341, %dma_wait3A_342] : memref<3x80x128xf32, #tpu.memory_space<vmem>> -> memref<1x80x128xf32, #tpu.memory_space<vmem>>
    %dma_wait3A_344 = tpu.memref_squeeze %dma_wait3A_343 : memref<1x80x128xf32, #tpu.memory_space<vmem>> -> memref<80x128xf32, #tpu.memory_space<vmem>>
    %dma_wait3A_345 = arith.constant 0 : i32
    %dma_wait3A_346 = tpu.memref_slice %arg3[%add3A_333, %dma_wait3A_345] : memref<320000x128xf32, #tpu.memory_space<hbm>> -> memref<80x128xf32, #tpu.memory_space<hbm>>
    tpu.wait_dma2 semaphore(%arg14 : memref<!tpu.dma_semaphore, #tpu.memory_space<semaphore_mem>>) src(%dma_wait3A_346 : memref<80x128xf32, #tpu.memory_space<hbm>>) dst(%dma_wait3A_344 : memref<80x128xf32, #tpu.memory_space<vmem>>)
    %run_scoped3A_347 = arith.constant 2 : i32
    %run_scoped3A_348 = arith.constant 122 : i32
    "tpu.region"() ({
      %run_scoped3A_795 = tpu.sem_alloc : memref<!tpu.dma_semaphore, #tpu.memory_space<semaphore_mem>>
      %dma_start3A_796 = arith.constant 0 : i32
      %dma_start3A_797 = arith.constant 0 : i32
      %dma_start3A_798 = tpu.memref_slice %arg10[%run_scoped3A_347, %dma_start3A_796, %dma_start3A_797] : memref<3x80x128xf32, #tpu.memory_space<vmem>> -> memref<1x80x128xf32, #tpu.memory_space<vmem>>
      %dma_start3A_799 = tpu.memref_squeeze %dma_start3A_798 : memref<1x80x128xf32, #tpu.memory_space<vmem>> -> memref<80x128xf32, #tpu.memory_space<vmem>>
      %dma_start3A_800 = arith.constant 0 : i32
      %dma_start3A_801 = tpu.memref_slice %arg9[%run_scoped3A_348, %dma_start3A_800] : memref<125x80xi32, #tpu.memory_space<vmem>> -> memref<1x80xi32, #tpu.memory_space<vmem>>
      %dma_start3A_802 = tpu.memref_squeeze %dma_start3A_801 : memref<1x80xi32, #tpu.memory_space<vmem>> -> memref<80xi32, #tpu.memory_space<vmem>>
      %dma_start3A_803 = arith.constant 0 : i32
      %dma_start3A_804 = arith.constant 0 : i32
      %dma_start3A_805 = tpu.memref_slice %arg11[%dma_start3A_803, %dma_start3A_804] : memref<10000x128xf32, #tpu.memory_space<vmem_shared>> -> memref<10000x128xf32, #tpu.memory_space<vmem_shared>>
      tpu.enqueue_indirect_dma source(%dma_start3A_799 : memref<80x128xf32, #tpu.memory_space<vmem>>) target(%dma_start3A_805 : memref<10000x128xf32, #tpu.memory_space<vmem_shared>>) offsets(%dma_start3A_802 : memref<80xi32, #tpu.memory_space<vmem>>) semaphore(%run_scoped3A_795 : memref<!tpu.dma_semaphore, #tpu.memory_space<semaphore_mem>>) {add = true}
      %dma_wait3A_806 = arith.constant 0 : i32
      %dma_wait3A_807 = arith.constant 0 : i32
      %dma_wait3A_808 = tpu.memref_slice %arg10[%run_scoped3A_347, %dma_wait3A_806, %dma_wait3A_807] : memref<3x80x128xf32, #tpu.memory_space<vmem>> -> memref<1x80x128xf32, #tpu.memory_space<vmem>>
      %dma_wait3A_809 = tpu.memref_squeeze %dma_wait3A_808 : memref<1x80x128xf32, #tpu.memory_space<vmem>> -> memref<80x128xf32, #tpu.memory_space<vmem>>
      %dma_wait3A_810 = arith.constant 0 : i32
      %dma_wait3A_811 = tpu.memref_slice %arg9[%run_scoped3A_348, %dma_wait3A_810] : memref<125x80xi32, #tpu.memory_space<vmem>> -> memref<1x80xi32, #tpu.memory_space<vmem>>
      %dma_wait3A_812 = tpu.memref_squeeze %dma_wait3A_811 : memref<1x80xi32, #tpu.memory_space<vmem>> -> memref<80xi32, #tpu.memory_space<vmem>>
      %dma_wait3A_813 = arith.constant 0 : i32
      %dma_wait3A_814 = arith.constant 0 : i32
      %dma_wait3A_815 = tpu.memref_slice %arg11[%dma_wait3A_813, %dma_wait3A_814] : memref<10000x128xf32, #tpu.memory_space<vmem_shared>> -> memref<10000x128xf32, #tpu.memory_space<vmem_shared>>
      tpu.wait_indirect_dma semaphore(%run_scoped3A_795 : memref<!tpu.dma_semaphore, #tpu.memory_space<semaphore_mem>>) src(%dma_wait3A_809 : memref<80x128xf32, #tpu.memory_space<vmem>>) dst(%dma_wait3A_815 : memref<10000x128xf32, #tpu.memory_space<vmem_shared>>)
      tpu.yield
    }) : () -> ()
    %mul3A_349 = arith.constant 10000 : i32
    %mul3A_350 = arith.muli %add3A, %mul3A_349 : i32
    %add3A_351 = arith.constant 9840 : i32
    %add3A_352 = arith.addi %mul3A_350, %add3A_351 : i32
    %dma_wait3A_353 = arith.constant 0 : i32
    %dma_wait3A_354 = arith.constant 0 : i32
    %dma_wait3A_355 = arith.constant 0 : i32
    %dma_wait3A_356 = tpu.memref_slice %arg10[%dma_wait3A_353, %dma_wait3A_354, %dma_wait3A_355] : memref<3x80x128xf32, #tpu.memory_space<vmem>> -> memref<1x80x128xf32, #tpu.memory_space<vmem>>
    %dma_wait3A_357 = tpu.memref_squeeze %dma_wait3A_356 : memref<1x80x128xf32, #tpu.memory_space<vmem>> -> memref<80x128xf32, #tpu.memory_space<vmem>>
    %dma_wait3A_358 = arith.constant 0 : i32
    %dma_wait3A_359 = tpu.memref_slice %arg3[%add3A_352, %dma_wait3A_358] : memref<320000x128xf32, #tpu.memory_space<hbm>> -> memref<80x128xf32, #tpu.memory_space<hbm>>
    %dma_wait3A_360 = arith.constant 0 : i32
    %dma_wait3A_361 = arith.constant 0 : i32
    %dma_wait3A_362 = tpu.memref_slice %arg10[%dma_wait3A_353, %dma_wait3A_360, %dma_wait3A_361] : memref<3x80x128xf32, #tpu.memory_space<vmem>> -> memref<1x80x128xf32, #tpu.memory_space<vmem>>
    %dma_wait3A_363 = tpu.memref_squeeze %dma_wait3A_362 : memref<1x80x128xf32, #tpu.memory_space<vmem>> -> memref<80x128xf32, #tpu.memory_space<vmem>>
    %dma_wait3A_364 = arith.constant 0 : i32
    %dma_wait3A_365 = tpu.memref_slice %arg3[%add3A_352, %dma_wait3A_364] : memref<320000x128xf32, #tpu.memory_space<hbm>> -> memref<80x128xf32, #tpu.memory_space<hbm>>
    tpu.wait_dma2 semaphore(%arg12 : memref<!tpu.dma_semaphore, #tpu.memory_space<semaphore_mem>>) src(%dma_wait3A_365 : memref<80x128xf32, #tpu.memory_space<hbm>>) dst(%dma_wait3A_363 : memref<80x128xf32, #tpu.memory_space<vmem>>)
    %run_scoped3A_366 = arith.constant 0 : i32
    %run_scoped3A_367 = arith.constant 123 : i32
    "tpu.region"() ({
      %run_scoped3A_795 = tpu.sem_alloc : memref<!tpu.dma_semaphore, #tpu.memory_space<semaphore_mem>>
      %dma_start3A_796 = arith.constant 0 : i32
      %dma_start3A_797 = arith.constant 0 : i32
      %dma_start3A_798 = tpu.memref_slice %arg10[%run_scoped3A_366, %dma_start3A_796, %dma_start3A_797] : memref<3x80x128xf32, #tpu.memory_space<vmem>> -> memref<1x80x128xf32, #tpu.memory_space<vmem>>
      %dma_start3A_799 = tpu.memref_squeeze %dma_start3A_798 : memref<1x80x128xf32, #tpu.memory_space<vmem>> -> memref<80x128xf32, #tpu.memory_space<vmem>>
      %dma_start3A_800 = arith.constant 0 : i32
      %dma_start3A_801 = tpu.memref_slice %arg9[%run_scoped3A_367, %dma_start3A_800] : memref<125x80xi32, #tpu.memory_space<vmem>> -> memref<1x80xi32, #tpu.memory_space<vmem>>
      %dma_start3A_802 = tpu.memref_squeeze %dma_start3A_801 : memref<1x80xi32, #tpu.memory_space<vmem>> -> memref<80xi32, #tpu.memory_space<vmem>>
      %dma_start3A_803 = arith.constant 0 : i32
      %dma_start3A_804 = arith.constant 0 : i32
      %dma_start3A_805 = tpu.memref_slice %arg11[%dma_start3A_803, %dma_start3A_804] : memref<10000x128xf32, #tpu.memory_space<vmem_shared>> -> memref<10000x128xf32, #tpu.memory_space<vmem_shared>>
      tpu.enqueue_indirect_dma source(%dma_start3A_799 : memref<80x128xf32, #tpu.memory_space<vmem>>) target(%dma_start3A_805 : memref<10000x128xf32, #tpu.memory_space<vmem_shared>>) offsets(%dma_start3A_802 : memref<80xi32, #tpu.memory_space<vmem>>) semaphore(%run_scoped3A_795 : memref<!tpu.dma_semaphore, #tpu.memory_space<semaphore_mem>>) {add = true}
      %dma_wait3A_806 = arith.constant 0 : i32
      %dma_wait3A_807 = arith.constant 0 : i32
      %dma_wait3A_808 = tpu.memref_slice %arg10[%run_scoped3A_366, %dma_wait3A_806, %dma_wait3A_807] : memref<3x80x128xf32, #tpu.memory_space<vmem>> -> memref<1x80x128xf32, #tpu.memory_space<vmem>>
      %dma_wait3A_809 = tpu.memref_squeeze %dma_wait3A_808 : memref<1x80x128xf32, #tpu.memory_space<vmem>> -> memref<80x128xf32, #tpu.memory_space<vmem>>
      %dma_wait3A_810 = arith.constant 0 : i32
      %dma_wait3A_811 = tpu.memref_slice %arg9[%run_scoped3A_367, %dma_wait3A_810] : memref<125x80xi32, #tpu.memory_space<vmem>> -> memref<1x80xi32, #tpu.memory_space<vmem>>
      %dma_wait3A_812 = tpu.memref_squeeze %dma_wait3A_811 : memref<1x80xi32, #tpu.memory_space<vmem>> -> memref<80xi32, #tpu.memory_space<vmem>>
      %dma_wait3A_813 = arith.constant 0 : i32
      %dma_wait3A_814 = arith.constant 0 : i32
      %dma_wait3A_815 = tpu.memref_slice %arg11[%dma_wait3A_813, %dma_wait3A_814] : memref<10000x128xf32, #tpu.memory_space<vmem_shared>> -> memref<10000x128xf32, #tpu.memory_space<vmem_shared>>
      tpu.wait_indirect_dma semaphore(%run_scoped3A_795 : memref<!tpu.dma_semaphore, #tpu.memory_space<semaphore_mem>>) src(%dma_wait3A_809 : memref<80x128xf32, #tpu.memory_space<vmem>>) dst(%dma_wait3A_815 : memref<10000x128xf32, #tpu.memory_space<vmem_shared>>)
      tpu.yield
    }) : () -> ()
    %mul3A_368 = arith.constant 10000 : i32
    %mul3A_369 = arith.muli %add3A, %mul3A_368 : i32
    %add3A_370 = arith.constant 9920 : i32
    %add3A_371 = arith.addi %mul3A_369, %add3A_370 : i32
    %dma_wait3A_372 = arith.constant 1 : i32
    %dma_wait3A_373 = arith.constant 0 : i32
    %dma_wait3A_374 = arith.constant 0 : i32
    %dma_wait3A_375 = tpu.memref_slice %arg10[%dma_wait3A_372, %dma_wait3A_373, %dma_wait3A_374] : memref<3x80x128xf32, #tpu.memory_space<vmem>> -> memref<1x80x128xf32, #tpu.memory_space<vmem>>
    %dma_wait3A_376 = tpu.memref_squeeze %dma_wait3A_375 : memref<1x80x128xf32, #tpu.memory_space<vmem>> -> memref<80x128xf32, #tpu.memory_space<vmem>>
    %dma_wait3A_377 = arith.constant 0 : i32
    %dma_wait3A_378 = tpu.memref_slice %arg3[%add3A_371, %dma_wait3A_377] : memref<320000x128xf32, #tpu.memory_space<hbm>> -> memref<80x128xf32, #tpu.memory_space<hbm>>
    %dma_wait3A_379 = arith.constant 0 : i32
    %dma_wait3A_380 = arith.constant 0 : i32
    %dma_wait3A_381 = tpu.memref_slice %arg10[%dma_wait3A_372, %dma_wait3A_379, %dma_wait3A_380] : memref<3x80x128xf32, #tpu.memory_space<vmem>> -> memref<1x80x128xf32, #tpu.memory_space<vmem>>
    %dma_wait3A_382 = tpu.memref_squeeze %dma_wait3A_381 : memref<1x80x128xf32, #tpu.memory_space<vmem>> -> memref<80x128xf32, #tpu.memory_space<vmem>>
    %dma_wait3A_383 = arith.constant 0 : i32
    %dma_wait3A_384 = tpu.memref_slice %arg3[%add3A_371, %dma_wait3A_383] : memref<320000x128xf32, #tpu.memory_space<hbm>> -> memref<80x128xf32, #tpu.memory_space<hbm>>
    tpu.wait_dma2 semaphore(%arg13 : memref<!tpu.dma_semaphore, #tpu.memory_space<semaphore_mem>>) src(%dma_wait3A_384 : memref<80x128xf32, #tpu.memory_space<hbm>>) dst(%dma_wait3A_382 : memref<80x128xf32, #tpu.memory_space<vmem>>)
    %run_scoped3A_385 = arith.constant 1 : i32
    %run_scoped3A_386 = arith.constant 124 : i32
    "tpu.region"() ({
      %run_scoped3A_795 = tpu.sem_alloc : memref<!tpu.dma_semaphore, #tpu.memory_space<semaphore_mem>>
      %dma_start3A_796 = arith.constant 0 : i32
      %dma_start3A_797 = arith.constant 0 : i32
      %dma_start3A_798 = tpu.memref_slice %arg10[%run_scoped3A_385, %dma_start3A_796, %dma_start3A_797] : memref<3x80x128xf32, #tpu.memory_space<vmem>> -> memref<1x80x128xf32, #tpu.memory_space<vmem>>
      %dma_start3A_799 = tpu.memref_squeeze %dma_start3A_798 : memref<1x80x128xf32, #tpu.memory_space<vmem>> -> memref<80x128xf32, #tpu.memory_space<vmem>>
      %dma_start3A_800 = arith.constant 0 : i32
      %dma_start3A_801 = tpu.memref_slice %arg9[%run_scoped3A_386, %dma_start3A_800] : memref<125x80xi32, #tpu.memory_space<vmem>> -> memref<1x80xi32, #tpu.memory_space<vmem>>
      %dma_start3A_802 = tpu.memref_squeeze %dma_start3A_801 : memref<1x80xi32, #tpu.memory_space<vmem>> -> memref<80xi32, #tpu.memory_space<vmem>>
      %dma_start3A_803 = arith.constant 0 : i32
      %dma_start3A_804 = arith.constant 0 : i32
      %dma_start3A_805 = tpu.memref_slice %arg11[%dma_start3A_803, %dma_start3A_804] : memref<10000x128xf32, #tpu.memory_space<vmem_shared>> -> memref<10000x128xf32, #tpu.memory_space<vmem_shared>>
      tpu.enqueue_indirect_dma source(%dma_start3A_799 : memref<80x128xf32, #tpu.memory_space<vmem>>) target(%dma_start3A_805 : memref<10000x128xf32, #tpu.memory_space<vmem_shared>>) offsets(%dma_start3A_802 : memref<80xi32, #tpu.memory_space<vmem>>) semaphore(%run_scoped3A_795 : memref<!tpu.dma_semaphore, #tpu.memory_space<semaphore_mem>>) {add = true}
      %dma_wait3A_806 = arith.constant 0 : i32
      %dma_wait3A_807 = arith.constant 0 : i32
      %dma_wait3A_808 = tpu.memref_slice %arg10[%run_scoped3A_385, %dma_wait3A_806, %dma_wait3A_807] : memref<3x80x128xf32, #tpu.memory_space<vmem>> -> memref<1x80x128xf32, #tpu.memory_space<vmem>>
      %dma_wait3A_809 = tpu.memref_squeeze %dma_wait3A_808 : memref<1x80x128xf32, #tpu.memory_space<vmem>> -> memref<80x128xf32, #tpu.memory_space<vmem>>
      %dma_wait3A_810 = arith.constant 0 : i32
      %dma_wait3A_811 = tpu.memref_slice %arg9[%run_scoped3A_386, %dma_wait3A_810] : memref<125x80xi32, #tpu.memory_space<vmem>> -> memref<1x80xi32, #tpu.memory_space<vmem>>
      %dma_wait3A_812 = tpu.memref_squeeze %dma_wait3A_811 : memref<1x80xi32, #tpu.memory_space<vmem>> -> memref<80xi32, #tpu.memory_space<vmem>>
      %dma_wait3A_813 = arith.constant 0 : i32
      %dma_wait3A_814 = arith.constant 0 : i32
      %dma_wait3A_815 = tpu.memref_slice %arg11[%dma_wait3A_813, %dma_wait3A_814] : memref<10000x128xf32, #tpu.memory_space<vmem_shared>> -> memref<10000x128xf32, #tpu.memory_space<vmem_shared>>
      tpu.wait_indirect_dma semaphore(%run_scoped3A_795 : memref<!tpu.dma_semaphore, #tpu.memory_space<semaphore_mem>>) src(%dma_wait3A_809 : memref<80x128xf32, #tpu.memory_space<vmem>>) dst(%dma_wait3A_815 : memref<10000x128xf32, #tpu.memory_space<vmem_shared>>)
      tpu.yield
    }) : () -> ()
    %barrier3A_387 = arith.constant 0 : index
    tpu.barrier barrier_id(%barrier3A_387)
    %run_scoped3A_388 = arith.constant 1 : i32
    "tpu.region"() ({
      %run_scoped3A_795 = tpu.sem_alloc : memref<!tpu.dma_semaphore, #tpu.memory_space<semaphore_mem>>
      %dma_start3A_796 = arith.constant 0 : i32
      %dma_start3A_797 = arith.constant 0 : i32
      %dma_start3A_798 = tpu.memref_slice %arg8[%run_scoped3A_388, %arg0, %dma_start3A_796, %dma_start3A_797] : memref<4x2x10000x128xf32, #tpu.memory_space<hbm>> -> memref<1x1x10000x128xf32, #tpu.memory_space<hbm>>
      %dma_start3A_799 = tpu.memref_squeeze %dma_start3A_798 : memref<1x1x10000x128xf32, #tpu.memory_space<hbm>> -> memref<10000x128xf32, #tpu.memory_space<hbm>>
      %dma_start3A_800 = arith.constant 0 : i32
      %dma_start3A_801 = tpu.memref_slice %dma_start3A_799[%mul3A_2, %dma_start3A_800] : memref<10000x128xf32, #tpu.memory_space<hbm>> -> memref<624x128xf32, #tpu.memory_space<hbm>>
      %dma_start3A_802 = arith.constant 0 : i32
      %dma_start3A_803 = tpu.memref_slice %arg11[%mul3A_2, %dma_start3A_802] : memref<10000x128xf32, #tpu.memory_space<vmem_shared>> -> memref<624x128xf32, #tpu.memory_space<vmem_shared>>
      tpu.enqueue_dma source(%dma_start3A_803 : memref<624x128xf32, #tpu.memory_space<vmem_shared>>) target(%dma_start3A_801 : memref<624x128xf32, #tpu.memory_space<hbm>>) target_semaphore(%run_scoped3A_795 : memref<!tpu.dma_semaphore, #tpu.memory_space<semaphore_mem>>)
      %dma_wait3A_804 = arith.constant 0 : i32
      %dma_wait3A_805 = arith.constant 0 : i32
      %dma_wait3A_806 = tpu.memref_slice %arg8[%run_scoped3A_388, %arg0, %dma_wait3A_804, %dma_wait3A_805] : memref<4x2x10000x128xf32, #tpu.memory_space<hbm>> -> memref<1x1x10000x128xf32, #tpu.memory_space<hbm>>
      %dma_wait3A_807 = tpu.memref_squeeze %dma_wait3A_806 : memref<1x1x10000x128xf32, #tpu.memory_space<hbm>> -> memref<10000x128xf32, #tpu.memory_space<hbm>>
      %dma_wait3A_808 = arith.constant 0 : i32
      %dma_wait3A_809 = tpu.memref_slice %dma_wait3A_807[%mul3A_2, %dma_wait3A_808] : memref<10000x128xf32, #tpu.memory_space<hbm>> -> memref<624x128xf32, #tpu.memory_space<hbm>>
      %dma_wait3A_810 = arith.constant 0 : i32
      %dma_wait3A_811 = tpu.memref_slice %arg11[%mul3A_2, %dma_wait3A_810] : memref<10000x128xf32, #tpu.memory_space<vmem_shared>> -> memref<624x128xf32, #tpu.memory_space<vmem_shared>>
      tpu.wait_dma2 semaphore(%run_scoped3A_795 : memref<!tpu.dma_semaphore, #tpu.memory_space<semaphore_mem>>) src(%dma_wait3A_811 : memref<624x128xf32, #tpu.memory_space<vmem_shared>>) dst(%dma_wait3A_809 : memref<624x128xf32, #tpu.memory_space<hbm>>)
      tpu.yield
    }) : () -> ()
    %eq3A_389 = arith.constant 15 : i32
    %eq3A_390 = arith.cmpi eq, %arg1, %eq3A_389 : i32
    %convert_element_type3A_391 = arith.extui %eq3A_390 : i1 to i32
    %cond3A_392 = arith.constant 0 : i32
    %cond3A_393 = arith.cmpi ne, %convert_element_type3A_391, %cond3A_392 : i32
    scf.if %cond3A_393 {
      %run_scoped3A_795 = arith.constant 1 : i32
      "tpu.region"() ({
        %run_scoped3A_796 = tpu.sem_alloc : memref<!tpu.dma_semaphore, #tpu.memory_space<semaphore_mem>>
        %dma_start3A_797 = arith.constant 0 : i32
        %dma_start3A_798 = arith.constant 0 : i32
        %dma_start3A_799 = tpu.memref_slice %arg8[%run_scoped3A_795, %arg0, %dma_start3A_797, %dma_start3A_798] : memref<4x2x10000x128xf32, #tpu.memory_space<hbm>> -> memref<1x1x10000x128xf32, #tpu.memory_space<hbm>>
        %dma_start3A_800 = tpu.memref_squeeze %dma_start3A_799 : memref<1x1x10000x128xf32, #tpu.memory_space<hbm>> -> memref<10000x128xf32, #tpu.memory_space<hbm>>
        %dma_start3A_801 = arith.constant 9984 : i32
        %dma_start3A_802 = arith.constant 0 : i32
        %dma_start3A_803 = tpu.memref_slice %dma_start3A_800[%dma_start3A_801, %dma_start3A_802] : memref<10000x128xf32, #tpu.memory_space<hbm>> -> memref<16x128xf32, #tpu.memory_space<hbm>>
        %dma_start3A_804 = arith.constant 9984 : i32
        %dma_start3A_805 = arith.constant 0 : i32
        %dma_start3A_806 = tpu.memref_slice %arg11[%dma_start3A_804, %dma_start3A_805] : memref<10000x128xf32, #tpu.memory_space<vmem_shared>> -> memref<16x128xf32, #tpu.memory_space<vmem_shared>>
        tpu.enqueue_dma source(%dma_start3A_806 : memref<16x128xf32, #tpu.memory_space<vmem_shared>>) target(%dma_start3A_803 : memref<16x128xf32, #tpu.memory_space<hbm>>) target_semaphore(%run_scoped3A_796 : memref<!tpu.dma_semaphore, #tpu.memory_space<semaphore_mem>>)
        %dma_wait3A_807 = arith.constant 0 : i32
        %dma_wait3A_808 = arith.constant 0 : i32
        %dma_wait3A_809 = tpu.memref_slice %arg8[%run_scoped3A_795, %arg0, %dma_wait3A_807, %dma_wait3A_808] : memref<4x2x10000x128xf32, #tpu.memory_space<hbm>> -> memref<1x1x10000x128xf32, #tpu.memory_space<hbm>>
        %dma_wait3A_810 = tpu.memref_squeeze %dma_wait3A_809 : memref<1x1x10000x128xf32, #tpu.memory_space<hbm>> -> memref<10000x128xf32, #tpu.memory_space<hbm>>
        %dma_wait3A_811 = arith.constant 9984 : i32
        %dma_wait3A_812 = arith.constant 0 : i32
        %dma_wait3A_813 = tpu.memref_slice %dma_wait3A_810[%dma_wait3A_811, %dma_wait3A_812] : memref<10000x128xf32, #tpu.memory_space<hbm>> -> memref<16x128xf32, #tpu.memory_space<hbm>>
        %dma_wait3A_814 = arith.constant 9984 : i32
        %dma_wait3A_815 = arith.constant 0 : i32
        %dma_wait3A_816 = tpu.memref_slice %arg11[%dma_wait3A_814, %dma_wait3A_815] : memref<10000x128xf32, #tpu.memory_space<vmem_shared>> -> memref<16x128xf32, #tpu.memory_space<vmem_shared>>
        tpu.wait_dma2 semaphore(%run_scoped3A_796 : memref<!tpu.dma_semaphore, #tpu.memory_space<semaphore_mem>>) src(%dma_wait3A_816 : memref<16x128xf32, #tpu.memory_space<vmem_shared>>) dst(%dma_wait3A_813 : memref<16x128xf32, #tpu.memory_space<hbm>>)
        tpu.yield
      }) : () -> ()
    } else {
    }
    %barrier3A_394 = arith.constant 0 : index
    tpu.barrier barrier_id(%barrier3A_394)
    "tpu.region"() ({
      %run_scoped3A_795 = tpu.sem_alloc : memref<!tpu.dma_semaphore, #tpu.memory_space<semaphore_mem>>
      %dma_start3A_796 = arith.constant 0 : i32
      %dma_start3A_797 = tpu.memref_slice %arg11[%mul3A_2, %dma_start3A_796] : memref<10000x128xf32, #tpu.memory_space<vmem_shared>> -> memref<624x128xf32, #tpu.memory_space<vmem_shared>>
      %dma_start3A_798 = arith.constant 0 : i32
      %dma_start3A_799 = tpu.memref_slice %arg7[%mul3A_2, %dma_start3A_798] : memref<10000x128xf32, #tpu.memory_space<hbm>> -> memref<624x128xf32, #tpu.memory_space<hbm>>
      tpu.enqueue_dma source(%dma_start3A_799 : memref<624x128xf32, #tpu.memory_space<hbm>>) target(%dma_start3A_797 : memref<624x128xf32, #tpu.memory_space<vmem_shared>>) target_semaphore(%run_scoped3A_795 : memref<!tpu.dma_semaphore, #tpu.memory_space<semaphore_mem>>)
      %dma_wait3A_800 = arith.constant 0 : i32
      %dma_wait3A_801 = tpu.memref_slice %arg11[%mul3A_2, %dma_wait3A_800] : memref<10000x128xf32, #tpu.memory_space<vmem_shared>> -> memref<624x128xf32, #tpu.memory_space<vmem_shared>>
      %dma_wait3A_802 = arith.constant 0 : i32
      %dma_wait3A_803 = tpu.memref_slice %arg7[%mul3A_2, %dma_wait3A_802] : memref<10000x128xf32, #tpu.memory_space<hbm>> -> memref<624x128xf32, #tpu.memory_space<hbm>>
      tpu.wait_dma2 semaphore(%run_scoped3A_795 : memref<!tpu.dma_semaphore, #tpu.memory_space<semaphore_mem>>) src(%dma_wait3A_803 : memref<624x128xf32, #tpu.memory_space<hbm>>) dst(%dma_wait3A_801 : memref<624x128xf32, #tpu.memory_space<vmem_shared>>)
      tpu.yield
    }) : () -> ()
    %eq3A_395 = arith.constant 15 : i32
    %eq3A_396 = arith.cmpi eq, %arg1, %eq3A_395 : i32
    %convert_element_type3A_397 = arith.extui %eq3A_396 : i1 to i32
    %cond3A_398 = arith.constant 0 : i32
    %cond3A_399 = arith.cmpi ne, %convert_element_type3A_397, %cond3A_398 : i32
    scf.if %cond3A_399 {
      "tpu.region"() ({
        %run_scoped3A_795 = tpu.sem_alloc : memref<!tpu.dma_semaphore, #tpu.memory_space<semaphore_mem>>
        %dma_start3A_796 = arith.constant 9984 : i32
        %dma_start3A_797 = arith.constant 0 : i32
        %dma_start3A_798 = tpu.memref_slice %arg11[%dma_start3A_796, %dma_start3A_797] : memref<10000x128xf32, #tpu.memory_space<vmem_shared>> -> memref<16x128xf32, #tpu.memory_space<vmem_shared>>
        %dma_start3A_799 = arith.constant 9984 : i32
        %dma_start3A_800 = arith.constant 0 : i32
        %dma_start3A_801 = tpu.memref_slice %arg7[%dma_start3A_799, %dma_start3A_800] : memref<10000x128xf32, #tpu.memory_space<hbm>> -> memref<16x128xf32, #tpu.memory_space<hbm>>
        tpu.enqueue_dma source(%dma_start3A_801 : memref<16x128xf32, #tpu.memory_space<hbm>>) target(%dma_start3A_798 : memref<16x128xf32, #tpu.memory_space<vmem_shared>>) target_semaphore(%run_scoped3A_795 : memref<!tpu.dma_semaphore, #tpu.memory_space<semaphore_mem>>)
        %dma_wait3A_802 = arith.constant 9984 : i32
        %dma_wait3A_803 = arith.constant 0 : i32
        %dma_wait3A_804 = tpu.memref_slice %arg11[%dma_wait3A_802, %dma_wait3A_803] : memref<10000x128xf32, #tpu.memory_space<vmem_shared>> -> memref<16x128xf32, #tpu.memory_space<vmem_shared>>
        %dma_wait3A_805 = arith.constant 9984 : i32
        %dma_wait3A_806 = arith.constant 0 : i32
        %dma_wait3A_807 = tpu.memref_slice %arg7[%dma_wait3A_805, %dma_wait3A_806] : memref<10000x128xf32, #tpu.memory_space<hbm>> -> memref<16x128xf32, #tpu.memory_space<hbm>>
        tpu.wait_dma2 semaphore(%run_scoped3A_795 : memref<!tpu.dma_semaphore, #tpu.memory_space<semaphore_mem>>) src(%dma_wait3A_807 : memref<16x128xf32, #tpu.memory_space<hbm>>) dst(%dma_wait3A_804 : memref<16x128xf32, #tpu.memory_space<vmem_shared>>)
        tpu.yield
      }) : () -> ()
    } else {
    }
    %barrier3A_400 = arith.constant 0 : index
    tpu.barrier barrier_id(%barrier3A_400)
    %mul3A_401 = arith.constant 10000 : i32
    %mul3A_402 = arith.muli %add3A, %mul3A_401 : i32
    %add3A_403 = arith.constant 0 : i32
    %add3A_404 = arith.addi %mul3A_402, %add3A_403 : i32
    %dma_start3A_405 = arith.constant 0 : i32
    %dma_start3A_406 = arith.constant 0 : i32
    %dma_start3A_407 = arith.constant 0 : i32
    %dma_start3A_408 = tpu.memref_slice %arg10[%dma_start3A_405, %dma_start3A_406, %dma_start3A_407] : memref<3x80x128xf32, #tpu.memory_space<vmem>> -> memref<1x80x128xf32, #tpu.memory_space<vmem>>
    %dma_start3A_409 = tpu.memref_squeeze %dma_start3A_408 : memref<1x80x128xf32, #tpu.memory_space<vmem>> -> memref<80x128xf32, #tpu.memory_space<vmem>>
    %dma_start3A_410 = arith.constant 0 : i32
    %dma_start3A_411 = tpu.memref_slice %arg4[%add3A_404, %dma_start3A_410] : memref<320000x128xf32, #tpu.memory_space<hbm>> -> memref<80x128xf32, #tpu.memory_space<hbm>>
    %dma_start3A_412 = arith.constant 0 : i32
    %dma_start3A_413 = arith.constant 0 : i32
    %dma_start3A_414 = tpu.memref_slice %arg10[%dma_start3A_405, %dma_start3A_412, %dma_start3A_413] : memref<3x80x128xf32, #tpu.memory_space<vmem>> -> memref<1x80x128xf32, #tpu.memory_space<vmem>>
    %dma_start3A_415 = tpu.memref_squeeze %dma_start3A_414 : memref<1x80x128xf32, #tpu.memory_space<vmem>> -> memref<80x128xf32, #tpu.memory_space<vmem>>
    %dma_start3A_416 = arith.constant 0 : i32
    %dma_start3A_417 = tpu.memref_slice %arg4[%add3A_404, %dma_start3A_416] : memref<320000x128xf32, #tpu.memory_space<hbm>> -> memref<80x128xf32, #tpu.memory_space<hbm>>
    tpu.enqueue_dma source(%dma_start3A_417 : memref<80x128xf32, #tpu.memory_space<hbm>>) target(%dma_start3A_415 : memref<80x128xf32, #tpu.memory_space<vmem>>) target_semaphore(%arg12 : memref<!tpu.dma_semaphore, #tpu.memory_space<semaphore_mem>>)
    %mul3A_418 = arith.constant 10000 : i32
    %mul3A_419 = arith.muli %add3A, %mul3A_418 : i32
    %add3A_420 = arith.constant 80 : i32
    %add3A_421 = arith.addi %mul3A_419, %add3A_420 : i32
    %dma_start3A_422 = arith.constant 1 : i32
    %dma_start3A_423 = arith.constant 0 : i32
    %dma_start3A_424 = arith.constant 0 : i32
    %dma_start3A_425 = tpu.memref_slice %arg10[%dma_start3A_422, %dma_start3A_423, %dma_start3A_424] : memref<3x80x128xf32, #tpu.memory_space<vmem>> -> memref<1x80x128xf32, #tpu.memory_space<vmem>>
    %dma_start3A_426 = tpu.memref_squeeze %dma_start3A_425 : memref<1x80x128xf32, #tpu.memory_space<vmem>> -> memref<80x128xf32, #tpu.memory_space<vmem>>
    %dma_start3A_427 = arith.constant 0 : i32
    %dma_start3A_428 = tpu.memref_slice %arg4[%add3A_421, %dma_start3A_427] : memref<320000x128xf32, #tpu.memory_space<hbm>> -> memref<80x128xf32, #tpu.memory_space<hbm>>
    %dma_start3A_429 = arith.constant 0 : i32
    %dma_start3A_430 = arith.constant 0 : i32
    %dma_start3A_431 = tpu.memref_slice %arg10[%dma_start3A_422, %dma_start3A_429, %dma_start3A_430] : memref<3x80x128xf32, #tpu.memory_space<vmem>> -> memref<1x80x128xf32, #tpu.memory_space<vmem>>
    %dma_start3A_432 = tpu.memref_squeeze %dma_start3A_431 : memref<1x80x128xf32, #tpu.memory_space<vmem>> -> memref<80x128xf32, #tpu.memory_space<vmem>>
    %dma_start3A_433 = arith.constant 0 : i32
    %dma_start3A_434 = tpu.memref_slice %arg4[%add3A_421, %dma_start3A_433] : memref<320000x128xf32, #tpu.memory_space<hbm>> -> memref<80x128xf32, #tpu.memory_space<hbm>>
    tpu.enqueue_dma source(%dma_start3A_434 : memref<80x128xf32, #tpu.memory_space<hbm>>) target(%dma_start3A_432 : memref<80x128xf32, #tpu.memory_space<vmem>>) target_semaphore(%arg13 : memref<!tpu.dma_semaphore, #tpu.memory_space<semaphore_mem>>)
    %mul3A_435 = arith.constant 10000 : i32
    %mul3A_436 = arith.muli %add3A, %mul3A_435 : i32
    %add3A_437 = arith.constant 160 : i32
    %add3A_438 = arith.addi %mul3A_436, %add3A_437 : i32
    %dma_start3A_439 = arith.constant 2 : i32
    %dma_start3A_440 = arith.constant 0 : i32
    %dma_start3A_441 = arith.constant 0 : i32
    %dma_start3A_442 = tpu.memref_slice %arg10[%dma_start3A_439, %dma_start3A_440, %dma_start3A_441] : memref<3x80x128xf32, #tpu.memory_space<vmem>> -> memref<1x80x128xf32, #tpu.memory_space<vmem>>
    %dma_start3A_443 = tpu.memref_squeeze %dma_start3A_442 : memref<1x80x128xf32, #tpu.memory_space<vmem>> -> memref<80x128xf32, #tpu.memory_space<vmem>>
    %dma_start3A_444 = arith.constant 0 : i32
    %dma_start3A_445 = tpu.memref_slice %arg4[%add3A_438, %dma_start3A_444] : memref<320000x128xf32, #tpu.memory_space<hbm>> -> memref<80x128xf32, #tpu.memory_space<hbm>>
    %dma_start3A_446 = arith.constant 0 : i32
    %dma_start3A_447 = arith.constant 0 : i32
    %dma_start3A_448 = tpu.memref_slice %arg10[%dma_start3A_439, %dma_start3A_446, %dma_start3A_447] : memref<3x80x128xf32, #tpu.memory_space<vmem>> -> memref<1x80x128xf32, #tpu.memory_space<vmem>>
    %dma_start3A_449 = tpu.memref_squeeze %dma_start3A_448 : memref<1x80x128xf32, #tpu.memory_space<vmem>> -> memref<80x128xf32, #tpu.memory_space<vmem>>
    %dma_start3A_450 = arith.constant 0 : i32
    %dma_start3A_451 = tpu.memref_slice %arg4[%add3A_438, %dma_start3A_450] : memref<320000x128xf32, #tpu.memory_space<hbm>> -> memref<80x128xf32, #tpu.memory_space<hbm>>
    tpu.enqueue_dma source(%dma_start3A_451 : memref<80x128xf32, #tpu.memory_space<hbm>>) target(%dma_start3A_449 : memref<80x128xf32, #tpu.memory_space<vmem>>) target_semaphore(%arg14 : memref<!tpu.dma_semaphore, #tpu.memory_space<semaphore_mem>>)
    %scan3A_452 = arith.constant 0 : i32
    %scan3A_453 = arith.constant 0 : i32
    %scan3A_454 = arith.constant 40 : i32
    %scan3A_455 = arith.addi %scan3A_453, %scan3A_454 : i32
    %scan3A_456 = arith.constant 1 : i32
    scf.for %scan3A_795 = %scan3A_453 to %scan3A_455 step %scan3A_456  : i32 {
      %mul3A_796 = arith.constant 3 : i32
      %mul3A_797 = arith.muli %mul3A_796, %scan3A_795 : i32
      %add3A_798 = arith.constant 0 : i32
      %add3A_799 = arith.addi %mul3A_797, %add3A_798 : i32
      %mul3A_800 = arith.constant 10000 : i32
      %mul3A_801 = arith.muli %add3A, %mul3A_800 : i32
      %mul3A_802 = arith.constant 80 : i32
      %mul3A_803 = arith.muli %add3A_799, %mul3A_802 : i32
      %add3A_804 = arith.addi %mul3A_801, %mul3A_803 : i32
      %dma_wait3A_805 = arith.constant 0 : i32
      %dma_wait3A_806 = arith.constant 0 : i32
      %dma_wait3A_807 = arith.constant 0 : i32
      %dma_wait3A_808 = tpu.memref_slice %arg10[%dma_wait3A_805, %dma_wait3A_806, %dma_wait3A_807] : memref<3x80x128xf32, #tpu.memory_space<vmem>> -> memref<1x80x128xf32, #tpu.memory_space<vmem>>
      %dma_wait3A_809 = tpu.memref_squeeze %dma_wait3A_808 : memref<1x80x128xf32, #tpu.memory_space<vmem>> -> memref<80x128xf32, #tpu.memory_space<vmem>>
      %dma_wait3A_810 = arith.constant 0 : i32
      %dma_wait3A_811 = tpu.memref_slice %arg4[%add3A_804, %dma_wait3A_810] : memref<320000x128xf32, #tpu.memory_space<hbm>> -> memref<80x128xf32, #tpu.memory_space<hbm>>
      %dma_wait3A_812 = arith.constant 0 : i32
      %dma_wait3A_813 = arith.constant 0 : i32
      %dma_wait3A_814 = tpu.memref_slice %arg10[%dma_wait3A_805, %dma_wait3A_812, %dma_wait3A_813] : memref<3x80x128xf32, #tpu.memory_space<vmem>> -> memref<1x80x128xf32, #tpu.memory_space<vmem>>
      %dma_wait3A_815 = tpu.memref_squeeze %dma_wait3A_814 : memref<1x80x128xf32, #tpu.memory_space<vmem>> -> memref<80x128xf32, #tpu.memory_space<vmem>>
      %dma_wait3A_816 = arith.constant 0 : i32
      %dma_wait3A_817 = tpu.memref_slice %arg4[%add3A_804, %dma_wait3A_816] : memref<320000x128xf32, #tpu.memory_space<hbm>> -> memref<80x128xf32, #tpu.memory_space<hbm>>
      tpu.wait_dma2 semaphore(%arg12 : memref<!tpu.dma_semaphore, #tpu.memory_space<semaphore_mem>>) src(%dma_wait3A_817 : memref<80x128xf32, #tpu.memory_space<hbm>>) dst(%dma_wait3A_815 : memref<80x128xf32, #tpu.memory_space<vmem>>)
      %run_scoped3A_818 = arith.constant 0 : i32
      "tpu.region"() ({
        %run_scoped3A_925 = tpu.sem_alloc : memref<!tpu.dma_semaphore, #tpu.memory_space<semaphore_mem>>
        %dma_start3A_926 = arith.constant 0 : i32
        %dma_start3A_927 = arith.constant 0 : i32
        %dma_start3A_928 = tpu.memref_slice %arg10[%run_scoped3A_818, %dma_start3A_926, %dma_start3A_927] : memref<3x80x128xf32, #tpu.memory_space<vmem>> -> memref<1x80x128xf32, #tpu.memory_space<vmem>>
        %dma_start3A_929 = tpu.memref_squeeze %dma_start3A_928 : memref<1x80x128xf32, #tpu.memory_space<vmem>> -> memref<80x128xf32, #tpu.memory_space<vmem>>
        %dma_start3A_930 = arith.constant 0 : i32
        %dma_start3A_931 = tpu.memref_slice %arg9[%add3A_799, %dma_start3A_930] : memref<125x80xi32, #tpu.memory_space<vmem>> -> memref<1x80xi32, #tpu.memory_space<vmem>>
        %dma_start3A_932 = tpu.memref_squeeze %dma_start3A_931 : memref<1x80xi32, #tpu.memory_space<vmem>> -> memref<80xi32, #tpu.memory_space<vmem>>
        %dma_start3A_933 = arith.constant 0 : i32
        %dma_start3A_934 = arith.constant 0 : i32
        %dma_start3A_935 = tpu.memref_slice %arg11[%dma_start3A_933, %dma_start3A_934] : memref<10000x128xf32, #tpu.memory_space<vmem_shared>> -> memref<10000x128xf32, #tpu.memory_space<vmem_shared>>
        tpu.enqueue_indirect_dma source(%dma_start3A_929 : memref<80x128xf32, #tpu.memory_space<vmem>>) target(%dma_start3A_935 : memref<10000x128xf32, #tpu.memory_space<vmem_shared>>) offsets(%dma_start3A_932 : memref<80xi32, #tpu.memory_space<vmem>>) semaphore(%run_scoped3A_925 : memref<!tpu.dma_semaphore, #tpu.memory_space<semaphore_mem>>) {add = true}
        %dma_wait3A_936 = arith.constant 0 : i32
        %dma_wait3A_937 = arith.constant 0 : i32
        %dma_wait3A_938 = tpu.memref_slice %arg10[%run_scoped3A_818, %dma_wait3A_936, %dma_wait3A_937] : memref<3x80x128xf32, #tpu.memory_space<vmem>> -> memref<1x80x128xf32, #tpu.memory_space<vmem>>
        %dma_wait3A_939 = tpu.memref_squeeze %dma_wait3A_938 : memref<1x80x128xf32, #tpu.memory_space<vmem>> -> memref<80x128xf32, #tpu.memory_space<vmem>>
        %dma_wait3A_940 = arith.constant 0 : i32
        %dma_wait3A_941 = tpu.memref_slice %arg9[%add3A_799, %dma_wait3A_940] : memref<125x80xi32, #tpu.memory_space<vmem>> -> memref<1x80xi32, #tpu.memory_space<vmem>>
        %dma_wait3A_942 = tpu.memref_squeeze %dma_wait3A_941 : memref<1x80xi32, #tpu.memory_space<vmem>> -> memref<80xi32, #tpu.memory_space<vmem>>
        %dma_wait3A_943 = arith.constant 0 : i32
        %dma_wait3A_944 = arith.constant 0 : i32
        %dma_wait3A_945 = tpu.memref_slice %arg11[%dma_wait3A_943, %dma_wait3A_944] : memref<10000x128xf32, #tpu.memory_space<vmem_shared>> -> memref<10000x128xf32, #tpu.memory_space<vmem_shared>>
        tpu.wait_indirect_dma semaphore(%run_scoped3A_925 : memref<!tpu.dma_semaphore, #tpu.memory_space<semaphore_mem>>) src(%dma_wait3A_939 : memref<80x128xf32, #tpu.memory_space<vmem>>) dst(%dma_wait3A_945 : memref<10000x128xf32, #tpu.memory_space<vmem_shared>>)
        tpu.yield
      }) : () -> ()
      %add3A_819 = arith.constant 3 : i32
      %add3A_820 = arith.addi %add3A_799, %add3A_819 : i32
      %mul3A_821 = arith.constant 10000 : i32
      %mul3A_822 = arith.muli %add3A, %mul3A_821 : i32
      %mul3A_823 = arith.constant 80 : i32
      %mul3A_824 = arith.muli %add3A_820, %mul3A_823 : i32
      %add3A_825 = arith.addi %mul3A_822, %mul3A_824 : i32
      %dma_start3A_826 = arith.constant 0 : i32
      %dma_start3A_827 = arith.constant 0 : i32
      %dma_start3A_828 = arith.constant 0 : i32
      %dma_start3A_829 = tpu.memref_slice %arg10[%dma_start3A_826, %dma_start3A_827, %dma_start3A_828] : memref<3x80x128xf32, #tpu.memory_space<vmem>> -> memref<1x80x128xf32, #tpu.memory_space<vmem>>
      %dma_start3A_830 = tpu.memref_squeeze %dma_start3A_829 : memref<1x80x128xf32, #tpu.memory_space<vmem>> -> memref<80x128xf32, #tpu.memory_space<vmem>>
      %dma_start3A_831 = arith.constant 0 : i32
      %dma_start3A_832 = tpu.memref_slice %arg4[%add3A_825, %dma_start3A_831] : memref<320000x128xf32, #tpu.memory_space<hbm>> -> memref<80x128xf32, #tpu.memory_space<hbm>>
      %dma_start3A_833 = arith.constant 0 : i32
      %dma_start3A_834 = arith.constant 0 : i32
      %dma_start3A_835 = tpu.memref_slice %arg10[%dma_start3A_826, %dma_start3A_833, %dma_start3A_834] : memref<3x80x128xf32, #tpu.memory_space<vmem>> -> memref<1x80x128xf32, #tpu.memory_space<vmem>>
      %dma_start3A_836 = tpu.memref_squeeze %dma_start3A_835 : memref<1x80x128xf32, #tpu.memory_space<vmem>> -> memref<80x128xf32, #tpu.memory_space<vmem>>
      %dma_start3A_837 = arith.constant 0 : i32
      %dma_start3A_838 = tpu.memref_slice %arg4[%add3A_825, %dma_start3A_837] : memref<320000x128xf32, #tpu.memory_space<hbm>> -> memref<80x128xf32, #tpu.memory_space<hbm>>
      tpu.enqueue_dma source(%dma_start3A_838 : memref<80x128xf32, #tpu.memory_space<hbm>>) target(%dma_start3A_836 : memref<80x128xf32, #tpu.memory_space<vmem>>) target_semaphore(%arg12 : memref<!tpu.dma_semaphore, #tpu.memory_space<semaphore_mem>>)
      %mul3A_839 = arith.constant 3 : i32
      %mul3A_840 = arith.muli %mul3A_839, %scan3A_795 : i32
      %add3A_841 = arith.constant 1 : i32
      %add3A_842 = arith.addi %mul3A_840, %add3A_841 : i32
      %mul3A_843 = arith.constant 10000 : i32
      %mul3A_844 = arith.muli %add3A, %mul3A_843 : i32
      %mul3A_845 = arith.constant 80 : i32
      %mul3A_846 = arith.muli %add3A_842, %mul3A_845 : i32
      %add3A_847 = arith.addi %mul3A_844, %mul3A_846 : i32
      %dma_wait3A_848 = arith.constant 1 : i32
      %dma_wait3A_849 = arith.constant 0 : i32
      %dma_wait3A_850 = arith.constant 0 : i32
      %dma_wait3A_851 = tpu.memref_slice %arg10[%dma_wait3A_848, %dma_wait3A_849, %dma_wait3A_850] : memref<3x80x128xf32, #tpu.memory_space<vmem>> -> memref<1x80x128xf32, #tpu.memory_space<vmem>>
      %dma_wait3A_852 = tpu.memref_squeeze %dma_wait3A_851 : memref<1x80x128xf32, #tpu.memory_space<vmem>> -> memref<80x128xf32, #tpu.memory_space<vmem>>
      %dma_wait3A_853 = arith.constant 0 : i32
      %dma_wait3A_854 = tpu.memref_slice %arg4[%add3A_847, %dma_wait3A_853] : memref<320000x128xf32, #tpu.memory_space<hbm>> -> memref<80x128xf32, #tpu.memory_space<hbm>>
      %dma_wait3A_855 = arith.constant 0 : i32
      %dma_wait3A_856 = arith.constant 0 : i32
      %dma_wait3A_857 = tpu.memref_slice %arg10[%dma_wait3A_848, %dma_wait3A_855, %dma_wait3A_856] : memref<3x80x128xf32, #tpu.memory_space<vmem>> -> memref<1x80x128xf32, #tpu.memory_space<vmem>>
      %dma_wait3A_858 = tpu.memref_squeeze %dma_wait3A_857 : memref<1x80x128xf32, #tpu.memory_space<vmem>> -> memref<80x128xf32, #tpu.memory_space<vmem>>
      %dma_wait3A_859 = arith.constant 0 : i32
      %dma_wait3A_860 = tpu.memref_slice %arg4[%add3A_847, %dma_wait3A_859] : memref<320000x128xf32, #tpu.memory_space<hbm>> -> memref<80x128xf32, #tpu.memory_space<hbm>>
      tpu.wait_dma2 semaphore(%arg13 : memref<!tpu.dma_semaphore, #tpu.memory_space<semaphore_mem>>) src(%dma_wait3A_860 : memref<80x128xf32, #tpu.memory_space<hbm>>) dst(%dma_wait3A_858 : memref<80x128xf32, #tpu.memory_space<vmem>>)
      %run_scoped3A_861 = arith.constant 1 : i32
      "tpu.region"() ({
        %run_scoped3A_925 = tpu.sem_alloc : memref<!tpu.dma_semaphore, #tpu.memory_space<semaphore_mem>>
        %dma_start3A_926 = arith.constant 0 : i32
        %dma_start3A_927 = arith.constant 0 : i32
        %dma_start3A_928 = tpu.memref_slice %arg10[%run_scoped3A_861, %dma_start3A_926, %dma_start3A_927] : memref<3x80x128xf32, #tpu.memory_space<vmem>> -> memref<1x80x128xf32, #tpu.memory_space<vmem>>
        %dma_start3A_929 = tpu.memref_squeeze %dma_start3A_928 : memref<1x80x128xf32, #tpu.memory_space<vmem>> -> memref<80x128xf32, #tpu.memory_space<vmem>>
        %dma_start3A_930 = arith.constant 0 : i32
        %dma_start3A_931 = tpu.memref_slice %arg9[%add3A_842, %dma_start3A_930] : memref<125x80xi32, #tpu.memory_space<vmem>> -> memref<1x80xi32, #tpu.memory_space<vmem>>
        %dma_start3A_932 = tpu.memref_squeeze %dma_start3A_931 : memref<1x80xi32, #tpu.memory_space<vmem>> -> memref<80xi32, #tpu.memory_space<vmem>>
        %dma_start3A_933 = arith.constant 0 : i32
        %dma_start3A_934 = arith.constant 0 : i32
        %dma_start3A_935 = tpu.memref_slice %arg11[%dma_start3A_933, %dma_start3A_934] : memref<10000x128xf32, #tpu.memory_space<vmem_shared>> -> memref<10000x128xf32, #tpu.memory_space<vmem_shared>>
        tpu.enqueue_indirect_dma source(%dma_start3A_929 : memref<80x128xf32, #tpu.memory_space<vmem>>) target(%dma_start3A_935 : memref<10000x128xf32, #tpu.memory_space<vmem_shared>>) offsets(%dma_start3A_932 : memref<80xi32, #tpu.memory_space<vmem>>) semaphore(%run_scoped3A_925 : memref<!tpu.dma_semaphore, #tpu.memory_space<semaphore_mem>>) {add = true}
        %dma_wait3A_936 = arith.constant 0 : i32
        %dma_wait3A_937 = arith.constant 0 : i32
        %dma_wait3A_938 = tpu.memref_slice %arg10[%run_scoped3A_861, %dma_wait3A_936, %dma_wait3A_937] : memref<3x80x128xf32, #tpu.memory_space<vmem>> -> memref<1x80x128xf32, #tpu.memory_space<vmem>>
        %dma_wait3A_939 = tpu.memref_squeeze %dma_wait3A_938 : memref<1x80x128xf32, #tpu.memory_space<vmem>> -> memref<80x128xf32, #tpu.memory_space<vmem>>
        %dma_wait3A_940 = arith.constant 0 : i32
        %dma_wait3A_941 = tpu.memref_slice %arg9[%add3A_842, %dma_wait3A_940] : memref<125x80xi32, #tpu.memory_space<vmem>> -> memref<1x80xi32, #tpu.memory_space<vmem>>
        %dma_wait3A_942 = tpu.memref_squeeze %dma_wait3A_941 : memref<1x80xi32, #tpu.memory_space<vmem>> -> memref<80xi32, #tpu.memory_space<vmem>>
        %dma_wait3A_943 = arith.constant 0 : i32
        %dma_wait3A_944 = arith.constant 0 : i32
        %dma_wait3A_945 = tpu.memref_slice %arg11[%dma_wait3A_943, %dma_wait3A_944] : memref<10000x128xf32, #tpu.memory_space<vmem_shared>> -> memref<10000x128xf32, #tpu.memory_space<vmem_shared>>
        tpu.wait_indirect_dma semaphore(%run_scoped3A_925 : memref<!tpu.dma_semaphore, #tpu.memory_space<semaphore_mem>>) src(%dma_wait3A_939 : memref<80x128xf32, #tpu.memory_space<vmem>>) dst(%dma_wait3A_945 : memref<10000x128xf32, #tpu.memory_space<vmem_shared>>)
        tpu.yield
      }) : () -> ()
      %add3A_862 = arith.constant 3 : i32
      %add3A_863 = arith.addi %add3A_842, %add3A_862 : i32
      %mul3A_864 = arith.constant 10000 : i32
      %mul3A_865 = arith.muli %add3A, %mul3A_864 : i32
      %mul3A_866 = arith.constant 80 : i32
      %mul3A_867 = arith.muli %add3A_863, %mul3A_866 : i32
      %add3A_868 = arith.addi %mul3A_865, %mul3A_867 : i32
      %dma_start3A_869 = arith.constant 1 : i32
      %dma_start3A_870 = arith.constant 0 : i32
      %dma_start3A_871 = arith.constant 0 : i32
      %dma_start3A_872 = tpu.memref_slice %arg10[%dma_start3A_869, %dma_start3A_870, %dma_start3A_871] : memref<3x80x128xf32, #tpu.memory_space<vmem>> -> memref<1x80x128xf32, #tpu.memory_space<vmem>>
      %dma_start3A_873 = tpu.memref_squeeze %dma_start3A_872 : memref<1x80x128xf32, #tpu.memory_space<vmem>> -> memref<80x128xf32, #tpu.memory_space<vmem>>
      %dma_start3A_874 = arith.constant 0 : i32
      %dma_start3A_875 = tpu.memref_slice %arg4[%add3A_868, %dma_start3A_874] : memref<320000x128xf32, #tpu.memory_space<hbm>> -> memref<80x128xf32, #tpu.memory_space<hbm>>
      %dma_start3A_876 = arith.constant 0 : i32
      %dma_start3A_877 = arith.constant 0 : i32
      %dma_start3A_878 = tpu.memref_slice %arg10[%dma_start3A_869, %dma_start3A_876, %dma_start3A_877] : memref<3x80x128xf32, #tpu.memory_space<vmem>> -> memref<1x80x128xf32, #tpu.memory_space<vmem>>
      %dma_start3A_879 = tpu.memref_squeeze %dma_start3A_878 : memref<1x80x128xf32, #tpu.memory_space<vmem>> -> memref<80x128xf32, #tpu.memory_space<vmem>>
      %dma_start3A_880 = arith.constant 0 : i32
      %dma_start3A_881 = tpu.memref_slice %arg4[%add3A_868, %dma_start3A_880] : memref<320000x128xf32, #tpu.memory_space<hbm>> -> memref<80x128xf32, #tpu.memory_space<hbm>>
      tpu.enqueue_dma source(%dma_start3A_881 : memref<80x128xf32, #tpu.memory_space<hbm>>) target(%dma_start3A_879 : memref<80x128xf32, #tpu.memory_space<vmem>>) target_semaphore(%arg13 : memref<!tpu.dma_semaphore, #tpu.memory_space<semaphore_mem>>)
      %mul3A_882 = arith.constant 3 : i32
      %mul3A_883 = arith.muli %mul3A_882, %scan3A_795 : i32
      %add3A_884 = arith.constant 2 : i32
      %add3A_885 = arith.addi %mul3A_883, %add3A_884 : i32
      %mul3A_886 = arith.constant 10000 : i32
      %mul3A_887 = arith.muli %add3A, %mul3A_886 : i32
      %mul3A_888 = arith.constant 80 : i32
      %mul3A_889 = arith.muli %add3A_885, %mul3A_888 : i32
      %add3A_890 = arith.addi %mul3A_887, %mul3A_889 : i32
      %dma_wait3A_891 = arith.constant 2 : i32
      %dma_wait3A_892 = arith.constant 0 : i32
      %dma_wait3A_893 = arith.constant 0 : i32
      %dma_wait3A_894 = tpu.memref_slice %arg10[%dma_wait3A_891, %dma_wait3A_892, %dma_wait3A_893] : memref<3x80x128xf32, #tpu.memory_space<vmem>> -> memref<1x80x128xf32, #tpu.memory_space<vmem>>
      %dma_wait3A_895 = tpu.memref_squeeze %dma_wait3A_894 : memref<1x80x128xf32, #tpu.memory_space<vmem>> -> memref<80x128xf32, #tpu.memory_space<vmem>>
      %dma_wait3A_896 = arith.constant 0 : i32
      %dma_wait3A_897 = tpu.memref_slice %arg4[%add3A_890, %dma_wait3A_896] : memref<320000x128xf32, #tpu.memory_space<hbm>> -> memref<80x128xf32, #tpu.memory_space<hbm>>
      %dma_wait3A_898 = arith.constant 0 : i32
      %dma_wait3A_899 = arith.constant 0 : i32
      %dma_wait3A_900 = tpu.memref_slice %arg10[%dma_wait3A_891, %dma_wait3A_898, %dma_wait3A_899] : memref<3x80x128xf32, #tpu.memory_space<vmem>> -> memref<1x80x128xf32, #tpu.memory_space<vmem>>
      %dma_wait3A_901 = tpu.memref_squeeze %dma_wait3A_900 : memref<1x80x128xf32, #tpu.memory_space<vmem>> -> memref<80x128xf32, #tpu.memory_space<vmem>>
      %dma_wait3A_902 = arith.constant 0 : i32
      %dma_wait3A_903 = tpu.memref_slice %arg4[%add3A_890, %dma_wait3A_902] : memref<320000x128xf32, #tpu.memory_space<hbm>> -> memref<80x128xf32, #tpu.memory_space<hbm>>
      tpu.wait_dma2 semaphore(%arg14 : memref<!tpu.dma_semaphore, #tpu.memory_space<semaphore_mem>>) src(%dma_wait3A_903 : memref<80x128xf32, #tpu.memory_space<hbm>>) dst(%dma_wait3A_901 : memref<80x128xf32, #tpu.memory_space<vmem>>)
      %run_scoped3A_904 = arith.constant 2 : i32
      "tpu.region"() ({
        %run_scoped3A_925 = tpu.sem_alloc : memref<!tpu.dma_semaphore, #tpu.memory_space<semaphore_mem>>
        %dma_start3A_926 = arith.constant 0 : i32
        %dma_start3A_927 = arith.constant 0 : i32
        %dma_start3A_928 = tpu.memref_slice %arg10[%run_scoped3A_904, %dma_start3A_926, %dma_start3A_927] : memref<3x80x128xf32, #tpu.memory_space<vmem>> -> memref<1x80x128xf32, #tpu.memory_space<vmem>>
        %dma_start3A_929 = tpu.memref_squeeze %dma_start3A_928 : memref<1x80x128xf32, #tpu.memory_space<vmem>> -> memref<80x128xf32, #tpu.memory_space<vmem>>
        %dma_start3A_930 = arith.constant 0 : i32
        %dma_start3A_931 = tpu.memref_slice %arg9[%add3A_885, %dma_start3A_930] : memref<125x80xi32, #tpu.memory_space<vmem>> -> memref<1x80xi32, #tpu.memory_space<vmem>>
        %dma_start3A_932 = tpu.memref_squeeze %dma_start3A_931 : memref<1x80xi32, #tpu.memory_space<vmem>> -> memref<80xi32, #tpu.memory_space<vmem>>
        %dma_start3A_933 = arith.constant 0 : i32
        %dma_start3A_934 = arith.constant 0 : i32
        %dma_start3A_935 = tpu.memref_slice %arg11[%dma_start3A_933, %dma_start3A_934] : memref<10000x128xf32, #tpu.memory_space<vmem_shared>> -> memref<10000x128xf32, #tpu.memory_space<vmem_shared>>
        tpu.enqueue_indirect_dma source(%dma_start3A_929 : memref<80x128xf32, #tpu.memory_space<vmem>>) target(%dma_start3A_935 : memref<10000x128xf32, #tpu.memory_space<vmem_shared>>) offsets(%dma_start3A_932 : memref<80xi32, #tpu.memory_space<vmem>>) semaphore(%run_scoped3A_925 : memref<!tpu.dma_semaphore, #tpu.memory_space<semaphore_mem>>) {add = true}
        %dma_wait3A_936 = arith.constant 0 : i32
        %dma_wait3A_937 = arith.constant 0 : i32
        %dma_wait3A_938 = tpu.memref_slice %arg10[%run_scoped3A_904, %dma_wait3A_936, %dma_wait3A_937] : memref<3x80x128xf32, #tpu.memory_space<vmem>> -> memref<1x80x128xf32, #tpu.memory_space<vmem>>
        %dma_wait3A_939 = tpu.memref_squeeze %dma_wait3A_938 : memref<1x80x128xf32, #tpu.memory_space<vmem>> -> memref<80x128xf32, #tpu.memory_space<vmem>>
        %dma_wait3A_940 = arith.constant 0 : i32
        %dma_wait3A_941 = tpu.memref_slice %arg9[%add3A_885, %dma_wait3A_940] : memref<125x80xi32, #tpu.memory_space<vmem>> -> memref<1x80xi32, #tpu.memory_space<vmem>>
        %dma_wait3A_942 = tpu.memref_squeeze %dma_wait3A_941 : memref<1x80xi32, #tpu.memory_space<vmem>> -> memref<80xi32, #tpu.memory_space<vmem>>
        %dma_wait3A_943 = arith.constant 0 : i32
        %dma_wait3A_944 = arith.constant 0 : i32
        %dma_wait3A_945 = tpu.memref_slice %arg11[%dma_wait3A_943, %dma_wait3A_944] : memref<10000x128xf32, #tpu.memory_space<vmem_shared>> -> memref<10000x128xf32, #tpu.memory_space<vmem_shared>>
        tpu.wait_indirect_dma semaphore(%run_scoped3A_925 : memref<!tpu.dma_semaphore, #tpu.memory_space<semaphore_mem>>) src(%dma_wait3A_939 : memref<80x128xf32, #tpu.memory_space<vmem>>) dst(%dma_wait3A_945 : memref<10000x128xf32, #tpu.memory_space<vmem_shared>>)
        tpu.yield
      }) : () -> ()
      %add3A_905 = arith.constant 3 : i32
      %add3A_906 = arith.addi %add3A_885, %add3A_905 : i32
      %mul3A_907 = arith.constant 10000 : i32
      %mul3A_908 = arith.muli %add3A, %mul3A_907 : i32
      %mul3A_909 = arith.constant 80 : i32
      %mul3A_910 = arith.muli %add3A_906, %mul3A_909 : i32
      %add3A_911 = arith.addi %mul3A_908, %mul3A_910 : i32
      %dma_start3A_912 = arith.constant 2 : i32
      %dma_start3A_913 = arith.constant 0 : i32
      %dma_start3A_914 = arith.constant 0 : i32
      %dma_start3A_915 = tpu.memref_slice %arg10[%dma_start3A_912, %dma_start3A_913, %dma_start3A_914] : memref<3x80x128xf32, #tpu.memory_space<vmem>> -> memref<1x80x128xf32, #tpu.memory_space<vmem>>
      %dma_start3A_916 = tpu.memref_squeeze %dma_start3A_915 : memref<1x80x128xf32, #tpu.memory_space<vmem>> -> memref<80x128xf32, #tpu.memory_space<vmem>>
      %dma_start3A_917 = arith.constant 0 : i32
      %dma_start3A_918 = tpu.memref_slice %arg4[%add3A_911, %dma_start3A_917] : memref<320000x128xf32, #tpu.memory_space<hbm>> -> memref<80x128xf32, #tpu.memory_space<hbm>>
      %dma_start3A_919 = arith.constant 0 : i32
      %dma_start3A_920 = arith.constant 0 : i32
      %dma_start3A_921 = tpu.memref_slice %arg10[%dma_start3A_912, %dma_start3A_919, %dma_start3A_920] : memref<3x80x128xf32, #tpu.memory_space<vmem>> -> memref<1x80x128xf32, #tpu.memory_space<vmem>>
      %dma_start3A_922 = tpu.memref_squeeze %dma_start3A_921 : memref<1x80x128xf32, #tpu.memory_space<vmem>> -> memref<80x128xf32, #tpu.memory_space<vmem>>
      %dma_start3A_923 = arith.constant 0 : i32
      %dma_start3A_924 = tpu.memref_slice %arg4[%add3A_911, %dma_start3A_923] : memref<320000x128xf32, #tpu.memory_space<hbm>> -> memref<80x128xf32, #tpu.memory_space<hbm>>
      tpu.enqueue_dma source(%dma_start3A_924 : memref<80x128xf32, #tpu.memory_space<hbm>>) target(%dma_start3A_922 : memref<80x128xf32, #tpu.memory_space<vmem>>) target_semaphore(%arg14 : memref<!tpu.dma_semaphore, #tpu.memory_space<semaphore_mem>>)
    }
    %scan3A_457 = arith.constant 40 : i32
    %mul3A_458 = arith.constant 10000 : i32
    %mul3A_459 = arith.muli %add3A, %mul3A_458 : i32
    %add3A_460 = arith.constant 9600 : i32
    %add3A_461 = arith.addi %mul3A_459, %add3A_460 : i32
    %dma_wait3A_462 = arith.constant 0 : i32
    %dma_wait3A_463 = arith.constant 0 : i32
    %dma_wait3A_464 = arith.constant 0 : i32
    %dma_wait3A_465 = tpu.memref_slice %arg10[%dma_wait3A_462, %dma_wait3A_463, %dma_wait3A_464] : memref<3x80x128xf32, #tpu.memory_space<vmem>> -> memref<1x80x128xf32, #tpu.memory_space<vmem>>
    %dma_wait3A_466 = tpu.memref_squeeze %dma_wait3A_465 : memref<1x80x128xf32, #tpu.memory_space<vmem>> -> memref<80x128xf32, #tpu.memory_space<vmem>>
    %dma_wait3A_467 = arith.constant 0 : i32
    %dma_wait3A_468 = tpu.memref_slice %arg4[%add3A_461, %dma_wait3A_467] : memref<320000x128xf32, #tpu.memory_space<hbm>> -> memref<80x128xf32, #tpu.memory_space<hbm>>
    %dma_wait3A_469 = arith.constant 0 : i32
    %dma_wait3A_470 = arith.constant 0 : i32
    %dma_wait3A_471 = tpu.memref_slice %arg10[%dma_wait3A_462, %dma_wait3A_469, %dma_wait3A_470] : memref<3x80x128xf32, #tpu.memory_space<vmem>> -> memref<1x80x128xf32, #tpu.memory_space<vmem>>
    %dma_wait3A_472 = tpu.memref_squeeze %dma_wait3A_471 : memref<1x80x128xf32, #tpu.memory_space<vmem>> -> memref<80x128xf32, #tpu.memory_space<vmem>>
    %dma_wait3A_473 = arith.constant 0 : i32
    %dma_wait3A_474 = tpu.memref_slice %arg4[%add3A_461, %dma_wait3A_473] : memref<320000x128xf32, #tpu.memory_space<hbm>> -> memref<80x128xf32, #tpu.memory_space<hbm>>
    tpu.wait_dma2 semaphore(%arg12 : memref<!tpu.dma_semaphore, #tpu.memory_space<semaphore_mem>>) src(%dma_wait3A_474 : memref<80x128xf32, #tpu.memory_space<hbm>>) dst(%dma_wait3A_472 : memref<80x128xf32, #tpu.memory_space<vmem>>)
    %run_scoped3A_475 = arith.constant 0 : i32
    %run_scoped3A_476 = arith.constant 120 : i32
    "tpu.region"() ({
      %run_scoped3A_795 = tpu.sem_alloc : memref<!tpu.dma_semaphore, #tpu.memory_space<semaphore_mem>>
      %dma_start3A_796 = arith.constant 0 : i32
      %dma_start3A_797 = arith.constant 0 : i32
      %dma_start3A_798 = tpu.memref_slice %arg10[%run_scoped3A_475, %dma_start3A_796, %dma_start3A_797] : memref<3x80x128xf32, #tpu.memory_space<vmem>> -> memref<1x80x128xf32, #tpu.memory_space<vmem>>
      %dma_start3A_799 = tpu.memref_squeeze %dma_start3A_798 : memref<1x80x128xf32, #tpu.memory_space<vmem>> -> memref<80x128xf32, #tpu.memory_space<vmem>>
      %dma_start3A_800 = arith.constant 0 : i32
      %dma_start3A_801 = tpu.memref_slice %arg9[%run_scoped3A_476, %dma_start3A_800] : memref<125x80xi32, #tpu.memory_space<vmem>> -> memref<1x80xi32, #tpu.memory_space<vmem>>
      %dma_start3A_802 = tpu.memref_squeeze %dma_start3A_801 : memref<1x80xi32, #tpu.memory_space<vmem>> -> memref<80xi32, #tpu.memory_space<vmem>>
      %dma_start3A_803 = arith.constant 0 : i32
      %dma_start3A_804 = arith.constant 0 : i32
      %dma_start3A_805 = tpu.memref_slice %arg11[%dma_start3A_803, %dma_start3A_804] : memref<10000x128xf32, #tpu.memory_space<vmem_shared>> -> memref<10000x128xf32, #tpu.memory_space<vmem_shared>>
      tpu.enqueue_indirect_dma source(%dma_start3A_799 : memref<80x128xf32, #tpu.memory_space<vmem>>) target(%dma_start3A_805 : memref<10000x128xf32, #tpu.memory_space<vmem_shared>>) offsets(%dma_start3A_802 : memref<80xi32, #tpu.memory_space<vmem>>) semaphore(%run_scoped3A_795 : memref<!tpu.dma_semaphore, #tpu.memory_space<semaphore_mem>>) {add = true}
      %dma_wait3A_806 = arith.constant 0 : i32
      %dma_wait3A_807 = arith.constant 0 : i32
      %dma_wait3A_808 = tpu.memref_slice %arg10[%run_scoped3A_475, %dma_wait3A_806, %dma_wait3A_807] : memref<3x80x128xf32, #tpu.memory_space<vmem>> -> memref<1x80x128xf32, #tpu.memory_space<vmem>>
      %dma_wait3A_809 = tpu.memref_squeeze %dma_wait3A_808 : memref<1x80x128xf32, #tpu.memory_space<vmem>> -> memref<80x128xf32, #tpu.memory_space<vmem>>
      %dma_wait3A_810 = arith.constant 0 : i32
      %dma_wait3A_811 = tpu.memref_slice %arg9[%run_scoped3A_476, %dma_wait3A_810] : memref<125x80xi32, #tpu.memory_space<vmem>> -> memref<1x80xi32, #tpu.memory_space<vmem>>
      %dma_wait3A_812 = tpu.memref_squeeze %dma_wait3A_811 : memref<1x80xi32, #tpu.memory_space<vmem>> -> memref<80xi32, #tpu.memory_space<vmem>>
      %dma_wait3A_813 = arith.constant 0 : i32
      %dma_wait3A_814 = arith.constant 0 : i32
      %dma_wait3A_815 = tpu.memref_slice %arg11[%dma_wait3A_813, %dma_wait3A_814] : memref<10000x128xf32, #tpu.memory_space<vmem_shared>> -> memref<10000x128xf32, #tpu.memory_space<vmem_shared>>
      tpu.wait_indirect_dma semaphore(%run_scoped3A_795 : memref<!tpu.dma_semaphore, #tpu.memory_space<semaphore_mem>>) src(%dma_wait3A_809 : memref<80x128xf32, #tpu.memory_space<vmem>>) dst(%dma_wait3A_815 : memref<10000x128xf32, #tpu.memory_space<vmem_shared>>)
      tpu.yield
    }) : () -> ()
    %mul3A_477 = arith.constant 10000 : i32
    %mul3A_478 = arith.muli %add3A, %mul3A_477 : i32
    %add3A_479 = arith.constant 9840 : i32
    %add3A_480 = arith.addi %mul3A_478, %add3A_479 : i32
    %dma_start3A_481 = arith.constant 0 : i32
    %dma_start3A_482 = arith.constant 0 : i32
    %dma_start3A_483 = arith.constant 0 : i32
    %dma_start3A_484 = tpu.memref_slice %arg10[%dma_start3A_481, %dma_start3A_482, %dma_start3A_483] : memref<3x80x128xf32, #tpu.memory_space<vmem>> -> memref<1x80x128xf32, #tpu.memory_space<vmem>>
    %dma_start3A_485 = tpu.memref_squeeze %dma_start3A_484 : memref<1x80x128xf32, #tpu.memory_space<vmem>> -> memref<80x128xf32, #tpu.memory_space<vmem>>
    %dma_start3A_486 = arith.constant 0 : i32
    %dma_start3A_487 = tpu.memref_slice %arg4[%add3A_480, %dma_start3A_486] : memref<320000x128xf32, #tpu.memory_space<hbm>> -> memref<80x128xf32, #tpu.memory_space<hbm>>
    %dma_start3A_488 = arith.constant 0 : i32
    %dma_start3A_489 = arith.constant 0 : i32
    %dma_start3A_490 = tpu.memref_slice %arg10[%dma_start3A_481, %dma_start3A_488, %dma_start3A_489] : memref<3x80x128xf32, #tpu.memory_space<vmem>> -> memref<1x80x128xf32, #tpu.memory_space<vmem>>
    %dma_start3A_491 = tpu.memref_squeeze %dma_start3A_490 : memref<1x80x128xf32, #tpu.memory_space<vmem>> -> memref<80x128xf32, #tpu.memory_space<vmem>>
    %dma_start3A_492 = arith.constant 0 : i32
    %dma_start3A_493 = tpu.memref_slice %arg4[%add3A_480, %dma_start3A_492] : memref<320000x128xf32, #tpu.memory_space<hbm>> -> memref<80x128xf32, #tpu.memory_space<hbm>>
    tpu.enqueue_dma source(%dma_start3A_493 : memref<80x128xf32, #tpu.memory_space<hbm>>) target(%dma_start3A_491 : memref<80x128xf32, #tpu.memory_space<vmem>>) target_semaphore(%arg12 : memref<!tpu.dma_semaphore, #tpu.memory_space<semaphore_mem>>)
    %mul3A_494 = arith.constant 10000 : i32
    %mul3A_495 = arith.muli %add3A, %mul3A_494 : i32
    %add3A_496 = arith.constant 9680 : i32
    %add3A_497 = arith.addi %mul3A_495, %add3A_496 : i32
    %dma_wait3A_498 = arith.constant 1 : i32
    %dma_wait3A_499 = arith.constant 0 : i32
    %dma_wait3A_500 = arith.constant 0 : i32
    %dma_wait3A_501 = tpu.memref_slice %arg10[%dma_wait3A_498, %dma_wait3A_499, %dma_wait3A_500] : memref<3x80x128xf32, #tpu.memory_space<vmem>> -> memref<1x80x128xf32, #tpu.memory_space<vmem>>
    %dma_wait3A_502 = tpu.memref_squeeze %dma_wait3A_501 : memref<1x80x128xf32, #tpu.memory_space<vmem>> -> memref<80x128xf32, #tpu.memory_space<vmem>>
    %dma_wait3A_503 = arith.constant 0 : i32
    %dma_wait3A_504 = tpu.memref_slice %arg4[%add3A_497, %dma_wait3A_503] : memref<320000x128xf32, #tpu.memory_space<hbm>> -> memref<80x128xf32, #tpu.memory_space<hbm>>
    %dma_wait3A_505 = arith.constant 0 : i32
    %dma_wait3A_506 = arith.constant 0 : i32
    %dma_wait3A_507 = tpu.memref_slice %arg10[%dma_wait3A_498, %dma_wait3A_505, %dma_wait3A_506] : memref<3x80x128xf32, #tpu.memory_space<vmem>> -> memref<1x80x128xf32, #tpu.memory_space<vmem>>
    %dma_wait3A_508 = tpu.memref_squeeze %dma_wait3A_507 : memref<1x80x128xf32, #tpu.memory_space<vmem>> -> memref<80x128xf32, #tpu.memory_space<vmem>>
    %dma_wait3A_509 = arith.constant 0 : i32
    %dma_wait3A_510 = tpu.memref_slice %arg4[%add3A_497, %dma_wait3A_509] : memref<320000x128xf32, #tpu.memory_space<hbm>> -> memref<80x128xf32, #tpu.memory_space<hbm>>
    tpu.wait_dma2 semaphore(%arg13 : memref<!tpu.dma_semaphore, #tpu.memory_space<semaphore_mem>>) src(%dma_wait3A_510 : memref<80x128xf32, #tpu.memory_space<hbm>>) dst(%dma_wait3A_508 : memref<80x128xf32, #tpu.memory_space<vmem>>)
    %run_scoped3A_511 = arith.constant 1 : i32
    %run_scoped3A_512 = arith.constant 121 : i32
    "tpu.region"() ({
      %run_scoped3A_795 = tpu.sem_alloc : memref<!tpu.dma_semaphore, #tpu.memory_space<semaphore_mem>>
      %dma_start3A_796 = arith.constant 0 : i32
      %dma_start3A_797 = arith.constant 0 : i32
      %dma_start3A_798 = tpu.memref_slice %arg10[%run_scoped3A_511, %dma_start3A_796, %dma_start3A_797] : memref<3x80x128xf32, #tpu.memory_space<vmem>> -> memref<1x80x128xf32, #tpu.memory_space<vmem>>
      %dma_start3A_799 = tpu.memref_squeeze %dma_start3A_798 : memref<1x80x128xf32, #tpu.memory_space<vmem>> -> memref<80x128xf32, #tpu.memory_space<vmem>>
      %dma_start3A_800 = arith.constant 0 : i32
      %dma_start3A_801 = tpu.memref_slice %arg9[%run_scoped3A_512, %dma_start3A_800] : memref<125x80xi32, #tpu.memory_space<vmem>> -> memref<1x80xi32, #tpu.memory_space<vmem>>
      %dma_start3A_802 = tpu.memref_squeeze %dma_start3A_801 : memref<1x80xi32, #tpu.memory_space<vmem>> -> memref<80xi32, #tpu.memory_space<vmem>>
      %dma_start3A_803 = arith.constant 0 : i32
      %dma_start3A_804 = arith.constant 0 : i32
      %dma_start3A_805 = tpu.memref_slice %arg11[%dma_start3A_803, %dma_start3A_804] : memref<10000x128xf32, #tpu.memory_space<vmem_shared>> -> memref<10000x128xf32, #tpu.memory_space<vmem_shared>>
      tpu.enqueue_indirect_dma source(%dma_start3A_799 : memref<80x128xf32, #tpu.memory_space<vmem>>) target(%dma_start3A_805 : memref<10000x128xf32, #tpu.memory_space<vmem_shared>>) offsets(%dma_start3A_802 : memref<80xi32, #tpu.memory_space<vmem>>) semaphore(%run_scoped3A_795 : memref<!tpu.dma_semaphore, #tpu.memory_space<semaphore_mem>>) {add = true}
      %dma_wait3A_806 = arith.constant 0 : i32
      %dma_wait3A_807 = arith.constant 0 : i32
      %dma_wait3A_808 = tpu.memref_slice %arg10[%run_scoped3A_511, %dma_wait3A_806, %dma_wait3A_807] : memref<3x80x128xf32, #tpu.memory_space<vmem>> -> memref<1x80x128xf32, #tpu.memory_space<vmem>>
      %dma_wait3A_809 = tpu.memref_squeeze %dma_wait3A_808 : memref<1x80x128xf32, #tpu.memory_space<vmem>> -> memref<80x128xf32, #tpu.memory_space<vmem>>
      %dma_wait3A_810 = arith.constant 0 : i32
      %dma_wait3A_811 = tpu.memref_slice %arg9[%run_scoped3A_512, %dma_wait3A_810] : memref<125x80xi32, #tpu.memory_space<vmem>> -> memref<1x80xi32, #tpu.memory_space<vmem>>
      %dma_wait3A_812 = tpu.memref_squeeze %dma_wait3A_811 : memref<1x80xi32, #tpu.memory_space<vmem>> -> memref<80xi32, #tpu.memory_space<vmem>>
      %dma_wait3A_813 = arith.constant 0 : i32
      %dma_wait3A_814 = arith.constant 0 : i32
      %dma_wait3A_815 = tpu.memref_slice %arg11[%dma_wait3A_813, %dma_wait3A_814] : memref<10000x128xf32, #tpu.memory_space<vmem_shared>> -> memref<10000x128xf32, #tpu.memory_space<vmem_shared>>
      tpu.wait_indirect_dma semaphore(%run_scoped3A_795 : memref<!tpu.dma_semaphore, #tpu.memory_space<semaphore_mem>>) src(%dma_wait3A_809 : memref<80x128xf32, #tpu.memory_space<vmem>>) dst(%dma_wait3A_815 : memref<10000x128xf32, #tpu.memory_space<vmem_shared>>)
      tpu.yield
    }) : () -> ()
    %mul3A_513 = arith.constant 10000 : i32
    %mul3A_514 = arith.muli %add3A, %mul3A_513 : i32
    %add3A_515 = arith.constant 9920 : i32
    %add3A_516 = arith.addi %mul3A_514, %add3A_515 : i32
    %dma_start3A_517 = arith.constant 1 : i32
    %dma_start3A_518 = arith.constant 0 : i32
    %dma_start3A_519 = arith.constant 0 : i32
    %dma_start3A_520 = tpu.memref_slice %arg10[%dma_start3A_517, %dma_start3A_518, %dma_start3A_519] : memref<3x80x128xf32, #tpu.memory_space<vmem>> -> memref<1x80x128xf32, #tpu.memory_space<vmem>>
    %dma_start3A_521 = tpu.memref_squeeze %dma_start3A_520 : memref<1x80x128xf32, #tpu.memory_space<vmem>> -> memref<80x128xf32, #tpu.memory_space<vmem>>
    %dma_start3A_522 = arith.constant 0 : i32
    %dma_start3A_523 = tpu.memref_slice %arg4[%add3A_516, %dma_start3A_522] : memref<320000x128xf32, #tpu.memory_space<hbm>> -> memref<80x128xf32, #tpu.memory_space<hbm>>
    %dma_start3A_524 = arith.constant 0 : i32
    %dma_start3A_525 = arith.constant 0 : i32
    %dma_start3A_526 = tpu.memref_slice %arg10[%dma_start3A_517, %dma_start3A_524, %dma_start3A_525] : memref<3x80x128xf32, #tpu.memory_space<vmem>> -> memref<1x80x128xf32, #tpu.memory_space<vmem>>
    %dma_start3A_527 = tpu.memref_squeeze %dma_start3A_526 : memref<1x80x128xf32, #tpu.memory_space<vmem>> -> memref<80x128xf32, #tpu.memory_space<vmem>>
    %dma_start3A_528 = arith.constant 0 : i32
    %dma_start3A_529 = tpu.memref_slice %arg4[%add3A_516, %dma_start3A_528] : memref<320000x128xf32, #tpu.memory_space<hbm>> -> memref<80x128xf32, #tpu.memory_space<hbm>>
    tpu.enqueue_dma source(%dma_start3A_529 : memref<80x128xf32, #tpu.memory_space<hbm>>) target(%dma_start3A_527 : memref<80x128xf32, #tpu.memory_space<vmem>>) target_semaphore(%arg13 : memref<!tpu.dma_semaphore, #tpu.memory_space<semaphore_mem>>)
    %mul3A_530 = arith.constant 10000 : i32
    %mul3A_531 = arith.muli %add3A, %mul3A_530 : i32
    %add3A_532 = arith.constant 9760 : i32
    %add3A_533 = arith.addi %mul3A_531, %add3A_532 : i32
    %dma_wait3A_534 = arith.constant 2 : i32
    %dma_wait3A_535 = arith.constant 0 : i32
    %dma_wait3A_536 = arith.constant 0 : i32
    %dma_wait3A_537 = tpu.memref_slice %arg10[%dma_wait3A_534, %dma_wait3A_535, %dma_wait3A_536] : memref<3x80x128xf32, #tpu.memory_space<vmem>> -> memref<1x80x128xf32, #tpu.memory_space<vmem>>
    %dma_wait3A_538 = tpu.memref_squeeze %dma_wait3A_537 : memref<1x80x128xf32, #tpu.memory_space<vmem>> -> memref<80x128xf32, #tpu.memory_space<vmem>>
    %dma_wait3A_539 = arith.constant 0 : i32
    %dma_wait3A_540 = tpu.memref_slice %arg4[%add3A_533, %dma_wait3A_539] : memref<320000x128xf32, #tpu.memory_space<hbm>> -> memref<80x128xf32, #tpu.memory_space<hbm>>
    %dma_wait3A_541 = arith.constant 0 : i32
    %dma_wait3A_542 = arith.constant 0 : i32
    %dma_wait3A_543 = tpu.memref_slice %arg10[%dma_wait3A_534, %dma_wait3A_541, %dma_wait3A_542] : memref<3x80x128xf32, #tpu.memory_space<vmem>> -> memref<1x80x128xf32, #tpu.memory_space<vmem>>
    %dma_wait3A_544 = tpu.memref_squeeze %dma_wait3A_543 : memref<1x80x128xf32, #tpu.memory_space<vmem>> -> memref<80x128xf32, #tpu.memory_space<vmem>>
    %dma_wait3A_545 = arith.constant 0 : i32
    %dma_wait3A_546 = tpu.memref_slice %arg4[%add3A_533, %dma_wait3A_545] : memref<320000x128xf32, #tpu.memory_space<hbm>> -> memref<80x128xf32, #tpu.memory_space<hbm>>
    tpu.wait_dma2 semaphore(%arg14 : memref<!tpu.dma_semaphore, #tpu.memory_space<semaphore_mem>>) src(%dma_wait3A_546 : memref<80x128xf32, #tpu.memory_space<hbm>>) dst(%dma_wait3A_544 : memref<80x128xf32, #tpu.memory_space<vmem>>)
    %run_scoped3A_547 = arith.constant 2 : i32
    %run_scoped3A_548 = arith.constant 122 : i32
    "tpu.region"() ({
      %run_scoped3A_795 = tpu.sem_alloc : memref<!tpu.dma_semaphore, #tpu.memory_space<semaphore_mem>>
      %dma_start3A_796 = arith.constant 0 : i32
      %dma_start3A_797 = arith.constant 0 : i32
      %dma_start3A_798 = tpu.memref_slice %arg10[%run_scoped3A_547, %dma_start3A_796, %dma_start3A_797] : memref<3x80x128xf32, #tpu.memory_space<vmem>> -> memref<1x80x128xf32, #tpu.memory_space<vmem>>
      %dma_start3A_799 = tpu.memref_squeeze %dma_start3A_798 : memref<1x80x128xf32, #tpu.memory_space<vmem>> -> memref<80x128xf32, #tpu.memory_space<vmem>>
      %dma_start3A_800 = arith.constant 0 : i32
      %dma_start3A_801 = tpu.memref_slice %arg9[%run_scoped3A_548, %dma_start3A_800] : memref<125x80xi32, #tpu.memory_space<vmem>> -> memref<1x80xi32, #tpu.memory_space<vmem>>
      %dma_start3A_802 = tpu.memref_squeeze %dma_start3A_801 : memref<1x80xi32, #tpu.memory_space<vmem>> -> memref<80xi32, #tpu.memory_space<vmem>>
      %dma_start3A_803 = arith.constant 0 : i32
      %dma_start3A_804 = arith.constant 0 : i32
      %dma_start3A_805 = tpu.memref_slice %arg11[%dma_start3A_803, %dma_start3A_804] : memref<10000x128xf32, #tpu.memory_space<vmem_shared>> -> memref<10000x128xf32, #tpu.memory_space<vmem_shared>>
      tpu.enqueue_indirect_dma source(%dma_start3A_799 : memref<80x128xf32, #tpu.memory_space<vmem>>) target(%dma_start3A_805 : memref<10000x128xf32, #tpu.memory_space<vmem_shared>>) offsets(%dma_start3A_802 : memref<80xi32, #tpu.memory_space<vmem>>) semaphore(%run_scoped3A_795 : memref<!tpu.dma_semaphore, #tpu.memory_space<semaphore_mem>>) {add = true}
      %dma_wait3A_806 = arith.constant 0 : i32
      %dma_wait3A_807 = arith.constant 0 : i32
      %dma_wait3A_808 = tpu.memref_slice %arg10[%run_scoped3A_547, %dma_wait3A_806, %dma_wait3A_807] : memref<3x80x128xf32, #tpu.memory_space<vmem>> -> memref<1x80x128xf32, #tpu.memory_space<vmem>>
      %dma_wait3A_809 = tpu.memref_squeeze %dma_wait3A_808 : memref<1x80x128xf32, #tpu.memory_space<vmem>> -> memref<80x128xf32, #tpu.memory_space<vmem>>
      %dma_wait3A_810 = arith.constant 0 : i32
      %dma_wait3A_811 = tpu.memref_slice %arg9[%run_scoped3A_548, %dma_wait3A_810] : memref<125x80xi32, #tpu.memory_space<vmem>> -> memref<1x80xi32, #tpu.memory_space<vmem>>
      %dma_wait3A_812 = tpu.memref_squeeze %dma_wait3A_811 : memref<1x80xi32, #tpu.memory_space<vmem>> -> memref<80xi32, #tpu.memory_space<vmem>>
      %dma_wait3A_813 = arith.constant 0 : i32
      %dma_wait3A_814 = arith.constant 0 : i32
      %dma_wait3A_815 = tpu.memref_slice %arg11[%dma_wait3A_813, %dma_wait3A_814] : memref<10000x128xf32, #tpu.memory_space<vmem_shared>> -> memref<10000x128xf32, #tpu.memory_space<vmem_shared>>
      tpu.wait_indirect_dma semaphore(%run_scoped3A_795 : memref<!tpu.dma_semaphore, #tpu.memory_space<semaphore_mem>>) src(%dma_wait3A_809 : memref<80x128xf32, #tpu.memory_space<vmem>>) dst(%dma_wait3A_815 : memref<10000x128xf32, #tpu.memory_space<vmem_shared>>)
      tpu.yield
    }) : () -> ()
    %mul3A_549 = arith.constant 10000 : i32
    %mul3A_550 = arith.muli %add3A, %mul3A_549 : i32
    %add3A_551 = arith.constant 9840 : i32
    %add3A_552 = arith.addi %mul3A_550, %add3A_551 : i32
    %dma_wait3A_553 = arith.constant 0 : i32
    %dma_wait3A_554 = arith.constant 0 : i32
    %dma_wait3A_555 = arith.constant 0 : i32
    %dma_wait3A_556 = tpu.memref_slice %arg10[%dma_wait3A_553, %dma_wait3A_554, %dma_wait3A_555] : memref<3x80x128xf32, #tpu.memory_space<vmem>> -> memref<1x80x128xf32, #tpu.memory_space<vmem>>
    %dma_wait3A_557 = tpu.memref_squeeze %dma_wait3A_556 : memref<1x80x128xf32, #tpu.memory_space<vmem>> -> memref<80x128xf32, #tpu.memory_space<vmem>>
    %dma_wait3A_558 = arith.constant 0 : i32
    %dma_wait3A_559 = tpu.memref_slice %arg4[%add3A_552, %dma_wait3A_558] : memref<320000x128xf32, #tpu.memory_space<hbm>> -> memref<80x128xf32, #tpu.memory_space<hbm>>
    %dma_wait3A_560 = arith.constant 0 : i32
    %dma_wait3A_561 = arith.constant 0 : i32
    %dma_wait3A_562 = tpu.memref_slice %arg10[%dma_wait3A_553, %dma_wait3A_560, %dma_wait3A_561] : memref<3x80x128xf32, #tpu.memory_space<vmem>> -> memref<1x80x128xf32, #tpu.memory_space<vmem>>
    %dma_wait3A_563 = tpu.memref_squeeze %dma_wait3A_562 : memref<1x80x128xf32, #tpu.memory_space<vmem>> -> memref<80x128xf32, #tpu.memory_space<vmem>>
    %dma_wait3A_564 = arith.constant 0 : i32
    %dma_wait3A_565 = tpu.memref_slice %arg4[%add3A_552, %dma_wait3A_564] : memref<320000x128xf32, #tpu.memory_space<hbm>> -> memref<80x128xf32, #tpu.memory_space<hbm>>
    tpu.wait_dma2 semaphore(%arg12 : memref<!tpu.dma_semaphore, #tpu.memory_space<semaphore_mem>>) src(%dma_wait3A_565 : memref<80x128xf32, #tpu.memory_space<hbm>>) dst(%dma_wait3A_563 : memref<80x128xf32, #tpu.memory_space<vmem>>)
    %run_scoped3A_566 = arith.constant 0 : i32
    %run_scoped3A_567 = arith.constant 123 : i32
    "tpu.region"() ({
      %run_scoped3A_795 = tpu.sem_alloc : memref<!tpu.dma_semaphore, #tpu.memory_space<semaphore_mem>>
      %dma_start3A_796 = arith.constant 0 : i32
      %dma_start3A_797 = arith.constant 0 : i32
      %dma_start3A_798 = tpu.memref_slice %arg10[%run_scoped3A_566, %dma_start3A_796, %dma_start3A_797] : memref<3x80x128xf32, #tpu.memory_space<vmem>> -> memref<1x80x128xf32, #tpu.memory_space<vmem>>
      %dma_start3A_799 = tpu.memref_squeeze %dma_start3A_798 : memref<1x80x128xf32, #tpu.memory_space<vmem>> -> memref<80x128xf32, #tpu.memory_space<vmem>>
      %dma_start3A_800 = arith.constant 0 : i32
      %dma_start3A_801 = tpu.memref_slice %arg9[%run_scoped3A_567, %dma_start3A_800] : memref<125x80xi32, #tpu.memory_space<vmem>> -> memref<1x80xi32, #tpu.memory_space<vmem>>
      %dma_start3A_802 = tpu.memref_squeeze %dma_start3A_801 : memref<1x80xi32, #tpu.memory_space<vmem>> -> memref<80xi32, #tpu.memory_space<vmem>>
      %dma_start3A_803 = arith.constant 0 : i32
      %dma_start3A_804 = arith.constant 0 : i32
      %dma_start3A_805 = tpu.memref_slice %arg11[%dma_start3A_803, %dma_start3A_804] : memref<10000x128xf32, #tpu.memory_space<vmem_shared>> -> memref<10000x128xf32, #tpu.memory_space<vmem_shared>>
      tpu.enqueue_indirect_dma source(%dma_start3A_799 : memref<80x128xf32, #tpu.memory_space<vmem>>) target(%dma_start3A_805 : memref<10000x128xf32, #tpu.memory_space<vmem_shared>>) offsets(%dma_start3A_802 : memref<80xi32, #tpu.memory_space<vmem>>) semaphore(%run_scoped3A_795 : memref<!tpu.dma_semaphore, #tpu.memory_space<semaphore_mem>>) {add = true}
      %dma_wait3A_806 = arith.constant 0 : i32
      %dma_wait3A_807 = arith.constant 0 : i32
      %dma_wait3A_808 = tpu.memref_slice %arg10[%run_scoped3A_566, %dma_wait3A_806, %dma_wait3A_807] : memref<3x80x128xf32, #tpu.memory_space<vmem>> -> memref<1x80x128xf32, #tpu.memory_space<vmem>>
      %dma_wait3A_809 = tpu.memref_squeeze %dma_wait3A_808 : memref<1x80x128xf32, #tpu.memory_space<vmem>> -> memref<80x128xf32, #tpu.memory_space<vmem>>
      %dma_wait3A_810 = arith.constant 0 : i32
      %dma_wait3A_811 = tpu.memref_slice %arg9[%run_scoped3A_567, %dma_wait3A_810] : memref<125x80xi32, #tpu.memory_space<vmem>> -> memref<1x80xi32, #tpu.memory_space<vmem>>
      %dma_wait3A_812 = tpu.memref_squeeze %dma_wait3A_811 : memref<1x80xi32, #tpu.memory_space<vmem>> -> memref<80xi32, #tpu.memory_space<vmem>>
      %dma_wait3A_813 = arith.constant 0 : i32
      %dma_wait3A_814 = arith.constant 0 : i32
      %dma_wait3A_815 = tpu.memref_slice %arg11[%dma_wait3A_813, %dma_wait3A_814] : memref<10000x128xf32, #tpu.memory_space<vmem_shared>> -> memref<10000x128xf32, #tpu.memory_space<vmem_shared>>
      tpu.wait_indirect_dma semaphore(%run_scoped3A_795 : memref<!tpu.dma_semaphore, #tpu.memory_space<semaphore_mem>>) src(%dma_wait3A_809 : memref<80x128xf32, #tpu.memory_space<vmem>>) dst(%dma_wait3A_815 : memref<10000x128xf32, #tpu.memory_space<vmem_shared>>)
      tpu.yield
    }) : () -> ()
    %mul3A_568 = arith.constant 10000 : i32
    %mul3A_569 = arith.muli %add3A, %mul3A_568 : i32
    %add3A_570 = arith.constant 9920 : i32
    %add3A_571 = arith.addi %mul3A_569, %add3A_570 : i32
    %dma_wait3A_572 = arith.constant 1 : i32
    %dma_wait3A_573 = arith.constant 0 : i32
    %dma_wait3A_574 = arith.constant 0 : i32
    %dma_wait3A_575 = tpu.memref_slice %arg10[%dma_wait3A_572, %dma_wait3A_573, %dma_wait3A_574] : memref<3x80x128xf32, #tpu.memory_space<vmem>> -> memref<1x80x128xf32, #tpu.memory_space<vmem>>
    %dma_wait3A_576 = tpu.memref_squeeze %dma_wait3A_575 : memref<1x80x128xf32, #tpu.memory_space<vmem>> -> memref<80x128xf32, #tpu.memory_space<vmem>>
    %dma_wait3A_577 = arith.constant 0 : i32
    %dma_wait3A_578 = tpu.memref_slice %arg4[%add3A_571, %dma_wait3A_577] : memref<320000x128xf32, #tpu.memory_space<hbm>> -> memref<80x128xf32, #tpu.memory_space<hbm>>
    %dma_wait3A_579 = arith.constant 0 : i32
    %dma_wait3A_580 = arith.constant 0 : i32
    %dma_wait3A_581 = tpu.memref_slice %arg10[%dma_wait3A_572, %dma_wait3A_579, %dma_wait3A_580] : memref<3x80x128xf32, #tpu.memory_space<vmem>> -> memref<1x80x128xf32, #tpu.memory_space<vmem>>
    %dma_wait3A_582 = tpu.memref_squeeze %dma_wait3A_581 : memref<1x80x128xf32, #tpu.memory_space<vmem>> -> memref<80x128xf32, #tpu.memory_space<vmem>>
    %dma_wait3A_583 = arith.constant 0 : i32
    %dma_wait3A_584 = tpu.memref_slice %arg4[%add3A_571, %dma_wait3A_583] : memref<320000x128xf32, #tpu.memory_space<hbm>> -> memref<80x128xf32, #tpu.memory_space<hbm>>
    tpu.wait_dma2 semaphore(%arg13 : memref<!tpu.dma_semaphore, #tpu.memory_space<semaphore_mem>>) src(%dma_wait3A_584 : memref<80x128xf32, #tpu.memory_space<hbm>>) dst(%dma_wait3A_582 : memref<80x128xf32, #tpu.memory_space<vmem>>)
    %run_scoped3A_585 = arith.constant 1 : i32
    %run_scoped3A_586 = arith.constant 124 : i32
    "tpu.region"() ({
      %run_scoped3A_795 = tpu.sem_alloc : memref<!tpu.dma_semaphore, #tpu.memory_space<semaphore_mem>>
      %dma_start3A_796 = arith.constant 0 : i32
      %dma_start3A_797 = arith.constant 0 : i32
      %dma_start3A_798 = tpu.memref_slice %arg10[%run_scoped3A_585, %dma_start3A_796, %dma_start3A_797] : memref<3x80x128xf32, #tpu.memory_space<vmem>> -> memref<1x80x128xf32, #tpu.memory_space<vmem>>
      %dma_start3A_799 = tpu.memref_squeeze %dma_start3A_798 : memref<1x80x128xf32, #tpu.memory_space<vmem>> -> memref<80x128xf32, #tpu.memory_space<vmem>>
      %dma_start3A_800 = arith.constant 0 : i32
      %dma_start3A_801 = tpu.memref_slice %arg9[%run_scoped3A_586, %dma_start3A_800] : memref<125x80xi32, #tpu.memory_space<vmem>> -> memref<1x80xi32, #tpu.memory_space<vmem>>
      %dma_start3A_802 = tpu.memref_squeeze %dma_start3A_801 : memref<1x80xi32, #tpu.memory_space<vmem>> -> memref<80xi32, #tpu.memory_space<vmem>>
      %dma_start3A_803 = arith.constant 0 : i32
      %dma_start3A_804 = arith.constant 0 : i32
      %dma_start3A_805 = tpu.memref_slice %arg11[%dma_start3A_803, %dma_start3A_804] : memref<10000x128xf32, #tpu.memory_space<vmem_shared>> -> memref<10000x128xf32, #tpu.memory_space<vmem_shared>>
      tpu.enqueue_indirect_dma source(%dma_start3A_799 : memref<80x128xf32, #tpu.memory_space<vmem>>) target(%dma_start3A_805 : memref<10000x128xf32, #tpu.memory_space<vmem_shared>>) offsets(%dma_start3A_802 : memref<80xi32, #tpu.memory_space<vmem>>) semaphore(%run_scoped3A_795 : memref<!tpu.dma_semaphore, #tpu.memory_space<semaphore_mem>>) {add = true}
      %dma_wait3A_806 = arith.constant 0 : i32
      %dma_wait3A_807 = arith.constant 0 : i32
      %dma_wait3A_808 = tpu.memref_slice %arg10[%run_scoped3A_585, %dma_wait3A_806, %dma_wait3A_807] : memref<3x80x128xf32, #tpu.memory_space<vmem>> -> memref<1x80x128xf32, #tpu.memory_space<vmem>>
      %dma_wait3A_809 = tpu.memref_squeeze %dma_wait3A_808 : memref<1x80x128xf32, #tpu.memory_space<vmem>> -> memref<80x128xf32, #tpu.memory_space<vmem>>
      %dma_wait3A_810 = arith.constant 0 : i32
      %dma_wait3A_811 = tpu.memref_slice %arg9[%run_scoped3A_586, %dma_wait3A_810] : memref<125x80xi32, #tpu.memory_space<vmem>> -> memref<1x80xi32, #tpu.memory_space<vmem>>
      %dma_wait3A_812 = tpu.memref_squeeze %dma_wait3A_811 : memref<1x80xi32, #tpu.memory_space<vmem>> -> memref<80xi32, #tpu.memory_space<vmem>>
      %dma_wait3A_813 = arith.constant 0 : i32
      %dma_wait3A_814 = arith.constant 0 : i32
      %dma_wait3A_815 = tpu.memref_slice %arg11[%dma_wait3A_813, %dma_wait3A_814] : memref<10000x128xf32, #tpu.memory_space<vmem_shared>> -> memref<10000x128xf32, #tpu.memory_space<vmem_shared>>
      tpu.wait_indirect_dma semaphore(%run_scoped3A_795 : memref<!tpu.dma_semaphore, #tpu.memory_space<semaphore_mem>>) src(%dma_wait3A_809 : memref<80x128xf32, #tpu.memory_space<vmem>>) dst(%dma_wait3A_815 : memref<10000x128xf32, #tpu.memory_space<vmem_shared>>)
      tpu.yield
    }) : () -> ()
    %barrier3A_587 = arith.constant 0 : index
    tpu.barrier barrier_id(%barrier3A_587)
    %run_scoped3A_588 = arith.constant 2 : i32
    "tpu.region"() ({
      %run_scoped3A_795 = tpu.sem_alloc : memref<!tpu.dma_semaphore, #tpu.memory_space<semaphore_mem>>
      %dma_start3A_796 = arith.constant 0 : i32
      %dma_start3A_797 = arith.constant 0 : i32
      %dma_start3A_798 = tpu.memref_slice %arg8[%run_scoped3A_588, %arg0, %dma_start3A_796, %dma_start3A_797] : memref<4x2x10000x128xf32, #tpu.memory_space<hbm>> -> memref<1x1x10000x128xf32, #tpu.memory_space<hbm>>
      %dma_start3A_799 = tpu.memref_squeeze %dma_start3A_798 : memref<1x1x10000x128xf32, #tpu.memory_space<hbm>> -> memref<10000x128xf32, #tpu.memory_space<hbm>>
      %dma_start3A_800 = arith.constant 0 : i32
      %dma_start3A_801 = tpu.memref_slice %dma_start3A_799[%mul3A_2, %dma_start3A_800] : memref<10000x128xf32, #tpu.memory_space<hbm>> -> memref<624x128xf32, #tpu.memory_space<hbm>>
      %dma_start3A_802 = arith.constant 0 : i32
      %dma_start3A_803 = tpu.memref_slice %arg11[%mul3A_2, %dma_start3A_802] : memref<10000x128xf32, #tpu.memory_space<vmem_shared>> -> memref<624x128xf32, #tpu.memory_space<vmem_shared>>
      tpu.enqueue_dma source(%dma_start3A_803 : memref<624x128xf32, #tpu.memory_space<vmem_shared>>) target(%dma_start3A_801 : memref<624x128xf32, #tpu.memory_space<hbm>>) target_semaphore(%run_scoped3A_795 : memref<!tpu.dma_semaphore, #tpu.memory_space<semaphore_mem>>)
      %dma_wait3A_804 = arith.constant 0 : i32
      %dma_wait3A_805 = arith.constant 0 : i32
      %dma_wait3A_806 = tpu.memref_slice %arg8[%run_scoped3A_588, %arg0, %dma_wait3A_804, %dma_wait3A_805] : memref<4x2x10000x128xf32, #tpu.memory_space<hbm>> -> memref<1x1x10000x128xf32, #tpu.memory_space<hbm>>
      %dma_wait3A_807 = tpu.memref_squeeze %dma_wait3A_806 : memref<1x1x10000x128xf32, #tpu.memory_space<hbm>> -> memref<10000x128xf32, #tpu.memory_space<hbm>>
      %dma_wait3A_808 = arith.constant 0 : i32
      %dma_wait3A_809 = tpu.memref_slice %dma_wait3A_807[%mul3A_2, %dma_wait3A_808] : memref<10000x128xf32, #tpu.memory_space<hbm>> -> memref<624x128xf32, #tpu.memory_space<hbm>>
      %dma_wait3A_810 = arith.constant 0 : i32
      %dma_wait3A_811 = tpu.memref_slice %arg11[%mul3A_2, %dma_wait3A_810] : memref<10000x128xf32, #tpu.memory_space<vmem_shared>> -> memref<624x128xf32, #tpu.memory_space<vmem_shared>>
      tpu.wait_dma2 semaphore(%run_scoped3A_795 : memref<!tpu.dma_semaphore, #tpu.memory_space<semaphore_mem>>) src(%dma_wait3A_811 : memref<624x128xf32, #tpu.memory_space<vmem_shared>>) dst(%dma_wait3A_809 : memref<624x128xf32, #tpu.memory_space<hbm>>)
      tpu.yield
    }) : () -> ()
    %eq3A_589 = arith.constant 15 : i32
    %eq3A_590 = arith.cmpi eq, %arg1, %eq3A_589 : i32
    %convert_element_type3A_591 = arith.extui %eq3A_590 : i1 to i32
    %cond3A_592 = arith.constant 0 : i32
    %cond3A_593 = arith.cmpi ne, %convert_element_type3A_591, %cond3A_592 : i32
    scf.if %cond3A_593 {
      %run_scoped3A_795 = arith.constant 2 : i32
      "tpu.region"() ({
        %run_scoped3A_796 = tpu.sem_alloc : memref<!tpu.dma_semaphore, #tpu.memory_space<semaphore_mem>>
        %dma_start3A_797 = arith.constant 0 : i32
        %dma_start3A_798 = arith.constant 0 : i32
        %dma_start3A_799 = tpu.memref_slice %arg8[%run_scoped3A_795, %arg0, %dma_start3A_797, %dma_start3A_798] : memref<4x2x10000x128xf32, #tpu.memory_space<hbm>> -> memref<1x1x10000x128xf32, #tpu.memory_space<hbm>>
        %dma_start3A_800 = tpu.memref_squeeze %dma_start3A_799 : memref<1x1x10000x128xf32, #tpu.memory_space<hbm>> -> memref<10000x128xf32, #tpu.memory_space<hbm>>
        %dma_start3A_801 = arith.constant 9984 : i32
        %dma_start3A_802 = arith.constant 0 : i32
        %dma_start3A_803 = tpu.memref_slice %dma_start3A_800[%dma_start3A_801, %dma_start3A_802] : memref<10000x128xf32, #tpu.memory_space<hbm>> -> memref<16x128xf32, #tpu.memory_space<hbm>>
        %dma_start3A_804 = arith.constant 9984 : i32
        %dma_start3A_805 = arith.constant 0 : i32
        %dma_start3A_806 = tpu.memref_slice %arg11[%dma_start3A_804, %dma_start3A_805] : memref<10000x128xf32, #tpu.memory_space<vmem_shared>> -> memref<16x128xf32, #tpu.memory_space<vmem_shared>>
        tpu.enqueue_dma source(%dma_start3A_806 : memref<16x128xf32, #tpu.memory_space<vmem_shared>>) target(%dma_start3A_803 : memref<16x128xf32, #tpu.memory_space<hbm>>) target_semaphore(%run_scoped3A_796 : memref<!tpu.dma_semaphore, #tpu.memory_space<semaphore_mem>>)
        %dma_wait3A_807 = arith.constant 0 : i32
        %dma_wait3A_808 = arith.constant 0 : i32
        %dma_wait3A_809 = tpu.memref_slice %arg8[%run_scoped3A_795, %arg0, %dma_wait3A_807, %dma_wait3A_808] : memref<4x2x10000x128xf32, #tpu.memory_space<hbm>> -> memref<1x1x10000x128xf32, #tpu.memory_space<hbm>>
        %dma_wait3A_810 = tpu.memref_squeeze %dma_wait3A_809 : memref<1x1x10000x128xf32, #tpu.memory_space<hbm>> -> memref<10000x128xf32, #tpu.memory_space<hbm>>
        %dma_wait3A_811 = arith.constant 9984 : i32
        %dma_wait3A_812 = arith.constant 0 : i32
        %dma_wait3A_813 = tpu.memref_slice %dma_wait3A_810[%dma_wait3A_811, %dma_wait3A_812] : memref<10000x128xf32, #tpu.memory_space<hbm>> -> memref<16x128xf32, #tpu.memory_space<hbm>>
        %dma_wait3A_814 = arith.constant 9984 : i32
        %dma_wait3A_815 = arith.constant 0 : i32
        %dma_wait3A_816 = tpu.memref_slice %arg11[%dma_wait3A_814, %dma_wait3A_815] : memref<10000x128xf32, #tpu.memory_space<vmem_shared>> -> memref<16x128xf32, #tpu.memory_space<vmem_shared>>
        tpu.wait_dma2 semaphore(%run_scoped3A_796 : memref<!tpu.dma_semaphore, #tpu.memory_space<semaphore_mem>>) src(%dma_wait3A_816 : memref<16x128xf32, #tpu.memory_space<vmem_shared>>) dst(%dma_wait3A_813 : memref<16x128xf32, #tpu.memory_space<hbm>>)
        tpu.yield
      }) : () -> ()
    } else {
    }
    %barrier3A_594 = arith.constant 0 : index
    tpu.barrier barrier_id(%barrier3A_594)
    "tpu.region"() ({
      %run_scoped3A_795 = tpu.sem_alloc : memref<!tpu.dma_semaphore, #tpu.memory_space<semaphore_mem>>
      %dma_start3A_796 = arith.constant 0 : i32
      %dma_start3A_797 = tpu.memref_slice %arg11[%mul3A_2, %dma_start3A_796] : memref<10000x128xf32, #tpu.memory_space<vmem_shared>> -> memref<624x128xf32, #tpu.memory_space<vmem_shared>>
      %dma_start3A_798 = arith.constant 0 : i32
      %dma_start3A_799 = tpu.memref_slice %arg7[%mul3A_2, %dma_start3A_798] : memref<10000x128xf32, #tpu.memory_space<hbm>> -> memref<624x128xf32, #tpu.memory_space<hbm>>
      tpu.enqueue_dma source(%dma_start3A_799 : memref<624x128xf32, #tpu.memory_space<hbm>>) target(%dma_start3A_797 : memref<624x128xf32, #tpu.memory_space<vmem_shared>>) target_semaphore(%run_scoped3A_795 : memref<!tpu.dma_semaphore, #tpu.memory_space<semaphore_mem>>)
      %dma_wait3A_800 = arith.constant 0 : i32
      %dma_wait3A_801 = tpu.memref_slice %arg11[%mul3A_2, %dma_wait3A_800] : memref<10000x128xf32, #tpu.memory_space<vmem_shared>> -> memref<624x128xf32, #tpu.memory_space<vmem_shared>>
      %dma_wait3A_802 = arith.constant 0 : i32
      %dma_wait3A_803 = tpu.memref_slice %arg7[%mul3A_2, %dma_wait3A_802] : memref<10000x128xf32, #tpu.memory_space<hbm>> -> memref<624x128xf32, #tpu.memory_space<hbm>>
      tpu.wait_dma2 semaphore(%run_scoped3A_795 : memref<!tpu.dma_semaphore, #tpu.memory_space<semaphore_mem>>) src(%dma_wait3A_803 : memref<624x128xf32, #tpu.memory_space<hbm>>) dst(%dma_wait3A_801 : memref<624x128xf32, #tpu.memory_space<vmem_shared>>)
      tpu.yield
    }) : () -> ()
    %eq3A_595 = arith.constant 15 : i32
    %eq3A_596 = arith.cmpi eq, %arg1, %eq3A_595 : i32
    %convert_element_type3A_597 = arith.extui %eq3A_596 : i1 to i32
    %cond3A_598 = arith.constant 0 : i32
    %cond3A_599 = arith.cmpi ne, %convert_element_type3A_597, %cond3A_598 : i32
    scf.if %cond3A_599 {
      "tpu.region"() ({
        %run_scoped3A_795 = tpu.sem_alloc : memref<!tpu.dma_semaphore, #tpu.memory_space<semaphore_mem>>
        %dma_start3A_796 = arith.constant 9984 : i32
        %dma_start3A_797 = arith.constant 0 : i32
        %dma_start3A_798 = tpu.memref_slice %arg11[%dma_start3A_796, %dma_start3A_797] : memref<10000x128xf32, #tpu.memory_space<vmem_shared>> -> memref<16x128xf32, #tpu.memory_space<vmem_shared>>
        %dma_start3A_799 = arith.constant 9984 : i32
        %dma_start3A_800 = arith.constant 0 : i32
        %dma_start3A_801 = tpu.memref_slice %arg7[%dma_start3A_799, %dma_start3A_800] : memref<10000x128xf32, #tpu.memory_space<hbm>> -> memref<16x128xf32, #tpu.memory_space<hbm>>
        tpu.enqueue_dma source(%dma_start3A_801 : memref<16x128xf32, #tpu.memory_space<hbm>>) target(%dma_start3A_798 : memref<16x128xf32, #tpu.memory_space<vmem_shared>>) target_semaphore(%run_scoped3A_795 : memref<!tpu.dma_semaphore, #tpu.memory_space<semaphore_mem>>)
        %dma_wait3A_802 = arith.constant 9984 : i32
        %dma_wait3A_803 = arith.constant 0 : i32
        %dma_wait3A_804 = tpu.memref_slice %arg11[%dma_wait3A_802, %dma_wait3A_803] : memref<10000x128xf32, #tpu.memory_space<vmem_shared>> -> memref<16x128xf32, #tpu.memory_space<vmem_shared>>
        %dma_wait3A_805 = arith.constant 9984 : i32
        %dma_wait3A_806 = arith.constant 0 : i32
        %dma_wait3A_807 = tpu.memref_slice %arg7[%dma_wait3A_805, %dma_wait3A_806] : memref<10000x128xf32, #tpu.memory_space<hbm>> -> memref<16x128xf32, #tpu.memory_space<hbm>>
        tpu.wait_dma2 semaphore(%run_scoped3A_795 : memref<!tpu.dma_semaphore, #tpu.memory_space<semaphore_mem>>) src(%dma_wait3A_807 : memref<16x128xf32, #tpu.memory_space<hbm>>) dst(%dma_wait3A_804 : memref<16x128xf32, #tpu.memory_space<vmem_shared>>)
        tpu.yield
      }) : () -> ()
    } else {
    }
    %barrier3A_600 = arith.constant 0 : index
    tpu.barrier barrier_id(%barrier3A_600)
    %mul3A_601 = arith.constant 10000 : i32
    %mul3A_602 = arith.muli %add3A, %mul3A_601 : i32
    %add3A_603 = arith.constant 0 : i32
    %add3A_604 = arith.addi %mul3A_602, %add3A_603 : i32
    %dma_start3A_605 = arith.constant 0 : i32
    %dma_start3A_606 = arith.constant 0 : i32
    %dma_start3A_607 = arith.constant 0 : i32
    %dma_start3A_608 = tpu.memref_slice %arg10[%dma_start3A_605, %dma_start3A_606, %dma_start3A_607] : memref<3x80x128xf32, #tpu.memory_space<vmem>> -> memref<1x80x128xf32, #tpu.memory_space<vmem>>
    %dma_start3A_609 = tpu.memref_squeeze %dma_start3A_608 : memref<1x80x128xf32, #tpu.memory_space<vmem>> -> memref<80x128xf32, #tpu.memory_space<vmem>>
    %dma_start3A_610 = arith.constant 0 : i32
    %dma_start3A_611 = tpu.memref_slice %arg5[%add3A_604, %dma_start3A_610] : memref<320000x128xf32, #tpu.memory_space<hbm>> -> memref<80x128xf32, #tpu.memory_space<hbm>>
    %dma_start3A_612 = arith.constant 0 : i32
    %dma_start3A_613 = arith.constant 0 : i32
    %dma_start3A_614 = tpu.memref_slice %arg10[%dma_start3A_605, %dma_start3A_612, %dma_start3A_613] : memref<3x80x128xf32, #tpu.memory_space<vmem>> -> memref<1x80x128xf32, #tpu.memory_space<vmem>>
    %dma_start3A_615 = tpu.memref_squeeze %dma_start3A_614 : memref<1x80x128xf32, #tpu.memory_space<vmem>> -> memref<80x128xf32, #tpu.memory_space<vmem>>
    %dma_start3A_616 = arith.constant 0 : i32
    %dma_start3A_617 = tpu.memref_slice %arg5[%add3A_604, %dma_start3A_616] : memref<320000x128xf32, #tpu.memory_space<hbm>> -> memref<80x128xf32, #tpu.memory_space<hbm>>
    tpu.enqueue_dma source(%dma_start3A_617 : memref<80x128xf32, #tpu.memory_space<hbm>>) target(%dma_start3A_615 : memref<80x128xf32, #tpu.memory_space<vmem>>) target_semaphore(%arg12 : memref<!tpu.dma_semaphore, #tpu.memory_space<semaphore_mem>>)
    %mul3A_618 = arith.constant 10000 : i32
    %mul3A_619 = arith.muli %add3A, %mul3A_618 : i32
    %add3A_620 = arith.constant 80 : i32
    %add3A_621 = arith.addi %mul3A_619, %add3A_620 : i32
    %dma_start3A_622 = arith.constant 1 : i32
    %dma_start3A_623 = arith.constant 0 : i32
    %dma_start3A_624 = arith.constant 0 : i32
    %dma_start3A_625 = tpu.memref_slice %arg10[%dma_start3A_622, %dma_start3A_623, %dma_start3A_624] : memref<3x80x128xf32, #tpu.memory_space<vmem>> -> memref<1x80x128xf32, #tpu.memory_space<vmem>>
    %dma_start3A_626 = tpu.memref_squeeze %dma_start3A_625 : memref<1x80x128xf32, #tpu.memory_space<vmem>> -> memref<80x128xf32, #tpu.memory_space<vmem>>
    %dma_start3A_627 = arith.constant 0 : i32
    %dma_start3A_628 = tpu.memref_slice %arg5[%add3A_621, %dma_start3A_627] : memref<320000x128xf32, #tpu.memory_space<hbm>> -> memref<80x128xf32, #tpu.memory_space<hbm>>
    %dma_start3A_629 = arith.constant 0 : i32
    %dma_start3A_630 = arith.constant 0 : i32
    %dma_start3A_631 = tpu.memref_slice %arg10[%dma_start3A_622, %dma_start3A_629, %dma_start3A_630] : memref<3x80x128xf32, #tpu.memory_space<vmem>> -> memref<1x80x128xf32, #tpu.memory_space<vmem>>
    %dma_start3A_632 = tpu.memref_squeeze %dma_start3A_631 : memref<1x80x128xf32, #tpu.memory_space<vmem>> -> memref<80x128xf32, #tpu.memory_space<vmem>>
    %dma_start3A_633 = arith.constant 0 : i32
    %dma_start3A_634 = tpu.memref_slice %arg5[%add3A_621, %dma_start3A_633] : memref<320000x128xf32, #tpu.memory_space<hbm>> -> memref<80x128xf32, #tpu.memory_space<hbm>>
    tpu.enqueue_dma source(%dma_start3A_634 : memref<80x128xf32, #tpu.memory_space<hbm>>) target(%dma_start3A_632 : memref<80x128xf32, #tpu.memory_space<vmem>>) target_semaphore(%arg13 : memref<!tpu.dma_semaphore, #tpu.memory_space<semaphore_mem>>)
    %mul3A_635 = arith.constant 10000 : i32
    %mul3A_636 = arith.muli %add3A, %mul3A_635 : i32
    %add3A_637 = arith.constant 160 : i32
    %add3A_638 = arith.addi %mul3A_636, %add3A_637 : i32
    %dma_start3A_639 = arith.constant 2 : i32
    %dma_start3A_640 = arith.constant 0 : i32
    %dma_start3A_641 = arith.constant 0 : i32
    %dma_start3A_642 = tpu.memref_slice %arg10[%dma_start3A_639, %dma_start3A_640, %dma_start3A_641] : memref<3x80x128xf32, #tpu.memory_space<vmem>> -> memref<1x80x128xf32, #tpu.memory_space<vmem>>
    %dma_start3A_643 = tpu.memref_squeeze %dma_start3A_642 : memref<1x80x128xf32, #tpu.memory_space<vmem>> -> memref<80x128xf32, #tpu.memory_space<vmem>>
    %dma_start3A_644 = arith.constant 0 : i32
    %dma_start3A_645 = tpu.memref_slice %arg5[%add3A_638, %dma_start3A_644] : memref<320000x128xf32, #tpu.memory_space<hbm>> -> memref<80x128xf32, #tpu.memory_space<hbm>>
    %dma_start3A_646 = arith.constant 0 : i32
    %dma_start3A_647 = arith.constant 0 : i32
    %dma_start3A_648 = tpu.memref_slice %arg10[%dma_start3A_639, %dma_start3A_646, %dma_start3A_647] : memref<3x80x128xf32, #tpu.memory_space<vmem>> -> memref<1x80x128xf32, #tpu.memory_space<vmem>>
    %dma_start3A_649 = tpu.memref_squeeze %dma_start3A_648 : memref<1x80x128xf32, #tpu.memory_space<vmem>> -> memref<80x128xf32, #tpu.memory_space<vmem>>
    %dma_start3A_650 = arith.constant 0 : i32
    %dma_start3A_651 = tpu.memref_slice %arg5[%add3A_638, %dma_start3A_650] : memref<320000x128xf32, #tpu.memory_space<hbm>> -> memref<80x128xf32, #tpu.memory_space<hbm>>
    tpu.enqueue_dma source(%dma_start3A_651 : memref<80x128xf32, #tpu.memory_space<hbm>>) target(%dma_start3A_649 : memref<80x128xf32, #tpu.memory_space<vmem>>) target_semaphore(%arg14 : memref<!tpu.dma_semaphore, #tpu.memory_space<semaphore_mem>>)
    %scan3A_652 = arith.constant 0 : i32
    %scan3A_653 = arith.constant 0 : i32
    %scan3A_654 = arith.constant 40 : i32
    %scan3A_655 = arith.addi %scan3A_653, %scan3A_654 : i32
    %scan3A_656 = arith.constant 1 : i32
    scf.for %scan3A_795 = %scan3A_653 to %scan3A_655 step %scan3A_656  : i32 {
      %mul3A_796 = arith.constant 3 : i32
      %mul3A_797 = arith.muli %mul3A_796, %scan3A_795 : i32
      %add3A_798 = arith.constant 0 : i32
      %add3A_799 = arith.addi %mul3A_797, %add3A_798 : i32
      %mul3A_800 = arith.constant 10000 : i32
      %mul3A_801 = arith.muli %add3A, %mul3A_800 : i32
      %mul3A_802 = arith.constant 80 : i32
      %mul3A_803 = arith.muli %add3A_799, %mul3A_802 : i32
      %add3A_804 = arith.addi %mul3A_801, %mul3A_803 : i32
      %dma_wait3A_805 = arith.constant 0 : i32
      %dma_wait3A_806 = arith.constant 0 : i32
      %dma_wait3A_807 = arith.constant 0 : i32
      %dma_wait3A_808 = tpu.memref_slice %arg10[%dma_wait3A_805, %dma_wait3A_806, %dma_wait3A_807] : memref<3x80x128xf32, #tpu.memory_space<vmem>> -> memref<1x80x128xf32, #tpu.memory_space<vmem>>
      %dma_wait3A_809 = tpu.memref_squeeze %dma_wait3A_808 : memref<1x80x128xf32, #tpu.memory_space<vmem>> -> memref<80x128xf32, #tpu.memory_space<vmem>>
      %dma_wait3A_810 = arith.constant 0 : i32
      %dma_wait3A_811 = tpu.memref_slice %arg5[%add3A_804, %dma_wait3A_810] : memref<320000x128xf32, #tpu.memory_space<hbm>> -> memref<80x128xf32, #tpu.memory_space<hbm>>
      %dma_wait3A_812 = arith.constant 0 : i32
      %dma_wait3A_813 = arith.constant 0 : i32
      %dma_wait3A_814 = tpu.memref_slice %arg10[%dma_wait3A_805, %dma_wait3A_812, %dma_wait3A_813] : memref<3x80x128xf32, #tpu.memory_space<vmem>> -> memref<1x80x128xf32, #tpu.memory_space<vmem>>
      %dma_wait3A_815 = tpu.memref_squeeze %dma_wait3A_814 : memref<1x80x128xf32, #tpu.memory_space<vmem>> -> memref<80x128xf32, #tpu.memory_space<vmem>>
      %dma_wait3A_816 = arith.constant 0 : i32
      %dma_wait3A_817 = tpu.memref_slice %arg5[%add3A_804, %dma_wait3A_816] : memref<320000x128xf32, #tpu.memory_space<hbm>> -> memref<80x128xf32, #tpu.memory_space<hbm>>
      tpu.wait_dma2 semaphore(%arg12 : memref<!tpu.dma_semaphore, #tpu.memory_space<semaphore_mem>>) src(%dma_wait3A_817 : memref<80x128xf32, #tpu.memory_space<hbm>>) dst(%dma_wait3A_815 : memref<80x128xf32, #tpu.memory_space<vmem>>)
      %run_scoped3A_818 = arith.constant 0 : i32
      "tpu.region"() ({
        %run_scoped3A_925 = tpu.sem_alloc : memref<!tpu.dma_semaphore, #tpu.memory_space<semaphore_mem>>
        %dma_start3A_926 = arith.constant 0 : i32
        %dma_start3A_927 = arith.constant 0 : i32
        %dma_start3A_928 = tpu.memref_slice %arg10[%run_scoped3A_818, %dma_start3A_926, %dma_start3A_927] : memref<3x80x128xf32, #tpu.memory_space<vmem>> -> memref<1x80x128xf32, #tpu.memory_space<vmem>>
        %dma_start3A_929 = tpu.memref_squeeze %dma_start3A_928 : memref<1x80x128xf32, #tpu.memory_space<vmem>> -> memref<80x128xf32, #tpu.memory_space<vmem>>
        %dma_start3A_930 = arith.constant 0 : i32
        %dma_start3A_931 = tpu.memref_slice %arg9[%add3A_799, %dma_start3A_930] : memref<125x80xi32, #tpu.memory_space<vmem>> -> memref<1x80xi32, #tpu.memory_space<vmem>>
        %dma_start3A_932 = tpu.memref_squeeze %dma_start3A_931 : memref<1x80xi32, #tpu.memory_space<vmem>> -> memref<80xi32, #tpu.memory_space<vmem>>
        %dma_start3A_933 = arith.constant 0 : i32
        %dma_start3A_934 = arith.constant 0 : i32
        %dma_start3A_935 = tpu.memref_slice %arg11[%dma_start3A_933, %dma_start3A_934] : memref<10000x128xf32, #tpu.memory_space<vmem_shared>> -> memref<10000x128xf32, #tpu.memory_space<vmem_shared>>
        tpu.enqueue_indirect_dma source(%dma_start3A_929 : memref<80x128xf32, #tpu.memory_space<vmem>>) target(%dma_start3A_935 : memref<10000x128xf32, #tpu.memory_space<vmem_shared>>) offsets(%dma_start3A_932 : memref<80xi32, #tpu.memory_space<vmem>>) semaphore(%run_scoped3A_925 : memref<!tpu.dma_semaphore, #tpu.memory_space<semaphore_mem>>) {add = true}
        %dma_wait3A_936 = arith.constant 0 : i32
        %dma_wait3A_937 = arith.constant 0 : i32
        %dma_wait3A_938 = tpu.memref_slice %arg10[%run_scoped3A_818, %dma_wait3A_936, %dma_wait3A_937] : memref<3x80x128xf32, #tpu.memory_space<vmem>> -> memref<1x80x128xf32, #tpu.memory_space<vmem>>
        %dma_wait3A_939 = tpu.memref_squeeze %dma_wait3A_938 : memref<1x80x128xf32, #tpu.memory_space<vmem>> -> memref<80x128xf32, #tpu.memory_space<vmem>>
        %dma_wait3A_940 = arith.constant 0 : i32
        %dma_wait3A_941 = tpu.memref_slice %arg9[%add3A_799, %dma_wait3A_940] : memref<125x80xi32, #tpu.memory_space<vmem>> -> memref<1x80xi32, #tpu.memory_space<vmem>>
        %dma_wait3A_942 = tpu.memref_squeeze %dma_wait3A_941 : memref<1x80xi32, #tpu.memory_space<vmem>> -> memref<80xi32, #tpu.memory_space<vmem>>
        %dma_wait3A_943 = arith.constant 0 : i32
        %dma_wait3A_944 = arith.constant 0 : i32
        %dma_wait3A_945 = tpu.memref_slice %arg11[%dma_wait3A_943, %dma_wait3A_944] : memref<10000x128xf32, #tpu.memory_space<vmem_shared>> -> memref<10000x128xf32, #tpu.memory_space<vmem_shared>>
        tpu.wait_indirect_dma semaphore(%run_scoped3A_925 : memref<!tpu.dma_semaphore, #tpu.memory_space<semaphore_mem>>) src(%dma_wait3A_939 : memref<80x128xf32, #tpu.memory_space<vmem>>) dst(%dma_wait3A_945 : memref<10000x128xf32, #tpu.memory_space<vmem_shared>>)
        tpu.yield
      }) : () -> ()
      %add3A_819 = arith.constant 3 : i32
      %add3A_820 = arith.addi %add3A_799, %add3A_819 : i32
      %mul3A_821 = arith.constant 10000 : i32
      %mul3A_822 = arith.muli %add3A, %mul3A_821 : i32
      %mul3A_823 = arith.constant 80 : i32
      %mul3A_824 = arith.muli %add3A_820, %mul3A_823 : i32
      %add3A_825 = arith.addi %mul3A_822, %mul3A_824 : i32
      %dma_start3A_826 = arith.constant 0 : i32
      %dma_start3A_827 = arith.constant 0 : i32
      %dma_start3A_828 = arith.constant 0 : i32
      %dma_start3A_829 = tpu.memref_slice %arg10[%dma_start3A_826, %dma_start3A_827, %dma_start3A_828] : memref<3x80x128xf32, #tpu.memory_space<vmem>> -> memref<1x80x128xf32, #tpu.memory_space<vmem>>
      %dma_start3A_830 = tpu.memref_squeeze %dma_start3A_829 : memref<1x80x128xf32, #tpu.memory_space<vmem>> -> memref<80x128xf32, #tpu.memory_space<vmem>>
      %dma_start3A_831 = arith.constant 0 : i32
      %dma_start3A_832 = tpu.memref_slice %arg5[%add3A_825, %dma_start3A_831] : memref<320000x128xf32, #tpu.memory_space<hbm>> -> memref<80x128xf32, #tpu.memory_space<hbm>>
      %dma_start3A_833 = arith.constant 0 : i32
      %dma_start3A_834 = arith.constant 0 : i32
      %dma_start3A_835 = tpu.memref_slice %arg10[%dma_start3A_826, %dma_start3A_833, %dma_start3A_834] : memref<3x80x128xf32, #tpu.memory_space<vmem>> -> memref<1x80x128xf32, #tpu.memory_space<vmem>>
      %dma_start3A_836 = tpu.memref_squeeze %dma_start3A_835 : memref<1x80x128xf32, #tpu.memory_space<vmem>> -> memref<80x128xf32, #tpu.memory_space<vmem>>
      %dma_start3A_837 = arith.constant 0 : i32
      %dma_start3A_838 = tpu.memref_slice %arg5[%add3A_825, %dma_start3A_837] : memref<320000x128xf32, #tpu.memory_space<hbm>> -> memref<80x128xf32, #tpu.memory_space<hbm>>
      tpu.enqueue_dma source(%dma_start3A_838 : memref<80x128xf32, #tpu.memory_space<hbm>>) target(%dma_start3A_836 : memref<80x128xf32, #tpu.memory_space<vmem>>) target_semaphore(%arg12 : memref<!tpu.dma_semaphore, #tpu.memory_space<semaphore_mem>>)
      %mul3A_839 = arith.constant 3 : i32
      %mul3A_840 = arith.muli %mul3A_839, %scan3A_795 : i32
      %add3A_841 = arith.constant 1 : i32
      %add3A_842 = arith.addi %mul3A_840, %add3A_841 : i32
      %mul3A_843 = arith.constant 10000 : i32
      %mul3A_844 = arith.muli %add3A, %mul3A_843 : i32
      %mul3A_845 = arith.constant 80 : i32
      %mul3A_846 = arith.muli %add3A_842, %mul3A_845 : i32
      %add3A_847 = arith.addi %mul3A_844, %mul3A_846 : i32
      %dma_wait3A_848 = arith.constant 1 : i32
      %dma_wait3A_849 = arith.constant 0 : i32
      %dma_wait3A_850 = arith.constant 0 : i32
      %dma_wait3A_851 = tpu.memref_slice %arg10[%dma_wait3A_848, %dma_wait3A_849, %dma_wait3A_850] : memref<3x80x128xf32, #tpu.memory_space<vmem>> -> memref<1x80x128xf32, #tpu.memory_space<vmem>>
      %dma_wait3A_852 = tpu.memref_squeeze %dma_wait3A_851 : memref<1x80x128xf32, #tpu.memory_space<vmem>> -> memref<80x128xf32, #tpu.memory_space<vmem>>
      %dma_wait3A_853 = arith.constant 0 : i32
      %dma_wait3A_854 = tpu.memref_slice %arg5[%add3A_847, %dma_wait3A_853] : memref<320000x128xf32, #tpu.memory_space<hbm>> -> memref<80x128xf32, #tpu.memory_space<hbm>>
      %dma_wait3A_855 = arith.constant 0 : i32
      %dma_wait3A_856 = arith.constant 0 : i32
      %dma_wait3A_857 = tpu.memref_slice %arg10[%dma_wait3A_848, %dma_wait3A_855, %dma_wait3A_856] : memref<3x80x128xf32, #tpu.memory_space<vmem>> -> memref<1x80x128xf32, #tpu.memory_space<vmem>>
      %dma_wait3A_858 = tpu.memref_squeeze %dma_wait3A_857 : memref<1x80x128xf32, #tpu.memory_space<vmem>> -> memref<80x128xf32, #tpu.memory_space<vmem>>
      %dma_wait3A_859 = arith.constant 0 : i32
      %dma_wait3A_860 = tpu.memref_slice %arg5[%add3A_847, %dma_wait3A_859] : memref<320000x128xf32, #tpu.memory_space<hbm>> -> memref<80x128xf32, #tpu.memory_space<hbm>>
      tpu.wait_dma2 semaphore(%arg13 : memref<!tpu.dma_semaphore, #tpu.memory_space<semaphore_mem>>) src(%dma_wait3A_860 : memref<80x128xf32, #tpu.memory_space<hbm>>) dst(%dma_wait3A_858 : memref<80x128xf32, #tpu.memory_space<vmem>>)
      %run_scoped3A_861 = arith.constant 1 : i32
      "tpu.region"() ({
        %run_scoped3A_925 = tpu.sem_alloc : memref<!tpu.dma_semaphore, #tpu.memory_space<semaphore_mem>>
        %dma_start3A_926 = arith.constant 0 : i32
        %dma_start3A_927 = arith.constant 0 : i32
        %dma_start3A_928 = tpu.memref_slice %arg10[%run_scoped3A_861, %dma_start3A_926, %dma_start3A_927] : memref<3x80x128xf32, #tpu.memory_space<vmem>> -> memref<1x80x128xf32, #tpu.memory_space<vmem>>
        %dma_start3A_929 = tpu.memref_squeeze %dma_start3A_928 : memref<1x80x128xf32, #tpu.memory_space<vmem>> -> memref<80x128xf32, #tpu.memory_space<vmem>>
        %dma_start3A_930 = arith.constant 0 : i32
        %dma_start3A_931 = tpu.memref_slice %arg9[%add3A_842, %dma_start3A_930] : memref<125x80xi32, #tpu.memory_space<vmem>> -> memref<1x80xi32, #tpu.memory_space<vmem>>
        %dma_start3A_932 = tpu.memref_squeeze %dma_start3A_931 : memref<1x80xi32, #tpu.memory_space<vmem>> -> memref<80xi32, #tpu.memory_space<vmem>>
        %dma_start3A_933 = arith.constant 0 : i32
        %dma_start3A_934 = arith.constant 0 : i32
        %dma_start3A_935 = tpu.memref_slice %arg11[%dma_start3A_933, %dma_start3A_934] : memref<10000x128xf32, #tpu.memory_space<vmem_shared>> -> memref<10000x128xf32, #tpu.memory_space<vmem_shared>>
        tpu.enqueue_indirect_dma source(%dma_start3A_929 : memref<80x128xf32, #tpu.memory_space<vmem>>) target(%dma_start3A_935 : memref<10000x128xf32, #tpu.memory_space<vmem_shared>>) offsets(%dma_start3A_932 : memref<80xi32, #tpu.memory_space<vmem>>) semaphore(%run_scoped3A_925 : memref<!tpu.dma_semaphore, #tpu.memory_space<semaphore_mem>>) {add = true}
        %dma_wait3A_936 = arith.constant 0 : i32
        %dma_wait3A_937 = arith.constant 0 : i32
        %dma_wait3A_938 = tpu.memref_slice %arg10[%run_scoped3A_861, %dma_wait3A_936, %dma_wait3A_937] : memref<3x80x128xf32, #tpu.memory_space<vmem>> -> memref<1x80x128xf32, #tpu.memory_space<vmem>>
        %dma_wait3A_939 = tpu.memref_squeeze %dma_wait3A_938 : memref<1x80x128xf32, #tpu.memory_space<vmem>> -> memref<80x128xf32, #tpu.memory_space<vmem>>
        %dma_wait3A_940 = arith.constant 0 : i32
        %dma_wait3A_941 = tpu.memref_slice %arg9[%add3A_842, %dma_wait3A_940] : memref<125x80xi32, #tpu.memory_space<vmem>> -> memref<1x80xi32, #tpu.memory_space<vmem>>
        %dma_wait3A_942 = tpu.memref_squeeze %dma_wait3A_941 : memref<1x80xi32, #tpu.memory_space<vmem>> -> memref<80xi32, #tpu.memory_space<vmem>>
        %dma_wait3A_943 = arith.constant 0 : i32
        %dma_wait3A_944 = arith.constant 0 : i32
        %dma_wait3A_945 = tpu.memref_slice %arg11[%dma_wait3A_943, %dma_wait3A_944] : memref<10000x128xf32, #tpu.memory_space<vmem_shared>> -> memref<10000x128xf32, #tpu.memory_space<vmem_shared>>
        tpu.wait_indirect_dma semaphore(%run_scoped3A_925 : memref<!tpu.dma_semaphore, #tpu.memory_space<semaphore_mem>>) src(%dma_wait3A_939 : memref<80x128xf32, #tpu.memory_space<vmem>>) dst(%dma_wait3A_945 : memref<10000x128xf32, #tpu.memory_space<vmem_shared>>)
        tpu.yield
      }) : () -> ()
      %add3A_862 = arith.constant 3 : i32
      %add3A_863 = arith.addi %add3A_842, %add3A_862 : i32
      %mul3A_864 = arith.constant 10000 : i32
      %mul3A_865 = arith.muli %add3A, %mul3A_864 : i32
      %mul3A_866 = arith.constant 80 : i32
      %mul3A_867 = arith.muli %add3A_863, %mul3A_866 : i32
      %add3A_868 = arith.addi %mul3A_865, %mul3A_867 : i32
      %dma_start3A_869 = arith.constant 1 : i32
      %dma_start3A_870 = arith.constant 0 : i32
      %dma_start3A_871 = arith.constant 0 : i32
      %dma_start3A_872 = tpu.memref_slice %arg10[%dma_start3A_869, %dma_start3A_870, %dma_start3A_871] : memref<3x80x128xf32, #tpu.memory_space<vmem>> -> memref<1x80x128xf32, #tpu.memory_space<vmem>>
      %dma_start3A_873 = tpu.memref_squeeze %dma_start3A_872 : memref<1x80x128xf32, #tpu.memory_space<vmem>> -> memref<80x128xf32, #tpu.memory_space<vmem>>
      %dma_start3A_874 = arith.constant 0 : i32
      %dma_start3A_875 = tpu.memref_slice %arg5[%add3A_868, %dma_start3A_874] : memref<320000x128xf32, #tpu.memory_space<hbm>> -> memref<80x128xf32, #tpu.memory_space<hbm>>
      %dma_start3A_876 = arith.constant 0 : i32
      %dma_start3A_877 = arith.constant 0 : i32
      %dma_start3A_878 = tpu.memref_slice %arg10[%dma_start3A_869, %dma_start3A_876, %dma_start3A_877] : memref<3x80x128xf32, #tpu.memory_space<vmem>> -> memref<1x80x128xf32, #tpu.memory_space<vmem>>
      %dma_start3A_879 = tpu.memref_squeeze %dma_start3A_878 : memref<1x80x128xf32, #tpu.memory_space<vmem>> -> memref<80x128xf32, #tpu.memory_space<vmem>>
      %dma_start3A_880 = arith.constant 0 : i32
      %dma_start3A_881 = tpu.memref_slice %arg5[%add3A_868, %dma_start3A_880] : memref<320000x128xf32, #tpu.memory_space<hbm>> -> memref<80x128xf32, #tpu.memory_space<hbm>>
      tpu.enqueue_dma source(%dma_start3A_881 : memref<80x128xf32, #tpu.memory_space<hbm>>) target(%dma_start3A_879 : memref<80x128xf32, #tpu.memory_space<vmem>>) target_semaphore(%arg13 : memref<!tpu.dma_semaphore, #tpu.memory_space<semaphore_mem>>)
      %mul3A_882 = arith.constant 3 : i32
      %mul3A_883 = arith.muli %mul3A_882, %scan3A_795 : i32
      %add3A_884 = arith.constant 2 : i32
      %add3A_885 = arith.addi %mul3A_883, %add3A_884 : i32
      %mul3A_886 = arith.constant 10000 : i32
      %mul3A_887 = arith.muli %add3A, %mul3A_886 : i32
      %mul3A_888 = arith.constant 80 : i32
      %mul3A_889 = arith.muli %add3A_885, %mul3A_888 : i32
      %add3A_890 = arith.addi %mul3A_887, %mul3A_889 : i32
      %dma_wait3A_891 = arith.constant 2 : i32
      %dma_wait3A_892 = arith.constant 0 : i32
      %dma_wait3A_893 = arith.constant 0 : i32
      %dma_wait3A_894 = tpu.memref_slice %arg10[%dma_wait3A_891, %dma_wait3A_892, %dma_wait3A_893] : memref<3x80x128xf32, #tpu.memory_space<vmem>> -> memref<1x80x128xf32, #tpu.memory_space<vmem>>
      %dma_wait3A_895 = tpu.memref_squeeze %dma_wait3A_894 : memref<1x80x128xf32, #tpu.memory_space<vmem>> -> memref<80x128xf32, #tpu.memory_space<vmem>>
      %dma_wait3A_896 = arith.constant 0 : i32
      %dma_wait3A_897 = tpu.memref_slice %arg5[%add3A_890, %dma_wait3A_896] : memref<320000x128xf32, #tpu.memory_space<hbm>> -> memref<80x128xf32, #tpu.memory_space<hbm>>
      %dma_wait3A_898 = arith.constant 0 : i32
      %dma_wait3A_899 = arith.constant 0 : i32
      %dma_wait3A_900 = tpu.memref_slice %arg10[%dma_wait3A_891, %dma_wait3A_898, %dma_wait3A_899] : memref<3x80x128xf32, #tpu.memory_space<vmem>> -> memref<1x80x128xf32, #tpu.memory_space<vmem>>
      %dma_wait3A_901 = tpu.memref_squeeze %dma_wait3A_900 : memref<1x80x128xf32, #tpu.memory_space<vmem>> -> memref<80x128xf32, #tpu.memory_space<vmem>>
      %dma_wait3A_902 = arith.constant 0 : i32
      %dma_wait3A_903 = tpu.memref_slice %arg5[%add3A_890, %dma_wait3A_902] : memref<320000x128xf32, #tpu.memory_space<hbm>> -> memref<80x128xf32, #tpu.memory_space<hbm>>
      tpu.wait_dma2 semaphore(%arg14 : memref<!tpu.dma_semaphore, #tpu.memory_space<semaphore_mem>>) src(%dma_wait3A_903 : memref<80x128xf32, #tpu.memory_space<hbm>>) dst(%dma_wait3A_901 : memref<80x128xf32, #tpu.memory_space<vmem>>)
      %run_scoped3A_904 = arith.constant 2 : i32
      "tpu.region"() ({
        %run_scoped3A_925 = tpu.sem_alloc : memref<!tpu.dma_semaphore, #tpu.memory_space<semaphore_mem>>
        %dma_start3A_926 = arith.constant 0 : i32
        %dma_start3A_927 = arith.constant 0 : i32
        %dma_start3A_928 = tpu.memref_slice %arg10[%run_scoped3A_904, %dma_start3A_926, %dma_start3A_927] : memref<3x80x128xf32, #tpu.memory_space<vmem>> -> memref<1x80x128xf32, #tpu.memory_space<vmem>>
        %dma_start3A_929 = tpu.memref_squeeze %dma_start3A_928 : memref<1x80x128xf32, #tpu.memory_space<vmem>> -> memref<80x128xf32, #tpu.memory_space<vmem>>
        %dma_start3A_930 = arith.constant 0 : i32
        %dma_start3A_931 = tpu.memref_slice %arg9[%add3A_885, %dma_start3A_930] : memref<125x80xi32, #tpu.memory_space<vmem>> -> memref<1x80xi32, #tpu.memory_space<vmem>>
        %dma_start3A_932 = tpu.memref_squeeze %dma_start3A_931 : memref<1x80xi32, #tpu.memory_space<vmem>> -> memref<80xi32, #tpu.memory_space<vmem>>
        %dma_start3A_933 = arith.constant 0 : i32
        %dma_start3A_934 = arith.constant 0 : i32
        %dma_start3A_935 = tpu.memref_slice %arg11[%dma_start3A_933, %dma_start3A_934] : memref<10000x128xf32, #tpu.memory_space<vmem_shared>> -> memref<10000x128xf32, #tpu.memory_space<vmem_shared>>
        tpu.enqueue_indirect_dma source(%dma_start3A_929 : memref<80x128xf32, #tpu.memory_space<vmem>>) target(%dma_start3A_935 : memref<10000x128xf32, #tpu.memory_space<vmem_shared>>) offsets(%dma_start3A_932 : memref<80xi32, #tpu.memory_space<vmem>>) semaphore(%run_scoped3A_925 : memref<!tpu.dma_semaphore, #tpu.memory_space<semaphore_mem>>) {add = true}
        %dma_wait3A_936 = arith.constant 0 : i32
        %dma_wait3A_937 = arith.constant 0 : i32
        %dma_wait3A_938 = tpu.memref_slice %arg10[%run_scoped3A_904, %dma_wait3A_936, %dma_wait3A_937] : memref<3x80x128xf32, #tpu.memory_space<vmem>> -> memref<1x80x128xf32, #tpu.memory_space<vmem>>
        %dma_wait3A_939 = tpu.memref_squeeze %dma_wait3A_938 : memref<1x80x128xf32, #tpu.memory_space<vmem>> -> memref<80x128xf32, #tpu.memory_space<vmem>>
        %dma_wait3A_940 = arith.constant 0 : i32
        %dma_wait3A_941 = tpu.memref_slice %arg9[%add3A_885, %dma_wait3A_940] : memref<125x80xi32, #tpu.memory_space<vmem>> -> memref<1x80xi32, #tpu.memory_space<vmem>>
        %dma_wait3A_942 = tpu.memref_squeeze %dma_wait3A_941 : memref<1x80xi32, #tpu.memory_space<vmem>> -> memref<80xi32, #tpu.memory_space<vmem>>
        %dma_wait3A_943 = arith.constant 0 : i32
        %dma_wait3A_944 = arith.constant 0 : i32
        %dma_wait3A_945 = tpu.memref_slice %arg11[%dma_wait3A_943, %dma_wait3A_944] : memref<10000x128xf32, #tpu.memory_space<vmem_shared>> -> memref<10000x128xf32, #tpu.memory_space<vmem_shared>>
        tpu.wait_indirect_dma semaphore(%run_scoped3A_925 : memref<!tpu.dma_semaphore, #tpu.memory_space<semaphore_mem>>) src(%dma_wait3A_939 : memref<80x128xf32, #tpu.memory_space<vmem>>) dst(%dma_wait3A_945 : memref<10000x128xf32, #tpu.memory_space<vmem_shared>>)
        tpu.yield
      }) : () -> ()
      %add3A_905 = arith.constant 3 : i32
      %add3A_906 = arith.addi %add3A_885, %add3A_905 : i32
      %mul3A_907 = arith.constant 10000 : i32
      %mul3A_908 = arith.muli %add3A, %mul3A_907 : i32
      %mul3A_909 = arith.constant 80 : i32
      %mul3A_910 = arith.muli %add3A_906, %mul3A_909 : i32
      %add3A_911 = arith.addi %mul3A_908, %mul3A_910 : i32
      %dma_start3A_912 = arith.constant 2 : i32
      %dma_start3A_913 = arith.constant 0 : i32
      %dma_start3A_914 = arith.constant 0 : i32
      %dma_start3A_915 = tpu.memref_slice %arg10[%dma_start3A_912, %dma_start3A_913, %dma_start3A_914] : memref<3x80x128xf32, #tpu.memory_space<vmem>> -> memref<1x80x128xf32, #tpu.memory_space<vmem>>
      %dma_start3A_916 = tpu.memref_squeeze %dma_start3A_915 : memref<1x80x128xf32, #tpu.memory_space<vmem>> -> memref<80x128xf32, #tpu.memory_space<vmem>>
      %dma_start3A_917 = arith.constant 0 : i32
      %dma_start3A_918 = tpu.memref_slice %arg5[%add3A_911, %dma_start3A_917] : memref<320000x128xf32, #tpu.memory_space<hbm>> -> memref<80x128xf32, #tpu.memory_space<hbm>>
      %dma_start3A_919 = arith.constant 0 : i32
      %dma_start3A_920 = arith.constant 0 : i32
      %dma_start3A_921 = tpu.memref_slice %arg10[%dma_start3A_912, %dma_start3A_919, %dma_start3A_920] : memref<3x80x128xf32, #tpu.memory_space<vmem>> -> memref<1x80x128xf32, #tpu.memory_space<vmem>>
      %dma_start3A_922 = tpu.memref_squeeze %dma_start3A_921 : memref<1x80x128xf32, #tpu.memory_space<vmem>> -> memref<80x128xf32, #tpu.memory_space<vmem>>
      %dma_start3A_923 = arith.constant 0 : i32
      %dma_start3A_924 = tpu.memref_slice %arg5[%add3A_911, %dma_start3A_923] : memref<320000x128xf32, #tpu.memory_space<hbm>> -> memref<80x128xf32, #tpu.memory_space<hbm>>
      tpu.enqueue_dma source(%dma_start3A_924 : memref<80x128xf32, #tpu.memory_space<hbm>>) target(%dma_start3A_922 : memref<80x128xf32, #tpu.memory_space<vmem>>) target_semaphore(%arg14 : memref<!tpu.dma_semaphore, #tpu.memory_space<semaphore_mem>>)
    }
    %scan3A_657 = arith.constant 40 : i32
    %mul3A_658 = arith.constant 10000 : i32
    %mul3A_659 = arith.muli %add3A, %mul3A_658 : i32
    %add3A_660 = arith.constant 9600 : i32
    %add3A_661 = arith.addi %mul3A_659, %add3A_660 : i32
    %dma_wait3A_662 = arith.constant 0 : i32
    %dma_wait3A_663 = arith.constant 0 : i32
    %dma_wait3A_664 = arith.constant 0 : i32
    %dma_wait3A_665 = tpu.memref_slice %arg10[%dma_wait3A_662, %dma_wait3A_663, %dma_wait3A_664] : memref<3x80x128xf32, #tpu.memory_space<vmem>> -> memref<1x80x128xf32, #tpu.memory_space<vmem>>
    %dma_wait3A_666 = tpu.memref_squeeze %dma_wait3A_665 : memref<1x80x128xf32, #tpu.memory_space<vmem>> -> memref<80x128xf32, #tpu.memory_space<vmem>>
    %dma_wait3A_667 = arith.constant 0 : i32
    %dma_wait3A_668 = tpu.memref_slice %arg5[%add3A_661, %dma_wait3A_667] : memref<320000x128xf32, #tpu.memory_space<hbm>> -> memref<80x128xf32, #tpu.memory_space<hbm>>
    %dma_wait3A_669 = arith.constant 0 : i32
    %dma_wait3A_670 = arith.constant 0 : i32
    %dma_wait3A_671 = tpu.memref_slice %arg10[%dma_wait3A_662, %dma_wait3A_669, %dma_wait3A_670] : memref<3x80x128xf32, #tpu.memory_space<vmem>> -> memref<1x80x128xf32, #tpu.memory_space<vmem>>
    %dma_wait3A_672 = tpu.memref_squeeze %dma_wait3A_671 : memref<1x80x128xf32, #tpu.memory_space<vmem>> -> memref<80x128xf32, #tpu.memory_space<vmem>>
    %dma_wait3A_673 = arith.constant 0 : i32
    %dma_wait3A_674 = tpu.memref_slice %arg5[%add3A_661, %dma_wait3A_673] : memref<320000x128xf32, #tpu.memory_space<hbm>> -> memref<80x128xf32, #tpu.memory_space<hbm>>
    tpu.wait_dma2 semaphore(%arg12 : memref<!tpu.dma_semaphore, #tpu.memory_space<semaphore_mem>>) src(%dma_wait3A_674 : memref<80x128xf32, #tpu.memory_space<hbm>>) dst(%dma_wait3A_672 : memref<80x128xf32, #tpu.memory_space<vmem>>)
    %run_scoped3A_675 = arith.constant 0 : i32
    %run_scoped3A_676 = arith.constant 120 : i32
    "tpu.region"() ({
      %run_scoped3A_795 = tpu.sem_alloc : memref<!tpu.dma_semaphore, #tpu.memory_space<semaphore_mem>>
      %dma_start3A_796 = arith.constant 0 : i32
      %dma_start3A_797 = arith.constant 0 : i32
      %dma_start3A_798 = tpu.memref_slice %arg10[%run_scoped3A_675, %dma_start3A_796, %dma_start3A_797] : memref<3x80x128xf32, #tpu.memory_space<vmem>> -> memref<1x80x128xf32, #tpu.memory_space<vmem>>
      %dma_start3A_799 = tpu.memref_squeeze %dma_start3A_798 : memref<1x80x128xf32, #tpu.memory_space<vmem>> -> memref<80x128xf32, #tpu.memory_space<vmem>>
      %dma_start3A_800 = arith.constant 0 : i32
      %dma_start3A_801 = tpu.memref_slice %arg9[%run_scoped3A_676, %dma_start3A_800] : memref<125x80xi32, #tpu.memory_space<vmem>> -> memref<1x80xi32, #tpu.memory_space<vmem>>
      %dma_start3A_802 = tpu.memref_squeeze %dma_start3A_801 : memref<1x80xi32, #tpu.memory_space<vmem>> -> memref<80xi32, #tpu.memory_space<vmem>>
      %dma_start3A_803 = arith.constant 0 : i32
      %dma_start3A_804 = arith.constant 0 : i32
      %dma_start3A_805 = tpu.memref_slice %arg11[%dma_start3A_803, %dma_start3A_804] : memref<10000x128xf32, #tpu.memory_space<vmem_shared>> -> memref<10000x128xf32, #tpu.memory_space<vmem_shared>>
      tpu.enqueue_indirect_dma source(%dma_start3A_799 : memref<80x128xf32, #tpu.memory_space<vmem>>) target(%dma_start3A_805 : memref<10000x128xf32, #tpu.memory_space<vmem_shared>>) offsets(%dma_start3A_802 : memref<80xi32, #tpu.memory_space<vmem>>) semaphore(%run_scoped3A_795 : memref<!tpu.dma_semaphore, #tpu.memory_space<semaphore_mem>>) {add = true}
      %dma_wait3A_806 = arith.constant 0 : i32
      %dma_wait3A_807 = arith.constant 0 : i32
      %dma_wait3A_808 = tpu.memref_slice %arg10[%run_scoped3A_675, %dma_wait3A_806, %dma_wait3A_807] : memref<3x80x128xf32, #tpu.memory_space<vmem>> -> memref<1x80x128xf32, #tpu.memory_space<vmem>>
      %dma_wait3A_809 = tpu.memref_squeeze %dma_wait3A_808 : memref<1x80x128xf32, #tpu.memory_space<vmem>> -> memref<80x128xf32, #tpu.memory_space<vmem>>
      %dma_wait3A_810 = arith.constant 0 : i32
      %dma_wait3A_811 = tpu.memref_slice %arg9[%run_scoped3A_676, %dma_wait3A_810] : memref<125x80xi32, #tpu.memory_space<vmem>> -> memref<1x80xi32, #tpu.memory_space<vmem>>
      %dma_wait3A_812 = tpu.memref_squeeze %dma_wait3A_811 : memref<1x80xi32, #tpu.memory_space<vmem>> -> memref<80xi32, #tpu.memory_space<vmem>>
      %dma_wait3A_813 = arith.constant 0 : i32
      %dma_wait3A_814 = arith.constant 0 : i32
      %dma_wait3A_815 = tpu.memref_slice %arg11[%dma_wait3A_813, %dma_wait3A_814] : memref<10000x128xf32, #tpu.memory_space<vmem_shared>> -> memref<10000x128xf32, #tpu.memory_space<vmem_shared>>
      tpu.wait_indirect_dma semaphore(%run_scoped3A_795 : memref<!tpu.dma_semaphore, #tpu.memory_space<semaphore_mem>>) src(%dma_wait3A_809 : memref<80x128xf32, #tpu.memory_space<vmem>>) dst(%dma_wait3A_815 : memref<10000x128xf32, #tpu.memory_space<vmem_shared>>)
      tpu.yield
    }) : () -> ()
    %mul3A_677 = arith.constant 10000 : i32
    %mul3A_678 = arith.muli %add3A, %mul3A_677 : i32
    %add3A_679 = arith.constant 9840 : i32
    %add3A_680 = arith.addi %mul3A_678, %add3A_679 : i32
    %dma_start3A_681 = arith.constant 0 : i32
    %dma_start3A_682 = arith.constant 0 : i32
    %dma_start3A_683 = arith.constant 0 : i32
    %dma_start3A_684 = tpu.memref_slice %arg10[%dma_start3A_681, %dma_start3A_682, %dma_start3A_683] : memref<3x80x128xf32, #tpu.memory_space<vmem>> -> memref<1x80x128xf32, #tpu.memory_space<vmem>>
    %dma_start3A_685 = tpu.memref_squeeze %dma_start3A_684 : memref<1x80x128xf32, #tpu.memory_space<vmem>> -> memref<80x128xf32, #tpu.memory_space<vmem>>
    %dma_start3A_686 = arith.constant 0 : i32
    %dma_start3A_687 = tpu.memref_slice %arg5[%add3A_680, %dma_start3A_686] : memref<320000x128xf32, #tpu.memory_space<hbm>> -> memref<80x128xf32, #tpu.memory_space<hbm>>
    %dma_start3A_688 = arith.constant 0 : i32
    %dma_start3A_689 = arith.constant 0 : i32
    %dma_start3A_690 = tpu.memref_slice %arg10[%dma_start3A_681, %dma_start3A_688, %dma_start3A_689] : memref<3x80x128xf32, #tpu.memory_space<vmem>> -> memref<1x80x128xf32, #tpu.memory_space<vmem>>
    %dma_start3A_691 = tpu.memref_squeeze %dma_start3A_690 : memref<1x80x128xf32, #tpu.memory_space<vmem>> -> memref<80x128xf32, #tpu.memory_space<vmem>>
    %dma_start3A_692 = arith.constant 0 : i32
    %dma_start3A_693 = tpu.memref_slice %arg5[%add3A_680, %dma_start3A_692] : memref<320000x128xf32, #tpu.memory_space<hbm>> -> memref<80x128xf32, #tpu.memory_space<hbm>>
    tpu.enqueue_dma source(%dma_start3A_693 : memref<80x128xf32, #tpu.memory_space<hbm>>) target(%dma_start3A_691 : memref<80x128xf32, #tpu.memory_space<vmem>>) target_semaphore(%arg12 : memref<!tpu.dma_semaphore, #tpu.memory_space<semaphore_mem>>)
    %mul3A_694 = arith.constant 10000 : i32
    %mul3A_695 = arith.muli %add3A, %mul3A_694 : i32
    %add3A_696 = arith.constant 9680 : i32
    %add3A_697 = arith.addi %mul3A_695, %add3A_696 : i32
    %dma_wait3A_698 = arith.constant 1 : i32
    %dma_wait3A_699 = arith.constant 0 : i32
    %dma_wait3A_700 = arith.constant 0 : i32
    %dma_wait3A_701 = tpu.memref_slice %arg10[%dma_wait3A_698, %dma_wait3A_699, %dma_wait3A_700] : memref<3x80x128xf32, #tpu.memory_space<vmem>> -> memref<1x80x128xf32, #tpu.memory_space<vmem>>
    %dma_wait3A_702 = tpu.memref_squeeze %dma_wait3A_701 : memref<1x80x128xf32, #tpu.memory_space<vmem>> -> memref<80x128xf32, #tpu.memory_space<vmem>>
    %dma_wait3A_703 = arith.constant 0 : i32
    %dma_wait3A_704 = tpu.memref_slice %arg5[%add3A_697, %dma_wait3A_703] : memref<320000x128xf32, #tpu.memory_space<hbm>> -> memref<80x128xf32, #tpu.memory_space<hbm>>
    %dma_wait3A_705 = arith.constant 0 : i32
    %dma_wait3A_706 = arith.constant 0 : i32
    %dma_wait3A_707 = tpu.memref_slice %arg10[%dma_wait3A_698, %dma_wait3A_705, %dma_wait3A_706] : memref<3x80x128xf32, #tpu.memory_space<vmem>> -> memref<1x80x128xf32, #tpu.memory_space<vmem>>
    %dma_wait3A_708 = tpu.memref_squeeze %dma_wait3A_707 : memref<1x80x128xf32, #tpu.memory_space<vmem>> -> memref<80x128xf32, #tpu.memory_space<vmem>>
    %dma_wait3A_709 = arith.constant 0 : i32
    %dma_wait3A_710 = tpu.memref_slice %arg5[%add3A_697, %dma_wait3A_709] : memref<320000x128xf32, #tpu.memory_space<hbm>> -> memref<80x128xf32, #tpu.memory_space<hbm>>
    tpu.wait_dma2 semaphore(%arg13 : memref<!tpu.dma_semaphore, #tpu.memory_space<semaphore_mem>>) src(%dma_wait3A_710 : memref<80x128xf32, #tpu.memory_space<hbm>>) dst(%dma_wait3A_708 : memref<80x128xf32, #tpu.memory_space<vmem>>)
    %run_scoped3A_711 = arith.constant 1 : i32
    %run_scoped3A_712 = arith.constant 121 : i32
    "tpu.region"() ({
      %run_scoped3A_795 = tpu.sem_alloc : memref<!tpu.dma_semaphore, #tpu.memory_space<semaphore_mem>>
      %dma_start3A_796 = arith.constant 0 : i32
      %dma_start3A_797 = arith.constant 0 : i32
      %dma_start3A_798 = tpu.memref_slice %arg10[%run_scoped3A_711, %dma_start3A_796, %dma_start3A_797] : memref<3x80x128xf32, #tpu.memory_space<vmem>> -> memref<1x80x128xf32, #tpu.memory_space<vmem>>
      %dma_start3A_799 = tpu.memref_squeeze %dma_start3A_798 : memref<1x80x128xf32, #tpu.memory_space<vmem>> -> memref<80x128xf32, #tpu.memory_space<vmem>>
      %dma_start3A_800 = arith.constant 0 : i32
      %dma_start3A_801 = tpu.memref_slice %arg9[%run_scoped3A_712, %dma_start3A_800] : memref<125x80xi32, #tpu.memory_space<vmem>> -> memref<1x80xi32, #tpu.memory_space<vmem>>
      %dma_start3A_802 = tpu.memref_squeeze %dma_start3A_801 : memref<1x80xi32, #tpu.memory_space<vmem>> -> memref<80xi32, #tpu.memory_space<vmem>>
      %dma_start3A_803 = arith.constant 0 : i32
      %dma_start3A_804 = arith.constant 0 : i32
      %dma_start3A_805 = tpu.memref_slice %arg11[%dma_start3A_803, %dma_start3A_804] : memref<10000x128xf32, #tpu.memory_space<vmem_shared>> -> memref<10000x128xf32, #tpu.memory_space<vmem_shared>>
      tpu.enqueue_indirect_dma source(%dma_start3A_799 : memref<80x128xf32, #tpu.memory_space<vmem>>) target(%dma_start3A_805 : memref<10000x128xf32, #tpu.memory_space<vmem_shared>>) offsets(%dma_start3A_802 : memref<80xi32, #tpu.memory_space<vmem>>) semaphore(%run_scoped3A_795 : memref<!tpu.dma_semaphore, #tpu.memory_space<semaphore_mem>>) {add = true}
      %dma_wait3A_806 = arith.constant 0 : i32
      %dma_wait3A_807 = arith.constant 0 : i32
      %dma_wait3A_808 = tpu.memref_slice %arg10[%run_scoped3A_711, %dma_wait3A_806, %dma_wait3A_807] : memref<3x80x128xf32, #tpu.memory_space<vmem>> -> memref<1x80x128xf32, #tpu.memory_space<vmem>>
      %dma_wait3A_809 = tpu.memref_squeeze %dma_wait3A_808 : memref<1x80x128xf32, #tpu.memory_space<vmem>> -> memref<80x128xf32, #tpu.memory_space<vmem>>
      %dma_wait3A_810 = arith.constant 0 : i32
      %dma_wait3A_811 = tpu.memref_slice %arg9[%run_scoped3A_712, %dma_wait3A_810] : memref<125x80xi32, #tpu.memory_space<vmem>> -> memref<1x80xi32, #tpu.memory_space<vmem>>
      %dma_wait3A_812 = tpu.memref_squeeze %dma_wait3A_811 : memref<1x80xi32, #tpu.memory_space<vmem>> -> memref<80xi32, #tpu.memory_space<vmem>>
      %dma_wait3A_813 = arith.constant 0 : i32
      %dma_wait3A_814 = arith.constant 0 : i32
      %dma_wait3A_815 = tpu.memref_slice %arg11[%dma_wait3A_813, %dma_wait3A_814] : memref<10000x128xf32, #tpu.memory_space<vmem_shared>> -> memref<10000x128xf32, #tpu.memory_space<vmem_shared>>
      tpu.wait_indirect_dma semaphore(%run_scoped3A_795 : memref<!tpu.dma_semaphore, #tpu.memory_space<semaphore_mem>>) src(%dma_wait3A_809 : memref<80x128xf32, #tpu.memory_space<vmem>>) dst(%dma_wait3A_815 : memref<10000x128xf32, #tpu.memory_space<vmem_shared>>)
      tpu.yield
    }) : () -> ()
    %mul3A_713 = arith.constant 10000 : i32
    %mul3A_714 = arith.muli %add3A, %mul3A_713 : i32
    %add3A_715 = arith.constant 9920 : i32
    %add3A_716 = arith.addi %mul3A_714, %add3A_715 : i32
    %dma_start3A_717 = arith.constant 1 : i32
    %dma_start3A_718 = arith.constant 0 : i32
    %dma_start3A_719 = arith.constant 0 : i32
    %dma_start3A_720 = tpu.memref_slice %arg10[%dma_start3A_717, %dma_start3A_718, %dma_start3A_719] : memref<3x80x128xf32, #tpu.memory_space<vmem>> -> memref<1x80x128xf32, #tpu.memory_space<vmem>>
    %dma_start3A_721 = tpu.memref_squeeze %dma_start3A_720 : memref<1x80x128xf32, #tpu.memory_space<vmem>> -> memref<80x128xf32, #tpu.memory_space<vmem>>
    %dma_start3A_722 = arith.constant 0 : i32
    %dma_start3A_723 = tpu.memref_slice %arg5[%add3A_716, %dma_start3A_722] : memref<320000x128xf32, #tpu.memory_space<hbm>> -> memref<80x128xf32, #tpu.memory_space<hbm>>
    %dma_start3A_724 = arith.constant 0 : i32
    %dma_start3A_725 = arith.constant 0 : i32
    %dma_start3A_726 = tpu.memref_slice %arg10[%dma_start3A_717, %dma_start3A_724, %dma_start3A_725] : memref<3x80x128xf32, #tpu.memory_space<vmem>> -> memref<1x80x128xf32, #tpu.memory_space<vmem>>
    %dma_start3A_727 = tpu.memref_squeeze %dma_start3A_726 : memref<1x80x128xf32, #tpu.memory_space<vmem>> -> memref<80x128xf32, #tpu.memory_space<vmem>>
    %dma_start3A_728 = arith.constant 0 : i32
    %dma_start3A_729 = tpu.memref_slice %arg5[%add3A_716, %dma_start3A_728] : memref<320000x128xf32, #tpu.memory_space<hbm>> -> memref<80x128xf32, #tpu.memory_space<hbm>>
    tpu.enqueue_dma source(%dma_start3A_729 : memref<80x128xf32, #tpu.memory_space<hbm>>) target(%dma_start3A_727 : memref<80x128xf32, #tpu.memory_space<vmem>>) target_semaphore(%arg13 : memref<!tpu.dma_semaphore, #tpu.memory_space<semaphore_mem>>)
    %mul3A_730 = arith.constant 10000 : i32
    %mul3A_731 = arith.muli %add3A, %mul3A_730 : i32
    %add3A_732 = arith.constant 9760 : i32
    %add3A_733 = arith.addi %mul3A_731, %add3A_732 : i32
    %dma_wait3A_734 = arith.constant 2 : i32
    %dma_wait3A_735 = arith.constant 0 : i32
    %dma_wait3A_736 = arith.constant 0 : i32
    %dma_wait3A_737 = tpu.memref_slice %arg10[%dma_wait3A_734, %dma_wait3A_735, %dma_wait3A_736] : memref<3x80x128xf32, #tpu.memory_space<vmem>> -> memref<1x80x128xf32, #tpu.memory_space<vmem>>
    %dma_wait3A_738 = tpu.memref_squeeze %dma_wait3A_737 : memref<1x80x128xf32, #tpu.memory_space<vmem>> -> memref<80x128xf32, #tpu.memory_space<vmem>>
    %dma_wait3A_739 = arith.constant 0 : i32
    %dma_wait3A_740 = tpu.memref_slice %arg5[%add3A_733, %dma_wait3A_739] : memref<320000x128xf32, #tpu.memory_space<hbm>> -> memref<80x128xf32, #tpu.memory_space<hbm>>
    %dma_wait3A_741 = arith.constant 0 : i32
    %dma_wait3A_742 = arith.constant 0 : i32
    %dma_wait3A_743 = tpu.memref_slice %arg10[%dma_wait3A_734, %dma_wait3A_741, %dma_wait3A_742] : memref<3x80x128xf32, #tpu.memory_space<vmem>> -> memref<1x80x128xf32, #tpu.memory_space<vmem>>
    %dma_wait3A_744 = tpu.memref_squeeze %dma_wait3A_743 : memref<1x80x128xf32, #tpu.memory_space<vmem>> -> memref<80x128xf32, #tpu.memory_space<vmem>>
    %dma_wait3A_745 = arith.constant 0 : i32
    %dma_wait3A_746 = tpu.memref_slice %arg5[%add3A_733, %dma_wait3A_745] : memref<320000x128xf32, #tpu.memory_space<hbm>> -> memref<80x128xf32, #tpu.memory_space<hbm>>
    tpu.wait_dma2 semaphore(%arg14 : memref<!tpu.dma_semaphore, #tpu.memory_space<semaphore_mem>>) src(%dma_wait3A_746 : memref<80x128xf32, #tpu.memory_space<hbm>>) dst(%dma_wait3A_744 : memref<80x128xf32, #tpu.memory_space<vmem>>)
    %run_scoped3A_747 = arith.constant 2 : i32
    %run_scoped3A_748 = arith.constant 122 : i32
    "tpu.region"() ({
      %run_scoped3A_795 = tpu.sem_alloc : memref<!tpu.dma_semaphore, #tpu.memory_space<semaphore_mem>>
      %dma_start3A_796 = arith.constant 0 : i32
      %dma_start3A_797 = arith.constant 0 : i32
      %dma_start3A_798 = tpu.memref_slice %arg10[%run_scoped3A_747, %dma_start3A_796, %dma_start3A_797] : memref<3x80x128xf32, #tpu.memory_space<vmem>> -> memref<1x80x128xf32, #tpu.memory_space<vmem>>
      %dma_start3A_799 = tpu.memref_squeeze %dma_start3A_798 : memref<1x80x128xf32, #tpu.memory_space<vmem>> -> memref<80x128xf32, #tpu.memory_space<vmem>>
      %dma_start3A_800 = arith.constant 0 : i32
      %dma_start3A_801 = tpu.memref_slice %arg9[%run_scoped3A_748, %dma_start3A_800] : memref<125x80xi32, #tpu.memory_space<vmem>> -> memref<1x80xi32, #tpu.memory_space<vmem>>
      %dma_start3A_802 = tpu.memref_squeeze %dma_start3A_801 : memref<1x80xi32, #tpu.memory_space<vmem>> -> memref<80xi32, #tpu.memory_space<vmem>>
      %dma_start3A_803 = arith.constant 0 : i32
      %dma_start3A_804 = arith.constant 0 : i32
      %dma_start3A_805 = tpu.memref_slice %arg11[%dma_start3A_803, %dma_start3A_804] : memref<10000x128xf32, #tpu.memory_space<vmem_shared>> -> memref<10000x128xf32, #tpu.memory_space<vmem_shared>>
      tpu.enqueue_indirect_dma source(%dma_start3A_799 : memref<80x128xf32, #tpu.memory_space<vmem>>) target(%dma_start3A_805 : memref<10000x128xf32, #tpu.memory_space<vmem_shared>>) offsets(%dma_start3A_802 : memref<80xi32, #tpu.memory_space<vmem>>) semaphore(%run_scoped3A_795 : memref<!tpu.dma_semaphore, #tpu.memory_space<semaphore_mem>>) {add = true}
      %dma_wait3A_806 = arith.constant 0 : i32
      %dma_wait3A_807 = arith.constant 0 : i32
      %dma_wait3A_808 = tpu.memref_slice %arg10[%run_scoped3A_747, %dma_wait3A_806, %dma_wait3A_807] : memref<3x80x128xf32, #tpu.memory_space<vmem>> -> memref<1x80x128xf32, #tpu.memory_space<vmem>>
      %dma_wait3A_809 = tpu.memref_squeeze %dma_wait3A_808 : memref<1x80x128xf32, #tpu.memory_space<vmem>> -> memref<80x128xf32, #tpu.memory_space<vmem>>
      %dma_wait3A_810 = arith.constant 0 : i32
      %dma_wait3A_811 = tpu.memref_slice %arg9[%run_scoped3A_748, %dma_wait3A_810] : memref<125x80xi32, #tpu.memory_space<vmem>> -> memref<1x80xi32, #tpu.memory_space<vmem>>
      %dma_wait3A_812 = tpu.memref_squeeze %dma_wait3A_811 : memref<1x80xi32, #tpu.memory_space<vmem>> -> memref<80xi32, #tpu.memory_space<vmem>>
      %dma_wait3A_813 = arith.constant 0 : i32
      %dma_wait3A_814 = arith.constant 0 : i32
      %dma_wait3A_815 = tpu.memref_slice %arg11[%dma_wait3A_813, %dma_wait3A_814] : memref<10000x128xf32, #tpu.memory_space<vmem_shared>> -> memref<10000x128xf32, #tpu.memory_space<vmem_shared>>
      tpu.wait_indirect_dma semaphore(%run_scoped3A_795 : memref<!tpu.dma_semaphore, #tpu.memory_space<semaphore_mem>>) src(%dma_wait3A_809 : memref<80x128xf32, #tpu.memory_space<vmem>>) dst(%dma_wait3A_815 : memref<10000x128xf32, #tpu.memory_space<vmem_shared>>)
      tpu.yield
    }) : () -> ()
    %mul3A_749 = arith.constant 10000 : i32
    %mul3A_750 = arith.muli %add3A, %mul3A_749 : i32
    %add3A_751 = arith.constant 9840 : i32
    %add3A_752 = arith.addi %mul3A_750, %add3A_751 : i32
    %dma_wait3A_753 = arith.constant 0 : i32
    %dma_wait3A_754 = arith.constant 0 : i32
    %dma_wait3A_755 = arith.constant 0 : i32
    %dma_wait3A_756 = tpu.memref_slice %arg10[%dma_wait3A_753, %dma_wait3A_754, %dma_wait3A_755] : memref<3x80x128xf32, #tpu.memory_space<vmem>> -> memref<1x80x128xf32, #tpu.memory_space<vmem>>
    %dma_wait3A_757 = tpu.memref_squeeze %dma_wait3A_756 : memref<1x80x128xf32, #tpu.memory_space<vmem>> -> memref<80x128xf32, #tpu.memory_space<vmem>>
    %dma_wait3A_758 = arith.constant 0 : i32
    %dma_wait3A_759 = tpu.memref_slice %arg5[%add3A_752, %dma_wait3A_758] : memref<320000x128xf32, #tpu.memory_space<hbm>> -> memref<80x128xf32, #tpu.memory_space<hbm>>
    %dma_wait3A_760 = arith.constant 0 : i32
    %dma_wait3A_761 = arith.constant 0 : i32
    %dma_wait3A_762 = tpu.memref_slice %arg10[%dma_wait3A_753, %dma_wait3A_760, %dma_wait3A_761] : memref<3x80x128xf32, #tpu.memory_space<vmem>> -> memref<1x80x128xf32, #tpu.memory_space<vmem>>
    %dma_wait3A_763 = tpu.memref_squeeze %dma_wait3A_762 : memref<1x80x128xf32, #tpu.memory_space<vmem>> -> memref<80x128xf32, #tpu.memory_space<vmem>>
    %dma_wait3A_764 = arith.constant 0 : i32
    %dma_wait3A_765 = tpu.memref_slice %arg5[%add3A_752, %dma_wait3A_764] : memref<320000x128xf32, #tpu.memory_space<hbm>> -> memref<80x128xf32, #tpu.memory_space<hbm>>
    tpu.wait_dma2 semaphore(%arg12 : memref<!tpu.dma_semaphore, #tpu.memory_space<semaphore_mem>>) src(%dma_wait3A_765 : memref<80x128xf32, #tpu.memory_space<hbm>>) dst(%dma_wait3A_763 : memref<80x128xf32, #tpu.memory_space<vmem>>)
    %run_scoped3A_766 = arith.constant 0 : i32
    %run_scoped3A_767 = arith.constant 123 : i32
    "tpu.region"() ({
      %run_scoped3A_795 = tpu.sem_alloc : memref<!tpu.dma_semaphore, #tpu.memory_space<semaphore_mem>>
      %dma_start3A_796 = arith.constant 0 : i32
      %dma_start3A_797 = arith.constant 0 : i32
      %dma_start3A_798 = tpu.memref_slice %arg10[%run_scoped3A_766, %dma_start3A_796, %dma_start3A_797] : memref<3x80x128xf32, #tpu.memory_space<vmem>> -> memref<1x80x128xf32, #tpu.memory_space<vmem>>
      %dma_start3A_799 = tpu.memref_squeeze %dma_start3A_798 : memref<1x80x128xf32, #tpu.memory_space<vmem>> -> memref<80x128xf32, #tpu.memory_space<vmem>>
      %dma_start3A_800 = arith.constant 0 : i32
      %dma_start3A_801 = tpu.memref_slice %arg9[%run_scoped3A_767, %dma_start3A_800] : memref<125x80xi32, #tpu.memory_space<vmem>> -> memref<1x80xi32, #tpu.memory_space<vmem>>
      %dma_start3A_802 = tpu.memref_squeeze %dma_start3A_801 : memref<1x80xi32, #tpu.memory_space<vmem>> -> memref<80xi32, #tpu.memory_space<vmem>>
      %dma_start3A_803 = arith.constant 0 : i32
      %dma_start3A_804 = arith.constant 0 : i32
      %dma_start3A_805 = tpu.memref_slice %arg11[%dma_start3A_803, %dma_start3A_804] : memref<10000x128xf32, #tpu.memory_space<vmem_shared>> -> memref<10000x128xf32, #tpu.memory_space<vmem_shared>>
      tpu.enqueue_indirect_dma source(%dma_start3A_799 : memref<80x128xf32, #tpu.memory_space<vmem>>) target(%dma_start3A_805 : memref<10000x128xf32, #tpu.memory_space<vmem_shared>>) offsets(%dma_start3A_802 : memref<80xi32, #tpu.memory_space<vmem>>) semaphore(%run_scoped3A_795 : memref<!tpu.dma_semaphore, #tpu.memory_space<semaphore_mem>>) {add = true}
      %dma_wait3A_806 = arith.constant 0 : i32
      %dma_wait3A_807 = arith.constant 0 : i32
      %dma_wait3A_808 = tpu.memref_slice %arg10[%run_scoped3A_766, %dma_wait3A_806, %dma_wait3A_807] : memref<3x80x128xf32, #tpu.memory_space<vmem>> -> memref<1x80x128xf32, #tpu.memory_space<vmem>>
      %dma_wait3A_809 = tpu.memref_squeeze %dma_wait3A_808 : memref<1x80x128xf32, #tpu.memory_space<vmem>> -> memref<80x128xf32, #tpu.memory_space<vmem>>
      %dma_wait3A_810 = arith.constant 0 : i32
      %dma_wait3A_811 = tpu.memref_slice %arg9[%run_scoped3A_767, %dma_wait3A_810] : memref<125x80xi32, #tpu.memory_space<vmem>> -> memref<1x80xi32, #tpu.memory_space<vmem>>
      %dma_wait3A_812 = tpu.memref_squeeze %dma_wait3A_811 : memref<1x80xi32, #tpu.memory_space<vmem>> -> memref<80xi32, #tpu.memory_space<vmem>>
      %dma_wait3A_813 = arith.constant 0 : i32
      %dma_wait3A_814 = arith.constant 0 : i32
      %dma_wait3A_815 = tpu.memref_slice %arg11[%dma_wait3A_813, %dma_wait3A_814] : memref<10000x128xf32, #tpu.memory_space<vmem_shared>> -> memref<10000x128xf32, #tpu.memory_space<vmem_shared>>
      tpu.wait_indirect_dma semaphore(%run_scoped3A_795 : memref<!tpu.dma_semaphore, #tpu.memory_space<semaphore_mem>>) src(%dma_wait3A_809 : memref<80x128xf32, #tpu.memory_space<vmem>>) dst(%dma_wait3A_815 : memref<10000x128xf32, #tpu.memory_space<vmem_shared>>)
      tpu.yield
    }) : () -> ()
    %mul3A_768 = arith.constant 10000 : i32
    %mul3A_769 = arith.muli %add3A, %mul3A_768 : i32
    %add3A_770 = arith.constant 9920 : i32
    %add3A_771 = arith.addi %mul3A_769, %add3A_770 : i32
    %dma_wait3A_772 = arith.constant 1 : i32
    %dma_wait3A_773 = arith.constant 0 : i32
    %dma_wait3A_774 = arith.constant 0 : i32
    %dma_wait3A_775 = tpu.memref_slice %arg10[%dma_wait3A_772, %dma_wait3A_773, %dma_wait3A_774] : memref<3x80x128xf32, #tpu.memory_space<vmem>> -> memref<1x80x128xf32, #tpu.memory_space<vmem>>
    %dma_wait3A_776 = tpu.memref_squeeze %dma_wait3A_775 : memref<1x80x128xf32, #tpu.memory_space<vmem>> -> memref<80x128xf32, #tpu.memory_space<vmem>>
    %dma_wait3A_777 = arith.constant 0 : i32
    %dma_wait3A_778 = tpu.memref_slice %arg5[%add3A_771, %dma_wait3A_777] : memref<320000x128xf32, #tpu.memory_space<hbm>> -> memref<80x128xf32, #tpu.memory_space<hbm>>
    %dma_wait3A_779 = arith.constant 0 : i32
    %dma_wait3A_780 = arith.constant 0 : i32
    %dma_wait3A_781 = tpu.memref_slice %arg10[%dma_wait3A_772, %dma_wait3A_779, %dma_wait3A_780] : memref<3x80x128xf32, #tpu.memory_space<vmem>> -> memref<1x80x128xf32, #tpu.memory_space<vmem>>
    %dma_wait3A_782 = tpu.memref_squeeze %dma_wait3A_781 : memref<1x80x128xf32, #tpu.memory_space<vmem>> -> memref<80x128xf32, #tpu.memory_space<vmem>>
    %dma_wait3A_783 = arith.constant 0 : i32
    %dma_wait3A_784 = tpu.memref_slice %arg5[%add3A_771, %dma_wait3A_783] : memref<320000x128xf32, #tpu.memory_space<hbm>> -> memref<80x128xf32, #tpu.memory_space<hbm>>
    tpu.wait_dma2 semaphore(%arg13 : memref<!tpu.dma_semaphore, #tpu.memory_space<semaphore_mem>>) src(%dma_wait3A_784 : memref<80x128xf32, #tpu.memory_space<hbm>>) dst(%dma_wait3A_782 : memref<80x128xf32, #tpu.memory_space<vmem>>)
    %run_scoped3A_785 = arith.constant 1 : i32
    %run_scoped3A_786 = arith.constant 124 : i32
    "tpu.region"() ({
      %run_scoped3A_795 = tpu.sem_alloc : memref<!tpu.dma_semaphore, #tpu.memory_space<semaphore_mem>>
      %dma_start3A_796 = arith.constant 0 : i32
      %dma_start3A_797 = arith.constant 0 : i32
      %dma_start3A_798 = tpu.memref_slice %arg10[%run_scoped3A_785, %dma_start3A_796, %dma_start3A_797] : memref<3x80x128xf32, #tpu.memory_space<vmem>> -> memref<1x80x128xf32, #tpu.memory_space<vmem>>
      %dma_start3A_799 = tpu.memref_squeeze %dma_start3A_798 : memref<1x80x128xf32, #tpu.memory_space<vmem>> -> memref<80x128xf32, #tpu.memory_space<vmem>>
      %dma_start3A_800 = arith.constant 0 : i32
      %dma_start3A_801 = tpu.memref_slice %arg9[%run_scoped3A_786, %dma_start3A_800] : memref<125x80xi32, #tpu.memory_space<vmem>> -> memref<1x80xi32, #tpu.memory_space<vmem>>
      %dma_start3A_802 = tpu.memref_squeeze %dma_start3A_801 : memref<1x80xi32, #tpu.memory_space<vmem>> -> memref<80xi32, #tpu.memory_space<vmem>>
      %dma_start3A_803 = arith.constant 0 : i32
      %dma_start3A_804 = arith.constant 0 : i32
      %dma_start3A_805 = tpu.memref_slice %arg11[%dma_start3A_803, %dma_start3A_804] : memref<10000x128xf32, #tpu.memory_space<vmem_shared>> -> memref<10000x128xf32, #tpu.memory_space<vmem_shared>>
      tpu.enqueue_indirect_dma source(%dma_start3A_799 : memref<80x128xf32, #tpu.memory_space<vmem>>) target(%dma_start3A_805 : memref<10000x128xf32, #tpu.memory_space<vmem_shared>>) offsets(%dma_start3A_802 : memref<80xi32, #tpu.memory_space<vmem>>) semaphore(%run_scoped3A_795 : memref<!tpu.dma_semaphore, #tpu.memory_space<semaphore_mem>>) {add = true}
      %dma_wait3A_806 = arith.constant 0 : i32
      %dma_wait3A_807 = arith.constant 0 : i32
      %dma_wait3A_808 = tpu.memref_slice %arg10[%run_scoped3A_785, %dma_wait3A_806, %dma_wait3A_807] : memref<3x80x128xf32, #tpu.memory_space<vmem>> -> memref<1x80x128xf32, #tpu.memory_space<vmem>>
      %dma_wait3A_809 = tpu.memref_squeeze %dma_wait3A_808 : memref<1x80x128xf32, #tpu.memory_space<vmem>> -> memref<80x128xf32, #tpu.memory_space<vmem>>
      %dma_wait3A_810 = arith.constant 0 : i32
      %dma_wait3A_811 = tpu.memref_slice %arg9[%run_scoped3A_786, %dma_wait3A_810] : memref<125x80xi32, #tpu.memory_space<vmem>> -> memref<1x80xi32, #tpu.memory_space<vmem>>
      %dma_wait3A_812 = tpu.memref_squeeze %dma_wait3A_811 : memref<1x80xi32, #tpu.memory_space<vmem>> -> memref<80xi32, #tpu.memory_space<vmem>>
      %dma_wait3A_813 = arith.constant 0 : i32
      %dma_wait3A_814 = arith.constant 0 : i32
      %dma_wait3A_815 = tpu.memref_slice %arg11[%dma_wait3A_813, %dma_wait3A_814] : memref<10000x128xf32, #tpu.memory_space<vmem_shared>> -> memref<10000x128xf32, #tpu.memory_space<vmem_shared>>
      tpu.wait_indirect_dma semaphore(%run_scoped3A_795 : memref<!tpu.dma_semaphore, #tpu.memory_space<semaphore_mem>>) src(%dma_wait3A_809 : memref<80x128xf32, #tpu.memory_space<vmem>>) dst(%dma_wait3A_815 : memref<10000x128xf32, #tpu.memory_space<vmem_shared>>)
      tpu.yield
    }) : () -> ()
    %barrier3A_787 = arith.constant 0 : index
    tpu.barrier barrier_id(%barrier3A_787)
    %run_scoped3A_788 = arith.constant 3 : i32
    "tpu.region"() ({
      %run_scoped3A_795 = tpu.sem_alloc : memref<!tpu.dma_semaphore, #tpu.memory_space<semaphore_mem>>
      %dma_start3A_796 = arith.constant 0 : i32
      %dma_start3A_797 = arith.constant 0 : i32
      %dma_start3A_798 = tpu.memref_slice %arg8[%run_scoped3A_788, %arg0, %dma_start3A_796, %dma_start3A_797] : memref<4x2x10000x128xf32, #tpu.memory_space<hbm>> -> memref<1x1x10000x128xf32, #tpu.memory_space<hbm>>
      %dma_start3A_799 = tpu.memref_squeeze %dma_start3A_798 : memref<1x1x10000x128xf32, #tpu.memory_space<hbm>> -> memref<10000x128xf32, #tpu.memory_space<hbm>>
      %dma_start3A_800 = arith.constant 0 : i32
      %dma_start3A_801 = tpu.memref_slice %dma_start3A_799[%mul3A_2, %dma_start3A_800] : memref<10000x128xf32, #tpu.memory_space<hbm>> -> memref<624x128xf32, #tpu.memory_space<hbm>>
      %dma_start3A_802 = arith.constant 0 : i32
      %dma_start3A_803 = tpu.memref_slice %arg11[%mul3A_2, %dma_start3A_802] : memref<10000x128xf32, #tpu.memory_space<vmem_shared>> -> memref<624x128xf32, #tpu.memory_space<vmem_shared>>
      tpu.enqueue_dma source(%dma_start3A_803 : memref<624x128xf32, #tpu.memory_space<vmem_shared>>) target(%dma_start3A_801 : memref<624x128xf32, #tpu.memory_space<hbm>>) target_semaphore(%run_scoped3A_795 : memref<!tpu.dma_semaphore, #tpu.memory_space<semaphore_mem>>)
      %dma_wait3A_804 = arith.constant 0 : i32
      %dma_wait3A_805 = arith.constant 0 : i32
      %dma_wait3A_806 = tpu.memref_slice %arg8[%run_scoped3A_788, %arg0, %dma_wait3A_804, %dma_wait3A_805] : memref<4x2x10000x128xf32, #tpu.memory_space<hbm>> -> memref<1x1x10000x128xf32, #tpu.memory_space<hbm>>
      %dma_wait3A_807 = tpu.memref_squeeze %dma_wait3A_806 : memref<1x1x10000x128xf32, #tpu.memory_space<hbm>> -> memref<10000x128xf32, #tpu.memory_space<hbm>>
      %dma_wait3A_808 = arith.constant 0 : i32
      %dma_wait3A_809 = tpu.memref_slice %dma_wait3A_807[%mul3A_2, %dma_wait3A_808] : memref<10000x128xf32, #tpu.memory_space<hbm>> -> memref<624x128xf32, #tpu.memory_space<hbm>>
      %dma_wait3A_810 = arith.constant 0 : i32
      %dma_wait3A_811 = tpu.memref_slice %arg11[%mul3A_2, %dma_wait3A_810] : memref<10000x128xf32, #tpu.memory_space<vmem_shared>> -> memref<624x128xf32, #tpu.memory_space<vmem_shared>>
      tpu.wait_dma2 semaphore(%run_scoped3A_795 : memref<!tpu.dma_semaphore, #tpu.memory_space<semaphore_mem>>) src(%dma_wait3A_811 : memref<624x128xf32, #tpu.memory_space<vmem_shared>>) dst(%dma_wait3A_809 : memref<624x128xf32, #tpu.memory_space<hbm>>)
      tpu.yield
    }) : () -> ()
    %eq3A_789 = arith.constant 15 : i32
    %eq3A_790 = arith.cmpi eq, %arg1, %eq3A_789 : i32
    %convert_element_type3A_791 = arith.extui %eq3A_790 : i1 to i32
    %cond3A_792 = arith.constant 0 : i32
    %cond3A_793 = arith.cmpi ne, %convert_element_type3A_791, %cond3A_792 : i32
    scf.if %cond3A_793 {
      %run_scoped3A_795 = arith.constant 3 : i32
      "tpu.region"() ({
        %run_scoped3A_796 = tpu.sem_alloc : memref<!tpu.dma_semaphore, #tpu.memory_space<semaphore_mem>>
        %dma_start3A_797 = arith.constant 0 : i32
        %dma_start3A_798 = arith.constant 0 : i32
        %dma_start3A_799 = tpu.memref_slice %arg8[%run_scoped3A_795, %arg0, %dma_start3A_797, %dma_start3A_798] : memref<4x2x10000x128xf32, #tpu.memory_space<hbm>> -> memref<1x1x10000x128xf32, #tpu.memory_space<hbm>>
        %dma_start3A_800 = tpu.memref_squeeze %dma_start3A_799 : memref<1x1x10000x128xf32, #tpu.memory_space<hbm>> -> memref<10000x128xf32, #tpu.memory_space<hbm>>
        %dma_start3A_801 = arith.constant 9984 : i32
        %dma_start3A_802 = arith.constant 0 : i32
        %dma_start3A_803 = tpu.memref_slice %dma_start3A_800[%dma_start3A_801, %dma_start3A_802] : memref<10000x128xf32, #tpu.memory_space<hbm>> -> memref<16x128xf32, #tpu.memory_space<hbm>>
        %dma_start3A_804 = arith.constant 9984 : i32
        %dma_start3A_805 = arith.constant 0 : i32
        %dma_start3A_806 = tpu.memref_slice %arg11[%dma_start3A_804, %dma_start3A_805] : memref<10000x128xf32, #tpu.memory_space<vmem_shared>> -> memref<16x128xf32, #tpu.memory_space<vmem_shared>>
        tpu.enqueue_dma source(%dma_start3A_806 : memref<16x128xf32, #tpu.memory_space<vmem_shared>>) target(%dma_start3A_803 : memref<16x128xf32, #tpu.memory_space<hbm>>) target_semaphore(%run_scoped3A_796 : memref<!tpu.dma_semaphore, #tpu.memory_space<semaphore_mem>>)
        %dma_wait3A_807 = arith.constant 0 : i32
        %dma_wait3A_808 = arith.constant 0 : i32
        %dma_wait3A_809 = tpu.memref_slice %arg8[%run_scoped3A_795, %arg0, %dma_wait3A_807, %dma_wait3A_808] : memref<4x2x10000x128xf32, #tpu.memory_space<hbm>> -> memref<1x1x10000x128xf32, #tpu.memory_space<hbm>>
        %dma_wait3A_810 = tpu.memref_squeeze %dma_wait3A_809 : memref<1x1x10000x128xf32, #tpu.memory_space<hbm>> -> memref<10000x128xf32, #tpu.memory_space<hbm>>
        %dma_wait3A_811 = arith.constant 9984 : i32
        %dma_wait3A_812 = arith.constant 0 : i32
        %dma_wait3A_813 = tpu.memref_slice %dma_wait3A_810[%dma_wait3A_811, %dma_wait3A_812] : memref<10000x128xf32, #tpu.memory_space<hbm>> -> memref<16x128xf32, #tpu.memory_space<hbm>>
        %dma_wait3A_814 = arith.constant 9984 : i32
        %dma_wait3A_815 = arith.constant 0 : i32
        %dma_wait3A_816 = tpu.memref_slice %arg11[%dma_wait3A_814, %dma_wait3A_815] : memref<10000x128xf32, #tpu.memory_space<vmem_shared>> -> memref<16x128xf32, #tpu.memory_space<vmem_shared>>
        tpu.wait_dma2 semaphore(%run_scoped3A_796 : memref<!tpu.dma_semaphore, #tpu.memory_space<semaphore_mem>>) src(%dma_wait3A_816 : memref<16x128xf32, #tpu.memory_space<vmem_shared>>) dst(%dma_wait3A_813 : memref<16x128xf32, #tpu.memory_space<hbm>>)
        tpu.yield
      }) : () -> ()
    } else {
    }
    %barrier3A_794 = arith.constant 0 : index
    tpu.barrier barrier_id(%barrier3A_794)
    return
  }
}

#map = affine_map<(d0, d1) -> (0, 0)>
#map1 = affine_map<(d0, d1) -> (0, 0, 0)>
module attributes {stable_mosaic.version = 14 : i64} {
  func.func @_sc_gather(%arg0: i32, %arg1: i32, %arg2: memref<10000x384xi32, #tpu.memory_space<hbm>>, %arg3: memref<32x250x40xi32, #tpu.memory_space<hbm>>, %arg4: memref<320000x384xi32, #tpu.memory_space<hbm>>, %arg5: memref<250x40xi32, #tpu.memory_space<vmem>>, %arg6: memref<4x40x384xi32, #tpu.memory_space<vmem>>, %arg7: memref<!tpu.dma_semaphore, #tpu.memory_space<semaphore_mem>>, %arg8: memref<!tpu.dma_semaphore, #tpu.memory_space<semaphore_mem>>, %arg9: memref<!tpu.dma_semaphore, #tpu.memory_space<semaphore_mem>>, %arg10: memref<!tpu.dma_semaphore, #tpu.memory_space<semaphore_mem>>, %arg11: memref<!tpu.dma_semaphore, #tpu.memory_space<semaphore_mem>>, %arg12: memref<!tpu.dma_semaphore, #tpu.memory_space<semaphore_mem>>, %arg13: memref<!tpu.dma_semaphore, #tpu.memory_space<semaphore_mem>>, %arg14: memref<!tpu.dma_semaphore, #tpu.memory_space<semaphore_mem>>) attributes {dimension_semantics = [#tpu.dimension_semantics<core_parallel>, #tpu.dimension_semantics<subcore_parallel>], iteration_bounds = array<i64: 2, 16>, scalar_prefetch = 0 : i64, scratch_operands = 10 : i64, tpu.core_type = #tpu.core_type<sc_vector_subcore>, window_params = [{transform_indices = #map}, {transform_indices = #map1}, {transform_indices = #map}]} {
    %mul3A = arith.constant 2 : i32
    %mul3A_0 = arith.muli %arg1, %mul3A : i32
    %add3A = arith.addi %mul3A_0, %arg0 : i32
    "tpu.region"() ({
      %run_scoped3A = tpu.sem_alloc : memref<!tpu.dma_semaphore, #tpu.memory_space<semaphore_mem>>
      %dma_start3A_352 = arith.constant 0 : i32
      %dma_start3A_353 = arith.constant 0 : i32
      %dma_start3A_354 = tpu.memref_slice %arg3[%add3A, %dma_start3A_352, %dma_start3A_353] : memref<32x250x40xi32, #tpu.memory_space<hbm>> -> memref<1x250x40xi32, #tpu.memory_space<hbm>>
      %dma_start3A_355 = tpu.memref_squeeze %dma_start3A_354 : memref<1x250x40xi32, #tpu.memory_space<hbm>> -> memref<250x40xi32, #tpu.memory_space<hbm>>
      %dma_start3A_356 = arith.constant 0 : i32
      %dma_start3A_357 = arith.constant 0 : i32
      %dma_start3A_358 = tpu.memref_slice %arg3[%add3A, %dma_start3A_356, %dma_start3A_357] : memref<32x250x40xi32, #tpu.memory_space<hbm>> -> memref<1x250x40xi32, #tpu.memory_space<hbm>>
      %dma_start3A_359 = tpu.memref_squeeze %dma_start3A_358 : memref<1x250x40xi32, #tpu.memory_space<hbm>> -> memref<250x40xi32, #tpu.memory_space<hbm>>
      tpu.enqueue_dma source(%dma_start3A_359 : memref<250x40xi32, #tpu.memory_space<hbm>>) target(%arg5 : memref<250x40xi32, #tpu.memory_space<vmem>>) target_semaphore(%run_scoped3A : memref<!tpu.dma_semaphore, #tpu.memory_space<semaphore_mem>>)
      %dma_wait3A_360 = arith.constant 0 : i32
      %dma_wait3A_361 = arith.constant 0 : i32
      %dma_wait3A_362 = tpu.memref_slice %arg3[%add3A, %dma_wait3A_360, %dma_wait3A_361] : memref<32x250x40xi32, #tpu.memory_space<hbm>> -> memref<1x250x40xi32, #tpu.memory_space<hbm>>
      %dma_wait3A_363 = tpu.memref_squeeze %dma_wait3A_362 : memref<1x250x40xi32, #tpu.memory_space<hbm>> -> memref<250x40xi32, #tpu.memory_space<hbm>>
      %dma_wait3A_364 = arith.constant 0 : i32
      %dma_wait3A_365 = arith.constant 0 : i32
      %dma_wait3A_366 = tpu.memref_slice %arg3[%add3A, %dma_wait3A_364, %dma_wait3A_365] : memref<32x250x40xi32, #tpu.memory_space<hbm>> -> memref<1x250x40xi32, #tpu.memory_space<hbm>>
      %dma_wait3A_367 = tpu.memref_squeeze %dma_wait3A_366 : memref<1x250x40xi32, #tpu.memory_space<hbm>> -> memref<250x40xi32, #tpu.memory_space<hbm>>
      tpu.wait_dma2 semaphore(%run_scoped3A : memref<!tpu.dma_semaphore, #tpu.memory_space<semaphore_mem>>) src(%dma_wait3A_367 : memref<250x40xi32, #tpu.memory_space<hbm>>) dst(%arg5 : memref<250x40xi32, #tpu.memory_space<vmem>>)
      tpu.yield
    }) : () -> ()
    %dma_start3A = arith.constant 0 : i32
    %dma_start3A_1 = arith.constant 0 : i32
    %dma_start3A_2 = arith.constant 0 : i32
    %dma_start3A_3 = arith.constant 0 : i32
    %dma_start3A_4 = tpu.memref_slice %arg6[%dma_start3A_1, %dma_start3A_2, %dma_start3A_3] : memref<4x40x384xi32, #tpu.memory_space<vmem>> -> memref<1x40x384xi32, #tpu.memory_space<vmem>>
    %dma_start3A_5 = tpu.memref_squeeze %dma_start3A_4 : memref<1x40x384xi32, #tpu.memory_space<vmem>> -> memref<40x384xi32, #tpu.memory_space<vmem>>
    %dma_start3A_6 = arith.constant 0 : i32
    %dma_start3A_7 = tpu.memref_slice %arg5[%dma_start3A, %dma_start3A_6] : memref<250x40xi32, #tpu.memory_space<vmem>> -> memref<1x40xi32, #tpu.memory_space<vmem>>
    %dma_start3A_8 = tpu.memref_squeeze %dma_start3A_7 : memref<1x40xi32, #tpu.memory_space<vmem>> -> memref<40xi32, #tpu.memory_space<vmem>>
    %dma_start3A_9 = arith.constant 0 : i32
    %dma_start3A_10 = arith.constant 0 : i32
    %dma_start3A_11 = tpu.memref_slice %arg2[%dma_start3A_9, %dma_start3A_10] : memref<10000x384xi32, #tpu.memory_space<hbm>> -> memref<10000x384xi32, #tpu.memory_space<hbm>>
    tpu.enqueue_indirect_dma source(%dma_start3A_11 : memref<10000x384xi32, #tpu.memory_space<hbm>>) target(%dma_start3A_5 : memref<40x384xi32, #tpu.memory_space<vmem>>) offsets(%dma_start3A_8 : memref<40xi32, #tpu.memory_space<vmem>>) semaphore(%arg7 : memref<!tpu.dma_semaphore, #tpu.memory_space<semaphore_mem>>)
    %dma_start3A_12 = arith.constant 1 : i32
    %dma_start3A_13 = arith.constant 1 : i32
    %dma_start3A_14 = arith.constant 0 : i32
    %dma_start3A_15 = arith.constant 0 : i32
    %dma_start3A_16 = tpu.memref_slice %arg6[%dma_start3A_13, %dma_start3A_14, %dma_start3A_15] : memref<4x40x384xi32, #tpu.memory_space<vmem>> -> memref<1x40x384xi32, #tpu.memory_space<vmem>>
    %dma_start3A_17 = tpu.memref_squeeze %dma_start3A_16 : memref<1x40x384xi32, #tpu.memory_space<vmem>> -> memref<40x384xi32, #tpu.memory_space<vmem>>
    %dma_start3A_18 = arith.constant 0 : i32
    %dma_start3A_19 = tpu.memref_slice %arg5[%dma_start3A_12, %dma_start3A_18] : memref<250x40xi32, #tpu.memory_space<vmem>> -> memref<1x40xi32, #tpu.memory_space<vmem>>
    %dma_start3A_20 = tpu.memref_squeeze %dma_start3A_19 : memref<1x40xi32, #tpu.memory_space<vmem>> -> memref<40xi32, #tpu.memory_space<vmem>>
    %dma_start3A_21 = arith.constant 0 : i32
    %dma_start3A_22 = arith.constant 0 : i32
    %dma_start3A_23 = tpu.memref_slice %arg2[%dma_start3A_21, %dma_start3A_22] : memref<10000x384xi32, #tpu.memory_space<hbm>> -> memref<10000x384xi32, #tpu.memory_space<hbm>>
    tpu.enqueue_indirect_dma source(%dma_start3A_23 : memref<10000x384xi32, #tpu.memory_space<hbm>>) target(%dma_start3A_17 : memref<40x384xi32, #tpu.memory_space<vmem>>) offsets(%dma_start3A_20 : memref<40xi32, #tpu.memory_space<vmem>>) semaphore(%arg8 : memref<!tpu.dma_semaphore, #tpu.memory_space<semaphore_mem>>)
    %dma_wait3A = arith.constant 0 : i32
    %dma_wait3A_24 = arith.constant 0 : i32
    %dma_wait3A_25 = arith.constant 0 : i32
    %dma_wait3A_26 = arith.constant 0 : i32
    %dma_wait3A_27 = tpu.memref_slice %arg6[%dma_wait3A_24, %dma_wait3A_25, %dma_wait3A_26] : memref<4x40x384xi32, #tpu.memory_space<vmem>> -> memref<1x40x384xi32, #tpu.memory_space<vmem>>
    %dma_wait3A_28 = tpu.memref_squeeze %dma_wait3A_27 : memref<1x40x384xi32, #tpu.memory_space<vmem>> -> memref<40x384xi32, #tpu.memory_space<vmem>>
    %dma_wait3A_29 = arith.constant 0 : i32
    %dma_wait3A_30 = tpu.memref_slice %arg5[%dma_wait3A, %dma_wait3A_29] : memref<250x40xi32, #tpu.memory_space<vmem>> -> memref<1x40xi32, #tpu.memory_space<vmem>>
    %dma_wait3A_31 = tpu.memref_squeeze %dma_wait3A_30 : memref<1x40xi32, #tpu.memory_space<vmem>> -> memref<40xi32, #tpu.memory_space<vmem>>
    %dma_wait3A_32 = arith.constant 0 : i32
    %dma_wait3A_33 = arith.constant 0 : i32
    %dma_wait3A_34 = tpu.memref_slice %arg2[%dma_wait3A_32, %dma_wait3A_33] : memref<10000x384xi32, #tpu.memory_space<hbm>> -> memref<10000x384xi32, #tpu.memory_space<hbm>>
    tpu.wait_indirect_dma semaphore(%arg7 : memref<!tpu.dma_semaphore, #tpu.memory_space<semaphore_mem>>) src(%dma_wait3A_34 : memref<10000x384xi32, #tpu.memory_space<hbm>>) dst(%dma_wait3A_28 : memref<40x384xi32, #tpu.memory_space<vmem>>)
    %mul3A_35 = arith.constant 10000 : i32
    %mul3A_36 = arith.muli %add3A, %mul3A_35 : i32
    %add3A_37 = arith.constant 0 : i32
    %add3A_38 = arith.addi %mul3A_36, %add3A_37 : i32
    %dma_start3A_39 = arith.constant 0 : i32
    %dma_start3A_40 = arith.constant 0 : i32
    %dma_start3A_41 = arith.constant 0 : i32
    %dma_start3A_42 = tpu.memref_slice %arg6[%dma_start3A_39, %dma_start3A_40, %dma_start3A_41] : memref<4x40x384xi32, #tpu.memory_space<vmem>> -> memref<1x40x384xi32, #tpu.memory_space<vmem>>
    %dma_start3A_43 = tpu.memref_squeeze %dma_start3A_42 : memref<1x40x384xi32, #tpu.memory_space<vmem>> -> memref<40x384xi32, #tpu.memory_space<vmem>>
    %dma_start3A_44 = arith.constant 0 : i32
    %dma_start3A_45 = tpu.memref_slice %arg4[%add3A_38, %dma_start3A_44] : memref<320000x384xi32, #tpu.memory_space<hbm>> -> memref<40x384xi32, #tpu.memory_space<hbm>>
    %dma_start3A_46 = arith.constant 0 : i32
    %dma_start3A_47 = tpu.memref_slice %arg4[%add3A_38, %dma_start3A_46] : memref<320000x384xi32, #tpu.memory_space<hbm>> -> memref<40x384xi32, #tpu.memory_space<hbm>>
    %dma_start3A_48 = arith.constant 0 : i32
    %dma_start3A_49 = arith.constant 0 : i32
    %dma_start3A_50 = tpu.memref_slice %arg6[%dma_start3A_39, %dma_start3A_48, %dma_start3A_49] : memref<4x40x384xi32, #tpu.memory_space<vmem>> -> memref<1x40x384xi32, #tpu.memory_space<vmem>>
    %dma_start3A_51 = tpu.memref_squeeze %dma_start3A_50 : memref<1x40x384xi32, #tpu.memory_space<vmem>> -> memref<40x384xi32, #tpu.memory_space<vmem>>
    tpu.enqueue_dma source(%dma_start3A_51 : memref<40x384xi32, #tpu.memory_space<vmem>>) target(%dma_start3A_47 : memref<40x384xi32, #tpu.memory_space<hbm>>) target_semaphore(%arg11 : memref<!tpu.dma_semaphore, #tpu.memory_space<semaphore_mem>>)
    %dma_start3A_52 = arith.constant 2 : i32
    %dma_start3A_53 = arith.constant 2 : i32
    %dma_start3A_54 = arith.constant 0 : i32
    %dma_start3A_55 = arith.constant 0 : i32
    %dma_start3A_56 = tpu.memref_slice %arg6[%dma_start3A_53, %dma_start3A_54, %dma_start3A_55] : memref<4x40x384xi32, #tpu.memory_space<vmem>> -> memref<1x40x384xi32, #tpu.memory_space<vmem>>
    %dma_start3A_57 = tpu.memref_squeeze %dma_start3A_56 : memref<1x40x384xi32, #tpu.memory_space<vmem>> -> memref<40x384xi32, #tpu.memory_space<vmem>>
    %dma_start3A_58 = arith.constant 0 : i32
    %dma_start3A_59 = tpu.memref_slice %arg5[%dma_start3A_52, %dma_start3A_58] : memref<250x40xi32, #tpu.memory_space<vmem>> -> memref<1x40xi32, #tpu.memory_space<vmem>>
    %dma_start3A_60 = tpu.memref_squeeze %dma_start3A_59 : memref<1x40xi32, #tpu.memory_space<vmem>> -> memref<40xi32, #tpu.memory_space<vmem>>
    %dma_start3A_61 = arith.constant 0 : i32
    %dma_start3A_62 = arith.constant 0 : i32
    %dma_start3A_63 = tpu.memref_slice %arg2[%dma_start3A_61, %dma_start3A_62] : memref<10000x384xi32, #tpu.memory_space<hbm>> -> memref<10000x384xi32, #tpu.memory_space<hbm>>
    tpu.enqueue_indirect_dma source(%dma_start3A_63 : memref<10000x384xi32, #tpu.memory_space<hbm>>) target(%dma_start3A_57 : memref<40x384xi32, #tpu.memory_space<vmem>>) offsets(%dma_start3A_60 : memref<40xi32, #tpu.memory_space<vmem>>) semaphore(%arg9 : memref<!tpu.dma_semaphore, #tpu.memory_space<semaphore_mem>>)
    %dma_wait3A_64 = arith.constant 1 : i32
    %dma_wait3A_65 = arith.constant 1 : i32
    %dma_wait3A_66 = arith.constant 0 : i32
    %dma_wait3A_67 = arith.constant 0 : i32
    %dma_wait3A_68 = tpu.memref_slice %arg6[%dma_wait3A_65, %dma_wait3A_66, %dma_wait3A_67] : memref<4x40x384xi32, #tpu.memory_space<vmem>> -> memref<1x40x384xi32, #tpu.memory_space<vmem>>
    %dma_wait3A_69 = tpu.memref_squeeze %dma_wait3A_68 : memref<1x40x384xi32, #tpu.memory_space<vmem>> -> memref<40x384xi32, #tpu.memory_space<vmem>>
    %dma_wait3A_70 = arith.constant 0 : i32
    %dma_wait3A_71 = tpu.memref_slice %arg5[%dma_wait3A_64, %dma_wait3A_70] : memref<250x40xi32, #tpu.memory_space<vmem>> -> memref<1x40xi32, #tpu.memory_space<vmem>>
    %dma_wait3A_72 = tpu.memref_squeeze %dma_wait3A_71 : memref<1x40xi32, #tpu.memory_space<vmem>> -> memref<40xi32, #tpu.memory_space<vmem>>
    %dma_wait3A_73 = arith.constant 0 : i32
    %dma_wait3A_74 = arith.constant 0 : i32
    %dma_wait3A_75 = tpu.memref_slice %arg2[%dma_wait3A_73, %dma_wait3A_74] : memref<10000x384xi32, #tpu.memory_space<hbm>> -> memref<10000x384xi32, #tpu.memory_space<hbm>>
    tpu.wait_indirect_dma semaphore(%arg8 : memref<!tpu.dma_semaphore, #tpu.memory_space<semaphore_mem>>) src(%dma_wait3A_75 : memref<10000x384xi32, #tpu.memory_space<hbm>>) dst(%dma_wait3A_69 : memref<40x384xi32, #tpu.memory_space<vmem>>)
    %mul3A_76 = arith.constant 10000 : i32
    %mul3A_77 = arith.muli %add3A, %mul3A_76 : i32
    %add3A_78 = arith.constant 40 : i32
    %add3A_79 = arith.addi %mul3A_77, %add3A_78 : i32
    %dma_start3A_80 = arith.constant 1 : i32
    %dma_start3A_81 = arith.constant 0 : i32
    %dma_start3A_82 = arith.constant 0 : i32
    %dma_start3A_83 = tpu.memref_slice %arg6[%dma_start3A_80, %dma_start3A_81, %dma_start3A_82] : memref<4x40x384xi32, #tpu.memory_space<vmem>> -> memref<1x40x384xi32, #tpu.memory_space<vmem>>
    %dma_start3A_84 = tpu.memref_squeeze %dma_start3A_83 : memref<1x40x384xi32, #tpu.memory_space<vmem>> -> memref<40x384xi32, #tpu.memory_space<vmem>>
    %dma_start3A_85 = arith.constant 0 : i32
    %dma_start3A_86 = tpu.memref_slice %arg4[%add3A_79, %dma_start3A_85] : memref<320000x384xi32, #tpu.memory_space<hbm>> -> memref<40x384xi32, #tpu.memory_space<hbm>>
    %dma_start3A_87 = arith.constant 0 : i32
    %dma_start3A_88 = tpu.memref_slice %arg4[%add3A_79, %dma_start3A_87] : memref<320000x384xi32, #tpu.memory_space<hbm>> -> memref<40x384xi32, #tpu.memory_space<hbm>>
    %dma_start3A_89 = arith.constant 0 : i32
    %dma_start3A_90 = arith.constant 0 : i32
    %dma_start3A_91 = tpu.memref_slice %arg6[%dma_start3A_80, %dma_start3A_89, %dma_start3A_90] : memref<4x40x384xi32, #tpu.memory_space<vmem>> -> memref<1x40x384xi32, #tpu.memory_space<vmem>>
    %dma_start3A_92 = tpu.memref_squeeze %dma_start3A_91 : memref<1x40x384xi32, #tpu.memory_space<vmem>> -> memref<40x384xi32, #tpu.memory_space<vmem>>
    tpu.enqueue_dma source(%dma_start3A_92 : memref<40x384xi32, #tpu.memory_space<vmem>>) target(%dma_start3A_88 : memref<40x384xi32, #tpu.memory_space<hbm>>) target_semaphore(%arg12 : memref<!tpu.dma_semaphore, #tpu.memory_space<semaphore_mem>>)
    %dma_start3A_93 = arith.constant 3 : i32
    %dma_start3A_94 = arith.constant 3 : i32
    %dma_start3A_95 = arith.constant 0 : i32
    %dma_start3A_96 = arith.constant 0 : i32
    %dma_start3A_97 = tpu.memref_slice %arg6[%dma_start3A_94, %dma_start3A_95, %dma_start3A_96] : memref<4x40x384xi32, #tpu.memory_space<vmem>> -> memref<1x40x384xi32, #tpu.memory_space<vmem>>
    %dma_start3A_98 = tpu.memref_squeeze %dma_start3A_97 : memref<1x40x384xi32, #tpu.memory_space<vmem>> -> memref<40x384xi32, #tpu.memory_space<vmem>>
    %dma_start3A_99 = arith.constant 0 : i32
    %dma_start3A_100 = tpu.memref_slice %arg5[%dma_start3A_93, %dma_start3A_99] : memref<250x40xi32, #tpu.memory_space<vmem>> -> memref<1x40xi32, #tpu.memory_space<vmem>>
    %dma_start3A_101 = tpu.memref_squeeze %dma_start3A_100 : memref<1x40xi32, #tpu.memory_space<vmem>> -> memref<40xi32, #tpu.memory_space<vmem>>
    %dma_start3A_102 = arith.constant 0 : i32
    %dma_start3A_103 = arith.constant 0 : i32
    %dma_start3A_104 = tpu.memref_slice %arg2[%dma_start3A_102, %dma_start3A_103] : memref<10000x384xi32, #tpu.memory_space<hbm>> -> memref<10000x384xi32, #tpu.memory_space<hbm>>
    tpu.enqueue_indirect_dma source(%dma_start3A_104 : memref<10000x384xi32, #tpu.memory_space<hbm>>) target(%dma_start3A_98 : memref<40x384xi32, #tpu.memory_space<vmem>>) offsets(%dma_start3A_101 : memref<40xi32, #tpu.memory_space<vmem>>) semaphore(%arg10 : memref<!tpu.dma_semaphore, #tpu.memory_space<semaphore_mem>>)
    %scan3A = arith.constant 0 : i32
    %scan3A_105 = arith.constant 0 : i32
    %scan3A_106 = arith.constant 61 : i32
    %scan3A_107 = arith.addi %scan3A_105, %scan3A_106 : i32
    %scan3A_108 = arith.constant 1 : i32
    scf.for %scan3A_352 = %scan3A_105 to %scan3A_107 step %scan3A_108  : i32 {
      %mul3A_353 = arith.constant 4 : i32
      %mul3A_354 = arith.muli %mul3A_353, %scan3A_352 : i32
      %add3A_355 = arith.constant 2 : i32
      %add3A_356 = arith.addi %add3A_355, %mul3A_354 : i32
      %add3A_357 = arith.constant 0 : i32
      %add3A_358 = arith.addi %add3A_356, %add3A_357 : i32
      %dma_wait3A_359 = arith.constant 2 : i32
      %dma_wait3A_360 = arith.constant 0 : i32
      %dma_wait3A_361 = arith.constant 0 : i32
      %dma_wait3A_362 = tpu.memref_slice %arg6[%dma_wait3A_359, %dma_wait3A_360, %dma_wait3A_361] : memref<4x40x384xi32, #tpu.memory_space<vmem>> -> memref<1x40x384xi32, #tpu.memory_space<vmem>>
      %dma_wait3A_363 = tpu.memref_squeeze %dma_wait3A_362 : memref<1x40x384xi32, #tpu.memory_space<vmem>> -> memref<40x384xi32, #tpu.memory_space<vmem>>
      %dma_wait3A_364 = arith.constant 0 : i32
      %dma_wait3A_365 = tpu.memref_slice %arg5[%add3A_358, %dma_wait3A_364] : memref<250x40xi32, #tpu.memory_space<vmem>> -> memref<1x40xi32, #tpu.memory_space<vmem>>
      %dma_wait3A_366 = tpu.memref_squeeze %dma_wait3A_365 : memref<1x40xi32, #tpu.memory_space<vmem>> -> memref<40xi32, #tpu.memory_space<vmem>>
      %dma_wait3A_367 = arith.constant 0 : i32
      %dma_wait3A_368 = arith.constant 0 : i32
      %dma_wait3A_369 = tpu.memref_slice %arg2[%dma_wait3A_367, %dma_wait3A_368] : memref<10000x384xi32, #tpu.memory_space<hbm>> -> memref<10000x384xi32, #tpu.memory_space<hbm>>
      tpu.wait_indirect_dma semaphore(%arg9 : memref<!tpu.dma_semaphore, #tpu.memory_space<semaphore_mem>>) src(%dma_wait3A_369 : memref<10000x384xi32, #tpu.memory_space<hbm>>) dst(%dma_wait3A_363 : memref<40x384xi32, #tpu.memory_space<vmem>>)
      %mul3A_370 = arith.constant 10000 : i32
      %mul3A_371 = arith.muli %add3A, %mul3A_370 : i32
      %mul3A_372 = arith.constant 40 : i32
      %mul3A_373 = arith.muli %add3A_358, %mul3A_372 : i32
      %add3A_374 = arith.addi %mul3A_371, %mul3A_373 : i32
      %dma_start3A_375 = arith.constant 2 : i32
      %dma_start3A_376 = arith.constant 0 : i32
      %dma_start3A_377 = arith.constant 0 : i32
      %dma_start3A_378 = tpu.memref_slice %arg6[%dma_start3A_375, %dma_start3A_376, %dma_start3A_377] : memref<4x40x384xi32, #tpu.memory_space<vmem>> -> memref<1x40x384xi32, #tpu.memory_space<vmem>>
      %dma_start3A_379 = tpu.memref_squeeze %dma_start3A_378 : memref<1x40x384xi32, #tpu.memory_space<vmem>> -> memref<40x384xi32, #tpu.memory_space<vmem>>
      %dma_start3A_380 = arith.constant 0 : i32
      %dma_start3A_381 = tpu.memref_slice %arg4[%add3A_374, %dma_start3A_380] : memref<320000x384xi32, #tpu.memory_space<hbm>> -> memref<40x384xi32, #tpu.memory_space<hbm>>
      %dma_start3A_382 = arith.constant 0 : i32
      %dma_start3A_383 = tpu.memref_slice %arg4[%add3A_374, %dma_start3A_382] : memref<320000x384xi32, #tpu.memory_space<hbm>> -> memref<40x384xi32, #tpu.memory_space<hbm>>
      %dma_start3A_384 = arith.constant 0 : i32
      %dma_start3A_385 = arith.constant 0 : i32
      %dma_start3A_386 = tpu.memref_slice %arg6[%dma_start3A_375, %dma_start3A_384, %dma_start3A_385] : memref<4x40x384xi32, #tpu.memory_space<vmem>> -> memref<1x40x384xi32, #tpu.memory_space<vmem>>
      %dma_start3A_387 = tpu.memref_squeeze %dma_start3A_386 : memref<1x40x384xi32, #tpu.memory_space<vmem>> -> memref<40x384xi32, #tpu.memory_space<vmem>>
      tpu.enqueue_dma source(%dma_start3A_387 : memref<40x384xi32, #tpu.memory_space<vmem>>) target(%dma_start3A_383 : memref<40x384xi32, #tpu.memory_space<hbm>>) target_semaphore(%arg13 : memref<!tpu.dma_semaphore, #tpu.memory_space<semaphore_mem>>)
      %sub3A = arith.constant 2 : i32
      %sub3A_388 = arith.subi %add3A_358, %sub3A : i32
      %mul3A_389 = arith.constant 10000 : i32
      %mul3A_390 = arith.muli %add3A, %mul3A_389 : i32
      %mul3A_391 = arith.constant 40 : i32
      %mul3A_392 = arith.muli %sub3A_388, %mul3A_391 : i32
      %add3A_393 = arith.addi %mul3A_390, %mul3A_392 : i32
      %dma_wait3A_394 = arith.constant 0 : i32
      %dma_wait3A_395 = arith.constant 0 : i32
      %dma_wait3A_396 = arith.constant 0 : i32
      %dma_wait3A_397 = tpu.memref_slice %arg6[%dma_wait3A_394, %dma_wait3A_395, %dma_wait3A_396] : memref<4x40x384xi32, #tpu.memory_space<vmem>> -> memref<1x40x384xi32, #tpu.memory_space<vmem>>
      %dma_wait3A_398 = tpu.memref_squeeze %dma_wait3A_397 : memref<1x40x384xi32, #tpu.memory_space<vmem>> -> memref<40x384xi32, #tpu.memory_space<vmem>>
      %dma_wait3A_399 = arith.constant 0 : i32
      %dma_wait3A_400 = tpu.memref_slice %arg4[%add3A_393, %dma_wait3A_399] : memref<320000x384xi32, #tpu.memory_space<hbm>> -> memref<40x384xi32, #tpu.memory_space<hbm>>
      %dma_wait3A_401 = arith.constant 0 : i32
      %dma_wait3A_402 = tpu.memref_slice %arg4[%add3A_393, %dma_wait3A_401] : memref<320000x384xi32, #tpu.memory_space<hbm>> -> memref<40x384xi32, #tpu.memory_space<hbm>>
      %dma_wait3A_403 = arith.constant 0 : i32
      %dma_wait3A_404 = arith.constant 0 : i32
      %dma_wait3A_405 = tpu.memref_slice %arg6[%dma_wait3A_394, %dma_wait3A_403, %dma_wait3A_404] : memref<4x40x384xi32, #tpu.memory_space<vmem>> -> memref<1x40x384xi32, #tpu.memory_space<vmem>>
      %dma_wait3A_406 = tpu.memref_squeeze %dma_wait3A_405 : memref<1x40x384xi32, #tpu.memory_space<vmem>> -> memref<40x384xi32, #tpu.memory_space<vmem>>
      tpu.wait_dma2 semaphore(%arg11 : memref<!tpu.dma_semaphore, #tpu.memory_space<semaphore_mem>>) src(%dma_wait3A_406 : memref<40x384xi32, #tpu.memory_space<vmem>>) dst(%dma_wait3A_402 : memref<40x384xi32, #tpu.memory_space<hbm>>)
      %add3A_407 = arith.constant 2 : i32
      %add3A_408 = arith.addi %add3A_358, %add3A_407 : i32
      %dma_start3A_409 = arith.constant 0 : i32
      %dma_start3A_410 = arith.constant 0 : i32
      %dma_start3A_411 = arith.constant 0 : i32
      %dma_start3A_412 = tpu.memref_slice %arg6[%dma_start3A_409, %dma_start3A_410, %dma_start3A_411] : memref<4x40x384xi32, #tpu.memory_space<vmem>> -> memref<1x40x384xi32, #tpu.memory_space<vmem>>
      %dma_start3A_413 = tpu.memref_squeeze %dma_start3A_412 : memref<1x40x384xi32, #tpu.memory_space<vmem>> -> memref<40x384xi32, #tpu.memory_space<vmem>>
      %dma_start3A_414 = arith.constant 0 : i32
      %dma_start3A_415 = tpu.memref_slice %arg5[%add3A_408, %dma_start3A_414] : memref<250x40xi32, #tpu.memory_space<vmem>> -> memref<1x40xi32, #tpu.memory_space<vmem>>
      %dma_start3A_416 = tpu.memref_squeeze %dma_start3A_415 : memref<1x40xi32, #tpu.memory_space<vmem>> -> memref<40xi32, #tpu.memory_space<vmem>>
      %dma_start3A_417 = arith.constant 0 : i32
      %dma_start3A_418 = arith.constant 0 : i32
      %dma_start3A_419 = tpu.memref_slice %arg2[%dma_start3A_417, %dma_start3A_418] : memref<10000x384xi32, #tpu.memory_space<hbm>> -> memref<10000x384xi32, #tpu.memory_space<hbm>>
      tpu.enqueue_indirect_dma source(%dma_start3A_419 : memref<10000x384xi32, #tpu.memory_space<hbm>>) target(%dma_start3A_413 : memref<40x384xi32, #tpu.memory_space<vmem>>) offsets(%dma_start3A_416 : memref<40xi32, #tpu.memory_space<vmem>>) semaphore(%arg7 : memref<!tpu.dma_semaphore, #tpu.memory_space<semaphore_mem>>)
      %mul3A_420 = arith.constant 4 : i32
      %mul3A_421 = arith.muli %mul3A_420, %scan3A_352 : i32
      %add3A_422 = arith.constant 2 : i32
      %add3A_423 = arith.addi %add3A_422, %mul3A_421 : i32
      %add3A_424 = arith.constant 1 : i32
      %add3A_425 = arith.addi %add3A_423, %add3A_424 : i32
      %dma_wait3A_426 = arith.constant 3 : i32
      %dma_wait3A_427 = arith.constant 0 : i32
      %dma_wait3A_428 = arith.constant 0 : i32
      %dma_wait3A_429 = tpu.memref_slice %arg6[%dma_wait3A_426, %dma_wait3A_427, %dma_wait3A_428] : memref<4x40x384xi32, #tpu.memory_space<vmem>> -> memref<1x40x384xi32, #tpu.memory_space<vmem>>
      %dma_wait3A_430 = tpu.memref_squeeze %dma_wait3A_429 : memref<1x40x384xi32, #tpu.memory_space<vmem>> -> memref<40x384xi32, #tpu.memory_space<vmem>>
      %dma_wait3A_431 = arith.constant 0 : i32
      %dma_wait3A_432 = tpu.memref_slice %arg5[%add3A_425, %dma_wait3A_431] : memref<250x40xi32, #tpu.memory_space<vmem>> -> memref<1x40xi32, #tpu.memory_space<vmem>>
      %dma_wait3A_433 = tpu.memref_squeeze %dma_wait3A_432 : memref<1x40xi32, #tpu.memory_space<vmem>> -> memref<40xi32, #tpu.memory_space<vmem>>
      %dma_wait3A_434 = arith.constant 0 : i32
      %dma_wait3A_435 = arith.constant 0 : i32
      %dma_wait3A_436 = tpu.memref_slice %arg2[%dma_wait3A_434, %dma_wait3A_435] : memref<10000x384xi32, #tpu.memory_space<hbm>> -> memref<10000x384xi32, #tpu.memory_space<hbm>>
      tpu.wait_indirect_dma semaphore(%arg10 : memref<!tpu.dma_semaphore, #tpu.memory_space<semaphore_mem>>) src(%dma_wait3A_436 : memref<10000x384xi32, #tpu.memory_space<hbm>>) dst(%dma_wait3A_430 : memref<40x384xi32, #tpu.memory_space<vmem>>)
      %mul3A_437 = arith.constant 10000 : i32
      %mul3A_438 = arith.muli %add3A, %mul3A_437 : i32
      %mul3A_439 = arith.constant 40 : i32
      %mul3A_440 = arith.muli %add3A_425, %mul3A_439 : i32
      %add3A_441 = arith.addi %mul3A_438, %mul3A_440 : i32
      %dma_start3A_442 = arith.constant 3 : i32
      %dma_start3A_443 = arith.constant 0 : i32
      %dma_start3A_444 = arith.constant 0 : i32
      %dma_start3A_445 = tpu.memref_slice %arg6[%dma_start3A_442, %dma_start3A_443, %dma_start3A_444] : memref<4x40x384xi32, #tpu.memory_space<vmem>> -> memref<1x40x384xi32, #tpu.memory_space<vmem>>
      %dma_start3A_446 = tpu.memref_squeeze %dma_start3A_445 : memref<1x40x384xi32, #tpu.memory_space<vmem>> -> memref<40x384xi32, #tpu.memory_space<vmem>>
      %dma_start3A_447 = arith.constant 0 : i32
      %dma_start3A_448 = tpu.memref_slice %arg4[%add3A_441, %dma_start3A_447] : memref<320000x384xi32, #tpu.memory_space<hbm>> -> memref<40x384xi32, #tpu.memory_space<hbm>>
      %dma_start3A_449 = arith.constant 0 : i32
      %dma_start3A_450 = tpu.memref_slice %arg4[%add3A_441, %dma_start3A_449] : memref<320000x384xi32, #tpu.memory_space<hbm>> -> memref<40x384xi32, #tpu.memory_space<hbm>>
      %dma_start3A_451 = arith.constant 0 : i32
      %dma_start3A_452 = arith.constant 0 : i32
      %dma_start3A_453 = tpu.memref_slice %arg6[%dma_start3A_442, %dma_start3A_451, %dma_start3A_452] : memref<4x40x384xi32, #tpu.memory_space<vmem>> -> memref<1x40x384xi32, #tpu.memory_space<vmem>>
      %dma_start3A_454 = tpu.memref_squeeze %dma_start3A_453 : memref<1x40x384xi32, #tpu.memory_space<vmem>> -> memref<40x384xi32, #tpu.memory_space<vmem>>
      tpu.enqueue_dma source(%dma_start3A_454 : memref<40x384xi32, #tpu.memory_space<vmem>>) target(%dma_start3A_450 : memref<40x384xi32, #tpu.memory_space<hbm>>) target_semaphore(%arg14 : memref<!tpu.dma_semaphore, #tpu.memory_space<semaphore_mem>>)
      %sub3A_455 = arith.constant 2 : i32
      %sub3A_456 = arith.subi %add3A_425, %sub3A_455 : i32
      %mul3A_457 = arith.constant 10000 : i32
      %mul3A_458 = arith.muli %add3A, %mul3A_457 : i32
      %mul3A_459 = arith.constant 40 : i32
      %mul3A_460 = arith.muli %sub3A_456, %mul3A_459 : i32
      %add3A_461 = arith.addi %mul3A_458, %mul3A_460 : i32
      %dma_wait3A_462 = arith.constant 1 : i32
      %dma_wait3A_463 = arith.constant 0 : i32
      %dma_wait3A_464 = arith.constant 0 : i32
      %dma_wait3A_465 = tpu.memref_slice %arg6[%dma_wait3A_462, %dma_wait3A_463, %dma_wait3A_464] : memref<4x40x384xi32, #tpu.memory_space<vmem>> -> memref<1x40x384xi32, #tpu.memory_space<vmem>>
      %dma_wait3A_466 = tpu.memref_squeeze %dma_wait3A_465 : memref<1x40x384xi32, #tpu.memory_space<vmem>> -> memref<40x384xi32, #tpu.memory_space<vmem>>
      %dma_wait3A_467 = arith.constant 0 : i32
      %dma_wait3A_468 = tpu.memref_slice %arg4[%add3A_461, %dma_wait3A_467] : memref<320000x384xi32, #tpu.memory_space<hbm>> -> memref<40x384xi32, #tpu.memory_space<hbm>>
      %dma_wait3A_469 = arith.constant 0 : i32
      %dma_wait3A_470 = tpu.memref_slice %arg4[%add3A_461, %dma_wait3A_469] : memref<320000x384xi32, #tpu.memory_space<hbm>> -> memref<40x384xi32, #tpu.memory_space<hbm>>
      %dma_wait3A_471 = arith.constant 0 : i32
      %dma_wait3A_472 = arith.constant 0 : i32
      %dma_wait3A_473 = tpu.memref_slice %arg6[%dma_wait3A_462, %dma_wait3A_471, %dma_wait3A_472] : memref<4x40x384xi32, #tpu.memory_space<vmem>> -> memref<1x40x384xi32, #tpu.memory_space<vmem>>
      %dma_wait3A_474 = tpu.memref_squeeze %dma_wait3A_473 : memref<1x40x384xi32, #tpu.memory_space<vmem>> -> memref<40x384xi32, #tpu.memory_space<vmem>>
      tpu.wait_dma2 semaphore(%arg12 : memref<!tpu.dma_semaphore, #tpu.memory_space<semaphore_mem>>) src(%dma_wait3A_474 : memref<40x384xi32, #tpu.memory_space<vmem>>) dst(%dma_wait3A_470 : memref<40x384xi32, #tpu.memory_space<hbm>>)
      %add3A_475 = arith.constant 2 : i32
      %add3A_476 = arith.addi %add3A_425, %add3A_475 : i32
      %dma_start3A_477 = arith.constant 1 : i32
      %dma_start3A_478 = arith.constant 0 : i32
      %dma_start3A_479 = arith.constant 0 : i32
      %dma_start3A_480 = tpu.memref_slice %arg6[%dma_start3A_477, %dma_start3A_478, %dma_start3A_479] : memref<4x40x384xi32, #tpu.memory_space<vmem>> -> memref<1x40x384xi32, #tpu.memory_space<vmem>>
      %dma_start3A_481 = tpu.memref_squeeze %dma_start3A_480 : memref<1x40x384xi32, #tpu.memory_space<vmem>> -> memref<40x384xi32, #tpu.memory_space<vmem>>
      %dma_start3A_482 = arith.constant 0 : i32
      %dma_start3A_483 = tpu.memref_slice %arg5[%add3A_476, %dma_start3A_482] : memref<250x40xi32, #tpu.memory_space<vmem>> -> memref<1x40xi32, #tpu.memory_space<vmem>>
      %dma_start3A_484 = tpu.memref_squeeze %dma_start3A_483 : memref<1x40xi32, #tpu.memory_space<vmem>> -> memref<40xi32, #tpu.memory_space<vmem>>
      %dma_start3A_485 = arith.constant 0 : i32
      %dma_start3A_486 = arith.constant 0 : i32
      %dma_start3A_487 = tpu.memref_slice %arg2[%dma_start3A_485, %dma_start3A_486] : memref<10000x384xi32, #tpu.memory_space<hbm>> -> memref<10000x384xi32, #tpu.memory_space<hbm>>
      tpu.enqueue_indirect_dma source(%dma_start3A_487 : memref<10000x384xi32, #tpu.memory_space<hbm>>) target(%dma_start3A_481 : memref<40x384xi32, #tpu.memory_space<vmem>>) offsets(%dma_start3A_484 : memref<40xi32, #tpu.memory_space<vmem>>) semaphore(%arg8 : memref<!tpu.dma_semaphore, #tpu.memory_space<semaphore_mem>>)
      %mul3A_488 = arith.constant 4 : i32
      %mul3A_489 = arith.muli %mul3A_488, %scan3A_352 : i32
      %add3A_490 = arith.constant 2 : i32
      %add3A_491 = arith.addi %add3A_490, %mul3A_489 : i32
      %add3A_492 = arith.constant 2 : i32
      %add3A_493 = arith.addi %add3A_491, %add3A_492 : i32
      %dma_wait3A_494 = arith.constant 0 : i32
      %dma_wait3A_495 = arith.constant 0 : i32
      %dma_wait3A_496 = arith.constant 0 : i32
      %dma_wait3A_497 = tpu.memref_slice %arg6[%dma_wait3A_494, %dma_wait3A_495, %dma_wait3A_496] : memref<4x40x384xi32, #tpu.memory_space<vmem>> -> memref<1x40x384xi32, #tpu.memory_space<vmem>>
      %dma_wait3A_498 = tpu.memref_squeeze %dma_wait3A_497 : memref<1x40x384xi32, #tpu.memory_space<vmem>> -> memref<40x384xi32, #tpu.memory_space<vmem>>
      %dma_wait3A_499 = arith.constant 0 : i32
      %dma_wait3A_500 = tpu.memref_slice %arg5[%add3A_493, %dma_wait3A_499] : memref<250x40xi32, #tpu.memory_space<vmem>> -> memref<1x40xi32, #tpu.memory_space<vmem>>
      %dma_wait3A_501 = tpu.memref_squeeze %dma_wait3A_500 : memref<1x40xi32, #tpu.memory_space<vmem>> -> memref<40xi32, #tpu.memory_space<vmem>>
      %dma_wait3A_502 = arith.constant 0 : i32
      %dma_wait3A_503 = arith.constant 0 : i32
      %dma_wait3A_504 = tpu.memref_slice %arg2[%dma_wait3A_502, %dma_wait3A_503] : memref<10000x384xi32, #tpu.memory_space<hbm>> -> memref<10000x384xi32, #tpu.memory_space<hbm>>
      tpu.wait_indirect_dma semaphore(%arg7 : memref<!tpu.dma_semaphore, #tpu.memory_space<semaphore_mem>>) src(%dma_wait3A_504 : memref<10000x384xi32, #tpu.memory_space<hbm>>) dst(%dma_wait3A_498 : memref<40x384xi32, #tpu.memory_space<vmem>>)
      %mul3A_505 = arith.constant 10000 : i32
      %mul3A_506 = arith.muli %add3A, %mul3A_505 : i32
      %mul3A_507 = arith.constant 40 : i32
      %mul3A_508 = arith.muli %add3A_493, %mul3A_507 : i32
      %add3A_509 = arith.addi %mul3A_506, %mul3A_508 : i32
      %dma_start3A_510 = arith.constant 0 : i32
      %dma_start3A_511 = arith.constant 0 : i32
      %dma_start3A_512 = arith.constant 0 : i32
      %dma_start3A_513 = tpu.memref_slice %arg6[%dma_start3A_510, %dma_start3A_511, %dma_start3A_512] : memref<4x40x384xi32, #tpu.memory_space<vmem>> -> memref<1x40x384xi32, #tpu.memory_space<vmem>>
      %dma_start3A_514 = tpu.memref_squeeze %dma_start3A_513 : memref<1x40x384xi32, #tpu.memory_space<vmem>> -> memref<40x384xi32, #tpu.memory_space<vmem>>
      %dma_start3A_515 = arith.constant 0 : i32
      %dma_start3A_516 = tpu.memref_slice %arg4[%add3A_509, %dma_start3A_515] : memref<320000x384xi32, #tpu.memory_space<hbm>> -> memref<40x384xi32, #tpu.memory_space<hbm>>
      %dma_start3A_517 = arith.constant 0 : i32
      %dma_start3A_518 = tpu.memref_slice %arg4[%add3A_509, %dma_start3A_517] : memref<320000x384xi32, #tpu.memory_space<hbm>> -> memref<40x384xi32, #tpu.memory_space<hbm>>
      %dma_start3A_519 = arith.constant 0 : i32
      %dma_start3A_520 = arith.constant 0 : i32
      %dma_start3A_521 = tpu.memref_slice %arg6[%dma_start3A_510, %dma_start3A_519, %dma_start3A_520] : memref<4x40x384xi32, #tpu.memory_space<vmem>> -> memref<1x40x384xi32, #tpu.memory_space<vmem>>
      %dma_start3A_522 = tpu.memref_squeeze %dma_start3A_521 : memref<1x40x384xi32, #tpu.memory_space<vmem>> -> memref<40x384xi32, #tpu.memory_space<vmem>>
      tpu.enqueue_dma source(%dma_start3A_522 : memref<40x384xi32, #tpu.memory_space<vmem>>) target(%dma_start3A_518 : memref<40x384xi32, #tpu.memory_space<hbm>>) target_semaphore(%arg11 : memref<!tpu.dma_semaphore, #tpu.memory_space<semaphore_mem>>)
      %sub3A_523 = arith.constant 2 : i32
      %sub3A_524 = arith.subi %add3A_493, %sub3A_523 : i32
      %mul3A_525 = arith.constant 10000 : i32
      %mul3A_526 = arith.muli %add3A, %mul3A_525 : i32
      %mul3A_527 = arith.constant 40 : i32
      %mul3A_528 = arith.muli %sub3A_524, %mul3A_527 : i32
      %add3A_529 = arith.addi %mul3A_526, %mul3A_528 : i32
      %dma_wait3A_530 = arith.constant 2 : i32
      %dma_wait3A_531 = arith.constant 0 : i32
      %dma_wait3A_532 = arith.constant 0 : i32
      %dma_wait3A_533 = tpu.memref_slice %arg6[%dma_wait3A_530, %dma_wait3A_531, %dma_wait3A_532] : memref<4x40x384xi32, #tpu.memory_space<vmem>> -> memref<1x40x384xi32, #tpu.memory_space<vmem>>
      %dma_wait3A_534 = tpu.memref_squeeze %dma_wait3A_533 : memref<1x40x384xi32, #tpu.memory_space<vmem>> -> memref<40x384xi32, #tpu.memory_space<vmem>>
      %dma_wait3A_535 = arith.constant 0 : i32
      %dma_wait3A_536 = tpu.memref_slice %arg4[%add3A_529, %dma_wait3A_535] : memref<320000x384xi32, #tpu.memory_space<hbm>> -> memref<40x384xi32, #tpu.memory_space<hbm>>
      %dma_wait3A_537 = arith.constant 0 : i32
      %dma_wait3A_538 = tpu.memref_slice %arg4[%add3A_529, %dma_wait3A_537] : memref<320000x384xi32, #tpu.memory_space<hbm>> -> memref<40x384xi32, #tpu.memory_space<hbm>>
      %dma_wait3A_539 = arith.constant 0 : i32
      %dma_wait3A_540 = arith.constant 0 : i32
      %dma_wait3A_541 = tpu.memref_slice %arg6[%dma_wait3A_530, %dma_wait3A_539, %dma_wait3A_540] : memref<4x40x384xi32, #tpu.memory_space<vmem>> -> memref<1x40x384xi32, #tpu.memory_space<vmem>>
      %dma_wait3A_542 = tpu.memref_squeeze %dma_wait3A_541 : memref<1x40x384xi32, #tpu.memory_space<vmem>> -> memref<40x384xi32, #tpu.memory_space<vmem>>
      tpu.wait_dma2 semaphore(%arg13 : memref<!tpu.dma_semaphore, #tpu.memory_space<semaphore_mem>>) src(%dma_wait3A_542 : memref<40x384xi32, #tpu.memory_space<vmem>>) dst(%dma_wait3A_538 : memref<40x384xi32, #tpu.memory_space<hbm>>)
      %add3A_543 = arith.constant 2 : i32
      %add3A_544 = arith.addi %add3A_493, %add3A_543 : i32
      %dma_start3A_545 = arith.constant 2 : i32
      %dma_start3A_546 = arith.constant 0 : i32
      %dma_start3A_547 = arith.constant 0 : i32
      %dma_start3A_548 = tpu.memref_slice %arg6[%dma_start3A_545, %dma_start3A_546, %dma_start3A_547] : memref<4x40x384xi32, #tpu.memory_space<vmem>> -> memref<1x40x384xi32, #tpu.memory_space<vmem>>
      %dma_start3A_549 = tpu.memref_squeeze %dma_start3A_548 : memref<1x40x384xi32, #tpu.memory_space<vmem>> -> memref<40x384xi32, #tpu.memory_space<vmem>>
      %dma_start3A_550 = arith.constant 0 : i32
      %dma_start3A_551 = tpu.memref_slice %arg5[%add3A_544, %dma_start3A_550] : memref<250x40xi32, #tpu.memory_space<vmem>> -> memref<1x40xi32, #tpu.memory_space<vmem>>
      %dma_start3A_552 = tpu.memref_squeeze %dma_start3A_551 : memref<1x40xi32, #tpu.memory_space<vmem>> -> memref<40xi32, #tpu.memory_space<vmem>>
      %dma_start3A_553 = arith.constant 0 : i32
      %dma_start3A_554 = arith.constant 0 : i32
      %dma_start3A_555 = tpu.memref_slice %arg2[%dma_start3A_553, %dma_start3A_554] : memref<10000x384xi32, #tpu.memory_space<hbm>> -> memref<10000x384xi32, #tpu.memory_space<hbm>>
      tpu.enqueue_indirect_dma source(%dma_start3A_555 : memref<10000x384xi32, #tpu.memory_space<hbm>>) target(%dma_start3A_549 : memref<40x384xi32, #tpu.memory_space<vmem>>) offsets(%dma_start3A_552 : memref<40xi32, #tpu.memory_space<vmem>>) semaphore(%arg9 : memref<!tpu.dma_semaphore, #tpu.memory_space<semaphore_mem>>)
      %mul3A_556 = arith.constant 4 : i32
      %mul3A_557 = arith.muli %mul3A_556, %scan3A_352 : i32
      %add3A_558 = arith.constant 2 : i32
      %add3A_559 = arith.addi %add3A_558, %mul3A_557 : i32
      %add3A_560 = arith.constant 3 : i32
      %add3A_561 = arith.addi %add3A_559, %add3A_560 : i32
      %dma_wait3A_562 = arith.constant 1 : i32
      %dma_wait3A_563 = arith.constant 0 : i32
      %dma_wait3A_564 = arith.constant 0 : i32
      %dma_wait3A_565 = tpu.memref_slice %arg6[%dma_wait3A_562, %dma_wait3A_563, %dma_wait3A_564] : memref<4x40x384xi32, #tpu.memory_space<vmem>> -> memref<1x40x384xi32, #tpu.memory_space<vmem>>
      %dma_wait3A_566 = tpu.memref_squeeze %dma_wait3A_565 : memref<1x40x384xi32, #tpu.memory_space<vmem>> -> memref<40x384xi32, #tpu.memory_space<vmem>>
      %dma_wait3A_567 = arith.constant 0 : i32
      %dma_wait3A_568 = tpu.memref_slice %arg5[%add3A_561, %dma_wait3A_567] : memref<250x40xi32, #tpu.memory_space<vmem>> -> memref<1x40xi32, #tpu.memory_space<vmem>>
      %dma_wait3A_569 = tpu.memref_squeeze %dma_wait3A_568 : memref<1x40xi32, #tpu.memory_space<vmem>> -> memref<40xi32, #tpu.memory_space<vmem>>
      %dma_wait3A_570 = arith.constant 0 : i32
      %dma_wait3A_571 = arith.constant 0 : i32
      %dma_wait3A_572 = tpu.memref_slice %arg2[%dma_wait3A_570, %dma_wait3A_571] : memref<10000x384xi32, #tpu.memory_space<hbm>> -> memref<10000x384xi32, #tpu.memory_space<hbm>>
      tpu.wait_indirect_dma semaphore(%arg8 : memref<!tpu.dma_semaphore, #tpu.memory_space<semaphore_mem>>) src(%dma_wait3A_572 : memref<10000x384xi32, #tpu.memory_space<hbm>>) dst(%dma_wait3A_566 : memref<40x384xi32, #tpu.memory_space<vmem>>)
      %mul3A_573 = arith.constant 10000 : i32
      %mul3A_574 = arith.muli %add3A, %mul3A_573 : i32
      %mul3A_575 = arith.constant 40 : i32
      %mul3A_576 = arith.muli %add3A_561, %mul3A_575 : i32
      %add3A_577 = arith.addi %mul3A_574, %mul3A_576 : i32
      %dma_start3A_578 = arith.constant 1 : i32
      %dma_start3A_579 = arith.constant 0 : i32
      %dma_start3A_580 = arith.constant 0 : i32
      %dma_start3A_581 = tpu.memref_slice %arg6[%dma_start3A_578, %dma_start3A_579, %dma_start3A_580] : memref<4x40x384xi32, #tpu.memory_space<vmem>> -> memref<1x40x384xi32, #tpu.memory_space<vmem>>
      %dma_start3A_582 = tpu.memref_squeeze %dma_start3A_581 : memref<1x40x384xi32, #tpu.memory_space<vmem>> -> memref<40x384xi32, #tpu.memory_space<vmem>>
      %dma_start3A_583 = arith.constant 0 : i32
      %dma_start3A_584 = tpu.memref_slice %arg4[%add3A_577, %dma_start3A_583] : memref<320000x384xi32, #tpu.memory_space<hbm>> -> memref<40x384xi32, #tpu.memory_space<hbm>>
      %dma_start3A_585 = arith.constant 0 : i32
      %dma_start3A_586 = tpu.memref_slice %arg4[%add3A_577, %dma_start3A_585] : memref<320000x384xi32, #tpu.memory_space<hbm>> -> memref<40x384xi32, #tpu.memory_space<hbm>>
      %dma_start3A_587 = arith.constant 0 : i32
      %dma_start3A_588 = arith.constant 0 : i32
      %dma_start3A_589 = tpu.memref_slice %arg6[%dma_start3A_578, %dma_start3A_587, %dma_start3A_588] : memref<4x40x384xi32, #tpu.memory_space<vmem>> -> memref<1x40x384xi32, #tpu.memory_space<vmem>>
      %dma_start3A_590 = tpu.memref_squeeze %dma_start3A_589 : memref<1x40x384xi32, #tpu.memory_space<vmem>> -> memref<40x384xi32, #tpu.memory_space<vmem>>
      tpu.enqueue_dma source(%dma_start3A_590 : memref<40x384xi32, #tpu.memory_space<vmem>>) target(%dma_start3A_586 : memref<40x384xi32, #tpu.memory_space<hbm>>) target_semaphore(%arg12 : memref<!tpu.dma_semaphore, #tpu.memory_space<semaphore_mem>>)
      %sub3A_591 = arith.constant 2 : i32
      %sub3A_592 = arith.subi %add3A_561, %sub3A_591 : i32
      %mul3A_593 = arith.constant 10000 : i32
      %mul3A_594 = arith.muli %add3A, %mul3A_593 : i32
      %mul3A_595 = arith.constant 40 : i32
      %mul3A_596 = arith.muli %sub3A_592, %mul3A_595 : i32
      %add3A_597 = arith.addi %mul3A_594, %mul3A_596 : i32
      %dma_wait3A_598 = arith.constant 3 : i32
      %dma_wait3A_599 = arith.constant 0 : i32
      %dma_wait3A_600 = arith.constant 0 : i32
      %dma_wait3A_601 = tpu.memref_slice %arg6[%dma_wait3A_598, %dma_wait3A_599, %dma_wait3A_600] : memref<4x40x384xi32, #tpu.memory_space<vmem>> -> memref<1x40x384xi32, #tpu.memory_space<vmem>>
      %dma_wait3A_602 = tpu.memref_squeeze %dma_wait3A_601 : memref<1x40x384xi32, #tpu.memory_space<vmem>> -> memref<40x384xi32, #tpu.memory_space<vmem>>
      %dma_wait3A_603 = arith.constant 0 : i32
      %dma_wait3A_604 = tpu.memref_slice %arg4[%add3A_597, %dma_wait3A_603] : memref<320000x384xi32, #tpu.memory_space<hbm>> -> memref<40x384xi32, #tpu.memory_space<hbm>>
      %dma_wait3A_605 = arith.constant 0 : i32
      %dma_wait3A_606 = tpu.memref_slice %arg4[%add3A_597, %dma_wait3A_605] : memref<320000x384xi32, #tpu.memory_space<hbm>> -> memref<40x384xi32, #tpu.memory_space<hbm>>
      %dma_wait3A_607 = arith.constant 0 : i32
      %dma_wait3A_608 = arith.constant 0 : i32
      %dma_wait3A_609 = tpu.memref_slice %arg6[%dma_wait3A_598, %dma_wait3A_607, %dma_wait3A_608] : memref<4x40x384xi32, #tpu.memory_space<vmem>> -> memref<1x40x384xi32, #tpu.memory_space<vmem>>
      %dma_wait3A_610 = tpu.memref_squeeze %dma_wait3A_609 : memref<1x40x384xi32, #tpu.memory_space<vmem>> -> memref<40x384xi32, #tpu.memory_space<vmem>>
      tpu.wait_dma2 semaphore(%arg14 : memref<!tpu.dma_semaphore, #tpu.memory_space<semaphore_mem>>) src(%dma_wait3A_610 : memref<40x384xi32, #tpu.memory_space<vmem>>) dst(%dma_wait3A_606 : memref<40x384xi32, #tpu.memory_space<hbm>>)
      %add3A_611 = arith.constant 2 : i32
      %add3A_612 = arith.addi %add3A_561, %add3A_611 : i32
      %dma_start3A_613 = arith.constant 3 : i32
      %dma_start3A_614 = arith.constant 0 : i32
      %dma_start3A_615 = arith.constant 0 : i32
      %dma_start3A_616 = tpu.memref_slice %arg6[%dma_start3A_613, %dma_start3A_614, %dma_start3A_615] : memref<4x40x384xi32, #tpu.memory_space<vmem>> -> memref<1x40x384xi32, #tpu.memory_space<vmem>>
      %dma_start3A_617 = tpu.memref_squeeze %dma_start3A_616 : memref<1x40x384xi32, #tpu.memory_space<vmem>> -> memref<40x384xi32, #tpu.memory_space<vmem>>
      %dma_start3A_618 = arith.constant 0 : i32
      %dma_start3A_619 = tpu.memref_slice %arg5[%add3A_612, %dma_start3A_618] : memref<250x40xi32, #tpu.memory_space<vmem>> -> memref<1x40xi32, #tpu.memory_space<vmem>>
      %dma_start3A_620 = tpu.memref_squeeze %dma_start3A_619 : memref<1x40xi32, #tpu.memory_space<vmem>> -> memref<40xi32, #tpu.memory_space<vmem>>
      %dma_start3A_621 = arith.constant 0 : i32
      %dma_start3A_622 = arith.constant 0 : i32
      %dma_start3A_623 = tpu.memref_slice %arg2[%dma_start3A_621, %dma_start3A_622] : memref<10000x384xi32, #tpu.memory_space<hbm>> -> memref<10000x384xi32, #tpu.memory_space<hbm>>
      tpu.enqueue_indirect_dma source(%dma_start3A_623 : memref<10000x384xi32, #tpu.memory_space<hbm>>) target(%dma_start3A_617 : memref<40x384xi32, #tpu.memory_space<vmem>>) offsets(%dma_start3A_620 : memref<40xi32, #tpu.memory_space<vmem>>) semaphore(%arg10 : memref<!tpu.dma_semaphore, #tpu.memory_space<semaphore_mem>>)
    }
    %scan3A_109 = arith.constant 61 : i32
    %dma_wait3A_110 = arith.constant 246 : i32
    %dma_wait3A_111 = arith.constant 2 : i32
    %dma_wait3A_112 = arith.constant 0 : i32
    %dma_wait3A_113 = arith.constant 0 : i32
    %dma_wait3A_114 = tpu.memref_slice %arg6[%dma_wait3A_111, %dma_wait3A_112, %dma_wait3A_113] : memref<4x40x384xi32, #tpu.memory_space<vmem>> -> memref<1x40x384xi32, #tpu.memory_space<vmem>>
    %dma_wait3A_115 = tpu.memref_squeeze %dma_wait3A_114 : memref<1x40x384xi32, #tpu.memory_space<vmem>> -> memref<40x384xi32, #tpu.memory_space<vmem>>
    %dma_wait3A_116 = arith.constant 0 : i32
    %dma_wait3A_117 = tpu.memref_slice %arg5[%dma_wait3A_110, %dma_wait3A_116] : memref<250x40xi32, #tpu.memory_space<vmem>> -> memref<1x40xi32, #tpu.memory_space<vmem>>
    %dma_wait3A_118 = tpu.memref_squeeze %dma_wait3A_117 : memref<1x40xi32, #tpu.memory_space<vmem>> -> memref<40xi32, #tpu.memory_space<vmem>>
    %dma_wait3A_119 = arith.constant 0 : i32
    %dma_wait3A_120 = arith.constant 0 : i32
    %dma_wait3A_121 = tpu.memref_slice %arg2[%dma_wait3A_119, %dma_wait3A_120] : memref<10000x384xi32, #tpu.memory_space<hbm>> -> memref<10000x384xi32, #tpu.memory_space<hbm>>
    tpu.wait_indirect_dma semaphore(%arg9 : memref<!tpu.dma_semaphore, #tpu.memory_space<semaphore_mem>>) src(%dma_wait3A_121 : memref<10000x384xi32, #tpu.memory_space<hbm>>) dst(%dma_wait3A_115 : memref<40x384xi32, #tpu.memory_space<vmem>>)
    %mul3A_122 = arith.constant 10000 : i32
    %mul3A_123 = arith.muli %add3A, %mul3A_122 : i32
    %add3A_124 = arith.constant 9840 : i32
    %add3A_125 = arith.addi %mul3A_123, %add3A_124 : i32
    %dma_start3A_126 = arith.constant 2 : i32
    %dma_start3A_127 = arith.constant 0 : i32
    %dma_start3A_128 = arith.constant 0 : i32
    %dma_start3A_129 = tpu.memref_slice %arg6[%dma_start3A_126, %dma_start3A_127, %dma_start3A_128] : memref<4x40x384xi32, #tpu.memory_space<vmem>> -> memref<1x40x384xi32, #tpu.memory_space<vmem>>
    %dma_start3A_130 = tpu.memref_squeeze %dma_start3A_129 : memref<1x40x384xi32, #tpu.memory_space<vmem>> -> memref<40x384xi32, #tpu.memory_space<vmem>>
    %dma_start3A_131 = arith.constant 0 : i32
    %dma_start3A_132 = tpu.memref_slice %arg4[%add3A_125, %dma_start3A_131] : memref<320000x384xi32, #tpu.memory_space<hbm>> -> memref<40x384xi32, #tpu.memory_space<hbm>>
    %dma_start3A_133 = arith.constant 0 : i32
    %dma_start3A_134 = tpu.memref_slice %arg4[%add3A_125, %dma_start3A_133] : memref<320000x384xi32, #tpu.memory_space<hbm>> -> memref<40x384xi32, #tpu.memory_space<hbm>>
    %dma_start3A_135 = arith.constant 0 : i32
    %dma_start3A_136 = arith.constant 0 : i32
    %dma_start3A_137 = tpu.memref_slice %arg6[%dma_start3A_126, %dma_start3A_135, %dma_start3A_136] : memref<4x40x384xi32, #tpu.memory_space<vmem>> -> memref<1x40x384xi32, #tpu.memory_space<vmem>>
    %dma_start3A_138 = tpu.memref_squeeze %dma_start3A_137 : memref<1x40x384xi32, #tpu.memory_space<vmem>> -> memref<40x384xi32, #tpu.memory_space<vmem>>
    tpu.enqueue_dma source(%dma_start3A_138 : memref<40x384xi32, #tpu.memory_space<vmem>>) target(%dma_start3A_134 : memref<40x384xi32, #tpu.memory_space<hbm>>) target_semaphore(%arg13 : memref<!tpu.dma_semaphore, #tpu.memory_space<semaphore_mem>>)
    %mul3A_139 = arith.constant 10000 : i32
    %mul3A_140 = arith.muli %add3A, %mul3A_139 : i32
    %add3A_141 = arith.constant 9760 : i32
    %add3A_142 = arith.addi %mul3A_140, %add3A_141 : i32
    %dma_wait3A_143 = arith.constant 0 : i32
    %dma_wait3A_144 = arith.constant 0 : i32
    %dma_wait3A_145 = arith.constant 0 : i32
    %dma_wait3A_146 = tpu.memref_slice %arg6[%dma_wait3A_143, %dma_wait3A_144, %dma_wait3A_145] : memref<4x40x384xi32, #tpu.memory_space<vmem>> -> memref<1x40x384xi32, #tpu.memory_space<vmem>>
    %dma_wait3A_147 = tpu.memref_squeeze %dma_wait3A_146 : memref<1x40x384xi32, #tpu.memory_space<vmem>> -> memref<40x384xi32, #tpu.memory_space<vmem>>
    %dma_wait3A_148 = arith.constant 0 : i32
    %dma_wait3A_149 = tpu.memref_slice %arg4[%add3A_142, %dma_wait3A_148] : memref<320000x384xi32, #tpu.memory_space<hbm>> -> memref<40x384xi32, #tpu.memory_space<hbm>>
    %dma_wait3A_150 = arith.constant 0 : i32
    %dma_wait3A_151 = tpu.memref_slice %arg4[%add3A_142, %dma_wait3A_150] : memref<320000x384xi32, #tpu.memory_space<hbm>> -> memref<40x384xi32, #tpu.memory_space<hbm>>
    %dma_wait3A_152 = arith.constant 0 : i32
    %dma_wait3A_153 = arith.constant 0 : i32
    %dma_wait3A_154 = tpu.memref_slice %arg6[%dma_wait3A_143, %dma_wait3A_152, %dma_wait3A_153] : memref<4x40x384xi32, #tpu.memory_space<vmem>> -> memref<1x40x384xi32, #tpu.memory_space<vmem>>
    %dma_wait3A_155 = tpu.memref_squeeze %dma_wait3A_154 : memref<1x40x384xi32, #tpu.memory_space<vmem>> -> memref<40x384xi32, #tpu.memory_space<vmem>>
    tpu.wait_dma2 semaphore(%arg11 : memref<!tpu.dma_semaphore, #tpu.memory_space<semaphore_mem>>) src(%dma_wait3A_155 : memref<40x384xi32, #tpu.memory_space<vmem>>) dst(%dma_wait3A_151 : memref<40x384xi32, #tpu.memory_space<hbm>>)
    %dma_start3A_156 = arith.constant 248 : i32
    %dma_start3A_157 = arith.constant 0 : i32
    %dma_start3A_158 = arith.constant 0 : i32
    %dma_start3A_159 = arith.constant 0 : i32
    %dma_start3A_160 = tpu.memref_slice %arg6[%dma_start3A_157, %dma_start3A_158, %dma_start3A_159] : memref<4x40x384xi32, #tpu.memory_space<vmem>> -> memref<1x40x384xi32, #tpu.memory_space<vmem>>
    %dma_start3A_161 = tpu.memref_squeeze %dma_start3A_160 : memref<1x40x384xi32, #tpu.memory_space<vmem>> -> memref<40x384xi32, #tpu.memory_space<vmem>>
    %dma_start3A_162 = arith.constant 0 : i32
    %dma_start3A_163 = tpu.memref_slice %arg5[%dma_start3A_156, %dma_start3A_162] : memref<250x40xi32, #tpu.memory_space<vmem>> -> memref<1x40xi32, #tpu.memory_space<vmem>>
    %dma_start3A_164 = tpu.memref_squeeze %dma_start3A_163 : memref<1x40xi32, #tpu.memory_space<vmem>> -> memref<40xi32, #tpu.memory_space<vmem>>
    %dma_start3A_165 = arith.constant 0 : i32
    %dma_start3A_166 = arith.constant 0 : i32
    %dma_start3A_167 = tpu.memref_slice %arg2[%dma_start3A_165, %dma_start3A_166] : memref<10000x384xi32, #tpu.memory_space<hbm>> -> memref<10000x384xi32, #tpu.memory_space<hbm>>
    tpu.enqueue_indirect_dma source(%dma_start3A_167 : memref<10000x384xi32, #tpu.memory_space<hbm>>) target(%dma_start3A_161 : memref<40x384xi32, #tpu.memory_space<vmem>>) offsets(%dma_start3A_164 : memref<40xi32, #tpu.memory_space<vmem>>) semaphore(%arg7 : memref<!tpu.dma_semaphore, #tpu.memory_space<semaphore_mem>>)
    %dma_wait3A_168 = arith.constant 247 : i32
    %dma_wait3A_169 = arith.constant 3 : i32
    %dma_wait3A_170 = arith.constant 0 : i32
    %dma_wait3A_171 = arith.constant 0 : i32
    %dma_wait3A_172 = tpu.memref_slice %arg6[%dma_wait3A_169, %dma_wait3A_170, %dma_wait3A_171] : memref<4x40x384xi32, #tpu.memory_space<vmem>> -> memref<1x40x384xi32, #tpu.memory_space<vmem>>
    %dma_wait3A_173 = tpu.memref_squeeze %dma_wait3A_172 : memref<1x40x384xi32, #tpu.memory_space<vmem>> -> memref<40x384xi32, #tpu.memory_space<vmem>>
    %dma_wait3A_174 = arith.constant 0 : i32
    %dma_wait3A_175 = tpu.memref_slice %arg5[%dma_wait3A_168, %dma_wait3A_174] : memref<250x40xi32, #tpu.memory_space<vmem>> -> memref<1x40xi32, #tpu.memory_space<vmem>>
    %dma_wait3A_176 = tpu.memref_squeeze %dma_wait3A_175 : memref<1x40xi32, #tpu.memory_space<vmem>> -> memref<40xi32, #tpu.memory_space<vmem>>
    %dma_wait3A_177 = arith.constant 0 : i32
    %dma_wait3A_178 = arith.constant 0 : i32
    %dma_wait3A_179 = tpu.memref_slice %arg2[%dma_wait3A_177, %dma_wait3A_178] : memref<10000x384xi32, #tpu.memory_space<hbm>> -> memref<10000x384xi32, #tpu.memory_space<hbm>>
    tpu.wait_indirect_dma semaphore(%arg10 : memref<!tpu.dma_semaphore, #tpu.memory_space<semaphore_mem>>) src(%dma_wait3A_179 : memref<10000x384xi32, #tpu.memory_space<hbm>>) dst(%dma_wait3A_173 : memref<40x384xi32, #tpu.memory_space<vmem>>)
    %mul3A_180 = arith.constant 10000 : i32
    %mul3A_181 = arith.muli %add3A, %mul3A_180 : i32
    %add3A_182 = arith.constant 9880 : i32
    %add3A_183 = arith.addi %mul3A_181, %add3A_182 : i32
    %dma_start3A_184 = arith.constant 3 : i32
    %dma_start3A_185 = arith.constant 0 : i32
    %dma_start3A_186 = arith.constant 0 : i32
    %dma_start3A_187 = tpu.memref_slice %arg6[%dma_start3A_184, %dma_start3A_185, %dma_start3A_186] : memref<4x40x384xi32, #tpu.memory_space<vmem>> -> memref<1x40x384xi32, #tpu.memory_space<vmem>>
    %dma_start3A_188 = tpu.memref_squeeze %dma_start3A_187 : memref<1x40x384xi32, #tpu.memory_space<vmem>> -> memref<40x384xi32, #tpu.memory_space<vmem>>
    %dma_start3A_189 = arith.constant 0 : i32
    %dma_start3A_190 = tpu.memref_slice %arg4[%add3A_183, %dma_start3A_189] : memref<320000x384xi32, #tpu.memory_space<hbm>> -> memref<40x384xi32, #tpu.memory_space<hbm>>
    %dma_start3A_191 = arith.constant 0 : i32
    %dma_start3A_192 = tpu.memref_slice %arg4[%add3A_183, %dma_start3A_191] : memref<320000x384xi32, #tpu.memory_space<hbm>> -> memref<40x384xi32, #tpu.memory_space<hbm>>
    %dma_start3A_193 = arith.constant 0 : i32
    %dma_start3A_194 = arith.constant 0 : i32
    %dma_start3A_195 = tpu.memref_slice %arg6[%dma_start3A_184, %dma_start3A_193, %dma_start3A_194] : memref<4x40x384xi32, #tpu.memory_space<vmem>> -> memref<1x40x384xi32, #tpu.memory_space<vmem>>
    %dma_start3A_196 = tpu.memref_squeeze %dma_start3A_195 : memref<1x40x384xi32, #tpu.memory_space<vmem>> -> memref<40x384xi32, #tpu.memory_space<vmem>>
    tpu.enqueue_dma source(%dma_start3A_196 : memref<40x384xi32, #tpu.memory_space<vmem>>) target(%dma_start3A_192 : memref<40x384xi32, #tpu.memory_space<hbm>>) target_semaphore(%arg14 : memref<!tpu.dma_semaphore, #tpu.memory_space<semaphore_mem>>)
    %mul3A_197 = arith.constant 10000 : i32
    %mul3A_198 = arith.muli %add3A, %mul3A_197 : i32
    %add3A_199 = arith.constant 9800 : i32
    %add3A_200 = arith.addi %mul3A_198, %add3A_199 : i32
    %dma_wait3A_201 = arith.constant 1 : i32
    %dma_wait3A_202 = arith.constant 0 : i32
    %dma_wait3A_203 = arith.constant 0 : i32
    %dma_wait3A_204 = tpu.memref_slice %arg6[%dma_wait3A_201, %dma_wait3A_202, %dma_wait3A_203] : memref<4x40x384xi32, #tpu.memory_space<vmem>> -> memref<1x40x384xi32, #tpu.memory_space<vmem>>
    %dma_wait3A_205 = tpu.memref_squeeze %dma_wait3A_204 : memref<1x40x384xi32, #tpu.memory_space<vmem>> -> memref<40x384xi32, #tpu.memory_space<vmem>>
    %dma_wait3A_206 = arith.constant 0 : i32
    %dma_wait3A_207 = tpu.memref_slice %arg4[%add3A_200, %dma_wait3A_206] : memref<320000x384xi32, #tpu.memory_space<hbm>> -> memref<40x384xi32, #tpu.memory_space<hbm>>
    %dma_wait3A_208 = arith.constant 0 : i32
    %dma_wait3A_209 = tpu.memref_slice %arg4[%add3A_200, %dma_wait3A_208] : memref<320000x384xi32, #tpu.memory_space<hbm>> -> memref<40x384xi32, #tpu.memory_space<hbm>>
    %dma_wait3A_210 = arith.constant 0 : i32
    %dma_wait3A_211 = arith.constant 0 : i32
    %dma_wait3A_212 = tpu.memref_slice %arg6[%dma_wait3A_201, %dma_wait3A_210, %dma_wait3A_211] : memref<4x40x384xi32, #tpu.memory_space<vmem>> -> memref<1x40x384xi32, #tpu.memory_space<vmem>>
    %dma_wait3A_213 = tpu.memref_squeeze %dma_wait3A_212 : memref<1x40x384xi32, #tpu.memory_space<vmem>> -> memref<40x384xi32, #tpu.memory_space<vmem>>
    tpu.wait_dma2 semaphore(%arg12 : memref<!tpu.dma_semaphore, #tpu.memory_space<semaphore_mem>>) src(%dma_wait3A_213 : memref<40x384xi32, #tpu.memory_space<vmem>>) dst(%dma_wait3A_209 : memref<40x384xi32, #tpu.memory_space<hbm>>)
    %dma_start3A_214 = arith.constant 249 : i32
    %dma_start3A_215 = arith.constant 1 : i32
    %dma_start3A_216 = arith.constant 0 : i32
    %dma_start3A_217 = arith.constant 0 : i32
    %dma_start3A_218 = tpu.memref_slice %arg6[%dma_start3A_215, %dma_start3A_216, %dma_start3A_217] : memref<4x40x384xi32, #tpu.memory_space<vmem>> -> memref<1x40x384xi32, #tpu.memory_space<vmem>>
    %dma_start3A_219 = tpu.memref_squeeze %dma_start3A_218 : memref<1x40x384xi32, #tpu.memory_space<vmem>> -> memref<40x384xi32, #tpu.memory_space<vmem>>
    %dma_start3A_220 = arith.constant 0 : i32
    %dma_start3A_221 = tpu.memref_slice %arg5[%dma_start3A_214, %dma_start3A_220] : memref<250x40xi32, #tpu.memory_space<vmem>> -> memref<1x40xi32, #tpu.memory_space<vmem>>
    %dma_start3A_222 = tpu.memref_squeeze %dma_start3A_221 : memref<1x40xi32, #tpu.memory_space<vmem>> -> memref<40xi32, #tpu.memory_space<vmem>>
    %dma_start3A_223 = arith.constant 0 : i32
    %dma_start3A_224 = arith.constant 0 : i32
    %dma_start3A_225 = tpu.memref_slice %arg2[%dma_start3A_223, %dma_start3A_224] : memref<10000x384xi32, #tpu.memory_space<hbm>> -> memref<10000x384xi32, #tpu.memory_space<hbm>>
    tpu.enqueue_indirect_dma source(%dma_start3A_225 : memref<10000x384xi32, #tpu.memory_space<hbm>>) target(%dma_start3A_219 : memref<40x384xi32, #tpu.memory_space<vmem>>) offsets(%dma_start3A_222 : memref<40xi32, #tpu.memory_space<vmem>>) semaphore(%arg8 : memref<!tpu.dma_semaphore, #tpu.memory_space<semaphore_mem>>)
    %dma_wait3A_226 = arith.constant 248 : i32
    %dma_wait3A_227 = arith.constant 0 : i32
    %dma_wait3A_228 = arith.constant 0 : i32
    %dma_wait3A_229 = arith.constant 0 : i32
    %dma_wait3A_230 = tpu.memref_slice %arg6[%dma_wait3A_227, %dma_wait3A_228, %dma_wait3A_229] : memref<4x40x384xi32, #tpu.memory_space<vmem>> -> memref<1x40x384xi32, #tpu.memory_space<vmem>>
    %dma_wait3A_231 = tpu.memref_squeeze %dma_wait3A_230 : memref<1x40x384xi32, #tpu.memory_space<vmem>> -> memref<40x384xi32, #tpu.memory_space<vmem>>
    %dma_wait3A_232 = arith.constant 0 : i32
    %dma_wait3A_233 = tpu.memref_slice %arg5[%dma_wait3A_226, %dma_wait3A_232] : memref<250x40xi32, #tpu.memory_space<vmem>> -> memref<1x40xi32, #tpu.memory_space<vmem>>
    %dma_wait3A_234 = tpu.memref_squeeze %dma_wait3A_233 : memref<1x40xi32, #tpu.memory_space<vmem>> -> memref<40xi32, #tpu.memory_space<vmem>>
    %dma_wait3A_235 = arith.constant 0 : i32
    %dma_wait3A_236 = arith.constant 0 : i32
    %dma_wait3A_237 = tpu.memref_slice %arg2[%dma_wait3A_235, %dma_wait3A_236] : memref<10000x384xi32, #tpu.memory_space<hbm>> -> memref<10000x384xi32, #tpu.memory_space<hbm>>
    tpu.wait_indirect_dma semaphore(%arg7 : memref<!tpu.dma_semaphore, #tpu.memory_space<semaphore_mem>>) src(%dma_wait3A_237 : memref<10000x384xi32, #tpu.memory_space<hbm>>) dst(%dma_wait3A_231 : memref<40x384xi32, #tpu.memory_space<vmem>>)
    %mul3A_238 = arith.constant 10000 : i32
    %mul3A_239 = arith.muli %add3A, %mul3A_238 : i32
    %add3A_240 = arith.constant 9920 : i32
    %add3A_241 = arith.addi %mul3A_239, %add3A_240 : i32
    %dma_start3A_242 = arith.constant 0 : i32
    %dma_start3A_243 = arith.constant 0 : i32
    %dma_start3A_244 = arith.constant 0 : i32
    %dma_start3A_245 = tpu.memref_slice %arg6[%dma_start3A_242, %dma_start3A_243, %dma_start3A_244] : memref<4x40x384xi32, #tpu.memory_space<vmem>> -> memref<1x40x384xi32, #tpu.memory_space<vmem>>
    %dma_start3A_246 = tpu.memref_squeeze %dma_start3A_245 : memref<1x40x384xi32, #tpu.memory_space<vmem>> -> memref<40x384xi32, #tpu.memory_space<vmem>>
    %dma_start3A_247 = arith.constant 0 : i32
    %dma_start3A_248 = tpu.memref_slice %arg4[%add3A_241, %dma_start3A_247] : memref<320000x384xi32, #tpu.memory_space<hbm>> -> memref<40x384xi32, #tpu.memory_space<hbm>>
    %dma_start3A_249 = arith.constant 0 : i32
    %dma_start3A_250 = tpu.memref_slice %arg4[%add3A_241, %dma_start3A_249] : memref<320000x384xi32, #tpu.memory_space<hbm>> -> memref<40x384xi32, #tpu.memory_space<hbm>>
    %dma_start3A_251 = arith.constant 0 : i32
    %dma_start3A_252 = arith.constant 0 : i32
    %dma_start3A_253 = tpu.memref_slice %arg6[%dma_start3A_242, %dma_start3A_251, %dma_start3A_252] : memref<4x40x384xi32, #tpu.memory_space<vmem>> -> memref<1x40x384xi32, #tpu.memory_space<vmem>>
    %dma_start3A_254 = tpu.memref_squeeze %dma_start3A_253 : memref<1x40x384xi32, #tpu.memory_space<vmem>> -> memref<40x384xi32, #tpu.memory_space<vmem>>
    tpu.enqueue_dma source(%dma_start3A_254 : memref<40x384xi32, #tpu.memory_space<vmem>>) target(%dma_start3A_250 : memref<40x384xi32, #tpu.memory_space<hbm>>) target_semaphore(%arg11 : memref<!tpu.dma_semaphore, #tpu.memory_space<semaphore_mem>>)
    %mul3A_255 = arith.constant 10000 : i32
    %mul3A_256 = arith.muli %add3A, %mul3A_255 : i32
    %add3A_257 = arith.constant 9840 : i32
    %add3A_258 = arith.addi %mul3A_256, %add3A_257 : i32
    %dma_wait3A_259 = arith.constant 2 : i32
    %dma_wait3A_260 = arith.constant 0 : i32
    %dma_wait3A_261 = arith.constant 0 : i32
    %dma_wait3A_262 = tpu.memref_slice %arg6[%dma_wait3A_259, %dma_wait3A_260, %dma_wait3A_261] : memref<4x40x384xi32, #tpu.memory_space<vmem>> -> memref<1x40x384xi32, #tpu.memory_space<vmem>>
    %dma_wait3A_263 = tpu.memref_squeeze %dma_wait3A_262 : memref<1x40x384xi32, #tpu.memory_space<vmem>> -> memref<40x384xi32, #tpu.memory_space<vmem>>
    %dma_wait3A_264 = arith.constant 0 : i32
    %dma_wait3A_265 = tpu.memref_slice %arg4[%add3A_258, %dma_wait3A_264] : memref<320000x384xi32, #tpu.memory_space<hbm>> -> memref<40x384xi32, #tpu.memory_space<hbm>>
    %dma_wait3A_266 = arith.constant 0 : i32
    %dma_wait3A_267 = tpu.memref_slice %arg4[%add3A_258, %dma_wait3A_266] : memref<320000x384xi32, #tpu.memory_space<hbm>> -> memref<40x384xi32, #tpu.memory_space<hbm>>
    %dma_wait3A_268 = arith.constant 0 : i32
    %dma_wait3A_269 = arith.constant 0 : i32
    %dma_wait3A_270 = tpu.memref_slice %arg6[%dma_wait3A_259, %dma_wait3A_268, %dma_wait3A_269] : memref<4x40x384xi32, #tpu.memory_space<vmem>> -> memref<1x40x384xi32, #tpu.memory_space<vmem>>
    %dma_wait3A_271 = tpu.memref_squeeze %dma_wait3A_270 : memref<1x40x384xi32, #tpu.memory_space<vmem>> -> memref<40x384xi32, #tpu.memory_space<vmem>>
    tpu.wait_dma2 semaphore(%arg13 : memref<!tpu.dma_semaphore, #tpu.memory_space<semaphore_mem>>) src(%dma_wait3A_271 : memref<40x384xi32, #tpu.memory_space<vmem>>) dst(%dma_wait3A_267 : memref<40x384xi32, #tpu.memory_space<hbm>>)
    %dma_wait3A_272 = arith.constant 249 : i32
    %dma_wait3A_273 = arith.constant 1 : i32
    %dma_wait3A_274 = arith.constant 0 : i32
    %dma_wait3A_275 = arith.constant 0 : i32
    %dma_wait3A_276 = tpu.memref_slice %arg6[%dma_wait3A_273, %dma_wait3A_274, %dma_wait3A_275] : memref<4x40x384xi32, #tpu.memory_space<vmem>> -> memref<1x40x384xi32, #tpu.memory_space<vmem>>
    %dma_wait3A_277 = tpu.memref_squeeze %dma_wait3A_276 : memref<1x40x384xi32, #tpu.memory_space<vmem>> -> memref<40x384xi32, #tpu.memory_space<vmem>>
    %dma_wait3A_278 = arith.constant 0 : i32
    %dma_wait3A_279 = tpu.memref_slice %arg5[%dma_wait3A_272, %dma_wait3A_278] : memref<250x40xi32, #tpu.memory_space<vmem>> -> memref<1x40xi32, #tpu.memory_space<vmem>>
    %dma_wait3A_280 = tpu.memref_squeeze %dma_wait3A_279 : memref<1x40xi32, #tpu.memory_space<vmem>> -> memref<40xi32, #tpu.memory_space<vmem>>
    %dma_wait3A_281 = arith.constant 0 : i32
    %dma_wait3A_282 = arith.constant 0 : i32
    %dma_wait3A_283 = tpu.memref_slice %arg2[%dma_wait3A_281, %dma_wait3A_282] : memref<10000x384xi32, #tpu.memory_space<hbm>> -> memref<10000x384xi32, #tpu.memory_space<hbm>>
    tpu.wait_indirect_dma semaphore(%arg8 : memref<!tpu.dma_semaphore, #tpu.memory_space<semaphore_mem>>) src(%dma_wait3A_283 : memref<10000x384xi32, #tpu.memory_space<hbm>>) dst(%dma_wait3A_277 : memref<40x384xi32, #tpu.memory_space<vmem>>)
    %mul3A_284 = arith.constant 10000 : i32
    %mul3A_285 = arith.muli %add3A, %mul3A_284 : i32
    %add3A_286 = arith.constant 9960 : i32
    %add3A_287 = arith.addi %mul3A_285, %add3A_286 : i32
    %dma_start3A_288 = arith.constant 1 : i32
    %dma_start3A_289 = arith.constant 0 : i32
    %dma_start3A_290 = arith.constant 0 : i32
    %dma_start3A_291 = tpu.memref_slice %arg6[%dma_start3A_288, %dma_start3A_289, %dma_start3A_290] : memref<4x40x384xi32, #tpu.memory_space<vmem>> -> memref<1x40x384xi32, #tpu.memory_space<vmem>>
    %dma_start3A_292 = tpu.memref_squeeze %dma_start3A_291 : memref<1x40x384xi32, #tpu.memory_space<vmem>> -> memref<40x384xi32, #tpu.memory_space<vmem>>
    %dma_start3A_293 = arith.constant 0 : i32
    %dma_start3A_294 = tpu.memref_slice %arg4[%add3A_287, %dma_start3A_293] : memref<320000x384xi32, #tpu.memory_space<hbm>> -> memref<40x384xi32, #tpu.memory_space<hbm>>
    %dma_start3A_295 = arith.constant 0 : i32
    %dma_start3A_296 = tpu.memref_slice %arg4[%add3A_287, %dma_start3A_295] : memref<320000x384xi32, #tpu.memory_space<hbm>> -> memref<40x384xi32, #tpu.memory_space<hbm>>
    %dma_start3A_297 = arith.constant 0 : i32
    %dma_start3A_298 = arith.constant 0 : i32
    %dma_start3A_299 = tpu.memref_slice %arg6[%dma_start3A_288, %dma_start3A_297, %dma_start3A_298] : memref<4x40x384xi32, #tpu.memory_space<vmem>> -> memref<1x40x384xi32, #tpu.memory_space<vmem>>
    %dma_start3A_300 = tpu.memref_squeeze %dma_start3A_299 : memref<1x40x384xi32, #tpu.memory_space<vmem>> -> memref<40x384xi32, #tpu.memory_space<vmem>>
    tpu.enqueue_dma source(%dma_start3A_300 : memref<40x384xi32, #tpu.memory_space<vmem>>) target(%dma_start3A_296 : memref<40x384xi32, #tpu.memory_space<hbm>>) target_semaphore(%arg12 : memref<!tpu.dma_semaphore, #tpu.memory_space<semaphore_mem>>)
    %mul3A_301 = arith.constant 10000 : i32
    %mul3A_302 = arith.muli %add3A, %mul3A_301 : i32
    %add3A_303 = arith.constant 9880 : i32
    %add3A_304 = arith.addi %mul3A_302, %add3A_303 : i32
    %dma_wait3A_305 = arith.constant 3 : i32
    %dma_wait3A_306 = arith.constant 0 : i32
    %dma_wait3A_307 = arith.constant 0 : i32
    %dma_wait3A_308 = tpu.memref_slice %arg6[%dma_wait3A_305, %dma_wait3A_306, %dma_wait3A_307] : memref<4x40x384xi32, #tpu.memory_space<vmem>> -> memref<1x40x384xi32, #tpu.memory_space<vmem>>
    %dma_wait3A_309 = tpu.memref_squeeze %dma_wait3A_308 : memref<1x40x384xi32, #tpu.memory_space<vmem>> -> memref<40x384xi32, #tpu.memory_space<vmem>>
    %dma_wait3A_310 = arith.constant 0 : i32
    %dma_wait3A_311 = tpu.memref_slice %arg4[%add3A_304, %dma_wait3A_310] : memref<320000x384xi32, #tpu.memory_space<hbm>> -> memref<40x384xi32, #tpu.memory_space<hbm>>
    %dma_wait3A_312 = arith.constant 0 : i32
    %dma_wait3A_313 = tpu.memref_slice %arg4[%add3A_304, %dma_wait3A_312] : memref<320000x384xi32, #tpu.memory_space<hbm>> -> memref<40x384xi32, #tpu.memory_space<hbm>>
    %dma_wait3A_314 = arith.constant 0 : i32
    %dma_wait3A_315 = arith.constant 0 : i32
    %dma_wait3A_316 = tpu.memref_slice %arg6[%dma_wait3A_305, %dma_wait3A_314, %dma_wait3A_315] : memref<4x40x384xi32, #tpu.memory_space<vmem>> -> memref<1x40x384xi32, #tpu.memory_space<vmem>>
    %dma_wait3A_317 = tpu.memref_squeeze %dma_wait3A_316 : memref<1x40x384xi32, #tpu.memory_space<vmem>> -> memref<40x384xi32, #tpu.memory_space<vmem>>
    tpu.wait_dma2 semaphore(%arg14 : memref<!tpu.dma_semaphore, #tpu.memory_space<semaphore_mem>>) src(%dma_wait3A_317 : memref<40x384xi32, #tpu.memory_space<vmem>>) dst(%dma_wait3A_313 : memref<40x384xi32, #tpu.memory_space<hbm>>)
    %mul3A_318 = arith.constant 10000 : i32
    %mul3A_319 = arith.muli %add3A, %mul3A_318 : i32
    %add3A_320 = arith.constant 9920 : i32
    %add3A_321 = arith.addi %mul3A_319, %add3A_320 : i32
    %dma_wait3A_322 = arith.constant 0 : i32
    %dma_wait3A_323 = arith.constant 0 : i32
    %dma_wait3A_324 = arith.constant 0 : i32
    %dma_wait3A_325 = tpu.memref_slice %arg6[%dma_wait3A_322, %dma_wait3A_323, %dma_wait3A_324] : memref<4x40x384xi32, #tpu.memory_space<vmem>> -> memref<1x40x384xi32, #tpu.memory_space<vmem>>
    %dma_wait3A_326 = tpu.memref_squeeze %dma_wait3A_325 : memref<1x40x384xi32, #tpu.memory_space<vmem>> -> memref<40x384xi32, #tpu.memory_space<vmem>>
    %dma_wait3A_327 = arith.constant 0 : i32
    %dma_wait3A_328 = tpu.memref_slice %arg4[%add3A_321, %dma_wait3A_327] : memref<320000x384xi32, #tpu.memory_space<hbm>> -> memref<40x384xi32, #tpu.memory_space<hbm>>
    %dma_wait3A_329 = arith.constant 0 : i32
    %dma_wait3A_330 = tpu.memref_slice %arg4[%add3A_321, %dma_wait3A_329] : memref<320000x384xi32, #tpu.memory_space<hbm>> -> memref<40x384xi32, #tpu.memory_space<hbm>>
    %dma_wait3A_331 = arith.constant 0 : i32
    %dma_wait3A_332 = arith.constant 0 : i32
    %dma_wait3A_333 = tpu.memref_slice %arg6[%dma_wait3A_322, %dma_wait3A_331, %dma_wait3A_332] : memref<4x40x384xi32, #tpu.memory_space<vmem>> -> memref<1x40x384xi32, #tpu.memory_space<vmem>>
    %dma_wait3A_334 = tpu.memref_squeeze %dma_wait3A_333 : memref<1x40x384xi32, #tpu.memory_space<vmem>> -> memref<40x384xi32, #tpu.memory_space<vmem>>
    tpu.wait_dma2 semaphore(%arg11 : memref<!tpu.dma_semaphore, #tpu.memory_space<semaphore_mem>>) src(%dma_wait3A_334 : memref<40x384xi32, #tpu.memory_space<vmem>>) dst(%dma_wait3A_330 : memref<40x384xi32, #tpu.memory_space<hbm>>)
    %mul3A_335 = arith.constant 10000 : i32
    %mul3A_336 = arith.muli %add3A, %mul3A_335 : i32
    %add3A_337 = arith.constant 9960 : i32
    %add3A_338 = arith.addi %mul3A_336, %add3A_337 : i32
    %dma_wait3A_339 = arith.constant 1 : i32
    %dma_wait3A_340 = arith.constant 0 : i32
    %dma_wait3A_341 = arith.constant 0 : i32
    %dma_wait3A_342 = tpu.memref_slice %arg6[%dma_wait3A_339, %dma_wait3A_340, %dma_wait3A_341] : memref<4x40x384xi32, #tpu.memory_space<vmem>> -> memref<1x40x384xi32, #tpu.memory_space<vmem>>
    %dma_wait3A_343 = tpu.memref_squeeze %dma_wait3A_342 : memref<1x40x384xi32, #tpu.memory_space<vmem>> -> memref<40x384xi32, #tpu.memory_space<vmem>>
    %dma_wait3A_344 = arith.constant 0 : i32
    %dma_wait3A_345 = tpu.memref_slice %arg4[%add3A_338, %dma_wait3A_344] : memref<320000x384xi32, #tpu.memory_space<hbm>> -> memref<40x384xi32, #tpu.memory_space<hbm>>
    %dma_wait3A_346 = arith.constant 0 : i32
    %dma_wait3A_347 = tpu.memref_slice %arg4[%add3A_338, %dma_wait3A_346] : memref<320000x384xi32, #tpu.memory_space<hbm>> -> memref<40x384xi32, #tpu.memory_space<hbm>>
    %dma_wait3A_348 = arith.constant 0 : i32
    %dma_wait3A_349 = arith.constant 0 : i32
    %dma_wait3A_350 = tpu.memref_slice %arg6[%dma_wait3A_339, %dma_wait3A_348, %dma_wait3A_349] : memref<4x40x384xi32, #tpu.memory_space<vmem>> -> memref<1x40x384xi32, #tpu.memory_space<vmem>>
    %dma_wait3A_351 = tpu.memref_squeeze %dma_wait3A_350 : memref<1x40x384xi32, #tpu.memory_space<vmem>> -> memref<40x384xi32, #tpu.memory_space<vmem>>
    tpu.wait_dma2 semaphore(%arg12 : memref<!tpu.dma_semaphore, #tpu.memory_space<semaphore_mem>>) src(%dma_wait3A_351 : memref<40x384xi32, #tpu.memory_space<vmem>>) dst(%dma_wait3A_347 : memref<40x384xi32, #tpu.memory_space<hbm>>)
    return
  }
}

module attributes {stable_mosaic.version = 14 : i64} {
  func.func @_dense_body(%arg0: i32, %arg1: memref<2000x128xf32, #tpu.memory_space<vmem>>, %arg2: memref<2000x384xf32, #tpu.memory_space<vmem>>, %arg3: memref<128x128xf32, #tpu.memory_space<vmem>>, %arg4: memref<1x128xf32, #tpu.memory_space<vmem>>, %arg5: memref<384x128xf32, #tpu.memory_space<vmem>>, %arg6: memref<1x384xf32, #tpu.memory_space<vmem>>, %arg7: memref<1x128xf32, #tpu.memory_space<vmem>>, %arg8: memref<1x128xf32, #tpu.memory_space<vmem>>, %arg9: memref<2000x384xi32, #tpu.memory_space<vmem>>) attributes {dimension_semantics = [#tpu.dimension_semantics<arbitrary>], iteration_bounds = array<i64: 5>, scalar_prefetch = 0 : i64, scratch_operands = 0 : i64, tpu.core_type = #tpu.core_type<tc>, window_params = [{transform_indices = @transform_0, window_bounds = array<i64: 2000, 128>}, {transform_indices = @transform_1, window_bounds = array<i64: 2000, 384>}, {pipeline_mode = #tpu.pipeline_mode<synchronous>, transform_indices = @transform_2, window_bounds = array<i64: 128, 128>}, {pipeline_mode = #tpu.pipeline_mode<synchronous>, transform_indices = @transform_3, window_bounds = array<i64: 1, 128>}, {pipeline_mode = #tpu.pipeline_mode<synchronous>, transform_indices = @transform_4, window_bounds = array<i64: 384, 128>}, {pipeline_mode = #tpu.pipeline_mode<synchronous>, transform_indices = @transform_5, window_bounds = array<i64: 1, 384>}, {pipeline_mode = #tpu.pipeline_mode<synchronous>, transform_indices = @transform_6, window_bounds = array<i64: 1, 128>}, {pipeline_mode = #tpu.pipeline_mode<synchronous>, transform_indices = @transform_7, window_bounds = array<i64: 1, 128>}, {transform_indices = @transform_8, window_bounds = array<i64: 2000, 384>}]} {
    %get3A = arith.constant 0 : index
    %get3A_0 = arith.constant 0 : index
    %get3A_1 = vector.load %arg1[%get3A, %get3A_0] : memref<2000x128xf32, #tpu.memory_space<vmem>>, vector<2000x128xf32>
    %reduce_sum3A = arith.constant dense<0.000000e+00> : vector<2000xf32>
    %reduce_sum3A_2 = vector.multi_reduction <add>, %get3A_1, %reduce_sum3A [1] : vector<2000x128xf32> to vector<2000xf32>
    %broadcast_in_dim3A = vector.shape_cast %reduce_sum3A_2 : vector<2000xf32> to vector<2000x1xf32>
    %div3A = arith.constant 1.280000e+02 : f32
    %div3A_3 = vector.broadcast %div3A : f32 to vector<2000x1xf32>
    %div3A_4 = arith.divf %broadcast_in_dim3A, %div3A_3 : vector<2000x1xf32>
    %sub3A = vector.broadcast %div3A_4 : vector<2000x1xf32> to vector<2000x128xf32>
    %sub3A_5 = arith.subf %get3A_1, %sub3A : vector<2000x128xf32>
    %integer_pow3A = arith.mulf %sub3A_5, %sub3A_5 : vector<2000x128xf32>
    %reduce_sum3A_6 = arith.constant dense<0.000000e+00> : vector<2000xf32>
    %reduce_sum3A_7 = vector.multi_reduction <add>, %integer_pow3A, %reduce_sum3A_6 [1] : vector<2000x128xf32> to vector<2000xf32>
    %broadcast_in_dim3A_8 = vector.shape_cast %reduce_sum3A_7 : vector<2000xf32> to vector<2000x1xf32>
    %div3A_9 = arith.constant 1.280000e+02 : f32
    %div3A_10 = vector.broadcast %div3A_9 : f32 to vector<2000x1xf32>
    %div3A_11 = arith.divf %broadcast_in_dim3A_8, %div3A_10 : vector<2000x1xf32>
    %sub3A_12 = vector.broadcast %div3A_4 : vector<2000x1xf32> to vector<2000x128xf32>
    %sub3A_13 = arith.subf %get3A_1, %sub3A_12 : vector<2000x128xf32>
    %add3A = arith.constant 9.99999974E-6 : f32
    %add3A_14 = vector.broadcast %add3A : f32 to vector<2000x1xf32>
    %add3A_15 = arith.addf %div3A_11, %add3A_14 : vector<2000x1xf32>
    %rsqrt3A = math.rsqrt %add3A_15 : vector<2000x1xf32>
    %mul3A = vector.broadcast %rsqrt3A : vector<2000x1xf32> to vector<2000x128xf32>
    %mul3A_16 = arith.mulf %sub3A_13, %mul3A : vector<2000x128xf32>
    %get3A_17 = arith.constant 0 : index
    %get3A_18 = arith.constant 0 : index
    %get3A_19 = vector.load %arg7[%get3A_17, %get3A_18] : memref<1x128xf32, #tpu.memory_space<vmem>>, vector<1x128xf32>
    %mul3A_20 = vector.broadcast %get3A_19 : vector<1x128xf32> to vector<2000x128xf32>
    %mul3A_21 = arith.mulf %mul3A_16, %mul3A_20 : vector<2000x128xf32>
    %get3A_22 = arith.constant 0 : index
    %get3A_23 = arith.constant 0 : index
    %get3A_24 = vector.load %arg8[%get3A_22, %get3A_23] : memref<1x128xf32, #tpu.memory_space<vmem>>, vector<1x128xf32>
    %add3A_25 = vector.broadcast %get3A_24 : vector<1x128xf32> to vector<2000x128xf32>
    %add3A_26 = arith.addf %mul3A_21, %add3A_25 : vector<2000x128xf32>
    %get3A_27 = arith.constant 0 : index
    %get3A_28 = arith.constant 0 : index
    %get3A_29 = vector.load %arg3[%get3A_27, %get3A_28] : memref<128x128xf32, #tpu.memory_space<vmem>>, vector<128x128xf32>
    %dot_general3A = arith.constant dense<0.000000e+00> : vector<2000x128xf32>
    %dot_general3A_30 = tpu.matmul %add3A_26, %get3A_29, %dot_general3A {dimension_numbers = #tpu.dot_dimension_numbers<[1], [1], [0], [0], [0, 0, 1, 0], [], []>, transpose_lhs_hint = false} : vector<2000x128xf32>, vector<128x128xf32>, vector<2000x128xf32> -> vector<2000x128xf32>
    %get3A_31 = arith.constant 0 : index
    %get3A_32 = arith.constant 0 : index
    %get3A_33 = vector.load %arg4[%get3A_31, %get3A_32] : memref<1x128xf32, #tpu.memory_space<vmem>>, vector<1x128xf32>
    %add3A_34 = vector.broadcast %get3A_33 : vector<1x128xf32> to vector<2000x128xf32>
    %add3A_35 = arith.addf %dot_general3A_30, %add3A_34 : vector<2000x128xf32>
    %logistic3A = arith.negf %add3A_35 : vector<2000x128xf32>
    %logistic3A_36 = math.exp %logistic3A : vector<2000x128xf32>
    %logistic3A_37 = arith.constant 1.000000e+00 : f32
    %logistic3A_38 = vector.broadcast %logistic3A_37 : f32 to vector<2000x128xf32>
    %logistic3A_39 = arith.addf %logistic3A_38, %logistic3A_36 : vector<2000x128xf32>
    %logistic3A_40 = arith.divf %logistic3A_38, %logistic3A_39 : vector<2000x128xf32>
    %mul3A_41 = arith.mulf %add3A_35, %logistic3A_40 : vector<2000x128xf32>
    %mul3A_42 = arith.constant 1.66666663 : f32
    %mul3A_43 = vector.broadcast %mul3A_42 : f32 to vector<2000x128xf32>
    %mul3A_44 = arith.mulf %mul3A_41, %mul3A_43 : vector<2000x128xf32>
    %get3A_45 = arith.constant 0 : index
    %get3A_46 = arith.constant 0 : index
    %get3A_47 = vector.load %arg5[%get3A_45, %get3A_46] : memref<384x128xf32, #tpu.memory_space<vmem>>, vector<384x128xf32>
    %dot_general3A_48 = arith.constant dense<0.000000e+00> : vector<2000x384xf32>
    %dot_general3A_49 = tpu.matmul %mul3A_44, %get3A_47, %dot_general3A_48 {dimension_numbers = #tpu.dot_dimension_numbers<[1], [1], [0], [0], [0, 0, 1, 0], [], []>, transpose_lhs_hint = false} : vector<2000x128xf32>, vector<384x128xf32>, vector<2000x384xf32> -> vector<2000x384xf32>
    %get3A_50 = arith.constant 0 : index
    %get3A_51 = arith.constant 0 : index
    %get3A_52 = vector.load %arg6[%get3A_50, %get3A_51] : memref<1x384xf32, #tpu.memory_space<vmem>>, vector<1x384xf32>
    %add3A_53 = vector.broadcast %get3A_52 : vector<1x384xf32> to vector<2000x384xf32>
    %add3A_54 = arith.addf %dot_general3A_49, %add3A_53 : vector<2000x384xf32>
    %broadcast_in_dim3A_55 = arith.constant 1.000000e+00 : f32
    %broadcast_in_dim3A_56 = vector.broadcast %broadcast_in_dim3A_55 : f32 to vector<1x128xf32>
    %broadcast_in_dim3A_57 = arith.constant 0.0510310382 : f32
    %broadcast_in_dim3A_58 = vector.broadcast %broadcast_in_dim3A_57 : f32 to vector<1x128xf32>
    %broadcast_in_dim3A_59 = arith.constant 0.0883883461 : f32
    %broadcast_in_dim3A_60 = vector.broadcast %broadcast_in_dim3A_59 : f32 to vector<1x128xf32>
    %concatenate3A = tpu.concatenate %broadcast_in_dim3A_56, %broadcast_in_dim3A_58, %broadcast_in_dim3A_60 in 1 : vector<1x128xf32>, vector<1x128xf32>, vector<1x128xf32> -> vector<1x384xf32>
    %mul3A_61 = vector.broadcast %concatenate3A : vector<1x384xf32> to vector<2000x384xf32>
    %mul3A_62 = arith.mulf %add3A_54, %mul3A_61 : vector<2000x384xf32>
    %convert_element_type3A = arith.truncf %mul3A_62 : vector<2000x384xf32> to vector<2000x384xbf16>
    %bitcast_convert_type3A = tpu.bitcast %convert_element_type3A : vector<2000x384xbf16> -> vector<2000x384xi16>
    %convert_element_type3A_63 = arith.extui %bitcast_convert_type3A : vector<2000x384xi16> to vector<2000x384xi32>
    %get3A_64 = arith.constant 0 : index
    %get3A_65 = arith.constant 0 : index
    %get3A_66 = vector.load %arg2[%get3A_64, %get3A_65] : memref<2000x384xf32, #tpu.memory_space<vmem>>, vector<2000x384xf32>
    %convert_element_type3A_67 = arith.truncf %get3A_66 : vector<2000x384xf32> to vector<2000x384xbf16>
    %bitcast_convert_type3A_68 = tpu.bitcast %convert_element_type3A_67 : vector<2000x384xbf16> -> vector<2000x384xi16>
    %convert_element_type3A_69 = arith.extui %bitcast_convert_type3A_68 : vector<2000x384xi16> to vector<2000x384xi32>
    %shift_left3A = arith.constant 16 : i32
    %shift_left3A_70 = vector.broadcast %shift_left3A : i32 to vector<2000x384xi32>
    %shift_left3A_71 = arith.shli %convert_element_type3A_69, %shift_left3A_70 : vector<2000x384xi32>
    %or3A = arith.ori %convert_element_type3A_63, %shift_left3A_71 : vector<2000x384xi32>
    %bitcast_convert_type3A_72 = tpu.bitcast %or3A : vector<2000x384xi32> -> vector<2000x384xi32>
    %swap3A = arith.constant 0 : index
    %swap3A_73 = arith.constant 0 : index
    %swap3A_74 = vector.load %arg9[%swap3A, %swap3A_73] : memref<2000x384xi32, #tpu.memory_space<vmem>>, vector<2000x384xi32>
    tpu.vector_store %arg9[%swap3A, %swap3A_73], %bitcast_convert_type3A_72 {strides = array<i32>} : memref<2000x384xi32, #tpu.memory_space<vmem>>, vector<2000x384xi32>,
    return
  }
  func.func @transform_0(%arg0: i32) -> (i32, i32) {
    %c0_i32 = arith.constant 0 : i32
    %c0_i32_0 = arith.constant 0 : i32
    return %arg0, %c0_i32 : i32, i32
  }
  func.func @transform_1(%arg0: i32) -> (i32, i32) {
    %c0_i32 = arith.constant 0 : i32
    %c0_i32_0 = arith.constant 0 : i32
    return %arg0, %c0_i32 : i32, i32
  }
  func.func @transform_2(%arg0: i32) -> (i32, i32) {
    %c0_i32 = arith.constant 0 : i32
    %c0_i32_0 = arith.constant 0 : i32
    %c0_i32_1 = arith.constant 0 : i32
    return %c0_i32, %c0_i32_0 : i32, i32
  }
  func.func @transform_3(%arg0: i32) -> (i32, i32) {
    %c0_i32 = arith.constant 0 : i32
    %c0_i32_0 = arith.constant 0 : i32
    %c0_i32_1 = arith.constant 0 : i32
    return %c0_i32, %c0_i32_0 : i32, i32
  }
  func.func @transform_4(%arg0: i32) -> (i32, i32) {
    %c0_i32 = arith.constant 0 : i32
    %c0_i32_0 = arith.constant 0 : i32
    %c0_i32_1 = arith.constant 0 : i32
    return %c0_i32, %c0_i32_0 : i32, i32
  }
  func.func @transform_5(%arg0: i32) -> (i32, i32) {
    %c0_i32 = arith.constant 0 : i32
    %c0_i32_0 = arith.constant 0 : i32
    %c0_i32_1 = arith.constant 0 : i32
    return %c0_i32, %c0_i32_0 : i32, i32
  }
  func.func @transform_6(%arg0: i32) -> (i32, i32) {
    %c0_i32 = arith.constant 0 : i32
    %c0_i32_0 = arith.constant 0 : i32
    %c0_i32_1 = arith.constant 0 : i32
    return %c0_i32, %c0_i32_0 : i32, i32
  }
  func.func @transform_7(%arg0: i32) -> (i32, i32) {
    %c0_i32 = arith.constant 0 : i32
    %c0_i32_0 = arith.constant 0 : i32
    %c0_i32_1 = arith.constant 0 : i32
    return %c0_i32, %c0_i32_0 : i32, i32
  }
  func.func @transform_8(%arg0: i32) -> (i32, i32) {
    %c0_i32 = arith.constant 0 : i32
    %c0_i32_0 = arith.constant 0 : i32
    return %arg0, %c0_i32 : i32, i32
  }
}

module attributes {stable_mosaic.version = 14 : i64} {
  func.func @_msg_body(%arg0: i32, %arg1: memref<1600x384xi32, #tpu.memory_space<vmem>>, %arg2: memref<1600x32xf32, #tpu.memory_space<vmem>>, %arg3: memref<384x32xf32, #tpu.memory_space<vmem>>, %arg4: memref<1x384xf32, #tpu.memory_space<vmem>>, %arg5: memref<1600x3xf32, #tpu.memory_space<vmem>>, %arg6: memref<1600x128xf32, #tpu.memory_space<vmem>>, %arg7: memref<1600x128xf32, #tpu.memory_space<vmem>>, %arg8: memref<1600x128xf32, #tpu.memory_space<vmem>>, %arg9: memref<1600x128xf32, #tpu.memory_space<vmem>>) attributes {dimension_semantics = [#tpu.dimension_semantics<arbitrary>], iteration_bounds = array<i64: 200>, scalar_prefetch = 0 : i64, scratch_operands = 0 : i64, tpu.core_type = #tpu.core_type<tc>, window_params = [{transform_indices = @transform_0, window_bounds = array<i64: 1600, 384>}, {transform_indices = @transform_1, window_bounds = array<i64: 1600, 32>}, {pipeline_mode = #tpu.pipeline_mode<synchronous>, transform_indices = @transform_2, window_bounds = array<i64: 384, 32>}, {pipeline_mode = #tpu.pipeline_mode<synchronous>, transform_indices = @transform_3, window_bounds = array<i64: 1, 384>}, {transform_indices = @transform_4, window_bounds = array<i64: 1600, 3>}, {transform_indices = @transform_5, window_bounds = array<i64: 1600, 128>}, {transform_indices = @transform_6, window_bounds = array<i64: 1600, 128>}, {transform_indices = @transform_7, window_bounds = array<i64: 1600, 128>}, {transform_indices = @transform_8, window_bounds = array<i64: 1600, 128>}]} {
    %get3A = arith.constant 0 : index
    %get3A_0 = arith.constant 0 : index
    %get3A_1 = vector.load %arg2[%get3A, %get3A_0] : memref<1600x32xf32, #tpu.memory_space<vmem>>, vector<1600x32xf32>
    %get3A_2 = arith.constant 0 : index
    %get3A_3 = arith.constant 0 : index
    %get3A_4 = vector.load %arg3[%get3A_2, %get3A_3] : memref<384x32xf32, #tpu.memory_space<vmem>>, vector<384x32xf32>
    %dot_general3A = arith.constant dense<0.000000e+00> : vector<1600x384xf32>
    %dot_general3A_5 = tpu.matmul %get3A_1, %get3A_4, %dot_general3A {dimension_numbers = #tpu.dot_dimension_numbers<[1], [1], [0], [0], [0, 0, 1, 0], [], []>, transpose_lhs_hint = false} : vector<1600x32xf32>, vector<384x32xf32>, vector<1600x384xf32> -> vector<1600x384xf32>
    %get3A_6 = arith.constant 0 : index
    %get3A_7 = arith.constant 0 : index
    %get3A_8 = vector.load %arg4[%get3A_6, %get3A_7] : memref<1x384xf32, #tpu.memory_space<vmem>>, vector<1x384xf32>
    %add3A = vector.broadcast %get3A_8 : vector<1x384xf32> to vector<1600x384xf32>
    %add3A_9 = arith.addf %dot_general3A_5, %add3A : vector<1600x384xf32>
    %get3A_10 = arith.constant 0 : index
    %get3A_11 = arith.constant 0 : index
    %get3A_12 = vector.load %arg1[%get3A_10, %get3A_11] : memref<1600x384xi32, #tpu.memory_space<vmem>>, vector<1600x384xi32>
    %bitcast_convert_type3A = tpu.bitcast %get3A_12 : vector<1600x384xi32> -> vector<1600x384xi32>
    %and3A = arith.constant 65535 : i32
    %and3A_13 = vector.broadcast %and3A : i32 to vector<1600x384xi32>
    %and3A_14 = arith.andi %bitcast_convert_type3A, %and3A_13 : vector<1600x384xi32>
    %convert_element_type3A = arith.trunci %and3A_14 : vector<1600x384xi32> to vector<1600x384xi16>
    %shift_right_logical3A = arith.constant 16 : i32
    %shift_right_logical3A_15 = vector.broadcast %shift_right_logical3A : i32 to vector<1600x384xi32>
    %shift_right_logical3A_16 = arith.shrui %bitcast_convert_type3A, %shift_right_logical3A_15 : vector<1600x384xi32>
    %convert_element_type3A_17 = arith.trunci %shift_right_logical3A_16 : vector<1600x384xi32> to vector<1600x384xi16>
    %bitcast_convert_type3A_18 = tpu.bitcast %convert_element_type3A : vector<1600x384xi16> -> vector<1600x384xbf16>
    %convert_element_type3A_19 = arith.extf %bitcast_convert_type3A_18 : vector<1600x384xbf16> to vector<1600x384xf32>
    %bitcast_convert_type3A_20 = tpu.bitcast %convert_element_type3A_17 : vector<1600x384xi16> -> vector<1600x384xbf16>
    %convert_element_type3A_21 = arith.extf %bitcast_convert_type3A_20 : vector<1600x384xbf16> to vector<1600x384xf32>
    %mul3A = arith.mulf %convert_element_type3A_19, %add3A_9 : vector<1600x384xf32>
    %slice3A = vector.extract_strided_slice %mul3A {offsets = [0, 128], sizes = [1600, 128], strides = [1, 1]} : vector<1600x384xf32> to vector<1600x128xf32>
    %slice3A_22 = vector.extract_strided_slice %mul3A {offsets = [0, 256], sizes = [1600, 128], strides = [1, 1]} : vector<1600x384xf32> to vector<1600x128xf32>
    %slice3A_23 = vector.extract_strided_slice %mul3A {offsets = [0, 0], sizes = [1600, 128], strides = [1, 1]} : vector<1600x384xf32> to vector<1600x128xf32>
    %swap3A = arith.constant 0 : index
    %swap3A_24 = arith.constant 0 : index
    %swap3A_25 = vector.load %arg6[%swap3A, %swap3A_24] : memref<1600x128xf32, #tpu.memory_space<vmem>>, vector<1600x128xf32>
    tpu.vector_store %arg6[%swap3A, %swap3A_24], %slice3A_23 {strides = array<i32>} : memref<1600x128xf32, #tpu.memory_space<vmem>>, vector<1600x128xf32>,
    %get3A_26 = arith.constant 0 : index
    %get3A_27 = arith.constant 0 : index
    %get3A_28 = vector.load %arg5[%get3A_26, %get3A_27] : memref<1600x3xf32, #tpu.memory_space<vmem>>, vector<1600x3xf32>
    %slice3A_29 = vector.extract_strided_slice %convert_element_type3A_21 {offsets = [0, 0], sizes = [1600, 128], strides = [1, 1]} : vector<1600x384xf32> to vector<1600x128xf32>
    %mul3A_30 = arith.mulf %slice3A_29, %slice3A : vector<1600x128xf32>
    %slice3A_31 = vector.extract_strided_slice %get3A_28 {offsets = [0, 0], sizes = [1600, 1], strides = [1, 1]} : vector<1600x3xf32> to vector<1600x1xf32>
    %mul3A_32 = vector.broadcast %slice3A_31 : vector<1600x1xf32> to vector<1600x128xf32>
    %mul3A_33 = arith.mulf %slice3A_22, %mul3A_32 : vector<1600x128xf32>
    %add3A_34 = arith.addf %mul3A_30, %mul3A_33 : vector<1600x128xf32>
    %swap3A_35 = arith.constant 0 : index
    %swap3A_36 = arith.constant 0 : index
    %swap3A_37 = vector.load %arg7[%swap3A_35, %swap3A_36] : memref<1600x128xf32, #tpu.memory_space<vmem>>, vector<1600x128xf32>
    tpu.vector_store %arg7[%swap3A_35, %swap3A_36], %add3A_34 {strides = array<i32>} : memref<1600x128xf32, #tpu.memory_space<vmem>>, vector<1600x128xf32>,
    %slice3A_38 = vector.extract_strided_slice %convert_element_type3A_21 {offsets = [0, 128], sizes = [1600, 128], strides = [1, 1]} : vector<1600x384xf32> to vector<1600x128xf32>
    %mul3A_39 = arith.mulf %slice3A_38, %slice3A : vector<1600x128xf32>
    %slice3A_40 = vector.extract_strided_slice %get3A_28 {offsets = [0, 1], sizes = [1600, 1], strides = [1, 1]} : vector<1600x3xf32> to vector<1600x1xf32>
    %mul3A_41 = vector.broadcast %slice3A_40 : vector<1600x1xf32> to vector<1600x128xf32>
    %mul3A_42 = arith.mulf %slice3A_22, %mul3A_41 : vector<1600x128xf32>
    %add3A_43 = arith.addf %mul3A_39, %mul3A_42 : vector<1600x128xf32>
    %swap3A_44 = arith.constant 0 : index
    %swap3A_45 = arith.constant 0 : index
    %swap3A_46 = vector.load %arg8[%swap3A_44, %swap3A_45] : memref<1600x128xf32, #tpu.memory_space<vmem>>, vector<1600x128xf32>
    tpu.vector_store %arg8[%swap3A_44, %swap3A_45], %add3A_43 {strides = array<i32>} : memref<1600x128xf32, #tpu.memory_space<vmem>>, vector<1600x128xf32>,
    %slice3A_47 = vector.extract_strided_slice %convert_element_type3A_21 {offsets = [0, 256], sizes = [1600, 128], strides = [1, 1]} : vector<1600x384xf32> to vector<1600x128xf32>
    %mul3A_48 = arith.mulf %slice3A_47, %slice3A : vector<1600x128xf32>
    %slice3A_49 = vector.extract_strided_slice %get3A_28 {offsets = [0, 2], sizes = [1600, 1], strides = [1, 1]} : vector<1600x3xf32> to vector<1600x1xf32>
    %mul3A_50 = vector.broadcast %slice3A_49 : vector<1600x1xf32> to vector<1600x128xf32>
    %mul3A_51 = arith.mulf %slice3A_22, %mul3A_50 : vector<1600x128xf32>
    %add3A_52 = arith.addf %mul3A_48, %mul3A_51 : vector<1600x128xf32>
    %swap3A_53 = arith.constant 0 : index
    %swap3A_54 = arith.constant 0 : index
    %swap3A_55 = vector.load %arg9[%swap3A_53, %swap3A_54] : memref<1600x128xf32, #tpu.memory_space<vmem>>, vector<1600x128xf32>
    tpu.vector_store %arg9[%swap3A_53, %swap3A_54], %add3A_52 {strides = array<i32>} : memref<1600x128xf32, #tpu.memory_space<vmem>>, vector<1600x128xf32>,
    return
  }
  func.func @transform_0(%arg0: i32) -> (i32, i32) {
    %c0_i32 = arith.constant 0 : i32
    %c0_i32_0 = arith.constant 0 : i32
    return %arg0, %c0_i32 : i32, i32
  }
  func.func @transform_1(%arg0: i32) -> (i32, i32) {
    %c0_i32 = arith.constant 0 : i32
    %c0_i32_0 = arith.constant 0 : i32
    return %arg0, %c0_i32 : i32, i32
  }
  func.func @transform_2(%arg0: i32) -> (i32, i32) {
    %c0_i32 = arith.constant 0 : i32
    %c0_i32_0 = arith.constant 0 : i32
    %c0_i32_1 = arith.constant 0 : i32
    return %c0_i32, %c0_i32_0 : i32, i32
  }
  func.func @transform_3(%arg0: i32) -> (i32, i32) {
    %c0_i32 = arith.constant 0 : i32
    %c0_i32_0 = arith.constant 0 : i32
    %c0_i32_1 = arith.constant 0 : i32
    return %c0_i32, %c0_i32_0 : i32, i32
  }
  func.func @transform_4(%arg0: i32) -> (i32, i32) {
    %c0_i32 = arith.constant 0 : i32
    %c0_i32_0 = arith.constant 0 : i32
    return %arg0, %c0_i32 : i32, i32
  }
  func.func @transform_5(%arg0: i32) -> (i32, i32) {
    %c0_i32 = arith.constant 0 : i32
    %c0_i32_0 = arith.constant 0 : i32
    return %arg0, %c0_i32 : i32, i32
  }
  func.func @transform_6(%arg0: i32) -> (i32, i32) {
    %c0_i32 = arith.constant 0 : i32
    %c0_i32_0 = arith.constant 0 : i32
    return %arg0, %c0_i32 : i32, i32
  }
  func.func @transform_7(%arg0: i32) -> (i32, i32) {
    %c0_i32 = arith.constant 0 : i32
    %c0_i32_0 = arith.constant 0 : i32
    return %arg0, %c0_i32 : i32, i32
  }
  func.func @transform_8(%arg0: i32) -> (i32, i32) {
    %c0_i32 = arith.constant 0 : i32
    %c0_i32_0 = arith.constant 0 : i32
    return %arg0, %c0_i32 : i32, i32
  }
}

</mosaic_0001>

<sc_bundles>
// kernel: kernel.6.cloned.1.call-start
scs
__scs_entry_jumppad:
0x0: {  	(pc) =	sbr.rel $0x88, $3  }
0x1: {  	(tag) =	ssettag $0x0;
	lr =	simm.s32 $0x1  }
0x2: {  	[smem:$0x3F94] =	sst lr;
	_ =	strace $0xD0000000  }
0x3: {  	_ = 	snop  }
0x4: {  	_ = 	snop  }
0x5: {  	_ = 	snop  }
0x6: {  	_ = 	snop  }
0x7: {  	_ = 	snop  }
__scs_overlays_trampoline_lowered:
0x8: {  	[smem:$0x3FA3] =	sst s0  }
0x9: {  	[smem:$0x3FA4] =	sst s1  }
0xa: {  	[smem:$0x3FA5] =	sst s2  }
0xb: {  	[smem:$0x3FA6] =	sst s3  }
0xc: {  	[smem:$0x3FA7] =	sst s4  }
0xd: {  	[smem:$0x3FA8] =	sst s5  }
0xe: {  	[smem:$0x3FA9] =	sst s6  }
0xf: {  	[smem:$0x3FAA] =	sst s7  }
0x10: {  	[smem:$0x3FAB] =	sst s8  }
0x11: {  	[smem:$0x3FAC] =	sst s9;
	s0 =	simm.s32 @!p0 $0x0  }
0x12: {  	s1 =	sld [smem:$0x3F92];
	s0 =	simm.s32 @p0 $0x1  }
0x13: {  	[smem:$0x3FAD] =	sst s0;
	s0 =	simm.s32 @!p1 $0x0  }
0x14: {  	s2 =	sld [smem:$0x3F91];
	s0 =	simm.s32 @p1 $0x1  }
0x15: {  	[smem:$0x3FAE] =	sst s0;
	s0 =	simm.s32 @!p2 $0x0  }
0x16: {  	s3 =	sld [smem:$0x3FDB];
	s0 =	simm.s32 @p2 $0x1  }
0x17: {  	s4 =	simm.s32 $0x1BF5;
	[smem:$0x3FB0] =	sst s0  }
0x18: {  	s0 =	sld [smem:$0x3F93];
	_ =	swait.ge [sflag:s4], $0x0  }
0x19: {  	s7 =	sld [smem:$0x3F94]  }
0x1a: {  	s8 =	sadd.s32 $0xFFFFE003, lr  }
0x1b: {  	s9 =	sadd.s32 $0xFFFFFEF7, lr;
	s5 =	simm.s32 $0xFFFFFFFF;
	p2 =	slt.u32 s8, $0xFFFFF086  }
0x1c: {  	p1 =	slt.u32 s9, $0xF7A;
	s5 =	simm.s32 @!p2 $0x0  }
0x1d: {  	s5 =	simm.s32 @p1 $0x1;
	p0 =	seq.s32 s7, s2  }
0x1e: {  	s7 =	smul.u32 @!p0 $0xF7A, s2;
	p2 =	seq.s32 @!p0 s5, $0x0  }
0x1f: {  	s9 =	smul.u32 $0xF7A, s1;
	s8 =	simm.s32 @!p0 $0x1BF5;
	p2 =	por !p2, p0  }
0x20: {  	[sflag:s8] =	ssyncset.s32 @!p0 $0xFFFFF086;
	s6 =	sadd.s32 @!p0 s3, s7;
	s7 =	simm.s32 @!p0 $0x108  }
0x21: {  	s3 =	sadd.s32 s3, s9;
	s6 =	sadd.s32 @!p0 $0x88, s6;
	s7 =	simm.s32 @p2 $0x1082  }
0x22: {  	[simem:s7], [sflag:s8] =	dma.local @!p0 [hbm:s6], $0xF7A  }
0x23: {  	s9 =	sor.u32 $0xD0000000, s2;
	s6 =	simm.s32 $0x108;
	_ =	swait.ge @!p0 [sflag:s8], $0x0  }
0x24: {  	s3 =	sadd.s32 $0x88, s3;
	s6 =	simm.s32 @!p1 $0x1082;
	[sflag:s4] =	ssyncset.s32 $0xFFFFF086  }
0x25: {  	[simem:s6], [sflag:s4] =	dma.local [hbm:s3], $0xF7A  }
0x26: {  	[smem:$0x3F94] =	sst s1;
	(tag) =	ssettag s2;
	_ =	strace s9  }
0x27: {  	s1 =	sld [smem:$0x3FA4]  }
0x28: {  	s2 =	sld [smem:$0x3FA5]  }
0x29: {  	s4 =	sld [smem:$0x3FA7]  }
0x2a: {  	p0 =	seq.s32 s5, $0x0;
	s5 =	sld [smem:$0x3FA8]  }
0x2b: {  	s6 =	sld [smem:$0x3FA9]  }
0x2c: {  	s7 =	sld [smem:$0x3FAA]  }
0x2d: {  	s3 =	simm.s32 $0x108;
	s8 =	sld [smem:$0x3FAB]  }
0x2e: {  	s3 =	simm.s32 @!p0 $0x1082;
	s9 =	sld [smem:$0x3FAC]  }
0x2f: {  	lr =	sadd.s32 s0, s3;
	s0 =	sld [smem:$0x3FA3]  }
0x30: {  	s3 =	sld [smem:$0x3FA6]  }
0x31: {  	[smem:$0x3FAF] =	sst s10  }
0x32: {  	s10 =	sld [smem:$0x3FAD];
	_ =	sdelay $0x3  }
0x33: {  	p0 =	seq.s32 s10, $0x1;
	s10 =	sld [smem:$0x3FAF];
	_ =	sdelay $0x3  }
0x34: {  	[smem:$0x3FAF] =	sst s10  }
0x35: {  	s10 =	sld [smem:$0x3FAE];
	_ =	sdelay $0x3  }
0x36: {  	p1 =	seq.s32 s10, $0x1;
	s10 =	sld [smem:$0x3FAF];
	_ =	sdelay $0x3  }
0x37: {  	[smem:$0x3FAF] =	sst s10  }
0x38: {  	s10 =	sld [smem:$0x3FB0]  }
0x39: {  	_ = 	snop;
	(pc) =	sbr.ind lr, $3  }
0x3a: {  	_ = 	snop  }
0x3b: {  	_ = 	snop  }
0x3c: {  	p2 =	seq.s32 s10, $0x1;
	s10 =	sld [smem:$0x3FAF]  }
0x3d: {  	_ =	shalt  }
0x3e: {  	_ =	shalt  }
0x3f: {  	_ =	shalt  }
0x40: {  	_ =	shalt  }
0x41: {  	_ =	shalt  }
0x42: {  	_ =	shalt  }
0x43: {  	_ =	shalt  }
0x44: {  	_ =	shalt  }
0x45: {  	_ =	shalt  }
0x46: {  	_ =	shalt  }
0x47: {  	_ =	shalt  }
0x48: {  	_ =	shalt  }
0x49: {  	_ =	shalt  }
0x4a: {  	_ =	shalt  }
0x4b: {  	_ =	shalt  }
0x4c: {  	_ =	shalt  }
0x4d: {  	_ =	shalt  }
0x4e: {  	_ =	shalt  }
0x4f: {  	_ =	shalt  }
0x50: {  	_ =	shalt  }
0x51: {  	_ =	shalt  }
0x52: {  	_ =	shalt  }
0x53: {  	_ =	shalt  }
0x54: {  	_ =	shalt  }
0x55: {  	_ =	shalt  }
0x56: {  	_ =	shalt  }
0x57: {  	_ =	shalt  }
0x58: {  	_ =	shalt  }
0x59: {  	_ =	shalt  }
0x5a: {  	_ =	shalt  }
0x5b: {  	_ =	shalt  }
0x5c: {  	_ =	shalt  }
0x5d: {  	_ =	shalt  }
0x5e: {  	_ =	shalt  }
0x5f: {  	_ =	shalt  }
0x60: {  	_ =	shalt  }
0x61: {  	_ =	shalt  }
0x62: {  	_ =	shalt  }
0x63: {  	_ =	shalt  }
0x64: {  	_ =	shalt  }
0x65: {  	_ =	shalt  }
0x66: {  	_ =	shalt  }
0x67: {  	_ =	shalt  }
0x68: {  	_ =	shalt  }
0x69: {  	_ =	shalt  }
0x6a: {  	_ =	shalt  }
0x6b: {  	_ =	shalt  }
0x6c: {  	_ =	shalt  }
0x6d: {  	_ =	shalt  }
0x6e: {  	_ =	shalt  }
0x6f: {  	_ =	shalt  }
0x70: {  	_ =	shalt  }
0x71: {  	_ =	shalt  }
0x72: {  	_ =	shalt  }
0x73: {  	_ =	shalt  }
0x74: {  	_ =	shalt  }
0x75: {  	_ =	shalt  }
0x76: {  	_ =	shalt  }
0x77: {  	_ =	shalt  }
0x78: {  	_ =	shalt  }
0x79: {  	_ =	shalt  }
0x7a: {  	_ =	shalt  }
0x7b: {  	_ =	shalt  }
0x7c: {  	_ =	shalt  }
0x7d: {  	_ =	shalt  }
0x7e: {  	_ =	shalt  }
0x7f: {  	_ =	shalt  }
0x80: {  	_ =	shalt  }
0x81: {  	_ =	shalt  }
0x82: {  	_ =	shalt  }
0x83: {  	_ =	shalt  }
0x84: {  	_ =	shalt  }
0x85: {  	_ =	shalt  }
0x86: {  	_ =	shalt  }
0x87: {  	_ =	shalt  }
.Lfunc_end0:
.L_simem_size_0:
called_computation_lowered:
.L_overlay_start_0:
0x88: {  	s2 =	sld [smem:$0x3FD9]  }
0x89: {  	s3 =	sld [smem:$0x3FFE];
	_ =	sdelay $0x1  }
0x8a: {  	s1 =	srdreg.scid  }
0x8b: {  	s0 =	sand.u32 $0x1, s1  }
0x8c: {  	s14 =	sshll.u32 s0, $0xA;
	s2 =	sadd.s32 s3, s2  }
0x8d: {  	s2 =	sadd.s32 s2, s14  }
0x8e: {  	[smem:$0x3FBB] =	sst s2  }
0x8f: {  	_ = 	snop  }
0x90: {  	s2 =	sld [smem:$0x3FD0];
	_ =	sdelay $0x2  }
0x91: {  	s15 =	simm.s32 $0xA;
	s4 =	simm.s32 $0x10  }
0x92: {  	[smem:s4], [sflag:s15] =	dma.local [hbm:s2], $0x1  }
0x93: {  	_ =	swait.eq [sflag:s15], $0x1  }
0x94: {  	[sflag:s15] =	ssyncset.done $0x0  }
0x95: {  	s16 =	sld [smem:$0x10];
	[sflag:s15] =	ssyncadd.s32 $0xFFFFFFFF  }
0x96: {  	s17 =	sld [smem:$0x11];
	(tm) =	ssettm $0x1  }
0x97: {  	s18 =	sld [smem:$0x3FFB];
	_ =	sdelay $0x3  }
0x98: {  	_ =	strace s18  }
0x99: {  	s4 =	sld [smem:$0x3FFC];
	_ =	sdelay $0x3  }
0x9a: {  	_ =	strace s4  }
0x9b: {  	s4 =	sld [smem:$0x3FFD];
	_ =	sdelay $0x3  }
0x9c: {  	_ =	strace s4  }
0x9d: {  	_ =	strace $0x8FFFFFFF  }
0x9e: {  	s19 =	sld [smem:$0x3FDB];
	_ =	sdelay $0x1  }
0x9f: {  	s5 =	simm.s32 $_scs_section_size  }
0xa0: {  	s6 =	simm.s32 $_size__tile_overlayer_lowered;
	s7 =	simm.s32 $_tile_overlayer_lowered  }
0xa1: {  	s22 =	simm.s32 $0x1BFF;
	s21 =	sshll.u32 s7, $0x1;
	s4 =	sadd.s32 s5, s19  }
0xa2: {  	s8 =	simm.s32 $0x0;
	s20 =	sshll.u32 s6, $0x1;
	s6 =	sadd.s32 s21, s4  }
0xa3: {  	[timem:s8], [sflag:s22] =	dma.local [hbm:s6], s20  }
0xa4: {  	_ =	swait.ge [sflag:s22], s20  }
0xa5: {  	s5 =	ssub.s32 $0x0, s20;
	[sflag:s22] =	ssyncset.done $0x0  }
0xa6: {  	[sflag:s22] =	ssyncadd.s32 s5;
	_ =	sdelay $0x1  }
0xa7: {  	s23 =	simm.s32 $0x1B8B  }
0xa8: {  	_ =	swait.ge [sflag:s23], $0x1  }
0xa9: {  	[sflag:s23] =	ssyncset.done $0x0  }
0xaa: {  	s25 =	simm.s32 $0x1B8E;
	s24 =	sld [smem:$0x3FFE];
	[sflag:s23] =	ssyncadd.s32 $0xFFFFFFFF  }
0xab: {  	s26 =	simm.s32 $execute0_lowered;
	[smem:$0x3FD2] =	sst s25  }
0xac: {  	s6 =	sshll.u32 s26, $0x1;
	_ =	strace $0x80000046;
	[dreg:$0x1] =	wrdreg $0xFFFFFFFF  }
0xad: {  	s28 =	simm.s32 $_size_execute0_lowered;
	s4 =	sadd.s32 s4, s6;
	[dreg:$0x0] =	wrdreg $0x0  }
0xae: {  	s6 =	sshll.u32 s28, $0x1;
	[dreg:$0x2] =	wrdreg s4  }
0xaf: {  	[dreg:$0x3] =	wrdreg s6  }
0xb0: {  	[dreg:$0x4] =	wrdreg $0xC0  }
0xb1: {  	_ =	task [dreg:s8], $0x5FFFF  }
0xb2: {  	[dreg:$0x1] =	wrdreg $0xFFFFFFFF  }
0xb3: {  	[dreg:$0x0] =	wrdreg $0x60  }
0xb4: {  	[dreg:$0x2] =	wrdreg s17  }
0xb5: {  	[dreg:$0x3] =	wrdreg s16  }
0xb6: {  	[dreg:$0x4] =	wrdreg s24  }
0xb7: {  	[dreg:$0x5] =	wrdreg $0x9  }
0xb8: {  	_ =	task.clear_ibuf [dreg:s8], $0x6FFFF;
	_ =	strace $0x90000046  }
0xb9: {  	s29 =	simm.s32 $0x9;
	_ =	strace $0x80000048  }
0xba: {  	_ =	swait.ge [sflag:s29], $0x1  }
0xbb: {  	[sflag:s29] =	ssyncadd.s32 $0xFFFFFFFF  }
0xbc: {  	_ =	strace $0x90000048  }
0xbd: {  	_ =	sfence  }
0xbe: {  	s30 =	sld [smem:$0x0];
	_ =	sdelay $0x2  }
0xbf: {  	s31 =	sshll.u32 s1, $0xD;
	s1 =	sshrl.u32 s1, $0x2  }
0xc0: {  	s3 =	sand.u32 $0x4000, s31;
	s1 =	sadd.s32 s1, s30  }
0xc1: {  	s0 =	sor.u32 s3, s0;
	s1 =	sshll.u32 s1, $0x11  }
0xc2: {  	s0 =	sor.u32 s1, s0  }
0xc3: {  	s0 =	sadd.s32 $0x8F2B, s0  }
0xc4: {  	[sflag:s0] =	ssyncadd.remote.s32 $0x1  }
0xc5: {  	_ =	sfence.sel $0xFFFF  }
0xc6: {  	[dreg:$0x0] =	wrdreg $0xFFFFFFFF;
	(pc) =	sbr.abs _section_cstart, $3  }
0xc7: {  	[dreg:$0x1] =	wrdreg $0xFFFFFFFF  }
0xc8: {  	_ =	task.clear_ibuf [dreg:s8], $0x2FFFF;
	_ =	strace $0x9FFFFFFF  }
0xc9: {  	(tm) =	ssettm $0x7FFFFFFF  }
tec
execute0_lowered:
.L_overlay_start_1:
0x0: {  	(tag) =	ssettag $0x1  }
0x1: {  	s1 =	rddreg [dreg:$0x0]  }
0x2: {  	s0 =	rddreg [dreg:$0x1];
	s2 =	srdreg.scid  }
0x3: {  	s11 =	stileid.u32;
	s4 =	rddreg [dreg:$0x2]  }
0x4: {  	s3 =	simm.s32 $0x0;
	s12 =	simm.s32 $0x11800;
	s28 =	simm.s32 $0x15800  }
0x5: {  	s29 =	simm.s32 $0x5;
	s30 =	simm.s32 $0x6;
	s31 =	simm.s32 $0x8  }
0x6: {  	s2 =	sand.u32 $0x1, s2;
	s5 =	sshll.u32 s11, $0x1;
	[smem:$0x7FF] =	sst s3  }
0x7: {  	s4 =	sadd.s32 $0xC000, s4;
	s14 =	smul.u32 $0x4E20, s11;
	s11 =	simm.s32 $0xF800  }
0x8: {  	s5 =	sor.u32 s2, s5;
	_ =	strace $0x80000047;
	s6 =	ssub.s32 $0x2, s2  }
0x9: {  	s2 =	smul.u32 $0x2710, s2;
	[dreg:$0x10] =	wrdreg s4;
	s10 =	sshrl.u32 s6, $0x1  }
0xa: {  	s7 =	smul.u32 $0x2710, s5;
	s5 =	sshll.u32 s5, $0xC;
	s10 =	ssub.s32 s6, s10  }
0xb: {  	s0 =	sadd.s32 s0, s5;
	s6 =	sadd.s32 $0x100, s1;
	s2 =	sadd.s32 s2, s14  }
0xc: {  	s14 =	simm.s32 $0x12400;
	s8 =	sshrl.u32 s7, $0x3;
	s9 =	sadd.s32 $0x28, s7  }
0xd: {  	[dreg:$0x7] =	wrdreg s0;
	s13 =	sadd.s32 $0x2698, s7;
	s7 =	sadd.s32 $0x26E8, s7  }
0xe: {  	s5 =	sadd.s32 $0xC8, s2;
	s19 =	sadd.s32 $0x50, s2;
	s20 =	sadd.s32 $0x78, s2  }
0xf: {  	s24 =	smax.u32 s10, $0x1;
	s2 =	sadd.s32 $0xA0, s2;
	s10 =	simm.s32 $0x1  }
0x10: {  	s8 =	smul.u32 $0x180, s8;
	s9 =	sshrl.u32 s9, $0x3;
	s0 =	sshrl.u32 s13, $0x3  }
0x11: {  	s18 =	sshrl.u32 s7, $0x3;
	s5 =	sshrl.u32 s5, $0x3;
	[dreg:$0xe] =	wrdreg s24  }
0x12: {  	s7 =	sshrl.u32 s19, $0x3;
	[dreg:$0xf] =	wrdreg s2;
	s9 =	smul.u32 $0x180, s9  }
0x13: {  	s2 =	simm.s32 $0x10000;
	s13 =	simm.s32 $0x11C00;
	s0 =	smul.u32 $0x180, s0  }
0x14: {  	s24 =	simm.s32 $0x14C00;
	s19 =	simm.s32 $0x7;
	s5 =	smul.u32 $0x180, s5  }
0x15: {  	s7 =	smul.u32 $0x180, s7;
	s15 =	sadd.s32 s4, s8;
	s8 =	sshrl.u32 s20, $0x3  }
0x16: {  	s20 =	simm.s32 $0x12800;
	s16 =	sadd.s32 s4, s9;
	[dreg:$0x8] =	wrdreg s15  }
0x17: {  	s17 =	sadd.s32 $0x73500, s15;
	s0 =	sadd.s32 s4, s0;
	[dreg:$0x9] =	wrdreg s16  }
0x18: {  	s21 =	sadd.s32 $0x74400, s15;
	s22 =	sadd.s32 s5, s4;
	[dreg:$0xa] =	wrdreg s17  }
0x19: {  	s23 =	smul.u32 $0x180, s8;
	s25 =	sadd.s32 s7, s4;
	[dreg:$0xb] =	wrdreg s0  }
0x1a: {  	s5 =	simm.s32 $0x10400;
	s8 =	simm.s32 $0x10C00;
	[dreg:$0xc] =	wrdreg s21  }
0x1b: {  	s9 =	simm.s32 $0x11000;
	s7 =	simm.s32 $0x13000;
	[dreg:$0x4] =	wrdreg s22  }
0x1c: {  	s15 =	simm.s32 $0x13C00;
	s0 =	smul.u32 $0x180, s18;
	[dreg:$0x5] =	wrdreg s25  }
0x1d: {  	s21 =	simm.s32 $0x2;
	s25 =	simm.s32 $0x15400;
	s17 =	simm.s32 $0x3  }
0x1e: {  	v2 =	vlaneseq.u32;
	s18 =	simm.s32 $0x4;
	s16 =	simm.s32 $0x0;
	s26 =	sadd.s32 s23, s4  }
0x1f: {  	vm0 =	vmmov $0xffff;
	vm1 =	vmmov $0xff;
	v1 =	vshrl.u32 v2, $0x3;
	s23 =	simm.s32 $0x14000;
	s0 =	sadd.s32 s4, s0;
	[dreg:$0x6] =	wrdreg s26  }
0x20: {  	v0 =	vand.u32 $0x7, v2;
	v2 =	vor.u32 $0x8, v2;
	v1 =	vmul.u32 $0x8, v1;
	s26 =	simm.s32 $0x13400;
	s4 =	simm.s32 $0x14800;
	[dreg:$0xd] =	wrdreg s0  }
.LBB2_1:
0x21: {  	[dreg:$0x11] =	wrdreg s16  }
0x22: {  	s0 =	rddreg [dreg:$0x7];
	s16 =	simm.s32 $0x9  }
0x23: {  	[tilespmem:s3], [sflag:$0x9] =	stream.linear.gather [hbm4b:s0+s3], $0x7D00, $0x38;
	[tilespmem:$0x17000] =	vst v63  }
0x24: {  	_ =	swait.ge [sflag:s16], $0x7D00  }
0x25: {  	[sflag:s16] =	ssyncset.done $0x0  }
0x26: {  	[sflag:s16] =	ssyncadd.s32 $0xFFFF8300  }
0x27: {  	v3 =	vld [tilespmem:$0x0];
	_ =	sdelay $0x4  }
0x28: {  	v4 =	vshrl.u32 v3, $0x3  }
0x29: {  	v4 =	vmul.u32 $0x18, v4  }
0x2a: {  	v3 =	vand.u32 $0x7, v3  }
0x2b: {  	v3 =	vor.u32 v3, v4  }
0x2c: {  	v4 =	vperm.xlane v3, v0;
	_ =	sdelay $0x1  }
0x2d: {  	v4 =	vadd.s32 v1, v4;
	_ =	sdelay $0x1  }
0x2e: {  	v3 =	vperm.xlane v3, v2;
	_ =	sdelay $0x1  }
0x2f: {  	s16 =	simm.s32 $0x8000;
	v3 =	vadd.s32 v1, v3  }
0x30: {  	[tilespmem:s16], [sflag:$0x1] =	stream.indirect_vreg.gather [hbm4b:s1+s3], $0x80, v4, vm0, $0xb8;
	[tilespmem:$0x17000] =	vst v63  }
0x31: {  	s22 =	simm.s32 $0x8800  }
0x32: {  	[tilespmem:s22], [sflag:$0x1] =	stream.indirect_vreg.gather [hbm4b:s6+s3], $0x80, v4, vm1, $0xb8;
	[tilespmem:$0x17000] =	vst v63  }
0x33: {  	s22 =	simm.s32 $0x8C00  }
0x34: {  	[tilespmem:s22], [sflag:$0x1] =	stream.indirect_vreg.gather [hbm4b:s1+s3], $0x80, v3, vm0, $0xb8;
	[tilespmem:$0x17000] =	vst v63  }
0x35: {  	s22 =	simm.s32 $0x9400  }
0x36: {  	[tilespmem:s22], [sflag:$0x1] =	stream.indirect_vreg.gather [hbm4b:s6+s3], $0x80, v3, vm1, $0xb8;
	[tilespmem:$0x17000] =	vst v63  }
0x37: {  	v3 =	vld [tilespmem:$0x10];
	_ =	sdelay $0x4  }
0x38: {  	v53 =	vshrl.u32 v3, $0x3  }
0x39: {  	v4 =	vmul.u32 $0x18, v53  }
0x3a: {  	v3 =	vand.u32 $0x7, v3  }
0x3b: {  	v3 =	vor.u32 v3, v4  }
0x3c: {  	v4 =	vperm.xlane v3, v0;
	_ =	sdelay $0x1  }
0x3d: {  	v4 =	vadd.s32 v1, v4;
	_ =	sdelay $0x1  }
0x3e: {  	v3 =	vperm.xlane v3, v2;
	_ =	sdelay $0x1  }
0x3f: {  	s22 =	simm.s32 $0x9800;
	v3 =	vadd.s32 v1, v3  }
0x40: {  	[tilespmem:s22], [sflag:$0x1] =	stream.indirect_vreg.gather [hbm4b:s1+s3], $0x80, v4, vm0, $0xb8;
	[tilespmem:$0x17000] =	vst v63  }
0x41: {  	s22 =	simm.s32 $0xA000  }
0x42: {  	[tilespmem:s22], [sflag:$0x1] =	stream.indirect_vreg.gather [hbm4b:s6+s3], $0x80, v4, vm1, $0xb8;
	[tilespmem:$0x17000] =	vst v63  }
0x43: {  	s22 =	simm.s32 $0xA400  }
0x44: {  	[tilespmem:s22], [sflag:$0x1] =	stream.indirect_vreg.gather [hbm4b:s1+s3], $0x80, v3, vm0, $0xb8;
	[tilespmem:$0x17000] =	vst v63  }
0x45: {  	s22 =	simm.s32 $0xAC00  }
0x46: {  	[tilespmem:s22], [sflag:$0x1] =	stream.indirect_vreg.gather [hbm4b:s6+s3], $0x80, v3, vm1, $0xb8;
	[tilespmem:$0x17000] =	vst v63  }
0x47: {  	v3 =	vld.msk [tilespmem:$0x20], $0xff;
	_ =	sdelay $0x4  }
0x48: {  	v54 =	vshrl.u32 v3, $0x3  }
0x49: {  	v4 =	vmul.u32 $0x18, v54  }
0x4a: {  	v3 =	vand.u32 $0x7, v3  }
0x4b: {  	v3 =	vor.u32 v3, v4  }
0x4c: {  	v3 =	vperm.xlane v3, v0;
	_ =	sdelay $0x1  }
0x4d: {  	v3 =	vadd.s32 v1, v3;
	_ =	sdelay $0x3  }
0x4e: {  	s22 =	simm.s32 $0xB000  }
0x4f: {  	[tilespmem:s22], [sflag:$0x1] =	stream.indirect_vreg.gather [hbm4b:s1+s3], $0x80, v3, vm0, $0xb8;
	[tilespmem:$0x17000] =	vst v63  }
0x50: {  	s22 =	simm.s32 $0xB800  }
0x51: {  	[tilespmem:s22], [sflag:$0x1] =	stream.indirect_vreg.gather [hbm4b:s6+s3], $0x80, v3, vm1, $0xb8;
	[tilespmem:$0x17000] =	vst v63  }
0x52: {  	v3 =	vld [tilespmem:$0x80];
	_ =	sdelay $0x4  }
0x53: {  	v55 =	vshrl.u32 v3, $0x3  }
0x54: {  	v4 =	vmul.u32 $0x18, v55  }
0x55: {  	v3 =	vand.u32 $0x7, v3  }
0x56: {  	v3 =	vor.u32 v3, v4  }
0x57: {  	v4 =	vperm.xlane v3, v0;
	_ =	sdelay $0x1  }
0x58: {  	v4 =	vadd.s32 v1, v4;
	_ =	sdelay $0x1  }
0x59: {  	v3 =	vperm.xlane v3, v2;
	_ =	sdelay $0x1  }
0x5a: {  	s22 =	simm.s32 $0xBC00;
	v3 =	vadd.s32 v1, v3  }
0x5b: {  	[tilespmem:s22], [sflag:$0x2] =	stream.indirect_vreg.gather [hbm4b:s1+s3], $0x80, v4, vm0, $0xb8;
	[tilespmem:$0x17000] =	vst v63  }
0x5c: {  	s0 =	simm.s32 $0xC400  }
0x5d: {  	[tilespmem:s0], [sflag:$0x2] =	stream.indirect_vreg.gather [hbm4b:s6+s3], $0x80, v4, vm1, $0xb8;
	[tilespmem:$0x17000] =	vst v63  }
0x5e: {  	s0 =	simm.s32 $0xC800  }
0x5f: {  	[tilespmem:s0], [sflag:$0x2] =	stream.indirect_vreg.gather [hbm4b:s1+s3], $0x80, v3, vm0, $0xb8;
	[tilespmem:$0x17000] =	vst v63  }
0x60: {  	s0 =	simm.s32 $0xD000  }
0x61: {  	[tilespmem:s0], [sflag:$0x2] =	stream.indirect_vreg.gather [hbm4b:s6+s3], $0x80, v3, vm1, $0xb8;
	[tilespmem:$0x17000] =	vst v63  }
0x62: {  	v3 =	vld [tilespmem:$0x90];
	_ =	sdelay $0x4  }
0x63: {  	v56 =	vshrl.u32 v3, $0x3  }
0x64: {  	v4 =	vmul.u32 $0x18, v56  }
0x65: {  	v3 =	vand.u32 $0x7, v3  }
0x66: {  	v3 =	vor.u32 v3, v4  }
0x67: {  	v4 =	vperm.xlane v3, v0;
	_ =	sdelay $0x1  }
0x68: {  	v4 =	vadd.s32 v1, v4;
	_ =	sdelay $0x1  }
0x69: {  	v3 =	vperm.xlane v3, v2;
	_ =	sdelay $0x1  }
0x6a: {  	s0 =	simm.s32 $0xD400;
	v3 =	vadd.s32 v1, v3  }
0x6b: {  	[tilespmem:s0], [sflag:$0x2] =	stream.indirect_vreg.gather [hbm4b:s1+s3], $0x80, v4, vm0, $0xb8;
	[tilespmem:$0x17000] =	vst v63  }
0x6c: {  	s0 =	simm.s32 $0xDC00  }
0x6d: {  	[tilespmem:s0], [sflag:$0x2] =	stream.indirect_vreg.gather [hbm4b:s6+s3], $0x80, v4, vm1, $0xb8;
	[tilespmem:$0x17000] =	vst v63  }
0x6e: {  	s0 =	simm.s32 $0xE000  }
0x6f: {  	[tilespmem:s0], [sflag:$0x2] =	stream.indirect_vreg.gather [hbm4b:s1+s3], $0x80, v3, vm0, $0xb8;
	[tilespmem:$0x17000] =	vst v63  }
0x70: {  	s0 =	simm.s32 $0xE800  }
0x71: {  	[tilespmem:s0], [sflag:$0x2] =	stream.indirect_vreg.gather [hbm4b:s6+s3], $0x80, v3, vm1, $0xb8;
	[tilespmem:$0x17000] =	vst v63  }
0x72: {  	v3 =	vld.msk [tilespmem:$0xA0], $0xff;
	_ =	sdelay $0x4  }
0x73: {  	v57 =	vshrl.u32 v3, $0x3  }
0x74: {  	v4 =	vmul.u32 $0x18, v57  }
0x75: {  	v3 =	vand.u32 $0x7, v3  }
0x76: {  	v3 =	vor.u32 v3, v4  }
0x77: {  	v3 =	vperm.xlane v3, v0;
	_ =	sdelay $0x1  }
0x78: {  	v3 =	vadd.s32 v1, v3;
	_ =	sdelay $0x3  }
0x79: {  	s0 =	simm.s32 $0xEC00  }
0x7a: {  	[tilespmem:s0], [sflag:$0x2] =	stream.indirect_vreg.gather [hbm4b:s1+s3], $0x80, v3, vm0, $0xb8;
	[tilespmem:$0x17000] =	vst v63  }
0x7b: {  	s0 =	simm.s32 $0xF400  }
0x7c: {  	[tilespmem:s0], [sflag:$0x2] =	stream.indirect_vreg.gather [hbm4b:s6+s3], $0x80, v3, vm1, $0xb8;
	[tilespmem:$0x17000] =	vst v63  }
0x7d: {  	_ =	swait.ge [sflag:s10], $0x3C00  }
0x7e: {  	[sflag:s10] =	ssyncset.done $0x0  }
0x7f: {  	s0 =	rddreg [dreg:$0x8];
	[sflag:s10] =	ssyncadd.s32 $0xFFFFC400  }
0x80: {  	[hbm4b:s0+s3] =	stream.linear.scatter [tilespmem:s16], [sflag:$0x5], $0x3C00, $0x38;
	[tilespmem:$0x17000] =	vst v63  }
0x81: {  	v3 =	vld [tilespmem:$0x100];
	_ =	sdelay $0x4  }
0x82: {  	v58 =	vshrl.u32 v3, $0x3  }
0x83: {  	v4 =	vmul.u32 $0x18, v58  }
0x84: {  	v3 =	vand.u32 $0x7, v3  }
0x85: {  	v3 =	vor.u32 v3, v4  }
0x86: {  	v4 =	vperm.xlane v3, v0;
	_ =	sdelay $0x1  }
0x87: {  	v4 =	vadd.s32 v1, v4;
	_ =	sdelay $0x1  }
0x88: {  	v3 =	vperm.xlane v3, v2;
	_ =	sdelay $0x1  }
0x89: {  	v3 =	vadd.s32 v1, v3  }
0x8a: {  	[tilespmem:s11], [sflag:$0x3] =	stream.indirect_vreg.gather [hbm4b:s1+s3], $0x80, v4, vm0, $0xb8;
	[tilespmem:$0x17000] =	vst v63  }
0x8b: {  	_ = 	snop  }
0x8c: {  	[tilespmem:s2], [sflag:$0x3] =	stream.indirect_vreg.gather [hbm4b:s6+s3], $0x80, v4, vm1, $0xb8;
	[tilespmem:$0x17000] =	vst v63  }
0x8d: {  	_ = 	snop  }
0x8e: {  	[tilespmem:s5], [sflag:$0x3] =	stream.indirect_vreg.gather [hbm4b:s1+s3], $0x80, v3, vm0, $0xb8;
	[tilespmem:$0x17000] =	vst v63  }
0x8f: {  	_ = 	snop  }
0x90: {  	[tilespmem:s8], [sflag:$0x3] =	stream.indirect_vreg.gather [hbm4b:s6+s3], $0x80, v3, vm1, $0xb8;
	[tilespmem:$0x17000] =	vst v63  }
0x91: {  	v3 =	vld [tilespmem:$0x110];
	_ =	sdelay $0x4  }
0x92: {  	v59 =	vshrl.u32 v3, $0x3  }
0x93: {  	v4 =	vmul.u32 $0x18, v59  }
0x94: {  	v3 =	vand.u32 $0x7, v3  }
0x95: {  	v3 =	vor.u32 v3, v4  }
0x96: {  	v4 =	vperm.xlane v3, v0;
	_ =	sdelay $0x1  }
0x97: {  	v4 =	vadd.s32 v1, v4;
	_ =	sdelay $0x1  }
0x98: {  	v3 =	vperm.xlane v3, v2;
	_ =	sdelay $0x1  }
0x99: {  	v3 =	vadd.s32 v1, v3  }
0x9a: {  	[tilespmem:s9], [sflag:$0x3] =	stream.indirect_vreg.gather [hbm4b:s1+s3], $0x80, v4, vm0, $0xb8;
	[tilespmem:$0x17000] =	vst v63  }
0x9b: {  	_ = 	snop  }
0x9c: {  	[tilespmem:s12], [sflag:$0x3] =	stream.indirect_vreg.gather [hbm4b:s6+s3], $0x80, v4, vm1, $0xb8;
	[tilespmem:$0x17000] =	vst v63  }
0x9d: {  	_ = 	snop  }
0x9e: {  	[tilespmem:s13], [sflag:$0x3] =	stream.indirect_vreg.gather [hbm4b:s1+s3], $0x80, v3, vm0, $0xb8;
	[tilespmem:$0x17000] =	vst v63  }
0x9f: {  	_ = 	snop  }
0xa0: {  	[tilespmem:s14], [sflag:$0x3] =	stream.indirect_vreg.gather [hbm4b:s6+s3], $0x80, v3, vm1, $0xb8;
	[tilespmem:$0x17000] =	vst v63  }
0xa1: {  	v3 =	vld.msk [tilespmem:$0x120], $0xff;
	_ =	sdelay $0x4  }
0xa2: {  	v60 =	vshrl.u32 v3, $0x3  }
0xa3: {  	v4 =	vmul.u32 $0x18, v60  }
0xa4: {  	v3 =	vand.u32 $0x7, v3  }
0xa5: {  	v3 =	vor.u32 v3, v4  }
0xa6: {  	v3 =	vperm.xlane v3, v0;
	_ =	sdelay $0x1  }
0xa7: {  	v3 =	vadd.s32 v1, v3;
	_ =	sdelay $0x4  }
0xa8: {  	[tilespmem:s20], [sflag:$0x3] =	stream.indirect_vreg.gather [hbm4b:s1+s3], $0x80, v3, vm0, $0xb8;
	[tilespmem:$0x17000] =	vst v63  }
0xa9: {  	_ = 	snop  }
0xaa: {  	[tilespmem:s7], [sflag:$0x3] =	stream.indirect_vreg.gather [hbm4b:s6+s3], $0x80, v3, vm1, $0xb8;
	[tilespmem:$0x17000] =	vst v63  }
0xab: {  	_ =	swait.ge [sflag:s21], $0x3C00  }
0xac: {  	[sflag:s21] =	ssyncset.done $0x0  }
0xad: {  	s20 =	rddreg [dreg:$0x9];
	[sflag:s21] =	ssyncadd.s32 $0xFFFFC400  }
0xae: {  	[hbm4b:s20+s3] =	stream.linear.scatter [tilespmem:s22], [sflag:$0x6], $0x3C00, $0x38;
	[tilespmem:$0x17000] =	vst v63  }
0xaf: {  	v3 =	vld [tilespmem:$0x180];
	_ =	sdelay $0x4  }
0xb0: {  	v61 =	vshrl.u32 v3, $0x3  }
0xb1: {  	v4 =	vmul.u32 $0x18, v61  }
0xb2: {  	v3 =	vand.u32 $0x7, v3  }
0xb3: {  	v3 =	vor.u32 v3, v4  }
0xb4: {  	v4 =	vperm.xlane v3, v0;
	_ =	sdelay $0x1  }
0xb5: {  	v4 =	vadd.s32 v1, v4;
	_ =	sdelay $0x1  }
0xb6: {  	v3 =	vperm.xlane v3, v2;
	_ =	sdelay $0x1  }
0xb7: {  	v3 =	vadd.s32 v1, v3  }
0xb8: {  	[tilespmem:s26], [sflag:$0x4] =	stream.indirect_vreg.gather [hbm4b:s1+s3], $0x80, v4, vm0, $0xb8;
	[tilespmem:$0x17000] =	vst v63  }
0xb9: {  	_ = 	snop  }
0xba: {  	[tilespmem:s15], [sflag:$0x4] =	stream.indirect_vreg.gather [hbm4b:s6+s3], $0x80, v4, vm1, $0xb8;
	[tilespmem:$0x17000] =	vst v63  }
0xbb: {  	_ = 	snop  }
0xbc: {  	[tilespmem:s23], [sflag:$0x4] =	stream.indirect_vreg.gather [hbm4b:s1+s3], $0x80, v3, vm0, $0xb8;
	[tilespmem:$0x17000] =	vst v63  }
0xbd: {  	_ = 	snop  }
0xbe: {  	[tilespmem:s4], [sflag:$0x4] =	stream.indirect_vreg.gather [hbm4b:s6+s3], $0x80, v3, vm1, $0xb8;
	[tilespmem:$0x17000] =	vst v63  }
0xbf: {  	v3 =	vld [tilespmem:$0x190];
	_ =	sdelay $0x4  }
0xc0: {  	v62 =	vshrl.u32 v3, $0x3  }
0xc1: {  	v4 =	vmul.u32 $0x18, v62  }
0xc2: {  	v3 =	vand.u32 $0x7, v3  }
0xc3: {  	v3 =	vor.u32 v3, v4  }
0xc4: {  	v4 =	vperm.xlane v3, v0;
	_ =	sdelay $0x1  }
0xc5: {  	v4 =	vadd.s32 v1, v4;
	_ =	sdelay $0x1  }
0xc6: {  	v3 =	vperm.xlane v3, v2;
	_ =	sdelay $0x1  }
0xc7: {  	v3 =	vadd.s32 v1, v3  }
0xc8: {  	[tilespmem:s24], [sflag:$0x4] =	stream.indirect_vreg.gather [hbm4b:s1+s3], $0x80, v4, vm0, $0xb8;
	[tilespmem:$0x17000] =	vst v63  }
0xc9: {  	_ = 	snop  }
0xca: {  	[tilespmem:s25], [sflag:$0x4] =	stream.indirect_vreg.gather [hbm4b:s6+s3], $0x80, v4, vm1, $0xb8;
	[tilespmem:$0x17000] =	vst v63  }
0xcb: {  	_ = 	snop  }
0xcc: {  	[tilespmem:s28], [sflag:$0x4] =	stream.indirect_vreg.gather [hbm4b:s1+s3], $0x80, v3, vm0, $0xb8;
	[tilespmem:$0x17000] =	vst v63  }
0xcd: {  	s26 =	simm.s32 $0x16000  }
0xce: {  	[tilespmem:s26], [sflag:$0x4] =	stream.indirect_vreg.gather [hbm4b:s6+s3], $0x80, v3, vm1, $0xb8;
	[tilespmem:$0x17000] =	vst v63  }
0xcf: {  	v3 =	vld.msk [tilespmem:$0x1A0], $0xff;
	_ =	sdelay $0x4  }
0xd0: {  	v63 =	vshrl.u32 v3, $0x3  }
0xd1: {  	v4 =	vmul.u32 $0x18, v63  }
0xd2: {  	v3 =	vand.u32 $0x7, v3  }
0xd3: {  	v3 =	vor.u32 v3, v4  }
0xd4: {  	v3 =	vperm.xlane v3, v0;
	_ =	sdelay $0x1  }
0xd5: {  	v3 =	vadd.s32 v1, v3  }
0xd6: {  	s0 =	simm.s32 $0x0;
	s8 =	simm.s32 $0x10400;
	s9 =	simm.s32 $0x15400  }
0xd7: {  	s12 =	simm.s32 $0x15800;
	s13 =	simm.s32 $0x11800;
	s2 =	rddreg [dreg:$0xf]  }
0xd8: {  	s7 =	simm.s32 $0x13000;
	s16 =	rddreg [dreg:$0x10];
	s20 =	simm.s32 $0x3A0  }
0xd9: {  	s15 =	simm.s32 $0x13C00;
	s23 =	simm.s32 $0x10C00;
	s24 =	simm.s32 $0x16400  }
0xda: {  	[tilespmem:s24], [sflag:$0x4] =	stream.indirect_vreg.gather [hbm4b:s1+s3], $0x80, v3, vm0, $0xb8;
	[tilespmem:$0x17000] =	vst v63  }
0xdb: {  	s4 =	simm.s32 $0x16C00;
	s25 =	simm.s32 $0x14C00;
	s28 =	simm.s32 $0x14000  }
0xdc: {  	[tilespmem:s4], [sflag:$0x4] =	stream.indirect_vreg.gather [hbm4b:s6+s3], $0x80, v3, vm1, $0xb8;
	[tilespmem:$0x17000] =	vst v63  }
.LBB2_2:
0xdd: {  	_ =	swait.ge [sflag:s17], $0x3C00  }
0xde: {  	s5 =	rddreg [dreg:$0x5];
	[sflag:s17] =	ssyncset.done $0x0  }
0xdf: {  	s26 =	simm.s32 $0xF800;
	[sflag:s17] =	ssyncadd.s32 $0xFFFFC400;
	s5 =	sadd.s32 s0, s5  }
0xe0: {  	[hbm4b:s5+s3] =	stream.linear.scatter [tilespmem:s26], [sflag:$0x7], $0x3C00, $0x38;
	[tilespmem:$0x17000] =	vst v63  }
0xe1: {  	_ =	swait.ge [sflag:s29], $0x3C00  }
0xe2: {  	[sflag:s29] =	ssyncset.done $0x0  }
0xe3: {  	[sflag:s29] =	ssyncadd.s32 $0xFFFFC400  }
0xe4: {  	v3 =	vld [tilespmem:s20+$0xFFFFFE60];
	_ =	sdelay $0x4  }
0xe5: {  	v4 =	vshrl.u32 v3, $0x3  }
0xe6: {  	v4 =	vmul.u32 $0x18, v4  }
0xe7: {  	v3 =	vand.u32 $0x7, v3  }
0xe8: {  	v3 =	vor.u32 v3, v4  }
0xe9: {  	v4 =	vperm.xlane v3, v0;
	_ =	sdelay $0x1  }
0xea: {  	v4 =	vadd.s32 v1, v4;
	_ =	sdelay $0x1  }
0xeb: {  	v3 =	vperm.xlane v3, v2;
	_ =	sdelay $0x1  }
0xec: {  	s11 =	simm.s32 $0x8000;
	v3 =	vadd.s32 v1, v3  }
0xed: {  	[tilespmem:s11], [sflag:$0x1] =	stream.indirect_vreg.gather [hbm4b:s1+s3], $0x80, v4, vm0, $0xb8;
	[tilespmem:$0x17000] =	vst v63  }
0xee: {  	s14 =	simm.s32 $0x8800  }
0xef: {  	[tilespmem:s14], [sflag:$0x1] =	stream.indirect_vreg.gather [hbm4b:s6+s3], $0x80, v4, vm1, $0xb8;
	[tilespmem:$0x17000] =	vst v63  }
0xf0: {  	s22 =	simm.s32 $0x8C00  }
0xf1: {  	[tilespmem:s22], [sflag:$0x1] =	stream.indirect_vreg.gather [hbm4b:s1+s3], $0x80, v3, vm0, $0xb8;
	[tilespmem:$0x17000] =	vst v63  }
0xf2: {  	s14 =	simm.s32 $0x9400  }
0xf3: {  	[tilespmem:s14], [sflag:$0x1] =	stream.indirect_vreg.gather [hbm4b:s6+s3], $0x80, v3, vm1, $0xb8;
	[tilespmem:$0x17000] =	vst v63  }
0xf4: {  	v3 =	vld [tilespmem:s20+$0xFFFFFE70];
	_ =	sdelay $0x4  }
0xf5: {  	v53 =	vshrl.u32 v3, $0x3  }
0xf6: {  	v4 =	vmul.u32 $0x18, v53  }
0xf7: {  	v3 =	vand.u32 $0x7, v3  }
0xf8: {  	v3 =	vor.u32 v3, v4  }
0xf9: {  	v4 =	vperm.xlane v3, v0;
	_ =	sdelay $0x1  }
0xfa: {  	v4 =	vadd.s32 v1, v4;
	_ =	sdelay $0x1  }
0xfb: {  	v3 =	vperm.xlane v3, v2;
	_ =	sdelay $0x1  }
0xfc: {  	s22 =	simm.s32 $0x9800;
	v3 =	vadd.s32 v1, v3  }
0xfd: {  	[tilespmem:s22], [sflag:$0x1] =	stream.indirect_vreg.gather [hbm4b:s1+s3], $0x80, v4, vm0, $0xb8;
	[tilespmem:$0x17000] =	vst v63  }
0xfe: {  	s14 =	simm.s32 $0xA000  }
0xff: {  	[tilespmem:s14], [sflag:$0x1] =	stream.indirect_vreg.gather [hbm4b:s6+s3], $0x80, v4, vm1, $0xb8;
	[tilespmem:$0x17000] =	vst v63  }
0x100: {  	s22 =	simm.s32 $0xA400  }
0x101: {  	[tilespmem:s22], [sflag:$0x1] =	stream.indirect_vreg.gather [hbm4b:s1+s3], $0x80, v3, vm0, $0xb8;
	[tilespmem:$0x17000] =	vst v63  }
0x102: {  	s14 =	simm.s32 $0xAC00  }
0x103: {  	[tilespmem:s14], [sflag:$0x1] =	stream.indirect_vreg.gather [hbm4b:s6+s3], $0x80, v3, vm1, $0xb8;
	[tilespmem:$0x17000] =	vst v63  }
0x104: {  	v3 =	vld.msk [tilespmem:s20+$0xFFFFFE80], $0xff;
	_ =	sdelay $0x4  }
0x105: {  	v54 =	vshrl.u32 v3, $0x3  }
0x106: {  	v4 =	vmul.u32 $0x18, v54  }
0x107: {  	v3 =	vand.u32 $0x7, v3  }
0x108: {  	v3 =	vor.u32 v3, v4  }
0x109: {  	v3 =	vperm.xlane v3, v0;
	_ =	sdelay $0x1  }
0x10a: {  	v3 =	vadd.s32 v1, v3;
	_ =	sdelay $0x3  }
0x10b: {  	s22 =	simm.s32 $0xB000  }
0x10c: {  	[tilespmem:s22], [sflag:$0x1] =	stream.indirect_vreg.gather [hbm4b:s1+s3], $0x80, v3, vm0, $0xb8;
	[tilespmem:$0x17000] =	vst v63  }
0x10d: {  	s14 =	simm.s32 $0xB800  }
0x10e: {  	[tilespmem:s14], [sflag:$0x1] =	stream.indirect_vreg.gather [hbm4b:s6+s3], $0x80, v3, vm1, $0xb8;
	[tilespmem:$0x17000] =	vst v63  }
0x10f: {  	_ =	swait.ge [sflag:s18], $0x3C00  }
0x110: {  	s22 =	rddreg [dreg:$0x6];
	[sflag:s18] =	ssyncset.done $0x0  }
0x111: {  	s14 =	simm.s32 $0x13400;
	[sflag:s18] =	ssyncadd.s32 $0xFFFFC400;
	s5 =	sadd.s32 s0, s22  }
0x112: {  	[hbm4b:s5+s3] =	stream.linear.scatter [tilespmem:s14], [sflag:$0x8], $0x3C00, $0x38;
	[tilespmem:$0x17000] =	vst v63  }
0x113: {  	_ =	swait.ge [sflag:s30], $0x3C00  }
0x114: {  	[sflag:s30] =	ssyncset.done $0x0  }
0x115: {  	[sflag:s30] =	ssyncadd.s32 $0xFFFFC400  }
0x116: {  	v3 =	vld [tilespmem:s20+$0xFFFFFEE0];
	_ =	sdelay $0x4  }
0x117: {  	v55 =	vshrl.u32 v3, $0x3  }
0x118: {  	v4 =	vmul.u32 $0x18, v55  }
0x119: {  	v3 =	vand.u32 $0x7, v3  }
0x11a: {  	v3 =	vor.u32 v3, v4  }
0x11b: {  	v4 =	vperm.xlane v3, v0;
	_ =	sdelay $0x1  }
0x11c: {  	v4 =	vadd.s32 v1, v4;
	_ =	sdelay $0x1  }
0x11d: {  	v3 =	vperm.xlane v3, v2;
	_ =	sdelay $0x1  }
0x11e: {  	s22 =	simm.s32 $0xBC00;
	v3 =	vadd.s32 v1, v3  }
0x11f: {  	[tilespmem:s22], [sflag:$0x2] =	stream.indirect_vreg.gather [hbm4b:s1+s3], $0x80, v4, vm0, $0xb8;
	[tilespmem:$0x17000] =	vst v63  }
0x120: {  	s5 =	simm.s32 $0xC400  }
0x121: {  	[tilespmem:s5], [sflag:$0x2] =	stream.indirect_vreg.gather [hbm4b:s6+s3], $0x80, v4, vm1, $0xb8;
	[tilespmem:$0x17000] =	vst v63  }
0x122: {  	s5 =	simm.s32 $0xC800  }
0x123: {  	[tilespmem:s5], [sflag:$0x2] =	stream.indirect_vreg.gather [hbm4b:s1+s3], $0x80, v3, vm0, $0xb8;
	[tilespmem:$0x17000] =	vst v63  }
0x124: {  	s5 =	simm.s32 $0xD000  }
0x125: {  	[tilespmem:s5], [sflag:$0x2] =	stream.indirect_vreg.gather [hbm4b:s6+s3], $0x80, v3, vm1, $0xb8;
	[tilespmem:$0x17000] =	vst v63  }
0x126: {  	v3 =	vld [tilespmem:s20+$0xFFFFFEF0];
	_ =	sdelay $0x4  }
0x127: {  	v56 =	vshrl.u32 v3, $0x3  }
0x128: {  	v4 =	vmul.u32 $0x18, v56  }
0x129: {  	v3 =	vand.u32 $0x7, v3  }
0x12a: {  	v3 =	vor.u32 v3, v4  }
0x12b: {  	v4 =	vperm.xlane v3, v0;
	_ =	sdelay $0x1  }
0x12c: {  	v4 =	vadd.s32 v1, v4;
	_ =	sdelay $0x1  }
0x12d: {  	v3 =	vperm.xlane v3, v2;
	_ =	sdelay $0x1  }
0x12e: {  	s5 =	simm.s32 $0xD400;
	v3 =	vadd.s32 v1, v3  }
0x12f: {  	[tilespmem:s5], [sflag:$0x2] =	stream.indirect_vreg.gather [hbm4b:s1+s3], $0x80, v4, vm0, $0xb8;
	[tilespmem:$0x17000] =	vst v63  }
0x130: {  	s5 =	simm.s32 $0xDC00  }
0x131: {  	[tilespmem:s5], [sflag:$0x2] =	stream.indirect_vreg.gather [hbm4b:s6+s3], $0x80, v4, vm1, $0xb8;
	[tilespmem:$0x17000] =	vst v63  }
0x132: {  	s5 =	simm.s32 $0xE000  }
0x133: {  	[tilespmem:s5], [sflag:$0x2] =	stream.indirect_vreg.gather [hbm4b:s1+s3], $0x80, v3, vm0, $0xb8;
	[tilespmem:$0x17000] =	vst v63  }
0x134: {  	s5 =	simm.s32 $0xE800  }
0x135: {  	[tilespmem:s5], [sflag:$0x2] =	stream.indirect_vreg.gather [hbm4b:s6+s3], $0x80, v3, vm1, $0xb8;
	[tilespmem:$0x17000] =	vst v63  }
0x136: {  	v3 =	vld.msk [tilespmem:s20+$0xFFFFFF00], $0xff;
	_ =	sdelay $0x4  }
0x137: {  	v57 =	vshrl.u32 v3, $0x3  }
0x138: {  	v4 =	vmul.u32 $0x18, v57  }
0x139: {  	v3 =	vand.u32 $0x7, v3  }
0x13a: {  	v3 =	vor.u32 v3, v4  }
0x13b: {  	v3 =	vperm.xlane v3, v0;
	_ =	sdelay $0x1  }
0x13c: {  	v3 =	vadd.s32 v1, v3;
	_ =	sdelay $0x3  }
0x13d: {  	s5 =	simm.s32 $0xEC00  }
0x13e: {  	[tilespmem:s5], [sflag:$0x2] =	stream.indirect_vreg.gather [hbm4b:s1+s3], $0x80, v3, vm0, $0xb8;
	[tilespmem:$0x17000] =	vst v63  }
0x13f: {  	s5 =	simm.s32 $0xF400  }
0x140: {  	[tilespmem:s5], [sflag:$0x2] =	stream.indirect_vreg.gather [hbm4b:s6+s3], $0x80, v3, vm1, $0xb8;
	[tilespmem:$0x17000] =	vst v63  }
0x141: {  	s5 =	sshrl.u32 s2, $0x3  }
0x142: {  	_ =	swait.ge [sflag:s10], $0x3C00;
	s5 =	smul.u32 $0x180, s5  }
0x143: {  	[sflag:s10] =	ssyncset.done $0x0  }
0x144: {  	[sflag:s10] =	ssyncadd.s32 $0xFFFFC400;
	s5 =	sadd.s32 s16, s5  }
0x145: {  	[hbm4b:s5+s3] =	stream.linear.scatter [tilespmem:s11], [sflag:$0x5], $0x3C00, $0x38;
	[tilespmem:$0x17000] =	vst v63  }
0x146: {  	_ =	swait.ge [sflag:s19], $0x3C00  }
0x147: {  	[sflag:s19] =	ssyncset.done $0x0  }
0x148: {  	[sflag:s19] =	ssyncadd.s32 $0xFFFFC400  }
0x149: {  	v3 =	vld [tilespmem:s20+$0xFFFFFF60];
	_ =	sdelay $0x4  }
0x14a: {  	v58 =	vshrl.u32 v3, $0x3  }
0x14b: {  	v4 =	vmul.u32 $0x18, v58  }
0x14c: {  	v3 =	vand.u32 $0x7, v3  }
0x14d: {  	v3 =	vor.u32 v3, v4  }
0x14e: {  	v4 =	vperm.xlane v3, v0;
	_ =	sdelay $0x1  }
0x14f: {  	v4 =	vadd.s32 v1, v4;
	_ =	sdelay $0x1  }
0x150: {  	v3 =	vperm.xlane v3, v2;
	_ =	sdelay $0x1  }
0x151: {  	v3 =	vadd.s32 v1, v3  }
0x152: {  	[tilespmem:s26], [sflag:$0x3] =	stream.indirect_vreg.gather [hbm4b:s1+s3], $0x80, v4, vm0, $0xb8;
	[tilespmem:$0x17000] =	vst v63  }
0x153: {  	s26 =	simm.s32 $0x10000  }
0x154: {  	[tilespmem:s26], [sflag:$0x3] =	stream.indirect_vreg.gather [hbm4b:s6+s3], $0x80, v4, vm1, $0xb8;
	[tilespmem:$0x17000] =	vst v63  }
0x155: {  	_ = 	snop  }
0x156: {  	[tilespmem:s8], [sflag:$0x3] =	stream.indirect_vreg.gather [hbm4b:s1+s3], $0x80, v3, vm0, $0xb8;
	[tilespmem:$0x17000] =	vst v63  }
0x157: {  	_ = 	snop  }
0x158: {  	[tilespmem:s23], [sflag:$0x3] =	stream.indirect_vreg.gather [hbm4b:s6+s3], $0x80, v3, vm1, $0xb8;
	[tilespmem:$0x17000] =	vst v63  }
0x159: {  	v3 =	vld [tilespmem:s20+$0xFFFFFF70];
	_ =	sdelay $0x4  }
0x15a: {  	v59 =	vshrl.u32 v3, $0x3  }
0x15b: {  	v4 =	vmul.u32 $0x18, v59  }
0x15c: {  	v3 =	vand.u32 $0x7, v3  }
0x15d: {  	v3 =	vor.u32 v3, v4  }
0x15e: {  	v4 =	vperm.xlane v3, v0;
	_ =	sdelay $0x1  }
0x15f: {  	v4 =	vadd.s32 v1, v4;
	_ =	sdelay $0x1  }
0x160: {  	v3 =	vperm.xlane v3, v2;
	_ =	sdelay $0x1  }
0x161: {  	s26 =	simm.s32 $0x11000;
	v3 =	vadd.s32 v1, v3  }
0x162: {  	[tilespmem:s26], [sflag:$0x3] =	stream.indirect_vreg.gather [hbm4b:s1+s3], $0x80, v4, vm0, $0xb8;
	[tilespmem:$0x17000] =	vst v63  }
0x163: {  	_ = 	snop  }
0x164: {  	[tilespmem:s13], [sflag:$0x3] =	stream.indirect_vreg.gather [hbm4b:s6+s3], $0x80, v4, vm1, $0xb8;
	[tilespmem:$0x17000] =	vst v63  }
0x165: {  	s26 =	simm.s32 $0x11C00  }
0x166: {  	[tilespmem:s26], [sflag:$0x3] =	stream.indirect_vreg.gather [hbm4b:s1+s3], $0x80, v3, vm0, $0xb8;
	[tilespmem:$0x17000] =	vst v63  }
0x167: {  	s26 =	simm.s32 $0x12400  }
0x168: {  	[tilespmem:s26], [sflag:$0x3] =	stream.indirect_vreg.gather [hbm4b:s6+s3], $0x80, v3, vm1, $0xb8;
	[tilespmem:$0x17000] =	vst v63  }
0x169: {  	v3 =	vld.msk [tilespmem:s20+$0xFFFFFF80], $0xff;
	_ =	sdelay $0x4  }
0x16a: {  	v60 =	vshrl.u32 v3, $0x3  }
0x16b: {  	v4 =	vmul.u32 $0x18, v60  }
0x16c: {  	v3 =	vand.u32 $0x7, v3  }
0x16d: {  	v3 =	vor.u32 v3, v4  }
0x16e: {  	v3 =	vperm.xlane v3, v0;
	_ =	sdelay $0x1  }
0x16f: {  	v3 =	vadd.s32 v1, v3;
	_ =	sdelay $0x3  }
0x170: {  	s26 =	simm.s32 $0x12800  }
0x171: {  	[tilespmem:s26], [sflag:$0x3] =	stream.indirect_vreg.gather [hbm4b:s1+s3], $0x80, v3, vm0, $0xb8;
	[tilespmem:$0x17000] =	vst v63  }
0x172: {  	_ = 	snop  }
0x173: {  	[tilespmem:s7], [sflag:$0x3] =	stream.indirect_vreg.gather [hbm4b:s6+s3], $0x80, v3, vm1, $0xb8;
	[tilespmem:$0x17000] =	vst v63  }
0x174: {  	_ =	swait.ge [sflag:s21], $0x3C00  }
0x175: {  	s26 =	rddreg [dreg:$0x4];
	[sflag:s21] =	ssyncset.done $0x0  }
0x176: {  	[sflag:s21] =	ssyncadd.s32 $0xFFFFC400;
	s5 =	sadd.s32 s0, s26  }
0x177: {  	[hbm4b:s5+s3] =	stream.linear.scatter [tilespmem:s22], [sflag:$0x6], $0x3C00, $0x38;
	[tilespmem:$0x17000] =	vst v63  }
0x178: {  	_ =	swait.ge [sflag:s31], $0x3C00  }
0x179: {  	[sflag:s31] =	ssyncset.done $0x0  }
0x17a: {  	[sflag:s31] =	ssyncadd.s32 $0xFFFFC400  }
0x17b: {  	v3 =	vld [tilespmem:s20+$0xFFFFFFE0];
	_ =	sdelay $0x4  }
0x17c: {  	v61 =	vshrl.u32 v3, $0x3  }
0x17d: {  	v4 =	vmul.u32 $0x18, v61  }
0x17e: {  	v3 =	vand.u32 $0x7, v3  }
0x17f: {  	v3 =	vor.u32 v3, v4  }
0x180: {  	v4 =	vperm.xlane v3, v0;
	_ =	sdelay $0x1  }
0x181: {  	v4 =	vadd.s32 v1, v4;
	_ =	sdelay $0x1  }
0x182: {  	v3 =	vperm.xlane v3, v2;
	_ =	sdelay $0x1  }
0x183: {  	v3 =	vadd.s32 v1, v3  }
0x184: {  	[tilespmem:s14], [sflag:$0x4] =	stream.indirect_vreg.gather [hbm4b:s1+s3], $0x80, v4, vm0, $0xb8;
	[tilespmem:$0x17000] =	vst v63  }
0x185: {  	_ = 	snop  }
0x186: {  	[tilespmem:s15], [sflag:$0x4] =	stream.indirect_vreg.gather [hbm4b:s6+s3], $0x80, v4, vm1, $0xb8;
	[tilespmem:$0x17000] =	vst v63  }
0x187: {  	_ = 	snop  }
0x188: {  	[tilespmem:s28], [sflag:$0x4] =	stream.indirect_vreg.gather [hbm4b:s1+s3], $0x80, v3, vm0, $0xb8;
	[tilespmem:$0x17000] =	vst v63  }
0x189: {  	s14 =	simm.s32 $0x14800  }
0x18a: {  	[tilespmem:s14], [sflag:$0x4] =	stream.indirect_vreg.gather [hbm4b:s6+s3], $0x80, v3, vm1, $0xb8;
	[tilespmem:$0x17000] =	vst v63  }
0x18b: {  	v3 =	vld [tilespmem:s20+$0xFFFFFFF0];
	_ =	sdelay $0x4  }
0x18c: {  	v62 =	vshrl.u32 v3, $0x3  }
0x18d: {  	v4 =	vmul.u32 $0x18, v62  }
0x18e: {  	v3 =	vand.u32 $0x7, v3  }
0x18f: {  	v3 =	vor.u32 v3, v4  }
0x190: {  	v4 =	vperm.xlane v3, v0;
	_ =	sdelay $0x1  }
0x191: {  	v4 =	vadd.s32 v1, v4;
	_ =	sdelay $0x1  }
0x192: {  	v3 =	vperm.xlane v3, v2;
	_ =	sdelay $0x1  }
0x193: {  	v3 =	vadd.s32 v1, v3  }
0x194: {  	[tilespmem:s25], [sflag:$0x4] =	stream.indirect_vreg.gather [hbm4b:s1+s3], $0x80, v4, vm0, $0xb8;
	[tilespmem:$0x17000] =	vst v63  }
0x195: {  	_ = 	snop  }
0x196: {  	[tilespmem:s9], [sflag:$0x4] =	stream.indirect_vreg.gather [hbm4b:s6+s3], $0x80, v4, vm1, $0xb8;
	[tilespmem:$0x17000] =	vst v63  }
0x197: {  	_ = 	snop  }
0x198: {  	[tilespmem:s12], [sflag:$0x4] =	stream.indirect_vreg.gather [hbm4b:s1+s3], $0x80, v3, vm0, $0xb8;
	[tilespmem:$0x17000] =	vst v63  }
0x199: {  	s22 =	simm.s32 $0x16000  }
0x19a: {  	[tilespmem:s22], [sflag:$0x4] =	stream.indirect_vreg.gather [hbm4b:s6+s3], $0x80, v3, vm1, $0xb8;
	[tilespmem:$0x17000] =	vst v63  }
0x19b: {  	v3 =	vld.msk [tilespmem:s20+$0x0], $0xff;
	_ =	sdelay $0x4  }
0x19c: {  	v63 =	vshrl.u32 v3, $0x3  }
0x19d: {  	v4 =	vmul.u32 $0x18, v63  }
0x19e: {  	v3 =	vand.u32 $0x7, v3  }
0x19f: {  	v3 =	vor.u32 v3, v4  }
0x1a0: {  	v3 =	vperm.xlane v3, v0;
	_ =	sdelay $0x1  }
0x1a1: {  	v3 =	vadd.s32 v1, v3;
	_ =	sdelay $0x1  }
0x1a2: {  	p0 =	sne.s32 s0, $0x70800  }
.Ltmp0:
0x1a3: {  	_ = 	snop;
	(pc) =	sbr.rel @p0 .LBB2_2-.Ltmp0, $4  }
0x1a4: {  	s2 =	sadd.s32 $0xA0, s2;
	s11 =	simm.s32 $0xF800  }
0x1a5: {  	[tilespmem:s24], [sflag:$0x4] =	stream.indirect_vreg.gather [hbm4b:s1+s3], $0x80, v3, vm0, $0xb8;
	[tilespmem:$0x17000] =	vst v63  }
0x1a6: {  	s26 =	simm.s32 $0x13400;
	s0 =	sadd.s32 $0x1E00, s0;
	s20 =	sadd.s32 $0x200, s20  }
0x1a7: {  	[tilespmem:s4], [sflag:$0x4] =	stream.indirect_vreg.gather [hbm4b:s6+s3], $0x80, v3, vm1, $0xb8;
	[tilespmem:$0x17000] =	vst v63  }
0x1a8: {  	_ =	swait.ge [sflag:s17], $0x3C00  }
0x1a9: {  	[sflag:s17] =	ssyncset.done $0x0  }
0x1aa: {  	s0 =	rddreg [dreg:$0xa];
	[sflag:s17] =	ssyncadd.s32 $0xFFFFC400  }
0x1ab: {  	[hbm4b:s0+s3] =	stream.linear.scatter [tilespmem:s11], [sflag:$0x7], $0x3C00, $0x38;
	[tilespmem:$0x17000] =	vst v63  }
0x1ac: {  	_ =	swait.ge [sflag:s29], $0x3C00  }
0x1ad: {  	[sflag:s29] =	ssyncset.done $0x0  }
0x1ae: {  	[sflag:s29] =	ssyncadd.s32 $0xFFFFC400  }
0x1af: {  	v3 =	vld [tilespmem:$0x7C00];
	_ =	sdelay $0x4  }
0x1b0: {  	v4 =	vshrl.u32 v3, $0x3  }
0x1b1: {  	v4 =	vmul.u32 $0x18, v4  }
0x1b2: {  	v3 =	vand.u32 $0x7, v3  }
0x1b3: {  	v3 =	vor.u32 v3, v4  }
0x1b4: {  	v4 =	vperm.xlane v3, v0;
	_ =	sdelay $0x1  }
0x1b5: {  	v4 =	vadd.s32 v1, v4;
	_ =	sdelay $0x1  }
0x1b6: {  	v3 =	vperm.xlane v3, v2;
	_ =	sdelay $0x1  }
0x1b7: {  	s2 =	simm.s32 $0x8000;
	v3 =	vadd.s32 v1, v3  }
0x1b8: {  	[tilespmem:s2], [sflag:$0x1] =	stream.indirect_vreg.gather [hbm4b:s1+s3], $0x80, v4, vm0, $0xb8;
	[tilespmem:$0x17000] =	vst v63  }
0x1b9: {  	s15 =	simm.s32 $0x8800  }
0x1ba: {  	[tilespmem:s15], [sflag:$0x1] =	stream.indirect_vreg.gather [hbm4b:s6+s3], $0x80, v4, vm1, $0xb8;
	[tilespmem:$0x17000] =	vst v63  }
0x1bb: {  	s16 =	simm.s32 $0x8C00  }
0x1bc: {  	[tilespmem:s16], [sflag:$0x1] =	stream.indirect_vreg.gather [hbm4b:s1+s3], $0x80, v3, vm0, $0xb8;
	[tilespmem:$0x17000] =	vst v63  }
0x1bd: {  	s20 =	simm.s32 $0x9400  }
0x1be: {  	[tilespmem:s20], [sflag:$0x1] =	stream.indirect_vreg.gather [hbm4b:s6+s3], $0x80, v3, vm1, $0xb8;
	[tilespmem:$0x17000] =	vst v63  }
0x1bf: {  	v3 =	vld [tilespmem:$0x7C10];
	_ =	sdelay $0x4  }
0x1c0: {  	v59 =	vshrl.u32 v3, $0x3  }
0x1c1: {  	v4 =	vmul.u32 $0x18, v59  }
0x1c2: {  	v3 =	vand.u32 $0x7, v3  }
0x1c3: {  	v3 =	vor.u32 v3, v4  }
0x1c4: {  	v4 =	vperm.xlane v3, v0;
	_ =	sdelay $0x1  }
0x1c5: {  	v4 =	vadd.s32 v1, v4;
	_ =	sdelay $0x1  }
0x1c6: {  	v3 =	vperm.xlane v3, v2;
	_ =	sdelay $0x1  }
0x1c7: {  	s22 =	simm.s32 $0x9800;
	v3 =	vadd.s32 v1, v3  }
0x1c8: {  	[tilespmem:s22], [sflag:$0x1] =	stream.indirect_vreg.gather [hbm4b:s1+s3], $0x80, v4, vm0, $0xb8;
	[tilespmem:$0x17000] =	vst v63  }
0x1c9: {  	s23 =	simm.s32 $0xA000  }
0x1ca: {  	[tilespmem:s23], [sflag:$0x1] =	stream.indirect_vreg.gather [hbm4b:s6+s3], $0x80, v4, vm1, $0xb8;
	[tilespmem:$0x17000] =	vst v63  }
0x1cb: {  	s24 =	simm.s32 $0xA400  }
0x1cc: {  	[tilespmem:s24], [sflag:$0x1] =	stream.indirect_vreg.gather [hbm4b:s1+s3], $0x80, v3, vm0, $0xb8;
	[tilespmem:$0x17000] =	vst v63  }
0x1cd: {  	s25 =	simm.s32 $0xAC00  }
0x1ce: {  	[tilespmem:s25], [sflag:$0x1] =	stream.indirect_vreg.gather [hbm4b:s6+s3], $0x80, v3, vm1, $0xb8;
	[tilespmem:$0x17000] =	vst v63  }
0x1cf: {  	v3 =	vld.msk [tilespmem:$0x7C20], $0xff;
	_ =	sdelay $0x4  }
0x1d0: {  	v60 =	vshrl.u32 v3, $0x3  }
0x1d1: {  	v4 =	vmul.u32 $0x18, v60  }
0x1d2: {  	v3 =	vand.u32 $0x7, v3  }
0x1d3: {  	v3 =	vor.u32 v3, v4  }
0x1d4: {  	v3 =	vperm.xlane v3, v0;
	_ =	sdelay $0x1  }
0x1d5: {  	v3 =	vadd.s32 v1, v3;
	_ =	sdelay $0x3  }
0x1d6: {  	s4 =	simm.s32 $0xB000  }
0x1d7: {  	[tilespmem:s4], [sflag:$0x1] =	stream.indirect_vreg.gather [hbm4b:s1+s3], $0x80, v3, vm0, $0xb8;
	[tilespmem:$0x17000] =	vst v63  }
0x1d8: {  	s5 =	simm.s32 $0xB800  }
0x1d9: {  	[tilespmem:s5], [sflag:$0x1] =	stream.indirect_vreg.gather [hbm4b:s6+s3], $0x80, v3, vm1, $0xb8;
	[tilespmem:$0x17000] =	vst v63  }
0x1da: {  	_ =	swait.ge [sflag:s18], $0x3C00  }
0x1db: {  	[sflag:s18] =	ssyncset.done $0x0  }
0x1dc: {  	s7 =	rddreg [dreg:$0xb];
	[sflag:s18] =	ssyncadd.s32 $0xFFFFC400  }
0x1dd: {  	[hbm4b:s7+s3] =	stream.linear.scatter [tilespmem:s26], [sflag:$0x8], $0x3C00, $0x38;
	[tilespmem:$0x17000] =	vst v63  }
0x1de: {  	_ =	swait.ge [sflag:s30], $0x3C00  }
0x1df: {  	[sflag:s30] =	ssyncset.done $0x0  }
0x1e0: {  	[sflag:s30] =	ssyncadd.s32 $0xFFFFC400  }
0x1e1: {  	v3 =	vld [tilespmem:$0x7C80];
	_ =	sdelay $0x4  }
0x1e2: {  	v61 =	vshrl.u32 v3, $0x3  }
0x1e3: {  	v4 =	vmul.u32 $0x18, v61  }
0x1e4: {  	v3 =	vand.u32 $0x7, v3  }
0x1e5: {  	v3 =	vor.u32 v3, v4  }
0x1e6: {  	v4 =	vperm.xlane v3, v0;
	_ =	sdelay $0x1  }
0x1e7: {  	v4 =	vadd.s32 v1, v4;
	_ =	sdelay $0x1  }
0x1e8: {  	v3 =	vperm.xlane v3, v2;
	_ =	sdelay $0x1  }
0x1e9: {  	s4 =	simm.s32 $0xBC00;
	v3 =	vadd.s32 v1, v3  }
0x1ea: {  	[tilespmem:s4], [sflag:$0x2] =	stream.indirect_vreg.gather [hbm4b:s1+s3], $0x80, v4, vm0, $0xb8;
	[tilespmem:$0x17000] =	vst v63  }
0x1eb: {  	s8 =	simm.s32 $0xC400  }
0x1ec: {  	[tilespmem:s8], [sflag:$0x2] =	stream.indirect_vreg.gather [hbm4b:s6+s3], $0x80, v4, vm1, $0xb8;
	[tilespmem:$0x17000] =	vst v63  }
0x1ed: {  	s9 =	simm.s32 $0xC800  }
0x1ee: {  	[tilespmem:s9], [sflag:$0x2] =	stream.indirect_vreg.gather [hbm4b:s1+s3], $0x80, v3, vm0, $0xb8;
	[tilespmem:$0x17000] =	vst v63  }
0x1ef: {  	s12 =	simm.s32 $0xD000  }
0x1f0: {  	[tilespmem:s12], [sflag:$0x2] =	stream.indirect_vreg.gather [hbm4b:s6+s3], $0x80, v3, vm1, $0xb8;
	[tilespmem:$0x17000] =	vst v63  }
0x1f1: {  	v3 =	vld [tilespmem:$0x7C90];
	_ =	sdelay $0x4  }
0x1f2: {  	v62 =	vshrl.u32 v3, $0x3  }
0x1f3: {  	v4 =	vmul.u32 $0x18, v62  }
0x1f4: {  	v3 =	vand.u32 $0x7, v3  }
0x1f5: {  	v3 =	vor.u32 v3, v4  }
0x1f6: {  	v4 =	vperm.xlane v3, v0;
	_ =	sdelay $0x1  }
0x1f7: {  	v4 =	vadd.s32 v1, v4;
	_ =	sdelay $0x1  }
0x1f8: {  	v3 =	vperm.xlane v3, v2;
	_ =	sdelay $0x1  }
0x1f9: {  	s13 =	simm.s32 $0xD400;
	v3 =	vadd.s32 v1, v3  }
0x1fa: {  	[tilespmem:s13], [sflag:$0x2] =	stream.indirect_vreg.gather [hbm4b:s1+s3], $0x80, v4, vm0, $0xb8;
	[tilespmem:$0x17000] =	vst v63  }
0x1fb: {  	s14 =	simm.s32 $0xDC00  }
0x1fc: {  	[tilespmem:s14], [sflag:$0x2] =	stream.indirect_vreg.gather [hbm4b:s6+s3], $0x80, v4, vm1, $0xb8;
	[tilespmem:$0x17000] =	vst v63  }
0x1fd: {  	s15 =	simm.s32 $0xE000  }
0x1fe: {  	[tilespmem:s15], [sflag:$0x2] =	stream.indirect_vreg.gather [hbm4b:s1+s3], $0x80, v3, vm0, $0xb8;
	[tilespmem:$0x17000] =	vst v63  }
0x1ff: {  	s16 =	simm.s32 $0xE800  }
0x200: {  	[tilespmem:s16], [sflag:$0x2] =	stream.indirect_vreg.gather [hbm4b:s6+s3], $0x80, v3, vm1, $0xb8;
	[tilespmem:$0x17000] =	vst v63  }
0x201: {  	v3 =	vld.msk [tilespmem:$0x7CA0], $0xff;
	_ =	sdelay $0x4  }
0x202: {  	v63 =	vshrl.u32 v3, $0x3  }
0x203: {  	v4 =	vmul.u32 $0x18, v63  }
0x204: {  	v3 =	vand.u32 $0x7, v3  }
0x205: {  	v3 =	vor.u32 v3, v4  }
0x206: {  	v3 =	vperm.xlane v3, v0;
	_ =	sdelay $0x1  }
0x207: {  	v3 =	vadd.s32 v1, v3;
	_ =	sdelay $0x3  }
0x208: {  	s20 =	simm.s32 $0xEC00  }
0x209: {  	[tilespmem:s20], [sflag:$0x2] =	stream.indirect_vreg.gather [hbm4b:s1+s3], $0x80, v3, vm0, $0xb8;
	[tilespmem:$0x17000] =	vst v63  }
0x20a: {  	s22 =	simm.s32 $0xF400  }
0x20b: {  	[tilespmem:s22], [sflag:$0x2] =	stream.indirect_vreg.gather [hbm4b:s6+s3], $0x80, v3, vm1, $0xb8;
	[tilespmem:$0x17000] =	vst v63  }
0x20c: {  	_ =	swait.ge [sflag:s10], $0x3C00  }
0x20d: {  	[sflag:s10] =	ssyncset.done $0x0  }
0x20e: {  	s23 =	rddreg [dreg:$0xc];
	[sflag:s10] =	ssyncadd.s32 $0xFFFFC400  }
0x20f: {  	[hbm4b:s23+s3] =	stream.linear.scatter [tilespmem:s2], [sflag:$0x5], $0x3C00, $0x38;
	[tilespmem:$0x17000] =	vst v63  }
0x210: {  	_ =	swait.ge [sflag:s19], $0x3C00  }
0x211: {  	[sflag:s19] =	ssyncset.done $0x0  }
0x212: {  	[sflag:s19] =	ssyncadd.s32 $0xFFFFC400  }
0x213: {  	_ =	swait.ge [sflag:s21], $0x3C00  }
0x214: {  	[sflag:s21] =	ssyncset.done $0x0  }
0x215: {  	s24 =	rddreg [dreg:$0xd];
	[sflag:s21] =	ssyncadd.s32 $0xFFFFC400  }
0x216: {  	[hbm4b:s24+s3] =	stream.linear.scatter [tilespmem:s4], [sflag:$0x6], $0x3C00, $0x38;
	[tilespmem:$0x17000] =	vst v63  }
0x217: {  	_ =	swait.ge [sflag:s31], $0x3C00  }
0x218: {  	[sflag:s31] =	ssyncset.done $0x0  }
0x219: {  	[sflag:s31] =	ssyncadd.s32 $0xFFFFC400  }
0x21a: {  	_ =	swait.ge [sflag:s29], $0x3C00  }
0x21b: {  	[sflag:s29] =	ssyncset.done $0x0  }
0x21c: {  	[sflag:s29] =	ssyncadd.s32 $0xFFFFC400  }
0x21d: {  	_ =	swait.ge [sflag:s30], $0x3C00  }
0x21e: {  	s16 =	rddreg [dreg:$0x11]  }
0x21f: {  	s28 =	simm.s32 $0x15800;
	s25 =	rddreg [dreg:$0xe];
	s16 =	sadd.s32 $0x1, s16  }
0x220: {  	s5 =	simm.s32 $0x10400;
	s7 =	simm.s32 $0x13000;
	p0 =	sne.s32 s16, s25  }
.Ltmp1:
0x221: {  	s8 =	simm.s32 $0x10C00;
	s9 =	simm.s32 $0x11000;
	(pc) =	sbr.rel @p0 .LBB2_1-.Ltmp1, $4  }
0x222: {  	s12 =	simm.s32 $0x11800;
	s13 =	simm.s32 $0x11C00;
	s14 =	simm.s32 $0x12400  }
0x223: {  	s15 =	simm.s32 $0x13C00;
	s20 =	simm.s32 $0x12800;
	s2 =	simm.s32 $0x10000  }
0x224: {  	s23 =	simm.s32 $0x14000;
	s4 =	simm.s32 $0x14800;
	[sflag:s30] =	ssyncset.done $0x0  }
0x225: {  	s24 =	simm.s32 $0x14C00;
	[sflag:s30] =	ssyncadd.s32 $0xFFFFC400;
	s25 =	simm.s32 $0x15400  }
0x226: {  	_ =	sfence.sel $0x180000  }
0x227: {  	[bflag:$0x0] =	sbarrier.arrive $0xFFFF  }
0x228: {  	_ =	strace $0x90000047  }
0x229: {  	s0 =	stileid.u32;
	[bflag:$0x2] =	sbarrier.arrive $0xFFFF  }
0x22a: {  	p0 =	sne.s32 s0, $0x0;
	s0 =	rddreg [dreg:$0x3]  }
0x22b: {  	s0 =	sadd.s32 @!p0 $0x100000, s0  }
0x22c: {  	[sflag:s0] =	ssyncadd.tile.s32 @!p0 $0x1;
	_ =	shalt  }
.Lfunc_end2:
_tile_overlayer_lowered:
.L_overlay_start_2:
0x22d: {  	(tag) =	ssettag $0x2  }
0x22e: {  	s0 =	rddreg [dreg:$0x0];
	s2 =	stileid.u32  }
0x22f: {  	s1 =	rddreg [dreg:$0x1];
	p0 =	sne.s32 s2, $0x0  }
0x230: {  	s3 =	rddreg [dreg:$0x2];
	[bflag:$0x3] =	sbarrier.arrive $0xFFFF;
	s2 =	simm.s32 @!p0 $0x1C09  }
0x231: {  	[timem:s3], [sflag:s2] =	dma.local @!p0 [hbm:s0], s1  }
0x232: {  	s0 =	simm.s32 @!p0 $0x9  }
0x233: {  	_ =	swait.ge @!p0 [sflag:s0], s1  }
0x234: {  	s1 =	ssub.s32 @!p0 $0x0, s1;
	[sflag:s0] =	ssyncset.done @!p0 $0x0  }
0x235: {  	[sflag:s0] =	ssyncadd.s32 @!p0 s1  }
0x236: {  	[bflag:$0x3] =	sbarrier.arrive $0xFFFF  }
0x237: {  	_ =	shalt  }

// kernel: kernel.9.cloned.1.call-start
scs
__scs_entry_jumppad:
0x0: {  	(pc) =	sbr.rel $0x88, $3  }
0x1: {  	(tag) =	ssettag $0x0;
	lr =	simm.s32 $0x1  }
0x2: {  	[smem:$0x3F94] =	sst lr;
	_ =	strace $0xD0000000  }
0x3: {  	_ = 	snop  }
0x4: {  	_ = 	snop  }
0x5: {  	_ = 	snop  }
0x6: {  	_ = 	snop  }
0x7: {  	_ = 	snop  }
__scs_overlays_trampoline_lowered:
0x8: {  	[smem:$0x3FA3] =	sst s0  }
0x9: {  	[smem:$0x3FA4] =	sst s1  }
0xa: {  	[smem:$0x3FA5] =	sst s2  }
0xb: {  	[smem:$0x3FA6] =	sst s3  }
0xc: {  	[smem:$0x3FA7] =	sst s4  }
0xd: {  	[smem:$0x3FA8] =	sst s5  }
0xe: {  	[smem:$0x3FA9] =	sst s6  }
0xf: {  	[smem:$0x3FAA] =	sst s7  }
0x10: {  	[smem:$0x3FAB] =	sst s8  }
0x11: {  	[smem:$0x3FAC] =	sst s9;
	s0 =	simm.s32 @!p0 $0x0  }
0x12: {  	s1 =	sld [smem:$0x3F92];
	s0 =	simm.s32 @p0 $0x1  }
0x13: {  	[smem:$0x3FAD] =	sst s0;
	s0 =	simm.s32 @!p1 $0x0  }
0x14: {  	s2 =	sld [smem:$0x3F91];
	s0 =	simm.s32 @p1 $0x1  }
0x15: {  	[smem:$0x3FAE] =	sst s0;
	s0 =	simm.s32 @!p2 $0x0  }
0x16: {  	s3 =	sld [smem:$0x3FDB];
	s0 =	simm.s32 @p2 $0x1  }
0x17: {  	s4 =	simm.s32 $0x1BF5;
	[smem:$0x3FB0] =	sst s0  }
0x18: {  	s0 =	sld [smem:$0x3F93];
	_ =	swait.ge [sflag:s4], $0x0  }
0x19: {  	s7 =	sld [smem:$0x3F94]  }
0x1a: {  	s8 =	sadd.s32 $0xFFFFE003, lr  }
0x1b: {  	s9 =	sadd.s32 $0xFFFFFEF7, lr;
	s5 =	simm.s32 $0xFFFFFFFF;
	p2 =	slt.u32 s8, $0xFFFFF086  }
0x1c: {  	p1 =	slt.u32 s9, $0xF7A;
	s5 =	simm.s32 @!p2 $0x0  }
0x1d: {  	s5 =	simm.s32 @p1 $0x1;
	p0 =	seq.s32 s7, s2  }
0x1e: {  	s7 =	smul.u32 @!p0 $0xF7A, s2;
	p2 =	seq.s32 @!p0 s5, $0x0  }
0x1f: {  	s9 =	smul.u32 $0xF7A, s1;
	s8 =	simm.s32 @!p0 $0x1BF5;
	p2 =	por !p2, p0  }
0x20: {  	[sflag:s8] =	ssyncset.s32 @!p0 $0xFFFFF086;
	s6 =	sadd.s32 @!p0 s3, s7;
	s7 =	simm.s32 @!p0 $0x108  }
0x21: {  	s3 =	sadd.s32 s3, s9;
	s6 =	sadd.s32 @!p0 $0x88, s6;
	s7 =	simm.s32 @p2 $0x1082  }
0x22: {  	[simem:s7], [sflag:s8] =	dma.local @!p0 [hbm:s6], $0xF7A  }
0x23: {  	s9 =	sor.u32 $0xD0000000, s2;
	s6 =	simm.s32 $0x108;
	_ =	swait.ge @!p0 [sflag:s8], $0x0  }
0x24: {  	s3 =	sadd.s32 $0x88, s3;
	s6 =	simm.s32 @!p1 $0x1082;
	[sflag:s4] =	ssyncset.s32 $0xFFFFF086  }
0x25: {  	[simem:s6], [sflag:s4] =	dma.local [hbm:s3], $0xF7A  }
0x26: {  	[smem:$0x3F94] =	sst s1;
	(tag) =	ssettag s2;
	_ =	strace s9  }
0x27: {  	s1 =	sld [smem:$0x3FA4]  }
0x28: {  	s2 =	sld [smem:$0x3FA5]  }
0x29: {  	s4 =	sld [smem:$0x3FA7]  }
0x2a: {  	p0 =	seq.s32 s5, $0x0;
	s5 =	sld [smem:$0x3FA8]  }
0x2b: {  	s6 =	sld [smem:$0x3FA9]  }
0x2c: {  	s7 =	sld [smem:$0x3FAA]  }
0x2d: {  	s3 =	simm.s32 $0x108;
	s8 =	sld [smem:$0x3FAB]  }
0x2e: {  	s3 =	simm.s32 @!p0 $0x1082;
	s9 =	sld [smem:$0x3FAC]  }
0x2f: {  	lr =	sadd.s32 s0, s3;
	s0 =	sld [smem:$0x3FA3]  }
0x30: {  	s3 =	sld [smem:$0x3FA6]  }
0x31: {  	[smem:$0x3FAF] =	sst s10  }
0x32: {  	s10 =	sld [smem:$0x3FAD];
	_ =	sdelay $0x3  }
0x33: {  	p0 =	seq.s32 s10, $0x1;
	s10 =	sld [smem:$0x3FAF];
	_ =	sdelay $0x3  }
0x34: {  	[smem:$0x3FAF] =	sst s10  }
0x35: {  	s10 =	sld [smem:$0x3FAE];
	_ =	sdelay $0x3  }
0x36: {  	p1 =	seq.s32 s10, $0x1;
	s10 =	sld [smem:$0x3FAF];
	_ =	sdelay $0x3  }
0x37: {  	[smem:$0x3FAF] =	sst s10  }
0x38: {  	s10 =	sld [smem:$0x3FB0]  }
0x39: {  	_ = 	snop;
	(pc) =	sbr.ind lr, $3  }
0x3a: {  	_ = 	snop  }
0x3b: {  	_ = 	snop  }
0x3c: {  	p2 =	seq.s32 s10, $0x1;
	s10 =	sld [smem:$0x3FAF]  }
0x3d: {  	_ =	shalt  }
0x3e: {  	_ =	shalt  }
0x3f: {  	_ =	shalt  }
0x40: {  	_ =	shalt  }
0x41: {  	_ =	shalt  }
0x42: {  	_ =	shalt  }
0x43: {  	_ =	shalt  }
0x44: {  	_ =	shalt  }
0x45: {  	_ =	shalt  }
0x46: {  	_ =	shalt  }
0x47: {  	_ =	shalt  }
0x48: {  	_ =	shalt  }
0x49: {  	_ =	shalt  }
0x4a: {  	_ =	shalt  }
0x4b: {  	_ =	shalt  }
0x4c: {  	_ =	shalt  }
0x4d: {  	_ =	shalt  }
0x4e: {  	_ =	shalt  }
0x4f: {  	_ =	shalt  }
0x50: {  	_ =	shalt  }
0x51: {  	_ =	shalt  }
0x52: {  	_ =	shalt  }
0x53: {  	_ =	shalt  }
0x54: {  	_ =	shalt  }
0x55: {  	_ =	shalt  }
0x56: {  	_ =	shalt  }
0x57: {  	_ =	shalt  }
0x58: {  	_ =	shalt  }
0x59: {  	_ =	shalt  }
0x5a: {  	_ =	shalt  }
0x5b: {  	_ =	shalt  }
0x5c: {  	_ =	shalt  }
0x5d: {  	_ =	shalt  }
0x5e: {  	_ =	shalt  }
0x5f: {  	_ =	shalt  }
0x60: {  	_ =	shalt  }
0x61: {  	_ =	shalt  }
0x62: {  	_ =	shalt  }
0x63: {  	_ =	shalt  }
0x64: {  	_ =	shalt  }
0x65: {  	_ =	shalt  }
0x66: {  	_ =	shalt  }
0x67: {  	_ =	shalt  }
0x68: {  	_ =	shalt  }
0x69: {  	_ =	shalt  }
0x6a: {  	_ =	shalt  }
0x6b: {  	_ =	shalt  }
0x6c: {  	_ =	shalt  }
0x6d: {  	_ =	shalt  }
0x6e: {  	_ =	shalt  }
0x6f: {  	_ =	shalt  }
0x70: {  	_ =	shalt  }
0x71: {  	_ =	shalt  }
0x72: {  	_ =	shalt  }
0x73: {  	_ =	shalt  }
0x74: {  	_ =	shalt  }
0x75: {  	_ =	shalt  }
0x76: {  	_ =	shalt  }
0x77: {  	_ =	shalt  }
0x78: {  	_ =	shalt  }
0x79: {  	_ =	shalt  }
0x7a: {  	_ =	shalt  }
0x7b: {  	_ =	shalt  }
0x7c: {  	_ =	shalt  }
0x7d: {  	_ =	shalt  }
0x7e: {  	_ =	shalt  }
0x7f: {  	_ =	shalt  }
0x80: {  	_ =	shalt  }
0x81: {  	_ =	shalt  }
0x82: {  	_ =	shalt  }
0x83: {  	_ =	shalt  }
0x84: {  	_ =	shalt  }
0x85: {  	_ =	shalt  }
0x86: {  	_ =	shalt  }
0x87: {  	_ =	shalt  }
.Lfunc_end0:
.L_simem_size_0:
called_computation.1_lowered:
.L_overlay_start_0:
0x88: {  	s2 =	sld [smem:$0x3FD9]  }
0x89: {  	s3 =	sld [smem:$0x3FFE];
	_ =	sdelay $0x1  }
0x8a: {  	s1 =	srdreg.scid  }
0x8b: {  	s0 =	sand.u32 $0x1, s1  }
0x8c: {  	s14 =	sshll.u32 s0, $0xA;
	s2 =	sadd.s32 s3, s2  }
0x8d: {  	s2 =	sadd.s32 s2, s14  }
0x8e: {  	[smem:$0x3FBB] =	sst s2  }
0x8f: {  	_ = 	snop  }
0x90: {  	s2 =	sld [smem:$0x3FD0];
	_ =	sdelay $0x2  }
0x91: {  	s15 =	simm.s32 $0xA;
	s4 =	simm.s32 $0x10  }
0x92: {  	[smem:s4], [sflag:s15] =	dma.local [hbm:s2], $0x1  }
0x93: {  	_ =	swait.eq [sflag:s15], $0x1  }
0x94: {  	[sflag:s15] =	ssyncset.done $0x0  }
0x95: {  	[sflag:s15] =	ssyncadd.s32 $0xFFFFFFFF  }
0x96: {  	s16 =	sld [smem:$0x10];
	(tm) =	ssettm $0x1  }
0x97: {  	s17 =	sld [smem:$0x3FFB];
	_ =	sdelay $0x3  }
0x98: {  	_ =	strace s17  }
0x99: {  	s3 =	sld [smem:$0x3FFC];
	_ =	sdelay $0x3  }
0x9a: {  	_ =	strace s3  }
0x9b: {  	s3 =	sld [smem:$0x3FFD];
	_ =	sdelay $0x3  }
0x9c: {  	_ =	strace s3  }
0x9d: {  	_ =	strace $0x8FFFFFFF  }
0x9e: {  	s18 =	sld [smem:$0x3FDB];
	_ =	sdelay $0x1  }
0x9f: {  	s19 =	simm.s32 $_scs_section_size  }
0xa0: {  	s5 =	simm.s32 $_size__tile_overlayer_lowered;
	s6 =	simm.s32 $_tile_overlayer_lowered  }
0xa1: {  	s22 =	simm.s32 $0x1BFF;
	s21 =	sshll.u32 s6, $0x1;
	s3 =	sadd.s32 s19, s18  }
0xa2: {  	s7 =	simm.s32 $0x0;
	s20 =	sshll.u32 s5, $0x1;
	s5 =	sadd.s32 s21, s3  }
0xa3: {  	[timem:s7], [sflag:s22] =	dma.local [hbm:s5], s20  }
0xa4: {  	_ =	swait.ge [sflag:s22], s20  }
0xa5: {  	s4 =	ssub.s32 $0x0, s20;
	[sflag:s22] =	ssyncset.done $0x0  }
0xa6: {  	[sflag:s22] =	ssyncadd.s32 s4;
	_ =	sdelay $0x1  }
0xa7: {  	s23 =	simm.s32 $0x1B8B  }
0xa8: {  	_ =	swait.ge [sflag:s23], $0x1  }
0xa9: {  	[sflag:s23] =	ssyncset.done $0x0  }
0xaa: {  	s25 =	simm.s32 $0x1B8E;
	s24 =	sld [smem:$0x3FFE];
	[sflag:s23] =	ssyncadd.s32 $0xFFFFFFFF  }
0xab: {  	s26 =	simm.s32 $execute0_lowered;
	[smem:$0x3FD2] =	sst s25  }
0xac: {  	s5 =	sshll.u32 s26, $0x1;
	_ =	strace $0x80000049;
	[dreg:$0x1] =	wrdreg $0xFFFFFFFF  }
0xad: {  	s28 =	simm.s32 $_size_execute0_lowered;
	s3 =	sadd.s32 s3, s5;
	[dreg:$0x0] =	wrdreg $0x0  }
0xae: {  	s5 =	sshll.u32 s28, $0x1;
	[dreg:$0x2] =	wrdreg s3  }
0xaf: {  	[dreg:$0x3] =	wrdreg s5  }
0xb0: {  	[dreg:$0x4] =	wrdreg $0xC0  }
0xb1: {  	_ =	task [dreg:s7], $0x5FFFF  }
0xb2: {  	[dreg:$0x1] =	wrdreg $0xFFFFFFFF  }
0xb3: {  	[dreg:$0x0] =	wrdreg $0x60  }
0xb4: {  	[dreg:$0x2] =	wrdreg s24  }
0xb5: {  	[dreg:$0x3] =	wrdreg s16  }
0xb6: {  	[dreg:$0x4] =	wrdreg $0xB8000  }
0xb7: {  	[dreg:$0x5] =	wrdreg $0x9  }
0xb8: {  	_ =	task.clear_ibuf [dreg:s7], $0x6FFFF;
	_ =	strace $0x90000049  }
0xb9: {  	s29 =	simm.s32 $0x9;
	_ =	strace $0x8000004B  }
0xba: {  	_ =	swait.ge [sflag:s29], $0x1  }
0xbb: {  	[sflag:s29] =	ssyncadd.s32 $0xFFFFFFFF  }
0xbc: {  	_ =	strace $0x9000004B  }
0xbd: {  	_ =	sfence  }
0xbe: {  	s30 =	sld [smem:$0x0];
	_ =	sdelay $0x2  }
0xbf: {  	s31 =	sshll.u32 s1, $0xD;
	s1 =	sshrl.u32 s1, $0x2  }
0xc0: {  	s3 =	sand.u32 $0x4000, s31;
	s1 =	sadd.s32 s1, s30  }
0xc1: {  	s0 =	sor.u32 s3, s0;
	s1 =	sshll.u32 s1, $0x11  }
0xc2: {  	s0 =	sor.u32 s1, s0  }
0xc3: {  	s0 =	sadd.s32 $0x8F2B, s0  }
0xc4: {  	[sflag:s0] =	ssyncadd.remote.s32 $0x1  }
0xc5: {  	_ =	sfence.sel $0xFFFF  }
0xc6: {  	[dreg:$0x0] =	wrdreg $0xFFFFFFFF;
	(pc) =	sbr.abs _section_cstart, $3  }
0xc7: {  	[dreg:$0x1] =	wrdreg $0xFFFFFFFF  }
0xc8: {  	_ =	task.clear_ibuf [dreg:s7], $0x2FFFF;
	_ =	strace $0x9FFFFFFF  }
0xc9: {  	(tm) =	ssettm $0x7FFFFFFF  }
tec
execute0_lowered:
.L_overlay_start_1:
0x0: {  	(tag) =	ssettag $0x1  }
0x1: {  	s0 =	srdreg.scid;
	s13 =	stileid.u32  }
0x2: {  	s0 =	sand.u32 $0x1, s0;
	s2 =	sshll.u32 s13, $0x1  }
0x3: {  	s2 =	sor.u32 s0, s2  }
0x4: {  	s9 =	smul.u32 $0x138800, s2  }
0x5: {  	s1 =	rddreg [dreg:$0x0];
	s6 =	sshll.u32 s2, $0xB;
	s2 =	smul.u32 $0x27100, s2  }
0x6: {  	s3 =	sadd.s32 $0x1886000, s1;
	s4 =	sadd.s32 $0x1D68000, s1  }
0x7: {  	s5 =	sadd.s32 $0x224A000, s1;
	s8 =	sadd.s32 $0x272C000, s1;
	s23 =	sadd.s32 s3, s2  }
0x8: {  	s9 =	sshrl.u32 s9, $0x3;
	s30 =	sadd.s32 s4, s2;
	[dreg:$0x4] =	wrdreg s23  }
0x9: {  	s18 =	sadd.s32 s5, s2;
	s2 =	sadd.s32 s8, s2;
	[dreg:$0x8] =	wrdreg s30  }
0xa: {  	s24 =	sadd.s32 $0x500, s9;
	s25 =	sadd.s32 $0xA00, s9;
	[dreg:$0xc] =	wrdreg s18  }
0xb: {  	s12 =	sadd.s32 $0x26700, s9;
	[dreg:$0x10] =	wrdreg s2;
	s11 =	sadd.s32 s3, s24  }
0xc: {  	s14 =	sadd.s32 s3, s25;
	s26 =	sadd.s32 s3, s12;
	s16 =	sadd.s32 s4, s25  }
0xd: {  	s17 =	sadd.s32 s4, s12;
	s20 =	sadd.s32 s5, s25;
	s21 =	sadd.s32 s5, s12  }
0xe: {  	s23 =	sadd.s32 s8, s25;
	s25 =	sadd.s32 s8, s12;
	s12 =	rddreg [dreg:$0x1]  }
0xf: {  	[dreg:$0x5] =	wrdreg s11  }
0x10: {  	[dreg:$0x6] =	wrdreg s14  }
0x11: {  	s15 =	sadd.s32 s4, s24;
	[dreg:$0x7] =	wrdreg s26  }
0x12: {  	s31 =	simm.s32 $0x3E00;
	s29 =	smul.u32 $0x2700, s13;
	[dreg:$0x9] =	wrdreg s15  }
0x13: {  	p0 =	sne.s32 s13, $0xF;
	s7 =	smul.u32 $0x138800, s0;
	[dreg:$0xa] =	wrdreg s16  }
0x14: {  	s10 =	ssub.s32 $0x2, s0;
	s19 =	sadd.s32 s5, s24;
	[dreg:$0xb] =	wrdreg s17  }
0x15: {  	s22 =	sshrl.u32 s10, $0x1;
	s7 =	sshrl.u32 s7, $0x3;
	[dreg:$0xd] =	wrdreg s19  }
0x16: {  	s6 =	sadd.s32 s6, s1;
	s1 =	sadd.s32 s7, s1;
	[dreg:$0xe] =	wrdreg s20  }
0x17: {  	s7 =	ssub.s32 s10, s22;
	s22 =	sadd.s32 s8, s24;
	[dreg:$0xf] =	wrdreg s21  }
0x18: {  	s0 =	smul.u32 $0x27100, s0;
	s10 =	simm.s32 $0x9000;
	[dreg:$0x11] =	wrdreg s22  }
0x19: {  	s9 =	sadd.s32 $0x26C00, s9;
	s18 =	sadd.s32 $0x50400, s1;
	[dreg:$0x12] =	wrdreg s23  }
0x1a: {  	s24 =	smul.u32 $0x4E200, s13;
	s30 =	sadd.s32 s4, s9;
	[dreg:$0x13] =	wrdreg s25  }
0x1b: {  	s26 =	sadd.s32 s3, s9;
	[dreg:$0x15] =	wrdreg s30;
	s11 =	sadd.s32 s5, s9  }
0x1c: {  	s9 =	sadd.s32 s8, s9;
	s21 =	simm.s32 $0x0;
	s14 =	smul.u32 $0x4E000, s13  }
0x1d: {  	s15 =	sadd.s32 $0x1876000, s6;
	s23 =	sadd.s32 s12, s29;
	[dreg:$0x14] =	wrdreg s26  }
0x1e: {  	s17 =	sadd.s32 $0x2200, s1;
	s19 =	sadd.s32 $0x9E600, s1;
	[dreg:$0x16] =	wrdreg s11  }
0x1f: {  	s1 =	sadd.s32 $0xEC800, s1;
	s20 =	smax.u32 s7, $0x1;
	[dreg:$0x17] =	wrdreg s9  }
0x20: {  	s7 =	simm.s32 $0x4;
	s13 =	simm.s32 $0x2;
	[smem:$0x7FF] =	sst s21  }
0x21: {  	s3 =	sadd.s32 s24, s3;
	s4 =	sadd.s32 s24, s4;
	s26 =	rddreg [dreg:$0x2]  }
0x22: {  	s5 =	sadd.s32 s24, s5;
	_ =	strace $0x8000004A;
	[dreg:$0x18] =	wrdreg s15  }
0x23: {  	s2 =	sadd.s32 s24, s8;
	s8 =	simm.s32 $0x4000;
	[dreg:$0x19] =	wrdreg s17  }
0x24: {  	s9 =	simm.s32 $0x6800;
	s11 =	simm.s32 $0x1;
	[dreg:$0x1a] =	wrdreg s18  }
0x25: {  	s22 =	sadd.s32 s0, s3;
	s24 =	sadd.s32 s0, s4;
	[dreg:$0x1b] =	wrdreg s19  }
0x26: {  	s25 =	sadd.s32 s0, s5;
	s28 =	sadd.s32 s0, s2;
	[dreg:$0x1c] =	wrdreg s1  }
0x27: {  	s16 =	sshrl.u32 s14, $0x2;
	[dreg:$0x1d] =	wrdreg s20;
	s30 =	sadd.s32 $0x138000, s26  }
0x28: {  	s14 =	simm.s32 $0x3;
	s15 =	simm.s32 $0x3C00;
	s20 =	simm.s32 $0x0  }
0x29: {  	s0 =	sadd.s32 s16, s26;
	[dreg:$0x1e] =	wrdreg s30;
	s16 =	simm.s32 $0x3C80  }
0x2a: {  	[dreg:$0x1f] =	wrdreg s0;
	s0 =	sadd.s32 $0x27000, s12;
	s12 =	simm.s32 $0x50  }
.LBB2_1:
0x2b: {  	s1 =	rddreg [dreg:$0x18]  }
0x2c: {  	[tilespmem:s21], [sflag:$0x4] =	stream.linear.gather [hbm4b:s1+s21], $0x3E80, $0x38;
	[tilespmem:$0x1F080] =	vst v63  }
0x2d: {  	s2 =	stileid.u32;
	_ =	swait.ge [sflag:s7], $0x3E80  }
0x2e: {  	s1 =	sshll.u32 s2, $0x6;
	[sflag:s7] =	ssyncset.done $0x0;
	s3 =	rddreg [dreg:$0x1f]  }
0x2f: {  	s30 =	sor.u32 $0x1C04, s1;
	[sflag:s7] =	ssyncadd.s32 $0xFFFFC180;
	s5 =	sshrl.u32 s3, $0x3  }
0x30: {  	[spmem:s5], [sflag:s30] =	dma.local [hbm:s23], $0x2700  }
0x31: {  	_ =	swait.ge [sflag:s7], $0x2700  }
0x32: {  	[sflag:s7] =	ssyncset.done $0x0;
	s1 =	rddreg [dreg:$0x1e]  }
0x33: {  	[sflag:s7] =	ssyncadd.s32 $0xFFFFD900;
	s6 =	sshrl.u32 @!p0 s1, $0x3;
	s1 =	simm.s32 @!p0 $0x4  }
0x34: {  	[spmem:s6], [sflag:s30] =	dma.local @!p0 [hbm:s0], $0x100  }
0x35: {  	_ =	swait.ge @!p0 [sflag:s1], $0x100  }
0x36: {  	[sflag:s1] =	ssyncset.done @!p0 $0x0  }
0x37: {  	[sflag:s1] =	ssyncadd.s32 @!p0 $0xFFFFFF00  }
0x38: {  	[bflag:$0x0] =	sbarrier.arrive $0xFFFF  }
0x39: {  	s4 =	rddreg [dreg:$0x4]  }
0x3a: {  	[tilespmem:s8], [sflag:$0x1] =	stream.linear.gather [hbm4b:s4+s21], $0x2800, $0x38;
	[tilespmem:$0x1F080] =	vst v63  }
0x3b: {  	s17 =	rddreg [dreg:$0x5]  }
0x3c: {  	[tilespmem:s9], [sflag:$0x2] =	stream.linear.gather [hbm4b:s17+s21], $0x2800, $0x38;
	[tilespmem:$0x1F080] =	vst v63  }
0x3d: {  	s18 =	rddreg [dreg:$0x6]  }
0x3e: {  	[tilespmem:s10], [sflag:$0x3] =	stream.linear.gather [hbm4b:s18+s21], $0x2800, $0x38;
	[tilespmem:$0x1F080] =	vst v63  }
0x3f: {  	_ =	swait.ge [sflag:s11], $0x2800  }
0x40: {  	[sflag:s11] =	ssyncset.done $0x0  }
0x41: {  	s2 =	simm.s32 $0x0;
	[sflag:s11] =	ssyncadd.s32 $0xFFFFD800  }
0x42: {  	[spmem:s26] =	stream.indirect.scatter.add.f32 [tilespmem:s8], [sflag:$0x4], $0x80, s2, s12, $0xb8;
	[tilespmem:$0x1F080] =	vst v63  }
0x43: {  	_ =	swait.ge [sflag:s7], $0x2800  }
0x44: {  	s2 =	sadd.s32 $0x0, s22;
	[sflag:s7] =	ssyncset.done $0x0  }
0x45: {  	s3 =	sadd.s32 $0xF00, s2;
	[sflag:s7] =	ssyncadd.s32 $0xFFFFD800  }
0x46: {  	[tilespmem:s8], [sflag:$0x1] =	stream.linear.gather [hbm4b:s3+s21], $0x2800, $0x38;
	[tilespmem:$0x1F080] =	vst v63  }
0x47: {  	_ =	swait.ge [sflag:s13], $0x2800  }
0x48: {  	[sflag:s13] =	ssyncset.done $0x0  }
0x49: {  	s4 =	simm.s32 $0x80;
	[sflag:s13] =	ssyncadd.s32 $0xFFFFD800  }
0x4a: {  	[spmem:s26] =	stream.indirect.scatter.add.f32 [tilespmem:s9], [sflag:$0x4], $0x80, s4, s12, $0xb8;
	[tilespmem:$0x1F080] =	vst v63  }
0x4b: {  	_ =	swait.ge [sflag:s7], $0x2800  }
0x4c: {  	[sflag:s7] =	ssyncset.done $0x0  }
0x4d: {  	s17 =	sadd.s32 $0x1400, s2;
	[sflag:s7] =	ssyncadd.s32 $0xFFFFD800  }
0x4e: {  	[tilespmem:s9], [sflag:$0x2] =	stream.linear.gather [hbm4b:s17+s21], $0x2800, $0x38;
	[tilespmem:$0x1F080] =	vst v63  }
0x4f: {  	_ =	swait.ge [sflag:s14], $0x2800  }
0x50: {  	[sflag:s14] =	ssyncset.done $0x0  }
0x51: {  	s18 =	simm.s32 $0x100;
	[sflag:s14] =	ssyncadd.s32 $0xFFFFD800  }
0x52: {  	[spmem:s26] =	stream.indirect.scatter.add.f32 [tilespmem:s10], [sflag:$0x4], $0x80, s18, s12, $0xb8;
	[tilespmem:$0x1F080] =	vst v63  }
0x53: {  	_ =	swait.ge [sflag:s7], $0x2800  }
0x54: {  	s19 =	simm.s32 $0x3D00;
	s1 =	simm.s32 $0xF00;
	[sflag:s7] =	ssyncset.done $0x0  }
0x55: {  	s3 =	sadd.s32 $0x1900, s2;
	s2 =	simm.s32 $0x280;
	[sflag:s7] =	ssyncadd.s32 $0xFFFFD800  }
.LBB2_2:
0x56: {  	[tilespmem:s10], [sflag:$0x3] =	stream.linear.gather [hbm4b:s3+s21], $0x2800, $0x38;
	[tilespmem:$0x1F080] =	vst v63  }
0x57: {  	s3 =	smov.u32 s1  }
0x58: {  	p1 =	sne.s32 s1, $0x24900;
	s1 =	sadd.s32 $0xF00, s1;
	_ =	swait.ge [sflag:s11], $0x2800  }
0x59: {  	[sflag:s11] =	ssyncset.done $0x0  }
0x5a: {  	s4 =	sadd.s32 $0xFFFFFF00, s2;
	[sflag:s11] =	ssyncadd.s32 $0xFFFFD800  }
0x5b: {  	[spmem:s26] =	stream.indirect.scatter.add.f32 [tilespmem:s8], [sflag:$0x4], $0x80, s4, s12, $0xb8;
	[tilespmem:$0x1F080] =	vst v63  }
0x5c: {  	_ =	swait.ge [sflag:s7], $0x2800  }
0x5d: {  	s3 =	sadd.s32 s3, s22;
	[sflag:s7] =	ssyncset.done $0x0  }
0x5e: {  	s4 =	sadd.s32 $0xF00, s3;
	[sflag:s7] =	ssyncadd.s32 $0xFFFFD800  }
0x5f: {  	[tilespmem:s8], [sflag:$0x1] =	stream.linear.gather [hbm4b:s4+s21], $0x2800, $0x38;
	[tilespmem:$0x1F080] =	vst v63  }
0x60: {  	_ =	swait.ge [sflag:s13], $0x2800  }
0x61: {  	[sflag:s13] =	ssyncset.done $0x0  }
0x62: {  	s4 =	sadd.s32 $0xFFFFFF80, s2;
	[sflag:s13] =	ssyncadd.s32 $0xFFFFD800  }
0x63: {  	[spmem:s26] =	stream.indirect.scatter.add.f32 [tilespmem:s9], [sflag:$0x4], $0x80, s4, s12, $0xb8;
	[tilespmem:$0x1F080] =	vst v63  }
0x64: {  	_ =	swait.ge [sflag:s7], $0x2800  }
0x65: {  	[sflag:s7] =	ssyncset.done $0x0  }
0x66: {  	s4 =	sadd.s32 $0x1400, s3;
	[sflag:s7] =	ssyncadd.s32 $0xFFFFD800  }
0x67: {  	[tilespmem:s9], [sflag:$0x2] =	stream.linear.gather [hbm4b:s4+s21], $0x2800, $0x38;
	[tilespmem:$0x1F080] =	vst v63  }
0x68: {  	_ =	swait.ge [sflag:s14], $0x2800  }
0x69: {  	[sflag:s14] =	ssyncset.done $0x0  }
.Ltmp0:
0x6a: {  	[sflag:s14] =	ssyncadd.s32 $0xFFFFD800;
	(pc) =	sbr.rel @p1 .LBB2_2-.Ltmp0, $4  }
0x6b: {  	[spmem:s26] =	stream.indirect.scatter.add.f32 [tilespmem:s10], [sflag:$0x4], $0x80, s2, s12, $0xb8;
	[tilespmem:$0x1F080] =	vst v63  }
0x6c: {  	_ =	swait.ge [sflag:s7], $0x2800  }
0x6d: {  	[sflag:s7] =	ssyncset.done $0x0  }
0x6e: {  	s3 =	sadd.s32 $0x1900, s3;
	s2 =	sadd.s32 $0x180, s2;
	[sflag:s7] =	ssyncadd.s32 $0xFFFFD800  }
0x6f: {  	[tilespmem:s10], [sflag:$0x3] =	stream.linear.gather [hbm4b:s3+s21], $0x2800, $0x38;
	[tilespmem:$0x1F080] =	vst v63  }
0x70: {  	_ =	swait.ge [sflag:s11], $0x2800  }
0x71: {  	[sflag:s11] =	ssyncset.done $0x0  }
0x72: {  	[sflag:s11] =	ssyncadd.s32 $0xFFFFD800  }
0x73: {  	[spmem:s26] =	stream.indirect.scatter.add.f32 [tilespmem:s8], [sflag:$0x4], $0x80, s15, s12, $0xb8;
	[tilespmem:$0x1F080] =	vst v63  }
0x74: {  	_ =	swait.ge [sflag:s7], $0x2800  }
0x75: {  	[sflag:s7] =	ssyncset.done $0x0  }
0x76: {  	s1 =	rddreg [dreg:$0x7];
	[sflag:s7] =	ssyncadd.s32 $0xFFFFD800  }
0x77: {  	[tilespmem:s8], [sflag:$0x1] =	stream.linear.gather [hbm4b:s1+s21], $0x2800, $0x38;
	[tilespmem:$0x1F080] =	vst v63  }
0x78: {  	_ =	swait.ge [sflag:s13], $0x2800  }
0x79: {  	[sflag:s13] =	ssyncset.done $0x0  }
0x7a: {  	[sflag:s13] =	ssyncadd.s32 $0xFFFFD800  }
0x7b: {  	[spmem:s26] =	stream.indirect.scatter.add.f32 [tilespmem:s9], [sflag:$0x4], $0x80, s16, s12, $0xb8;
	[tilespmem:$0x1F080] =	vst v63  }
0x7c: {  	_ =	swait.ge [sflag:s7], $0x2800  }
0x7d: {  	[sflag:s7] =	ssyncset.done $0x0  }
0x7e: {  	s4 =	rddreg [dreg:$0x14];
	[sflag:s7] =	ssyncadd.s32 $0xFFFFD800  }
0x7f: {  	[tilespmem:s9], [sflag:$0x2] =	stream.linear.gather [hbm4b:s4+s21], $0x2800, $0x38;
	[tilespmem:$0x1F080] =	vst v63  }
0x80: {  	_ =	swait.ge [sflag:s14], $0x2800  }
0x81: {  	[sflag:s14] =	ssyncset.done $0x0  }
0x82: {  	[sflag:s14] =	ssyncadd.s32 $0xFFFFD800  }
0x83: {  	[spmem:s26] =	stream.indirect.scatter.add.f32 [tilespmem:s10], [sflag:$0x4], $0x80, s19, s12, $0xb8;
	[tilespmem:$0x1F080] =	vst v63  }
0x84: {  	_ =	swait.ge [sflag:s7], $0x2800  }
0x85: {  	[sflag:s7] =	ssyncset.done $0x0  }
0x86: {  	[sflag:s7] =	ssyncadd.s32 $0xFFFFD800  }
0x87: {  	_ =	swait.ge [sflag:s11], $0x2800  }
0x88: {  	[sflag:s11] =	ssyncset.done $0x0  }
0x89: {  	s19 =	simm.s32 $0x3D80;
	[sflag:s11] =	ssyncadd.s32 $0xFFFFD800  }
0x8a: {  	[spmem:s26] =	stream.indirect.scatter.add.f32 [tilespmem:s8], [sflag:$0x4], $0x80, s19, s12, $0xb8;
	[tilespmem:$0x1F080] =	vst v63  }
0x8b: {  	_ =	swait.ge [sflag:s7], $0x2800  }
0x8c: {  	[sflag:s7] =	ssyncset.done $0x0  }
0x8d: {  	[sflag:s7] =	ssyncadd.s32 $0xFFFFD800  }
0x8e: {  	_ =	swait.ge [sflag:s13], $0x2800  }
0x8f: {  	[sflag:s13] =	ssyncset.done $0x0  }
0x90: {  	[sflag:s13] =	ssyncadd.s32 $0xFFFFD800  }
0x91: {  	[spmem:s26] =	stream.indirect.scatter.add.f32 [tilespmem:s9], [sflag:$0x4], $0x80, s31, s12, $0xb8;
	[tilespmem:$0x1F080] =	vst v63  }
0x92: {  	_ =	swait.ge [sflag:s7], $0x2800  }
0x93: {  	[sflag:s7] =	ssyncset.done $0x0  }
0x94: {  	[sflag:s7] =	ssyncadd.s32 $0xFFFFD800  }
0x95: {  	[bflag:$0x0] =	sbarrier.arrive $0xFFFF  }
0x96: {  	s3 =	rddreg [dreg:$0x19]  }
0x97: {  	s15 =	sadd.s32 s29, s3  }
0x98: {  	[hbm:s15], [sflag:s30] =	dma.local [spmem:s5], $0x2700  }
0x99: {  	_ =	swait.ge [sflag:s7], $0x2700  }
0x9a: {  	[sflag:s7] =	ssyncset.done $0x0  }
0x9b: {  	[sflag:s7] =	ssyncadd.s32 $0xFFFFD900  }
0x9c: {  	[bflag:$0x0] =	sbarrier.arrive @p0 $0xFFFF  }
0x9d: {  	s4 =	rddreg [dreg:$0x1f]  }
0x9e: {  	s2 =	simm.s32 @p0 $0x4;
	s1 =	sshrl.u32 @p0 s4, $0x3  }
0x9f: {  	[spmem:s1], [sflag:s30] =	dma.local @p0 [hbm:s23], $0x2700  }
0xa0: {  	_ =	swait.ge @p0 [sflag:s2], $0x2700  }
0xa1: {  	[sflag:s2] =	ssyncset.done @p0 $0x0  }
0xa2: {  	[sflag:s2] =	ssyncadd.s32 @p0 $0xFFFFD900;
	s2 =	sadd.s32 @!p0 $0x27000, s3;
	s3 =	simm.s32 @!p0 $0x4  }
0xa3: {  	[hbm:s2], [sflag:s30] =	dma.local @!p0 [spmem:s6], $0x100  }
0xa4: {  	_ =	swait.ge @!p0 [sflag:s3], $0x100  }
0xa5: {  	[sflag:s3] =	ssyncset.done @!p0 $0x0  }
0xa6: {  	[sflag:s3] =	ssyncadd.s32 @!p0 $0xFFFFFF00  }
0xa7: {  	s2 =	sshrl.u32 @!p0 s4, $0x3;
	[bflag:$0x0] =	sbarrier.arrive @!p0 $0xFFFF  }
0xa8: {  	[spmem:s2], [sflag:s30] =	dma.local @!p0 [hbm:s23], $0x2700  }
0xa9: {  	_ =	swait.ge @!p0 [sflag:s3], $0x2700  }
0xaa: {  	[sflag:s3] =	ssyncset.done @!p0 $0x0  }
0xab: {  	[sflag:s3] =	ssyncadd.s32 @!p0 $0xFFFFD900  }
0xac: {  	[spmem:s6], [sflag:s30] =	dma.local @!p0 [hbm:s0], $0x100  }
0xad: {  	_ =	swait.ge @!p0 [sflag:s3], $0x100  }
0xae: {  	[sflag:s3] =	ssyncset.done @!p0 $0x0  }
0xaf: {  	[sflag:s3] =	ssyncadd.s32 @!p0 $0xFFFFFF00  }
0xb0: {  	[bflag:$0x0] =	sbarrier.arrive $0xFFFF  }
0xb1: {  	s3 =	simm.s32 $0x0;
	s16 =	rddreg [dreg:$0x8]  }
0xb2: {  	[tilespmem:s8], [sflag:$0x1] =	stream.linear.gather [hbm4b:s16+s3], $0x2800, $0x38;
	[tilespmem:$0x1F080] =	vst v63  }
0xb3: {  	s15 =	rddreg [dreg:$0x9]  }
0xb4: {  	[tilespmem:s9], [sflag:$0x2] =	stream.linear.gather [hbm4b:s15+s3], $0x2800, $0x38;
	[tilespmem:$0x1F080] =	vst v63  }
0xb5: {  	s16 =	rddreg [dreg:$0xa]  }
0xb6: {  	[tilespmem:s10], [sflag:$0x3] =	stream.linear.gather [hbm4b:s16+s3], $0x2800, $0x38;
	[tilespmem:$0x1F080] =	vst v63  }
0xb7: {  	_ =	swait.ge [sflag:s11], $0x2800  }
0xb8: {  	[sflag:s11] =	ssyncset.done $0x0  }
0xb9: {  	s4 =	simm.s32 $0x0;
	[sflag:s11] =	ssyncadd.s32 $0xFFFFD800  }
0xba: {  	[spmem:s26] =	stream.indirect.scatter.add.f32 [tilespmem:s8], [sflag:$0x4], $0x80, s4, s12, $0xb8;
	[tilespmem:$0x1F080] =	vst v63  }
0xbb: {  	_ =	swait.ge [sflag:s7], $0x2800  }
0xbc: {  	s4 =	sadd.s32 $0x0, s24;
	[sflag:s7] =	ssyncset.done $0x0  }
0xbd: {  	s15 =	sadd.s32 $0xF00, s4;
	[sflag:s7] =	ssyncadd.s32 $0xFFFFD800  }
0xbe: {  	[tilespmem:s8], [sflag:$0x1] =	stream.linear.gather [hbm4b:s15+s21], $0x2800, $0x38;
	[tilespmem:$0x1F080] =	vst v63  }
0xbf: {  	_ =	swait.ge [sflag:s13], $0x2800  }
0xc0: {  	[sflag:s13] =	ssyncset.done $0x0  }
0xc1: {  	s16 =	simm.s32 $0x80;
	[sflag:s13] =	ssyncadd.s32 $0xFFFFD800  }
0xc2: {  	[spmem:s26] =	stream.indirect.scatter.add.f32 [tilespmem:s9], [sflag:$0x4], $0x80, s16, s12, $0xb8;
	[tilespmem:$0x1F080] =	vst v63  }
0xc3: {  	_ =	swait.ge [sflag:s7], $0x2800  }
0xc4: {  	[sflag:s7] =	ssyncset.done $0x0  }
0xc5: {  	s15 =	sadd.s32 $0x1400, s4;
	[sflag:s7] =	ssyncadd.s32 $0xFFFFD800  }
0xc6: {  	[tilespmem:s9], [sflag:$0x2] =	stream.linear.gather [hbm4b:s15+s21], $0x2800, $0x38;
	[tilespmem:$0x1F080] =	vst v63  }
0xc7: {  	_ =	swait.ge [sflag:s14], $0x2800  }
0xc8: {  	[sflag:s14] =	ssyncset.done $0x0  }
0xc9: {  	s16 =	simm.s32 $0x100;
	[sflag:s14] =	ssyncadd.s32 $0xFFFFD800  }
0xca: {  	[spmem:s26] =	stream.indirect.scatter.add.f32 [tilespmem:s10], [sflag:$0x4], $0x80, s16, s12, $0xb8;
	[tilespmem:$0x1F080] =	vst v63  }
0xcb: {  	s17 =	simm.s32 $0x3C00;
	_ =	swait.ge [sflag:s7], $0x2800  }
0xcc: {  	s18 =	simm.s32 $0x3C80;
	s3 =	simm.s32 $0xF00;
	[sflag:s7] =	ssyncset.done $0x0  }
0xcd: {  	s15 =	sadd.s32 $0x1900, s4;
	s4 =	simm.s32 $0x280;
	[sflag:s7] =	ssyncadd.s32 $0xFFFFD800  }
.LBB2_4:
0xce: {  	[tilespmem:s10], [sflag:$0x3] =	stream.linear.gather [hbm4b:s15+s21], $0x2800, $0x38;
	[tilespmem:$0x1F080] =	vst v63  }
0xcf: {  	s15 =	smov.u32 s3  }
0xd0: {  	p1 =	sne.s32 s3, $0x24900;
	s3 =	sadd.s32 $0xF00, s3;
	_ =	swait.ge [sflag:s11], $0x2800  }
0xd1: {  	[sflag:s11] =	ssyncset.done $0x0  }
0xd2: {  	s16 =	sadd.s32 $0xFFFFFF00, s4;
	[sflag:s11] =	ssyncadd.s32 $0xFFFFD800  }
0xd3: {  	[spmem:s26] =	stream.indirect.scatter.add.f32 [tilespmem:s8], [sflag:$0x4], $0x80, s16, s12, $0xb8;
	[tilespmem:$0x1F080] =	vst v63  }
0xd4: {  	_ =	swait.ge [sflag:s7], $0x2800  }
0xd5: {  	s15 =	sadd.s32 s15, s24;
	[sflag:s7] =	ssyncset.done $0x0  }
0xd6: {  	s16 =	sadd.s32 $0xF00, s15;
	[sflag:s7] =	ssyncadd.s32 $0xFFFFD800  }
0xd7: {  	[tilespmem:s8], [sflag:$0x1] =	stream.linear.gather [hbm4b:s16+s21], $0x2800, $0x38;
	[tilespmem:$0x1F080] =	vst v63  }
0xd8: {  	_ =	swait.ge [sflag:s13], $0x2800  }
0xd9: {  	[sflag:s13] =	ssyncset.done $0x0  }
0xda: {  	s16 =	sadd.s32 $0xFFFFFF80, s4;
	[sflag:s13] =	ssyncadd.s32 $0xFFFFD800  }
0xdb: {  	[spmem:s26] =	stream.indirect.scatter.add.f32 [tilespmem:s9], [sflag:$0x4], $0x80, s16, s12, $0xb8;
	[tilespmem:$0x1F080] =	vst v63  }
0xdc: {  	_ =	swait.ge [sflag:s7], $0x2800  }
0xdd: {  	[sflag:s7] =	ssyncset.done $0x0  }
0xde: {  	s16 =	sadd.s32 $0x1400, s15;
	[sflag:s7] =	ssyncadd.s32 $0xFFFFD800  }
0xdf: {  	[tilespmem:s9], [sflag:$0x2] =	stream.linear.gather [hbm4b:s16+s21], $0x2800, $0x38;
	[tilespmem:$0x1F080] =	vst v63  }
0xe0: {  	_ =	swait.ge [sflag:s14], $0x2800  }
0xe1: {  	[sflag:s14] =	ssyncset.done $0x0  }
.Ltmp1:
0xe2: {  	[sflag:s14] =	ssyncadd.s32 $0xFFFFD800;
	(pc) =	sbr.rel @p1 .LBB2_4-.Ltmp1, $4  }
0xe3: {  	[spmem:s26] =	stream.indirect.scatter.add.f32 [tilespmem:s10], [sflag:$0x4], $0x80, s4, s12, $0xb8;
	[tilespmem:$0x1F080] =	vst v63  }
0xe4: {  	_ =	swait.ge [sflag:s7], $0x2800  }
0xe5: {  	[sflag:s7] =	ssyncset.done $0x0  }
0xe6: {  	s15 =	sadd.s32 $0x1900, s15;
	s4 =	sadd.s32 $0x180, s4;
	[sflag:s7] =	ssyncadd.s32 $0xFFFFD800  }
0xe7: {  	[tilespmem:s10], [sflag:$0x3] =	stream.linear.gather [hbm4b:s15+s21], $0x2800, $0x38;
	[tilespmem:$0x1F080] =	vst v63  }
0xe8: {  	_ =	swait.ge [sflag:s11], $0x2800  }
0xe9: {  	[sflag:s11] =	ssyncset.done $0x0  }
0xea: {  	[sflag:s11] =	ssyncadd.s32 $0xFFFFD800  }
0xeb: {  	[spmem:s26] =	stream.indirect.scatter.add.f32 [tilespmem:s8], [sflag:$0x4], $0x80, s17, s12, $0xb8;
	[tilespmem:$0x1F080] =	vst v63  }
0xec: {  	_ =	swait.ge [sflag:s7], $0x2800  }
0xed: {  	[sflag:s7] =	ssyncset.done $0x0  }
0xee: {  	s3 =	rddreg [dreg:$0xb];
	[sflag:s7] =	ssyncadd.s32 $0xFFFFD800  }
0xef: {  	[tilespmem:s8], [sflag:$0x1] =	stream.linear.gather [hbm4b:s3+s21], $0x2800, $0x38;
	[tilespmem:$0x1F080] =	vst v63  }
0xf0: {  	_ =	swait.ge [sflag:s13], $0x2800  }
0xf1: {  	[sflag:s13] =	ssyncset.done $0x0  }
0xf2: {  	[sflag:s13] =	ssyncadd.s32 $0xFFFFD800  }
0xf3: {  	[spmem:s26] =	stream.indirect.scatter.add.f32 [tilespmem:s9], [sflag:$0x4], $0x80, s18, s12, $0xb8;
	[tilespmem:$0x1F080] =	vst v63  }
0xf4: {  	_ =	swait.ge [sflag:s7], $0x2800  }
0xf5: {  	[sflag:s7] =	ssyncset.done $0x0  }
0xf6: {  	s4 =	rddreg [dreg:$0x15];
	[sflag:s7] =	ssyncadd.s32 $0xFFFFD800  }
0xf7: {  	[tilespmem:s9], [sflag:$0x2] =	stream.linear.gather [hbm4b:s4+s21], $0x2800, $0x38;
	[tilespmem:$0x1F080] =	vst v63  }
0xf8: {  	_ =	swait.ge [sflag:s14], $0x2800  }
0xf9: {  	[sflag:s14] =	ssyncset.done $0x0  }
0xfa: {  	s17 =	simm.s32 $0x3D00;
	[sflag:s14] =	ssyncadd.s32 $0xFFFFD800  }
0xfb: {  	[spmem:s26] =	stream.indirect.scatter.add.f32 [tilespmem:s10], [sflag:$0x4], $0x80, s17, s12, $0xb8;
	[tilespmem:$0x1F080] =	vst v63  }
0xfc: {  	_ =	swait.ge [sflag:s7], $0x2800  }
0xfd: {  	[sflag:s7] =	ssyncset.done $0x0  }
0xfe: {  	[sflag:s7] =	ssyncadd.s32 $0xFFFFD800  }
0xff: {  	_ =	swait.ge [sflag:s11], $0x2800  }
0x100: {  	[sflag:s11] =	ssyncset.done $0x0  }
0x101: {  	[sflag:s11] =	ssyncadd.s32 $0xFFFFD800  }
0x102: {  	[spmem:s26] =	stream.indirect.scatter.add.f32 [tilespmem:s8], [sflag:$0x4], $0x80, s19, s12, $0xb8;
	[tilespmem:$0x1F080] =	vst v63  }
0x103: {  	_ =	swait.ge [sflag:s7], $0x2800  }
0x104: {  	[sflag:s7] =	ssyncset.done $0x0  }
0x105: {  	[sflag:s7] =	ssyncadd.s32 $0xFFFFD800  }
0x106: {  	_ =	swait.ge [sflag:s13], $0x2800  }
0x107: {  	[sflag:s13] =	ssyncset.done $0x0  }
0x108: {  	s18 =	simm.s32 $0x3E00;
	[sflag:s13] =	ssyncadd.s32 $0xFFFFD800  }
0x109: {  	[spmem:s26] =	stream.indirect.scatter.add.f32 [tilespmem:s9], [sflag:$0x4], $0x80, s18, s12, $0xb8;
	[tilespmem:$0x1F080] =	vst v63  }
0x10a: {  	_ =	swait.ge [sflag:s7], $0x2800  }
0x10b: {  	[sflag:s7] =	ssyncset.done $0x0  }
0x10c: {  	[sflag:s7] =	ssyncadd.s32 $0xFFFFD800  }
0x10d: {  	[bflag:$0x0] =	sbarrier.arrive $0xFFFF  }
0x10e: {  	s4 =	rddreg [dreg:$0x1a]  }
0x10f: {  	s15 =	sadd.s32 s29, s4  }
0x110: {  	[hbm:s15], [sflag:s30] =	dma.local [spmem:s5], $0x2700  }
0x111: {  	_ =	swait.ge [sflag:s7], $0x2700  }
0x112: {  	[sflag:s7] =	ssyncset.done $0x0  }
0x113: {  	[sflag:s7] =	ssyncadd.s32 $0xFFFFD900  }
0x114: {  	s3 =	simm.s32 @p0 $0x4;
	[bflag:$0x0] =	sbarrier.arrive @p0 $0xFFFF  }
0x115: {  	[spmem:s1], [sflag:s30] =	dma.local @p0 [hbm:s23], $0x2700  }
0x116: {  	_ =	swait.ge @p0 [sflag:s3], $0x2700  }
0x117: {  	[sflag:s3] =	ssyncset.done @p0 $0x0  }
0x118: {  	[sflag:s3] =	ssyncadd.s32 @p0 $0xFFFFD900;
	s3 =	sadd.s32 @!p0 $0x27000, s4  }
0x119: {  	[hbm:s3], [sflag:s30] =	dma.local @!p0 [spmem:s6], $0x100  }
0x11a: {  	s3 =	simm.s32 @!p0 $0x4  }
0x11b: {  	_ =	swait.ge @!p0 [sflag:s3], $0x100  }
0x11c: {  	[sflag:s3] =	ssyncset.done @!p0 $0x0  }
0x11d: {  	[sflag:s3] =	ssyncadd.s32 @!p0 $0xFFFFFF00  }
0x11e: {  	[bflag:$0x0] =	sbarrier.arrive @!p0 $0xFFFF  }
0x11f: {  	[spmem:s2], [sflag:s30] =	dma.local @!p0 [hbm:s23], $0x2700  }
0x120: {  	_ =	swait.ge @!p0 [sflag:s3], $0x2700  }
0x121: {  	[sflag:s3] =	ssyncset.done @!p0 $0x0  }
0x122: {  	[sflag:s3] =	ssyncadd.s32 @!p0 $0xFFFFD900  }
0x123: {  	[spmem:s6], [sflag:s30] =	dma.local @!p0 [hbm:s0], $0x100  }
0x124: {  	_ =	swait.ge @!p0 [sflag:s3], $0x100  }
0x125: {  	[sflag:s3] =	ssyncset.done @!p0 $0x0  }
0x126: {  	[sflag:s3] =	ssyncadd.s32 @!p0 $0xFFFFFF00  }
0x127: {  	[bflag:$0x0] =	sbarrier.arrive $0xFFFF  }
0x128: {  	s3 =	simm.s32 $0x0;
	s16 =	rddreg [dreg:$0xc]  }
0x129: {  	[tilespmem:s8], [sflag:$0x1] =	stream.linear.gather [hbm4b:s16+s3], $0x2800, $0x38;
	[tilespmem:$0x1F080] =	vst v63  }
0x12a: {  	s15 =	rddreg [dreg:$0xd]  }
0x12b: {  	[tilespmem:s9], [sflag:$0x2] =	stream.linear.gather [hbm4b:s15+s3], $0x2800, $0x38;
	[tilespmem:$0x1F080] =	vst v63  }
0x12c: {  	s16 =	rddreg [dreg:$0xe]  }
0x12d: {  	[tilespmem:s10], [sflag:$0x3] =	stream.linear.gather [hbm4b:s16+s3], $0x2800, $0x38;
	[tilespmem:$0x1F080] =	vst v63  }
0x12e: {  	_ =	swait.ge [sflag:s11], $0x2800  }
0x12f: {  	[sflag:s11] =	ssyncset.done $0x0  }
0x130: {  	s4 =	simm.s32 $0x0;
	[sflag:s11] =	ssyncadd.s32 $0xFFFFD800  }
0x131: {  	[spmem:s26] =	stream.indirect.scatter.add.f32 [tilespmem:s8], [sflag:$0x4], $0x80, s4, s12, $0xb8;
	[tilespmem:$0x1F080] =	vst v63  }
0x132: {  	_ =	swait.ge [sflag:s7], $0x2800  }
0x133: {  	s4 =	sadd.s32 $0x0, s25;
	[sflag:s7] =	ssyncset.done $0x0  }
0x134: {  	s15 =	sadd.s32 $0xF00, s4;
	[sflag:s7] =	ssyncadd.s32 $0xFFFFD800  }
0x135: {  	[tilespmem:s8], [sflag:$0x1] =	stream.linear.gather [hbm4b:s15+s21], $0x2800, $0x38;
	[tilespmem:$0x1F080] =	vst v63  }
0x136: {  	_ =	swait.ge [sflag:s13], $0x2800  }
0x137: {  	[sflag:s13] =	ssyncset.done $0x0  }
0x138: {  	s16 =	simm.s32 $0x80;
	[sflag:s13] =	ssyncadd.s32 $0xFFFFD800  }
0x139: {  	[spmem:s26] =	stream.indirect.scatter.add.f32 [tilespmem:s9], [sflag:$0x4], $0x80, s16, s12, $0xb8;
	[tilespmem:$0x1F080] =	vst v63  }
0x13a: {  	_ =	swait.ge [sflag:s7], $0x2800  }
0x13b: {  	[sflag:s7] =	ssyncset.done $0x0  }
0x13c: {  	s15 =	sadd.s32 $0x1400, s4;
	[sflag:s7] =	ssyncadd.s32 $0xFFFFD800  }
0x13d: {  	[tilespmem:s9], [sflag:$0x2] =	stream.linear.gather [hbm4b:s15+s21], $0x2800, $0x38;
	[tilespmem:$0x1F080] =	vst v63  }
0x13e: {  	_ =	swait.ge [sflag:s14], $0x2800  }
0x13f: {  	[sflag:s14] =	ssyncset.done $0x0  }
0x140: {  	s16 =	simm.s32 $0x100;
	[sflag:s14] =	ssyncadd.s32 $0xFFFFD800  }
0x141: {  	[spmem:s26] =	stream.indirect.scatter.add.f32 [tilespmem:s10], [sflag:$0x4], $0x80, s16, s12, $0xb8;
	[tilespmem:$0x1F080] =	vst v63  }
0x142: {  	_ =	swait.ge [sflag:s7], $0x2800  }
0x143: {  	s3 =	simm.s32 $0xF00;
	[sflag:s7] =	ssyncset.done $0x0  }
0x144: {  	s15 =	sadd.s32 $0x1900, s4;
	s4 =	simm.s32 $0x280;
	[sflag:s7] =	ssyncadd.s32 $0xFFFFD800  }
.LBB2_6:
0x145: {  	[tilespmem:s10], [sflag:$0x3] =	stream.linear.gather [hbm4b:s15+s21], $0x2800, $0x38;
	[tilespmem:$0x1F080] =	vst v63  }
0x146: {  	s15 =	smov.u32 s3  }
0x147: {  	p1 =	sne.s32 s3, $0x24900;
	s3 =	sadd.s32 $0xF00, s3;
	_ =	swait.ge [sflag:s11], $0x2800  }
0x148: {  	[sflag:s11] =	ssyncset.done $0x0  }
0x149: {  	s16 =	sadd.s32 $0xFFFFFF00, s4;
	[sflag:s11] =	ssyncadd.s32 $0xFFFFD800  }
0x14a: {  	[spmem:s26] =	stream.indirect.scatter.add.f32 [tilespmem:s8], [sflag:$0x4], $0x80, s16, s12, $0xb8;
	[tilespmem:$0x1F080] =	vst v63  }
0x14b: {  	_ =	swait.ge [sflag:s7], $0x2800  }
0x14c: {  	s15 =	sadd.s32 s15, s25;
	[sflag:s7] =	ssyncset.done $0x0  }
0x14d: {  	s16 =	sadd.s32 $0xF00, s15;
	[sflag:s7] =	ssyncadd.s32 $0xFFFFD800  }
0x14e: {  	[tilespmem:s8], [sflag:$0x1] =	stream.linear.gather [hbm4b:s16+s21], $0x2800, $0x38;
	[tilespmem:$0x1F080] =	vst v63  }
0x14f: {  	_ =	swait.ge [sflag:s13], $0x2800  }
0x150: {  	[sflag:s13] =	ssyncset.done $0x0  }
0x151: {  	s16 =	sadd.s32 $0xFFFFFF80, s4;
	[sflag:s13] =	ssyncadd.s32 $0xFFFFD800  }
0x152: {  	[spmem:s26] =	stream.indirect.scatter.add.f32 [tilespmem:s9], [sflag:$0x4], $0x80, s16, s12, $0xb8;
	[tilespmem:$0x1F080] =	vst v63  }
0x153: {  	_ =	swait.ge [sflag:s7], $0x2800  }
0x154: {  	[sflag:s7] =	ssyncset.done $0x0  }
0x155: {  	s16 =	sadd.s32 $0x1400, s15;
	[sflag:s7] =	ssyncadd.s32 $0xFFFFD800  }
0x156: {  	[tilespmem:s9], [sflag:$0x2] =	stream.linear.gather [hbm4b:s16+s21], $0x2800, $0x38;
	[tilespmem:$0x1F080] =	vst v63  }
0x157: {  	_ =	swait.ge [sflag:s14], $0x2800  }
0x158: {  	[sflag:s14] =	ssyncset.done $0x0  }
.Ltmp2:
0x159: {  	[sflag:s14] =	ssyncadd.s32 $0xFFFFD800;
	(pc) =	sbr.rel @p1 .LBB2_6-.Ltmp2, $4  }
0x15a: {  	[spmem:s26] =	stream.indirect.scatter.add.f32 [tilespmem:s10], [sflag:$0x4], $0x80, s4, s12, $0xb8;
	[tilespmem:$0x1F080] =	vst v63  }
0x15b: {  	_ =	swait.ge [sflag:s7], $0x2800  }
0x15c: {  	[sflag:s7] =	ssyncset.done $0x0  }
0x15d: {  	s15 =	sadd.s32 $0x1900, s15;
	s4 =	sadd.s32 $0x180, s4;
	[sflag:s7] =	ssyncadd.s32 $0xFFFFD800  }
0x15e: {  	[tilespmem:s10], [sflag:$0x3] =	stream.linear.gather [hbm4b:s15+s21], $0x2800, $0x38;
	[tilespmem:$0x1F080] =	vst v63  }
0x15f: {  	_ =	swait.ge [sflag:s11], $0x2800  }
0x160: {  	[sflag:s11] =	ssyncset.done $0x0  }
0x161: {  	s15 =	simm.s32 $0x3C00;
	[sflag:s11] =	ssyncadd.s32 $0xFFFFD800  }
0x162: {  	[spmem:s26] =	stream.indirect.scatter.add.f32 [tilespmem:s8], [sflag:$0x4], $0x80, s15, s12, $0xb8;
	[tilespmem:$0x1F080] =	vst v63  }
0x163: {  	_ =	swait.ge [sflag:s7], $0x2800  }
0x164: {  	[sflag:s7] =	ssyncset.done $0x0  }
0x165: {  	s3 =	rddreg [dreg:$0xf];
	[sflag:s7] =	ssyncadd.s32 $0xFFFFD800  }
0x166: {  	[tilespmem:s8], [sflag:$0x1] =	stream.linear.gather [hbm4b:s3+s21], $0x2800, $0x38;
	[tilespmem:$0x1F080] =	vst v63  }
0x167: {  	_ =	swait.ge [sflag:s13], $0x2800  }
0x168: {  	[sflag:s13] =	ssyncset.done $0x0  }
0x169: {  	s16 =	simm.s32 $0x3C80;
	[sflag:s13] =	ssyncadd.s32 $0xFFFFD800  }
0x16a: {  	[spmem:s26] =	stream.indirect.scatter.add.f32 [tilespmem:s9], [sflag:$0x4], $0x80, s16, s12, $0xb8;
	[tilespmem:$0x1F080] =	vst v63  }
0x16b: {  	_ =	swait.ge [sflag:s7], $0x2800  }
0x16c: {  	[sflag:s7] =	ssyncset.done $0x0  }
0x16d: {  	s4 =	rddreg [dreg:$0x16];
	[sflag:s7] =	ssyncadd.s32 $0xFFFFD800  }
0x16e: {  	[tilespmem:s9], [sflag:$0x2] =	stream.linear.gather [hbm4b:s4+s21], $0x2800, $0x38;
	[tilespmem:$0x1F080] =	vst v63  }
0x16f: {  	_ =	swait.ge [sflag:s14], $0x2800  }
0x170: {  	[sflag:s14] =	ssyncset.done $0x0  }
0x171: {  	[sflag:s14] =	ssyncadd.s32 $0xFFFFD800  }
0x172: {  	[spmem:s26] =	stream.indirect.scatter.add.f32 [tilespmem:s10], [sflag:$0x4], $0x80, s17, s12, $0xb8;
	[tilespmem:$0x1F080] =	vst v63  }
0x173: {  	_ =	swait.ge [sflag:s7], $0x2800  }
0x174: {  	[sflag:s7] =	ssyncset.done $0x0  }
0x175: {  	[sflag:s7] =	ssyncadd.s32 $0xFFFFD800  }
0x176: {  	_ =	swait.ge [sflag:s11], $0x2800  }
0x177: {  	[sflag:s11] =	ssyncset.done $0x0  }
0x178: {  	[sflag:s11] =	ssyncadd.s32 $0xFFFFD800  }
0x179: {  	[spmem:s26] =	stream.indirect.scatter.add.f32 [tilespmem:s8], [sflag:$0x4], $0x80, s19, s12, $0xb8;
	[tilespmem:$0x1F080] =	vst v63  }
0x17a: {  	_ =	swait.ge [sflag:s7], $0x2800  }
0x17b: {  	[sflag:s7] =	ssyncset.done $0x0  }
0x17c: {  	[sflag:s7] =	ssyncadd.s32 $0xFFFFD800  }
0x17d: {  	_ =	swait.ge [sflag:s13], $0x2800  }
0x17e: {  	[sflag:s13] =	ssyncset.done $0x0  }
0x17f: {  	[sflag:s13] =	ssyncadd.s32 $0xFFFFD800  }
0x180: {  	[spmem:s26] =	stream.indirect.scatter.add.f32 [tilespmem:s9], [sflag:$0x4], $0x80, s18, s12, $0xb8;
	[tilespmem:$0x1F080] =	vst v63  }
0x181: {  	_ =	swait.ge [sflag:s7], $0x2800  }
0x182: {  	[sflag:s7] =	ssyncset.done $0x0  }
0x183: {  	[sflag:s7] =	ssyncadd.s32 $0xFFFFD800  }
0x184: {  	[bflag:$0x0] =	sbarrier.arrive $0xFFFF  }
0x185: {  	s4 =	rddreg [dreg:$0x1b]  }
0x186: {  	s3 =	sadd.s32 s29, s4  }
0x187: {  	[hbm:s3], [sflag:s30] =	dma.local [spmem:s5], $0x2700  }
0x188: {  	_ =	swait.ge [sflag:s7], $0x2700  }
0x189: {  	[sflag:s7] =	ssyncset.done $0x0  }
0x18a: {  	[sflag:s7] =	ssyncadd.s32 $0xFFFFD900  }
0x18b: {  	[bflag:$0x0] =	sbarrier.arrive @p0 $0xFFFF  }
0x18c: {  	[spmem:s1], [sflag:s30] =	dma.local @p0 [hbm:s23], $0x2700  }
0x18d: {  	s1 =	simm.s32 @p0 $0x4  }
0x18e: {  	_ =	swait.ge @p0 [sflag:s1], $0x2700  }
0x18f: {  	[sflag:s1] =	ssyncset.done @p0 $0x0  }
0x190: {  	[sflag:s1] =	ssyncadd.s32 @p0 $0xFFFFD900;
	s1 =	sadd.s32 @!p0 $0x27000, s4  }
0x191: {  	[hbm:s1], [sflag:s30] =	dma.local @!p0 [spmem:s6], $0x100  }
0x192: {  	s1 =	simm.s32 @!p0 $0x4  }
0x193: {  	_ =	swait.ge @!p0 [sflag:s1], $0x100  }
0x194: {  	[sflag:s1] =	ssyncset.done @!p0 $0x0  }
0x195: {  	[sflag:s1] =	ssyncadd.s32 @!p0 $0xFFFFFF00  }
0x196: {  	[bflag:$0x0] =	sbarrier.arrive @!p0 $0xFFFF  }
0x197: {  	[spmem:s2], [sflag:s30] =	dma.local @!p0 [hbm:s23], $0x2700  }
0x198: {  	_ =	swait.ge @!p0 [sflag:s1], $0x2700  }
0x199: {  	[sflag:s1] =	ssyncset.done @!p0 $0x0  }
0x19a: {  	[sflag:s1] =	ssyncadd.s32 @!p0 $0xFFFFD900  }
0x19b: {  	[spmem:s6], [sflag:s30] =	dma.local @!p0 [hbm:s0], $0x100  }
0x19c: {  	_ =	swait.ge @!p0 [sflag:s1], $0x100  }
0x19d: {  	[sflag:s1] =	ssyncset.done @!p0 $0x0  }
0x19e: {  	[sflag:s1] =	ssyncadd.s32 @!p0 $0xFFFFFF00  }
0x19f: {  	[bflag:$0x0] =	sbarrier.arrive $0xFFFF  }
0x1a0: {  	s1 =	simm.s32 $0x0;
	s4 =	rddreg [dreg:$0x10]  }
0x1a1: {  	[tilespmem:s8], [sflag:$0x1] =	stream.linear.gather [hbm4b:s4+s1], $0x2800, $0x38;
	[tilespmem:$0x1F080] =	vst v63  }
0x1a2: {  	s3 =	rddreg [dreg:$0x11]  }
0x1a3: {  	[tilespmem:s9], [sflag:$0x2] =	stream.linear.gather [hbm4b:s3+s1], $0x2800, $0x38;
	[tilespmem:$0x1F080] =	vst v63  }
0x1a4: {  	s4 =	rddreg [dreg:$0x12]  }
0x1a5: {  	[tilespmem:s10], [sflag:$0x3] =	stream.linear.gather [hbm4b:s4+s1], $0x2800, $0x38;
	[tilespmem:$0x1F080] =	vst v63  }
0x1a6: {  	_ =	swait.ge [sflag:s11], $0x2800  }
0x1a7: {  	[sflag:s11] =	ssyncset.done $0x0  }
0x1a8: {  	s2 =	simm.s32 $0x0;
	[sflag:s11] =	ssyncadd.s32 $0xFFFFD800  }
0x1a9: {  	[spmem:s26] =	stream.indirect.scatter.add.f32 [tilespmem:s8], [sflag:$0x4], $0x80, s2, s12, $0xb8;
	[tilespmem:$0x1F080] =	vst v63  }
0x1aa: {  	_ =	swait.ge [sflag:s7], $0x2800  }
0x1ab: {  	s2 =	sadd.s32 $0x0, s28;
	[sflag:s7] =	ssyncset.done $0x0  }
0x1ac: {  	s3 =	sadd.s32 $0xF00, s2;
	[sflag:s7] =	ssyncadd.s32 $0xFFFFD800  }
0x1ad: {  	[tilespmem:s8], [sflag:$0x1] =	stream.linear.gather [hbm4b:s3+s21], $0x2800, $0x38;
	[tilespmem:$0x1F080] =	vst v63  }
0x1ae: {  	_ =	swait.ge [sflag:s13], $0x2800  }
0x1af: {  	[sflag:s13] =	ssyncset.done $0x0  }
0x1b0: {  	s4 =	simm.s32 $0x80;
	[sflag:s13] =	ssyncadd.s32 $0xFFFFD800  }
0x1b1: {  	[spmem:s26] =	stream.indirect.scatter.add.f32 [tilespmem:s9], [sflag:$0x4], $0x80, s4, s12, $0xb8;
	[tilespmem:$0x1F080] =	vst v63  }
0x1b2: {  	_ =	swait.ge [sflag:s7], $0x2800  }
0x1b3: {  	[sflag:s7] =	ssyncset.done $0x0  }
0x1b4: {  	s3 =	sadd.s32 $0x1400, s2;
	[sflag:s7] =	ssyncadd.s32 $0xFFFFD800  }
0x1b5: {  	[tilespmem:s9], [sflag:$0x2] =	stream.linear.gather [hbm4b:s3+s21], $0x2800, $0x38;
	[tilespmem:$0x1F080] =	vst v63  }
0x1b6: {  	_ =	swait.ge [sflag:s14], $0x2800  }
0x1b7: {  	[sflag:s14] =	ssyncset.done $0x0  }
0x1b8: {  	s4 =	simm.s32 $0x100;
	[sflag:s14] =	ssyncadd.s32 $0xFFFFD800  }
0x1b9: {  	[spmem:s26] =	stream.indirect.scatter.add.f32 [tilespmem:s10], [sflag:$0x4], $0x80, s4, s12, $0xb8;
	[tilespmem:$0x1F080] =	vst v63  }
0x1ba: {  	_ =	swait.ge [sflag:s7], $0x2800  }
0x1bb: {  	s1 =	simm.s32 $0xF00;
	[sflag:s7] =	ssyncset.done $0x0  }
0x1bc: {  	s3 =	sadd.s32 $0x1900, s2;
	s2 =	simm.s32 $0x280;
	[sflag:s7] =	ssyncadd.s32 $0xFFFFD800  }
.LBB2_8:
0x1bd: {  	[tilespmem:s10], [sflag:$0x3] =	stream.linear.gather [hbm4b:s3+s21], $0x2800, $0x38;
	[tilespmem:$0x1F080] =	vst v63  }
0x1be: {  	s3 =	smov.u32 s1  }
0x1bf: {  	p1 =	sne.s32 s1, $0x24900;
	s1 =	sadd.s32 $0xF00, s1;
	_ =	swait.ge [sflag:s11], $0x2800  }
0x1c0: {  	[sflag:s11] =	ssyncset.done $0x0  }
0x1c1: {  	s4 =	sadd.s32 $0xFFFFFF00, s2;
	[sflag:s11] =	ssyncadd.s32 $0xFFFFD800  }
0x1c2: {  	[spmem:s26] =	stream.indirect.scatter.add.f32 [tilespmem:s8], [sflag:$0x4], $0x80, s4, s12, $0xb8;
	[tilespmem:$0x1F080] =	vst v63  }
0x1c3: {  	_ =	swait.ge [sflag:s7], $0x2800  }
0x1c4: {  	s3 =	sadd.s32 s3, s28;
	[sflag:s7] =	ssyncset.done $0x0  }
0x1c5: {  	s4 =	sadd.s32 $0xF00, s3;
	[sflag:s7] =	ssyncadd.s32 $0xFFFFD800  }
0x1c6: {  	[tilespmem:s8], [sflag:$0x1] =	stream.linear.gather [hbm4b:s4+s21], $0x2800, $0x38;
	[tilespmem:$0x1F080] =	vst v63  }
0x1c7: {  	_ =	swait.ge [sflag:s13], $0x2800  }
0x1c8: {  	[sflag:s13] =	ssyncset.done $0x0  }
0x1c9: {  	s4 =	sadd.s32 $0xFFFFFF80, s2;
	[sflag:s13] =	ssyncadd.s32 $0xFFFFD800  }
0x1ca: {  	[spmem:s26] =	stream.indirect.scatter.add.f32 [tilespmem:s9], [sflag:$0x4], $0x80, s4, s12, $0xb8;
	[tilespmem:$0x1F080] =	vst v63  }
0x1cb: {  	_ =	swait.ge [sflag:s7], $0x2800  }
0x1cc: {  	[sflag:s7] =	ssyncset.done $0x0  }
0x1cd: {  	s4 =	sadd.s32 $0x1400, s3;
	[sflag:s7] =	ssyncadd.s32 $0xFFFFD800  }
0x1ce: {  	[tilespmem:s9], [sflag:$0x2] =	stream.linear.gather [hbm4b:s4+s21], $0x2800, $0x38;
	[tilespmem:$0x1F080] =	vst v63  }
0x1cf: {  	_ =	swait.ge [sflag:s14], $0x2800  }
0x1d0: {  	[sflag:s14] =	ssyncset.done $0x0  }
.Ltmp3:
0x1d1: {  	[sflag:s14] =	ssyncadd.s32 $0xFFFFD800;
	(pc) =	sbr.rel @p1 .LBB2_8-.Ltmp3, $4  }
0x1d2: {  	[spmem:s26] =	stream.indirect.scatter.add.f32 [tilespmem:s10], [sflag:$0x4], $0x80, s2, s12, $0xb8;
	[tilespmem:$0x1F080] =	vst v63  }
0x1d3: {  	_ =	swait.ge [sflag:s7], $0x2800  }
0x1d4: {  	[sflag:s7] =	ssyncset.done $0x0  }
0x1d5: {  	s3 =	sadd.s32 $0x1900, s3;
	s2 =	sadd.s32 $0x180, s2;
	[sflag:s7] =	ssyncadd.s32 $0xFFFFD800  }
0x1d6: {  	[tilespmem:s10], [sflag:$0x3] =	stream.linear.gather [hbm4b:s3+s21], $0x2800, $0x38;
	[tilespmem:$0x1F080] =	vst v63  }
0x1d7: {  	_ =	swait.ge [sflag:s11], $0x2800  }
0x1d8: {  	[sflag:s11] =	ssyncset.done $0x0  }
0x1d9: {  	[sflag:s11] =	ssyncadd.s32 $0xFFFFD800  }
0x1da: {  	[spmem:s26] =	stream.indirect.scatter.add.f32 [tilespmem:s8], [sflag:$0x4], $0x80, s15, s12, $0xb8;
	[tilespmem:$0x1F080] =	vst v63  }
0x1db: {  	_ =	swait.ge [sflag:s7], $0x2800  }
0x1dc: {  	[sflag:s7] =	ssyncset.done $0x0  }
0x1dd: {  	s1 =	rddreg [dreg:$0x13];
	[sflag:s7] =	ssyncadd.s32 $0xFFFFD800  }
0x1de: {  	[tilespmem:s8], [sflag:$0x1] =	stream.linear.gather [hbm4b:s1+s21], $0x2800, $0x38;
	[tilespmem:$0x1F080] =	vst v63  }
0x1df: {  	_ =	swait.ge [sflag:s13], $0x2800  }
0x1e0: {  	[sflag:s13] =	ssyncset.done $0x0  }
0x1e1: {  	[sflag:s13] =	ssyncadd.s32 $0xFFFFD800  }
0x1e2: {  	[spmem:s26] =	stream.indirect.scatter.add.f32 [tilespmem:s9], [sflag:$0x4], $0x80, s16, s12, $0xb8;
	[tilespmem:$0x1F080] =	vst v63  }
0x1e3: {  	_ =	swait.ge [sflag:s7], $0x2800  }
0x1e4: {  	[sflag:s7] =	ssyncset.done $0x0  }
0x1e5: {  	s4 =	rddreg [dreg:$0x17];
	[sflag:s7] =	ssyncadd.s32 $0xFFFFD800  }
0x1e6: {  	[tilespmem:s9], [sflag:$0x2] =	stream.linear.gather [hbm4b:s4+s21], $0x2800, $0x38;
	[tilespmem:$0x1F080] =	vst v63  }
0x1e7: {  	_ =	swait.ge [sflag:s14], $0x2800  }
0x1e8: {  	[sflag:s14] =	ssyncset.done $0x0  }
0x1e9: {  	[sflag:s14] =	ssyncadd.s32 $0xFFFFD800  }
0x1ea: {  	[spmem:s26] =	stream.indirect.scatter.add.f32 [tilespmem:s10], [sflag:$0x4], $0x80, s17, s12, $0xb8;
	[tilespmem:$0x1F080] =	vst v63  }
0x1eb: {  	_ =	swait.ge [sflag:s7], $0x2800  }
0x1ec: {  	[sflag:s7] =	ssyncset.done $0x0  }
0x1ed: {  	[sflag:s7] =	ssyncadd.s32 $0xFFFFD800  }
0x1ee: {  	_ =	swait.ge [sflag:s11], $0x2800  }
0x1ef: {  	[sflag:s11] =	ssyncset.done $0x0  }
0x1f0: {  	[sflag:s11] =	ssyncadd.s32 $0xFFFFD800  }
0x1f1: {  	[spmem:s26] =	stream.indirect.scatter.add.f32 [tilespmem:s8], [sflag:$0x4], $0x80, s19, s12, $0xb8;
	[tilespmem:$0x1F080] =	vst v63  }
0x1f2: {  	_ =	swait.ge [sflag:s7], $0x2800  }
0x1f3: {  	[sflag:s7] =	ssyncset.done $0x0  }
0x1f4: {  	[sflag:s7] =	ssyncadd.s32 $0xFFFFD800  }
0x1f5: {  	_ =	swait.ge [sflag:s13], $0x2800  }
0x1f6: {  	[sflag:s13] =	ssyncset.done $0x0  }
0x1f7: {  	[sflag:s13] =	ssyncadd.s32 $0xFFFFD800  }
0x1f8: {  	[spmem:s26] =	stream.indirect.scatter.add.f32 [tilespmem:s9], [sflag:$0x4], $0x80, s18, s12, $0xb8;
	[tilespmem:$0x1F080] =	vst v63  }
0x1f9: {  	_ =	swait.ge [sflag:s7], $0x2800  }
0x1fa: {  	[sflag:s7] =	ssyncset.done $0x0  }
0x1fb: {  	[sflag:s7] =	ssyncadd.s32 $0xFFFFD800  }
0x1fc: {  	[bflag:$0x0] =	sbarrier.arrive $0xFFFF  }
0x1fd: {  	s2 =	rddreg [dreg:$0x1c]  }
0x1fe: {  	s19 =	sadd.s32 s29, s2  }
0x1ff: {  	[hbm:s19], [sflag:s30] =	dma.local [spmem:s5], $0x2700  }
0x200: {  	_ =	swait.ge [sflag:s7], $0x2700  }
0x201: {  	[sflag:s7] =	ssyncset.done $0x0  }
0x202: {  	s1 =	sadd.s32 @!p0 $0x27000, s2;
	[sflag:s7] =	ssyncadd.s32 $0xFFFFD900  }
0x203: {  	[hbm:s1], [sflag:s30] =	dma.local @!p0 [spmem:s6], $0x100  }
0x204: {  	s1 =	simm.s32 @!p0 $0x4  }
0x205: {  	_ =	swait.ge @!p0 [sflag:s1], $0x100  }
0x206: {  	s20 =	sadd.s32 $0x1, s20;
	s30 =	rddreg [dreg:$0x1d]  }
0x207: {  	p1 =	sne.s32 s20, s30  }
.Ltmp4:
0x208: {  	_ = 	snop;
	(pc) =	sbr.rel @p1 .LBB2_1-.Ltmp4, $3  }
0x209: {  	[sflag:s1] =	ssyncset.done @!p0 $0x0  }
0x20a: {  	[sflag:s1] =	ssyncadd.s32 @!p0 $0xFFFFFF00  }
0x20b: {  	[bflag:$0x0] =	sbarrier.arrive $0xFFFF;
	_ =	sdelay $0x1  }
0x20c: {  	_ =	sfence.sel $0x180000  }
0x20d: {  	[bflag:$0x0] =	sbarrier.arrive $0xFFFF  }
0x20e: {  	_ =	strace $0x9000004A  }
0x20f: {  	s0 =	stileid.u32;
	[bflag:$0x2] =	sbarrier.arrive $0xFFFF  }
0x210: {  	p0 =	sne.s32 s0, $0x0;
	s0 =	rddreg [dreg:$0x3]  }
0x211: {  	s0 =	sadd.s32 @!p0 $0x100000, s0  }
0x212: {  	[sflag:s0] =	ssyncadd.tile.s32 @!p0 $0x1;
	_ =	shalt  }
.Lfunc_end2:
_tile_overlayer_lowered:
.L_overlay_start_2:
0x213: {  	(tag) =	ssettag $0x2  }
0x214: {  	s0 =	rddreg [dreg:$0x0];
	s2 =	stileid.u32  }
0x215: {  	s1 =	rddreg [dreg:$0x1];
	p0 =	sne.s32 s2, $0x0  }
0x216: {  	s3 =	rddreg [dreg:$0x2];
	[bflag:$0x3] =	sbarrier.arrive $0xFFFF;
	s2 =	simm.s32 @!p0 $0x1C04  }
0x217: {  	[timem:s3], [sflag:s2] =	dma.local @!p0 [hbm:s0], s1  }
0x218: {  	s0 =	simm.s32 @!p0 $0x4  }
0x219: {  	_ =	swait.ge @!p0 [sflag:s0], s1  }
0x21a: {  	s1 =	ssub.s32 @!p0 $0x0, s1;
	[sflag:s0] =	ssyncset.done @!p0 $0x0  }
0x21b: {  	[sflag:s0] =	ssyncadd.s32 @!p0 s1  }
0x21c: {  	[bflag:$0x3] =	sbarrier.arrive $0xFFFF  }
0x21d: {  	_ =	shalt  }

</sc_bundles>
